<compile_context>
chip_gen: v7x
topology: tpu7x:2x2x1
jax: 0.10.2.dev20260603
libtpu: 0.0.44.dev20260713+nightly
codegen_flags: <defaults>
</compile_context>

<pallas_src>
import functools

import jax
import jax.numpy as jnp
from jax import lax
from jax.experimental import pallas as pl
from jax.experimental.pallas import tpu as pltpu
from jax.experimental.pallas import tpu_sc as plsc

N = 10000
E = 320000
D = 128

NC = 2
NS = 16
NW = NC * NS
K = 128
G = 8
NGRP = 10
NSG = NGRP // 2
NCH = NGRP * G
EPW = NCH * K
E_PAD = NW * EPW
N_PAD = 10240
RPS = N_PAD // NS
SLABS = RPS // K


def _seg_body(with_deg, *refs):
    if with_deg:
        (h_hbm, src_hbm, dst_hbm, out_hbm, deg_hbm,
         sbuf0, dbuf0, sbuf1, dbuf1, rbuf0, rbuf1,
         acc_sh, sem_i0, sem_i1, sem_g0, sem_g1, sem_s0, sem_s1,
         ones_v, z1_v, dacc_sh) = refs
    else:
        (h_hbm, src_hbm, dst_hbm, out_hbm,
         sbuf0, dbuf0, sbuf1, dbuf1, rbuf0, rbuf1,
         acc_sh, sem_i0, sem_i1, sem_g0, sem_g1, sem_s0, sem_s1) = refs

    c = lax.axis_index("c")
    s = lax.axis_index("s")
    wid = s * NC + c

    sbufs = (sbuf0, sbuf1)
    dbufs = (dbuf0, dbuf1)
    rbufs = (rbuf0, rbuf1)
    sem_is = (sem_i0, sem_i1)
    sem_gs = (sem_g0, sem_g1)
    sem_ss = (sem_s0, sem_s1)

    zv = jnp.zeros((16,), jnp.float32)

    def zrow(r, carry):
        for g in range(D // 16):
            rbuf0[r, pl.ds(g * 16, 16)] = zv
        return carry

    lax.fori_loop(0, K, zrow, 0)
    for i in range(SLABS):
        pltpu.sync_copy(rbuf0, acc_sh.at[pl.ds(s * RPS + i * K, K)])

    if with_deg:
        ov = jnp.ones((16,), jnp.float32)
        for g in range(K // 16):
            ones_v[pl.ds(g * 16, 16)] = ov
        for g in range(RPS // 16):
            z1_v[pl.ds(g * 16, 16)] = zv
        pltpu.sync_copy(z1_v, dacc_sh.at[pl.ds(s * RPS, RPS)])

    plsc.subcore_barrier()

    def idx_group(g):
        return pl.ds(wid * NCH + g * G, G)

    def wait_idx(h):
        pltpu.make_async_copy(src_hbm.at[pl.ds(0, G)], sbufs[h], sem_is[h]).wait()
        pltpu.make_async_copy(dst_hbm.at[pl.ds(0, G)], dbufs[h], sem_is[h]).wait()

    def wait_gather(p):
        pltpu.make_async_copy(h_hbm.at[pl.ds(0, K)], rbufs[p], sem_gs[p]).wait()

    def wait_scatter(p):
        pltpu.make_async_copy(rbufs[p], acc_sh.at[pl.ds(0, K)], sem_ss[p]).wait()

    pltpu.sync_copy(src_hbm.at[idx_group(0)], sbuf0)
    pltpu.sync_copy(dst_hbm.at[idx_group(0)], dbuf0)
    pltpu.async_copy(src_hbm.at[idx_group(1)], sbuf1, sem_i1)
    pltpu.async_copy(dst_hbm.at[idx_group(1)], dbuf1, sem_i1)
    pltpu.async_copy(h_hbm.at[sbuf0.at[0]], rbuf0, sem_g0)

    def supergroup(sg, carry):
        for half in range(2):
            g = 2 * sg + half
            sb, db = sbufs[half], dbufs[half]
            nsb = sbufs[1 - half]
            for r in range(G):
                p = r % 2
                if r == 0:
                    @pl.when(g > 0)
                    def _():
                        wait_scatter(1 - p)
                    pltpu.async_copy(h_hbm.at[sb.at[1]], rbufs[1 - p],
                                     sem_gs[1 - p])
                elif r < G - 1:
                    wait_scatter(1 - p)
                    pltpu.async_copy(h_hbm.at[sb.at[r + 1]], rbufs[1 - p],
                                     sem_gs[1 - p])
                else:
                    @pl.when(g + 1 < NGRP)
                    def _():
                        wait_scatter(1 - p)
                        wait_idx(1 - half)
                        pltpu.async_copy(h_hbm.at[nsb.at[0]], rbufs[1 - p],
                                         sem_gs[1 - p])
                wait_gather(p)
                pltpu.async_copy(rbufs[p], acc_sh.at[db.at[r]], sem_ss[p],
                                 add=True)
                if with_deg:
                    pltpu.sync_copy(ones_v, dacc_sh.at[db.at[r]], add=True)
                if r == G - 1:
                    @pl.when(g + 2 < NGRP)
                    def _():
                        pltpu.async_copy(src_hbm.at[idx_group(g + 2)], sb,
                                         sem_is[half])
                        pltpu.async_copy(dst_hbm.at[idx_group(g + 2)], db,
                                         sem_is[half])
        return carry

    lax.fori_loop(0, NSG, supergroup, 0)

    wait_scatter(0)
    wait_scatter(1)

    plsc.subcore_barrier()

    for i in range(SLABS):
        pltpu.sync_copy(acc_sh.at[pl.ds(s * RPS + i * K, K)], rbuf0)
        pltpu.sync_copy(rbuf0, out_hbm.at[c, pl.ds(s * RPS + i * K, K)])
    if with_deg:
        pltpu.sync_copy(dacc_sh.at[pl.ds(s * RPS, RPS)], z1_v)
        pltpu.sync_copy(z1_v, deg_hbm.at[pl.ds(c * N_PAD + s * RPS, RPS)])


def _make_seg(with_deg):
    out_type = [jax.ShapeDtypeStruct((NC, N_PAD, D), jnp.float32)]
    scratch = [
        pltpu.VMEM((G, K), jnp.int32),
        pltpu.VMEM((G, K), jnp.int32),
        pltpu.VMEM((G, K), jnp.int32),
        pltpu.VMEM((G, K), jnp.int32),
        pltpu.VMEM((K, D), jnp.float32),
        pltpu.VMEM((K, D), jnp.float32),
        pltpu.VMEM_SHARED((N_PAD, D), jnp.float32),
        pltpu.SemaphoreType.DMA,
        pltpu.SemaphoreType.DMA,
        pltpu.SemaphoreType.DMA,
        pltpu.SemaphoreType.DMA,
        pltpu.SemaphoreType.DMA,
        pltpu.SemaphoreType.DMA,
    ]
    if with_deg:
        out_type.append(jax.ShapeDtypeStruct((NC * N_PAD,), jnp.float32))
        scratch += [
            pltpu.VMEM((K,), jnp.float32),
            pltpu.VMEM((RPS,), jnp.float32),
            pltpu.VMEM_SHARED((N_PAD,), jnp.float32),
        ]
    return pl.kernel(
        functools.partial(_seg_body, with_deg),
        out_type=tuple(out_type),
        mesh=plsc.VectorSubcoreMesh(core_axis_name="c", subcore_axis_name="s"),
        scratch_types=tuple(scratch),
    )


_seg0 = _make_seg(True)
_seg1 = _make_seg(False)

_BK = 2000
_GRID = N // _BK


def _row_spec():
    return pl.BlockSpec((_BK, D), lambda i: (i, 0))


def _part_spec(core):
    return pl.BlockSpec((1, _BK, D), lambda i, core=core: (core, i, 0))


def _deg_spec(core):
    return pl.BlockSpec((1, _BK, 1), lambda i, core=core: (core, i, 0))


def _full_spec():
    return pl.BlockSpec((D, D), lambda i: (0, 0))


def _bias_spec():
    return pl.BlockSpec((1, D), lambda i: (0, 0))


def _log1p_body(x_ref, o_ref):
    o_ref[...] = jnp.log(x_ref[...] + 1.0)


def _tc_log1p(x):
    return pl.pallas_call(
        _log1p_body,
        grid=(_GRID,),
        in_specs=[_row_spec()],
        out_specs=_row_spec(),
        out_shape=jax.ShapeDtypeStruct((N, D), jnp.float32),
    )(x)


def _agg(p0_ref, p1_ref, d0_ref, d1_ref):
    deg = jnp.maximum(d0_ref[0] + d1_ref[0], 1.0)
    return (p0_ref[0] + p1_ref[0]) / deg


def _layer0_body(h_ref, p0_ref, p1_ref, d0_ref, d1_ref, ws_ref, wn_ref, b_ref,
                 o_ref):
    agg = _agg(p0_ref, p1_ref, d0_ref, d1_ref)
    z = (jnp.dot(h_ref[...], ws_ref[...], preferred_element_type=jnp.float32)
         + jnp.dot(agg, wn_ref[...], preferred_element_type=jnp.float32)
         + b_ref[...])
    z = jnp.maximum(z, 0.0)
    nrm = jnp.sqrt(jnp.sum(z * z, axis=1, keepdims=True))
    o_ref[...] = z / jnp.maximum(nrm, 1e-12)


def _tc_layer0(h, part, deg3, ws, wn, b):
    return pl.pallas_call(
        _layer0_body,
        grid=(_GRID,),
        in_specs=[_row_spec(), _part_spec(0), _part_spec(1), _deg_spec(0),
                  _deg_spec(1), _full_spec(), _full_spec(), _bias_spec()],
        out_specs=_row_spec(),
        out_shape=jax.ShapeDtypeStruct((N, D), jnp.float32),
    )(h, part, part, deg3, deg3, ws, wn, b)


def _tail_body(h_ref, p0_ref, p1_ref, d0_ref, d1_ref, ws_ref, wn_ref, b_ref,
               wfc_ref, bfc_ref, g_ref, beta_ref, w21_ref, b21_ref, w22_ref,
               b22_ref, loc_ref, scale_ref):
    agg = _agg(p0_ref, p1_ref, d0_ref, d1_ref)
    h2 = (jnp.dot(h_ref[...], ws_ref[...], preferred_element_type=jnp.float32)
          + jnp.dot(agg, wn_ref[...], preferred_element_type=jnp.float32)
          + b_ref[...])
    t = jnp.dot(h2, wfc_ref[...], preferred_element_type=jnp.float32) + bfc_ref[...]
    t = t * (1.0 / jnp.sqrt(1.0 + 1e-5)) * g_ref[...] + beta_ref[...]
    t = jnp.maximum(t, 0.0)
    t = t + jnp.log1p(jnp.exp(-t))
    loc_ref[...] = (jnp.dot(t, w21_ref[...], preferred_element_type=jnp.float32)
                    + b21_ref[...])
    scale_ref[...] = jnp.exp(
        jnp.dot(t, w22_ref[...], preferred_element_type=jnp.float32)
        + b22_ref[...])


def _tc_tail(h, part, deg3, ws, wn, b, wfc, bfc, g, beta, w21, b21, w22, b22):
    return pl.pallas_call(
        _tail_body,
        grid=(_GRID,),
        in_specs=[_row_spec(), _part_spec(0), _part_spec(1), _deg_spec(0),
                  _deg_spec(1), _full_spec(), _full_spec(), _bias_spec(),
                  _full_spec(), _bias_spec(), _bias_spec(), _bias_spec(),
                  _full_spec(), _bias_spec(), _full_spec(), _bias_spec()],
        out_specs=[_row_spec(), _row_spec()],
        out_shape=[jax.ShapeDtypeStruct((N, D), jnp.float32),
                   jax.ShapeDtypeStruct((N, D), jnp.float32)],
    )(h, part, part, deg3, deg3, ws, wn, b, wfc, bfc, g, beta, w21, b21, w22,
      b22)


def kernel(x, edge_index, W_self0, W_neigh0, b0, W_self1, W_neigh1, b1,
           W_fc, b_fc, bn_gamma, bn_beta, W21, b21, W22, b22):
    src = edge_index[0]
    dst = edge_index[1]
    pad = E_PAD - E
    ar = jnp.arange(pad, dtype=jnp.int32)
    psrc = (ar * 131) % N
    pdst = N + ar % (N_PAD - N)
    src_r = jnp.concatenate([src, psrc]).reshape(NW * NCH, K)
    dst_r = jnp.concatenate([dst, pdst]).reshape(NW * NCH, K)

    b0r = b0.reshape(1, D)
    b1r = b1.reshape(1, D)
    bfcr = b_fc.reshape(1, D)
    gr = bn_gamma.reshape(1, D)
    betar = bn_beta.reshape(1, D)
    b21r = b21.reshape(1, D)
    b22r = b22.reshape(1, D)

    h0 = _tc_log1p(x)
    part0, deg = _seg0(h0, src_r, dst_r)
    deg3 = deg.reshape(NC, N_PAD, 1)
    h1 = _tc_layer0(h0, part0, deg3, W_self0, W_neigh0, b0r)
    (part1,) = _seg1(h1, src_r, dst_r)
    loc, scale = _tc_tail(h1, part1, deg3, W_self1, W_neigh1, b1r, W_fc, bfcr,
                          gr, betar, W21, b21r, W22, b22r)
    return (loc, scale)

# --- scband reference (transcript-rebuilt; emitter-appended) ---
"""Pipeline reference for scband-encoder-120259084831 (READ-ONLY COPY).

The authoritative reference and input builder live on the scoring server;
editing this copy changes nothing except your own understanding.
"""

import jax, jax.numpy as jnp
import numpy as np

N = 10000
E = 320000
D = 128
H = 128


def setup_inputs(seed: int = 0) -> dict:
    key = jax.random.key(seed)
    ks = jax.random.split(key, 16)
    x = jax.random.uniform(ks[0], (N, D), dtype=jnp.float32)
    edge_index = jax.random.randint(ks[1], (2, E), 0, N, dtype=jnp.int32)
    s = 0.05
    inp = {
        "x": x,
        "edge_index": edge_index,
        "W_self0": s * jax.random.normal(ks[2], (D, H), dtype=jnp.float32),
        "W_neigh0": s * jax.random.normal(ks[3], (D, H), dtype=jnp.float32),
        "b0": jnp.zeros((H,), dtype=jnp.float32),
        "W_self1": s * jax.random.normal(ks[4], (H, H), dtype=jnp.float32),
        "W_neigh1": s * jax.random.normal(ks[5], (H, H), dtype=jnp.float32),
        "b1": jnp.zeros((H,), dtype=jnp.float32),
        "W_fc": s * jax.random.normal(ks[6], (H, H), dtype=jnp.float32),
        "b_fc": jnp.zeros((H,), dtype=jnp.float32),
        "bn_gamma": jnp.ones((H,), dtype=jnp.float32),
        "bn_beta": jnp.zeros((H,), dtype=jnp.float32),
        "W21": s * jax.random.normal(ks[7], (H, H), dtype=jnp.float32),
        "b21": jnp.zeros((H,), dtype=jnp.float32),
        "W22": s * jax.random.normal(ks[8], (H, H), dtype=jnp.float32),
        "b22": jnp.zeros((H,), dtype=jnp.float32),
    }
    return inp


def reference(x, edge_index, W_self0, W_neigh0, b0, W_self1, W_neigh1, b1,
              W_fc, b_fc, bn_gamma, bn_beta, W21, b21, W22, b22):
    src = edge_index[0]
    dst = edge_index[1]

    def sage(h, Ws, Wn, b):
        # DGL SAGEConv 'mean': rst = fc_self(h) + fc_neigh(mean_{u->v} h_u) + bias
        m = h[src]                                   # gather source features
        agg = jax.ops.segment_sum(m, dst, num_segments=N)
        deg = jax.ops.segment_sum(jnp.ones((src.shape[0],), h.dtype), dst, num_segments=N)
        agg = agg / jnp.maximum(deg, 1.0)[:, None]
        return h @ Ws + agg @ Wn + b

    h = jnp.log(x + 1.0)
    # layer 0: SAGEConv(activation=relu, norm=F.normalize)
    h = sage(h, W_self0, W_neigh0, b0)
    h = jax.nn.relu(h)
    h = h / jnp.maximum(jnp.linalg.norm(h, axis=1, keepdims=True), 1e-12)
    # layer 1: SAGEConv(feat_drop=0.2) -> dropout is identity in eval
    h = sage(h, W_self1, W_neigh1, b1)
    # fc: Linear -> BatchNorm1d (eval: running_mean=0, running_var=1) -> ReLU
    h = h @ W_fc + b_fc
    h = (h - 0.0) / jnp.sqrt(1.0 + 1e-5) * bn_gamma + bn_beta
    h = jax.nn.relu(h)
    h = jax.nn.softplus(h)
    z_loc = h @ W21 + b21
    z_scale = jnp.exp(h @ W22 + b22)
    return (z_loc, z_scale)

if __name__ == "__main__":
    import jax
    _d = setup_inputs()
    print(jax.jit(kernel)(*tuple(_d.values())))

</pallas_src>

<mosaic_0001>
#map = affine_map<(d0, d1) -> (0, 0)>
#map1 = affine_map<(d0, d1) -> (0, 0, 0)>
#map2 = affine_map<(d0, d1) -> (0)>
module attributes {stable_mosaic.version = 14 : i64} {
  func.func @_seg_body(%arg0: i32, %arg1: i32, %arg2: memref<10000x128xf32, #tpu.memory_space<hbm>>, %arg3: memref<2560x128xi32, #tpu.memory_space<hbm>>, %arg4: memref<2560x128xi32, #tpu.memory_space<hbm>>, %arg5: memref<2x10240x128xf32, #tpu.memory_space<hbm>>, %arg6: memref<20480xf32, #tpu.memory_space<hbm>>, %arg7: memref<8x128xi32, #tpu.memory_space<vmem>>, %arg8: memref<8x128xi32, #tpu.memory_space<vmem>>, %arg9: memref<8x128xi32, #tpu.memory_space<vmem>>, %arg10: memref<8x128xi32, #tpu.memory_space<vmem>>, %arg11: memref<128x128xf32, #tpu.memory_space<vmem>>, %arg12: memref<128x128xf32, #tpu.memory_space<vmem>>, %arg13: memref<10240x128xf32, #tpu.memory_space<vmem_shared>>, %arg14: memref<!tpu.dma_semaphore, #tpu.memory_space<semaphore_mem>>, %arg15: memref<!tpu.dma_semaphore, #tpu.memory_space<semaphore_mem>>, %arg16: memref<!tpu.dma_semaphore, #tpu.memory_space<semaphore_mem>>, %arg17: memref<!tpu.dma_semaphore, #tpu.memory_space<semaphore_mem>>, %arg18: memref<!tpu.dma_semaphore, #tpu.memory_space<semaphore_mem>>, %arg19: memref<!tpu.dma_semaphore, #tpu.memory_space<semaphore_mem>>, %arg20: memref<128xf32, #tpu.memory_space<vmem>>, %arg21: memref<640xf32, #tpu.memory_space<vmem>>, %arg22: memref<10240xf32, #tpu.memory_space<vmem_shared>>) attributes {dimension_semantics = [#tpu.dimension_semantics<core_parallel>, #tpu.dimension_semantics<subcore_parallel>], iteration_bounds = array<i64: 2, 16>, scalar_prefetch = 0 : i64, scratch_operands = 16 : i64, tpu.core_type = #tpu.core_type<sc_vector_subcore>, window_params = [{transform_indices = #map}, {transform_indices = #map}, {transform_indices = #map}, {transform_indices = #map1}, {transform_indices = #map2}]} {
    %mul3A = arith.constant 2 : i32
    %mul3A_0 = arith.muli %arg1, %mul3A : i32
    %add3A = arith.addi %mul3A_0, %arg0 : i32
    %broadcast_in_dim3A = arith.constant 0.000000e+00 : f32
    %broadcast_in_dim3A_1 = vector.broadcast %broadcast_in_dim3A : f32 to vector<16xf32>
    %scan3A = arith.constant 0 : i32
    %scan3A_2 = arith.constant 0 : i32
    %scan3A_3 = arith.constant 128 : i32
    %scan3A_4 = arith.addi %scan3A_2, %scan3A_3 : i32
    %scan3A_5 = arith.constant 1 : i32
    scf.for %scan3A_317 = %scan3A_2 to %scan3A_4 step %scan3A_5  : i32 {
      %swap3A_318 = arith.index_cast %scan3A_317 : i32 to index
      %swap3A_319 = arith.constant 0 : index
      %swap3A_320 = tpu.vector_load %arg11[%swap3A_318, %swap3A_319] {strides = array<i32>} : memref<128x128xf32, #tpu.memory_space<vmem>>, vector<1x16xf32>,
      %swap3A_321 = vector.shape_cast %swap3A_320 : vector<1x16xf32> to vector<16xf32>
      %swap3A_322 = vector.shape_cast %broadcast_in_dim3A_1 : vector<16xf32> to vector<1x16xf32>
      tpu.vector_store %arg11[%swap3A_318, %swap3A_319], %swap3A_322 {strides = array<i32>} : memref<128x128xf32, #tpu.memory_space<vmem>>, vector<1x16xf32>,
      %swap3A_323 = arith.index_cast %scan3A_317 : i32 to index
      %swap3A_324 = arith.constant 16 : index
      %swap3A_325 = tpu.vector_load %arg11[%swap3A_323, %swap3A_324] {strides = array<i32>} : memref<128x128xf32, #tpu.memory_space<vmem>>, vector<1x16xf32>,
      %swap3A_326 = vector.shape_cast %swap3A_325 : vector<1x16xf32> to vector<16xf32>
      %swap3A_327 = vector.shape_cast %broadcast_in_dim3A_1 : vector<16xf32> to vector<1x16xf32>
      tpu.vector_store %arg11[%swap3A_323, %swap3A_324], %swap3A_327 {strides = array<i32>} : memref<128x128xf32, #tpu.memory_space<vmem>>, vector<1x16xf32>,
      %swap3A_328 = arith.index_cast %scan3A_317 : i32 to index
      %swap3A_329 = arith.constant 32 : index
      %swap3A_330 = tpu.vector_load %arg11[%swap3A_328, %swap3A_329] {strides = array<i32>} : memref<128x128xf32, #tpu.memory_space<vmem>>, vector<1x16xf32>,
      %swap3A_331 = vector.shape_cast %swap3A_330 : vector<1x16xf32> to vector<16xf32>
      %swap3A_332 = vector.shape_cast %broadcast_in_dim3A_1 : vector<16xf32> to vector<1x16xf32>
      tpu.vector_store %arg11[%swap3A_328, %swap3A_329], %swap3A_332 {strides = array<i32>} : memref<128x128xf32, #tpu.memory_space<vmem>>, vector<1x16xf32>,
      %swap3A_333 = arith.index_cast %scan3A_317 : i32 to index
      %swap3A_334 = arith.constant 48 : index
      %swap3A_335 = tpu.vector_load %arg11[%swap3A_333, %swap3A_334] {strides = array<i32>} : memref<128x128xf32, #tpu.memory_space<vmem>>, vector<1x16xf32>,
      %swap3A_336 = vector.shape_cast %swap3A_335 : vector<1x16xf32> to vector<16xf32>
      %swap3A_337 = vector.shape_cast %broadcast_in_dim3A_1 : vector<16xf32> to vector<1x16xf32>
      tpu.vector_store %arg11[%swap3A_333, %swap3A_334], %swap3A_337 {strides = array<i32>} : memref<128x128xf32, #tpu.memory_space<vmem>>, vector<1x16xf32>,
      %swap3A_338 = arith.index_cast %scan3A_317 : i32 to index
      %swap3A_339 = arith.constant 64 : index
      %swap3A_340 = tpu.vector_load %arg11[%swap3A_338, %swap3A_339] {strides = array<i32>} : memref<128x128xf32, #tpu.memory_space<vmem>>, vector<1x16xf32>,
      %swap3A_341 = vector.shape_cast %swap3A_340 : vector<1x16xf32> to vector<16xf32>
      %swap3A_342 = vector.shape_cast %broadcast_in_dim3A_1 : vector<16xf32> to vector<1x16xf32>
      tpu.vector_store %arg11[%swap3A_338, %swap3A_339], %swap3A_342 {strides = array<i32>} : memref<128x128xf32, #tpu.memory_space<vmem>>, vector<1x16xf32>,
      %swap3A_343 = arith.index_cast %scan3A_317 : i32 to index
      %swap3A_344 = arith.constant 80 : index
      %swap3A_345 = tpu.vector_load %arg11[%swap3A_343, %swap3A_344] {strides = array<i32>} : memref<128x128xf32, #tpu.memory_space<vmem>>, vector<1x16xf32>,
      %swap3A_346 = vector.shape_cast %swap3A_345 : vector<1x16xf32> to vector<16xf32>
      %swap3A_347 = vector.shape_cast %broadcast_in_dim3A_1 : vector<16xf32> to vector<1x16xf32>
      tpu.vector_store %arg11[%swap3A_343, %swap3A_344], %swap3A_347 {strides = array<i32>} : memref<128x128xf32, #tpu.memory_space<vmem>>, vector<1x16xf32>,
      %swap3A_348 = arith.index_cast %scan3A_317 : i32 to index
      %swap3A_349 = arith.constant 96 : index
      %swap3A_350 = tpu.vector_load %arg11[%swap3A_348, %swap3A_349] {strides = array<i32>} : memref<128x128xf32, #tpu.memory_space<vmem>>, vector<1x16xf32>,
      %swap3A_351 = vector.shape_cast %swap3A_350 : vector<1x16xf32> to vector<16xf32>
      %swap3A_352 = vector.shape_cast %broadcast_in_dim3A_1 : vector<16xf32> to vector<1x16xf32>
      tpu.vector_store %arg11[%swap3A_348, %swap3A_349], %swap3A_352 {strides = array<i32>} : memref<128x128xf32, #tpu.memory_space<vmem>>, vector<1x16xf32>,
      %swap3A_353 = arith.index_cast %scan3A_317 : i32 to index
      %swap3A_354 = arith.constant 112 : index
      %swap3A_355 = tpu.vector_load %arg11[%swap3A_353, %swap3A_354] {strides = array<i32>} : memref<128x128xf32, #tpu.memory_space<vmem>>, vector<1x16xf32>,
      %swap3A_356 = vector.shape_cast %swap3A_355 : vector<1x16xf32> to vector<16xf32>
      %swap3A_357 = vector.shape_cast %broadcast_in_dim3A_1 : vector<16xf32> to vector<1x16xf32>
      tpu.vector_store %arg11[%swap3A_353, %swap3A_354], %swap3A_357 {strides = array<i32>} : memref<128x128xf32, #tpu.memory_space<vmem>>, vector<1x16xf32>,
    }
    %scan3A_6 = arith.constant 128 : i32
    %mul3A_7 = arith.constant 640 : i32
    %mul3A_8 = arith.muli %arg1, %mul3A_7 : i32
    %add3A_9 = arith.constant 0 : i32
    %add3A_10 = arith.addi %mul3A_8, %add3A_9 : i32
    "tpu.region"() ({
      %run_scoped3A = tpu.sem_alloc : memref<!tpu.dma_semaphore, #tpu.memory_space<semaphore_mem>>
      %dma_start3A_317 = arith.constant 0 : i32
      %dma_start3A_318 = tpu.memref_slice %arg13[%add3A_10, %dma_start3A_317] : memref<10240x128xf32, #tpu.memory_space<vmem_shared>> -> memref<128x128xf32, #tpu.memory_space<vmem_shared>>
      %dma_start3A_319 = arith.constant 0 : i32
      %dma_start3A_320 = tpu.memref_slice %arg13[%add3A_10, %dma_start3A_319] : memref<10240x128xf32, #tpu.memory_space<vmem_shared>> -> memref<128x128xf32, #tpu.memory_space<vmem_shared>>
      tpu.enqueue_dma source(%arg11 : memref<128x128xf32, #tpu.memory_space<vmem>>) target(%dma_start3A_320 : memref<128x128xf32, #tpu.memory_space<vmem_shared>>) target_semaphore(%run_scoped3A : memref<!tpu.dma_semaphore, #tpu.memory_space<semaphore_mem>>)
      %dma_wait3A_321 = arith.constant 0 : i32
      %dma_wait3A_322 = tpu.memref_slice %arg13[%add3A_10, %dma_wait3A_321] : memref<10240x128xf32, #tpu.memory_space<vmem_shared>> -> memref<128x128xf32, #tpu.memory_space<vmem_shared>>
      %dma_wait3A_323 = arith.constant 0 : i32
      %dma_wait3A_324 = tpu.memref_slice %arg13[%add3A_10, %dma_wait3A_323] : memref<10240x128xf32, #tpu.memory_space<vmem_shared>> -> memref<128x128xf32, #tpu.memory_space<vmem_shared>>
      tpu.wait_dma2 semaphore(%run_scoped3A : memref<!tpu.dma_semaphore, #tpu.memory_space<semaphore_mem>>) src(%arg11 : memref<128x128xf32, #tpu.memory_space<vmem>>) dst(%dma_wait3A_324 : memref<128x128xf32, #tpu.memory_space<vmem_shared>>)
      tpu.yield
    }) : () -> ()
    %mul3A_11 = arith.constant 640 : i32
    %mul3A_12 = arith.muli %arg1, %mul3A_11 : i32
    %add3A_13 = arith.constant 128 : i32
    %add3A_14 = arith.addi %mul3A_12, %add3A_13 : i32
    "tpu.region"() ({
      %run_scoped3A = tpu.sem_alloc : memref<!tpu.dma_semaphore, #tpu.memory_space<semaphore_mem>>
      %dma_start3A_317 = arith.constant 0 : i32
      %dma_start3A_318 = tpu.memref_slice %arg13[%add3A_14, %dma_start3A_317] : memref<10240x128xf32, #tpu.memory_space<vmem_shared>> -> memref<128x128xf32, #tpu.memory_space<vmem_shared>>
      %dma_start3A_319 = arith.constant 0 : i32
      %dma_start3A_320 = tpu.memref_slice %arg13[%add3A_14, %dma_start3A_319] : memref<10240x128xf32, #tpu.memory_space<vmem_shared>> -> memref<128x128xf32, #tpu.memory_space<vmem_shared>>
      tpu.enqueue_dma source(%arg11 : memref<128x128xf32, #tpu.memory_space<vmem>>) target(%dma_start3A_320 : memref<128x128xf32, #tpu.memory_space<vmem_shared>>) target_semaphore(%run_scoped3A : memref<!tpu.dma_semaphore, #tpu.memory_space<semaphore_mem>>)
      %dma_wait3A_321 = arith.constant 0 : i32
      %dma_wait3A_322 = tpu.memref_slice %arg13[%add3A_14, %dma_wait3A_321] : memref<10240x128xf32, #tpu.memory_space<vmem_shared>> -> memref<128x128xf32, #tpu.memory_space<vmem_shared>>
      %dma_wait3A_323 = arith.constant 0 : i32
      %dma_wait3A_324 = tpu.memref_slice %arg13[%add3A_14, %dma_wait3A_323] : memref<10240x128xf32, #tpu.memory_space<vmem_shared>> -> memref<128x128xf32, #tpu.memory_space<vmem_shared>>
      tpu.wait_dma2 semaphore(%run_scoped3A : memref<!tpu.dma_semaphore, #tpu.memory_space<semaphore_mem>>) src(%arg11 : memref<128x128xf32, #tpu.memory_space<vmem>>) dst(%dma_wait3A_324 : memref<128x128xf32, #tpu.memory_space<vmem_shared>>)
      tpu.yield
    }) : () -> ()
    %mul3A_15 = arith.constant 640 : i32
    %mul3A_16 = arith.muli %arg1, %mul3A_15 : i32
    %add3A_17 = arith.constant 256 : i32
    %add3A_18 = arith.addi %mul3A_16, %add3A_17 : i32
    "tpu.region"() ({
      %run_scoped3A = tpu.sem_alloc : memref<!tpu.dma_semaphore, #tpu.memory_space<semaphore_mem>>
      %dma_start3A_317 = arith.constant 0 : i32
      %dma_start3A_318 = tpu.memref_slice %arg13[%add3A_18, %dma_start3A_317] : memref<10240x128xf32, #tpu.memory_space<vmem_shared>> -> memref<128x128xf32, #tpu.memory_space<vmem_shared>>
      %dma_start3A_319 = arith.constant 0 : i32
      %dma_start3A_320 = tpu.memref_slice %arg13[%add3A_18, %dma_start3A_319] : memref<10240x128xf32, #tpu.memory_space<vmem_shared>> -> memref<128x128xf32, #tpu.memory_space<vmem_shared>>
      tpu.enqueue_dma source(%arg11 : memref<128x128xf32, #tpu.memory_space<vmem>>) target(%dma_start3A_320 : memref<128x128xf32, #tpu.memory_space<vmem_shared>>) target_semaphore(%run_scoped3A : memref<!tpu.dma_semaphore, #tpu.memory_space<semaphore_mem>>)
      %dma_wait3A_321 = arith.constant 0 : i32
      %dma_wait3A_322 = tpu.memref_slice %arg13[%add3A_18, %dma_wait3A_321] : memref<10240x128xf32, #tpu.memory_space<vmem_shared>> -> memref<128x128xf32, #tpu.memory_space<vmem_shared>>
      %dma_wait3A_323 = arith.constant 0 : i32
      %dma_wait3A_324 = tpu.memref_slice %arg13[%add3A_18, %dma_wait3A_323] : memref<10240x128xf32, #tpu.memory_space<vmem_shared>> -> memref<128x128xf32, #tpu.memory_space<vmem_shared>>
      tpu.wait_dma2 semaphore(%run_scoped3A : memref<!tpu.dma_semaphore, #tpu.memory_space<semaphore_mem>>) src(%arg11 : memref<128x128xf32, #tpu.memory_space<vmem>>) dst(%dma_wait3A_324 : memref<128x128xf32, #tpu.memory_space<vmem_shared>>)
      tpu.yield
    }) : () -> ()
    %mul3A_19 = arith.constant 640 : i32
    %mul3A_20 = arith.muli %arg1, %mul3A_19 : i32
    %add3A_21 = arith.constant 384 : i32
    %add3A_22 = arith.addi %mul3A_20, %add3A_21 : i32
    "tpu.region"() ({
      %run_scoped3A = tpu.sem_alloc : memref<!tpu.dma_semaphore, #tpu.memory_space<semaphore_mem>>
      %dma_start3A_317 = arith.constant 0 : i32
      %dma_start3A_318 = tpu.memref_slice %arg13[%add3A_22, %dma_start3A_317] : memref<10240x128xf32, #tpu.memory_space<vmem_shared>> -> memref<128x128xf32, #tpu.memory_space<vmem_shared>>
      %dma_start3A_319 = arith.constant 0 : i32
      %dma_start3A_320 = tpu.memref_slice %arg13[%add3A_22, %dma_start3A_319] : memref<10240x128xf32, #tpu.memory_space<vmem_shared>> -> memref<128x128xf32, #tpu.memory_space<vmem_shared>>
      tpu.enqueue_dma source(%arg11 : memref<128x128xf32, #tpu.memory_space<vmem>>) target(%dma_start3A_320 : memref<128x128xf32, #tpu.memory_space<vmem_shared>>) target_semaphore(%run_scoped3A : memref<!tpu.dma_semaphore, #tpu.memory_space<semaphore_mem>>)
      %dma_wait3A_321 = arith.constant 0 : i32
      %dma_wait3A_322 = tpu.memref_slice %arg13[%add3A_22, %dma_wait3A_321] : memref<10240x128xf32, #tpu.memory_space<vmem_shared>> -> memref<128x128xf32, #tpu.memory_space<vmem_shared>>
      %dma_wait3A_323 = arith.constant 0 : i32
      %dma_wait3A_324 = tpu.memref_slice %arg13[%add3A_22, %dma_wait3A_323] : memref<10240x128xf32, #tpu.memory_space<vmem_shared>> -> memref<128x128xf32, #tpu.memory_space<vmem_shared>>
      tpu.wait_dma2 semaphore(%run_scoped3A : memref<!tpu.dma_semaphore, #tpu.memory_space<semaphore_mem>>) src(%arg11 : memref<128x128xf32, #tpu.memory_space<vmem>>) dst(%dma_wait3A_324 : memref<128x128xf32, #tpu.memory_space<vmem_shared>>)
      tpu.yield
    }) : () -> ()
    %mul3A_23 = arith.constant 640 : i32
    %mul3A_24 = arith.muli %arg1, %mul3A_23 : i32
    %add3A_25 = arith.constant 512 : i32
    %add3A_26 = arith.addi %mul3A_24, %add3A_25 : i32
    "tpu.region"() ({
      %run_scoped3A = tpu.sem_alloc : memref<!tpu.dma_semaphore, #tpu.memory_space<semaphore_mem>>
      %dma_start3A_317 = arith.constant 0 : i32
      %dma_start3A_318 = tpu.memref_slice %arg13[%add3A_26, %dma_start3A_317] : memref<10240x128xf32, #tpu.memory_space<vmem_shared>> -> memref<128x128xf32, #tpu.memory_space<vmem_shared>>
      %dma_start3A_319 = arith.constant 0 : i32
      %dma_start3A_320 = tpu.memref_slice %arg13[%add3A_26, %dma_start3A_319] : memref<10240x128xf32, #tpu.memory_space<vmem_shared>> -> memref<128x128xf32, #tpu.memory_space<vmem_shared>>
      tpu.enqueue_dma source(%arg11 : memref<128x128xf32, #tpu.memory_space<vmem>>) target(%dma_start3A_320 : memref<128x128xf32, #tpu.memory_space<vmem_shared>>) target_semaphore(%run_scoped3A : memref<!tpu.dma_semaphore, #tpu.memory_space<semaphore_mem>>)
      %dma_wait3A_321 = arith.constant 0 : i32
      %dma_wait3A_322 = tpu.memref_slice %arg13[%add3A_26, %dma_wait3A_321] : memref<10240x128xf32, #tpu.memory_space<vmem_shared>> -> memref<128x128xf32, #tpu.memory_space<vmem_shared>>
      %dma_wait3A_323 = arith.constant 0 : i32
      %dma_wait3A_324 = tpu.memref_slice %arg13[%add3A_26, %dma_wait3A_323] : memref<10240x128xf32, #tpu.memory_space<vmem_shared>> -> memref<128x128xf32, #tpu.memory_space<vmem_shared>>
      tpu.wait_dma2 semaphore(%run_scoped3A : memref<!tpu.dma_semaphore, #tpu.memory_space<semaphore_mem>>) src(%arg11 : memref<128x128xf32, #tpu.memory_space<vmem>>) dst(%dma_wait3A_324 : memref<128x128xf32, #tpu.memory_space<vmem_shared>>)
      tpu.yield
    }) : () -> ()
    %broadcast_in_dim3A_27 = arith.constant 1.000000e+00 : f32
    %broadcast_in_dim3A_28 = vector.broadcast %broadcast_in_dim3A_27 : f32 to vector<16xf32>
    %swap3A = arith.constant 0 : index
    %swap3A_29 = tpu.vector_load %arg20[%swap3A] {strides = array<i32>} : memref<128xf32, #tpu.memory_space<vmem>>, vector<16xf32>,
    %swap3A_30 = vector.shape_cast %swap3A_29 : vector<16xf32> to vector<16xf32>
    %swap3A_31 = vector.shape_cast %broadcast_in_dim3A_28 : vector<16xf32> to vector<16xf32>
    tpu.vector_store %arg20[%swap3A], %swap3A_31 {strides = array<i32>} : memref<128xf32, #tpu.memory_space<vmem>>, vector<16xf32>,
    %swap3A_32 = arith.constant 16 : index
    %swap3A_33 = tpu.vector_load %arg20[%swap3A_32] {strides = array<i32>} : memref<128xf32, #tpu.memory_space<vmem>>, vector<16xf32>,
    %swap3A_34 = vector.shape_cast %swap3A_33 : vector<16xf32> to vector<16xf32>
    %swap3A_35 = vector.shape_cast %broadcast_in_dim3A_28 : vector<16xf32> to vector<16xf32>
    tpu.vector_store %arg20[%swap3A_32], %swap3A_35 {strides = array<i32>} : memref<128xf32, #tpu.memory_space<vmem>>, vector<16xf32>,
    %swap3A_36 = arith.constant 32 : index
    %swap3A_37 = tpu.vector_load %arg20[%swap3A_36] {strides = array<i32>} : memref<128xf32, #tpu.memory_space<vmem>>, vector<16xf32>,
    %swap3A_38 = vector.shape_cast %swap3A_37 : vector<16xf32> to vector<16xf32>
    %swap3A_39 = vector.shape_cast %broadcast_in_dim3A_28 : vector<16xf32> to vector<16xf32>
    tpu.vector_store %arg20[%swap3A_36], %swap3A_39 {strides = array<i32>} : memref<128xf32, #tpu.memory_space<vmem>>, vector<16xf32>,
    %swap3A_40 = arith.constant 48 : index
    %swap3A_41 = tpu.vector_load %arg20[%swap3A_40] {strides = array<i32>} : memref<128xf32, #tpu.memory_space<vmem>>, vector<16xf32>,
    %swap3A_42 = vector.shape_cast %swap3A_41 : vector<16xf32> to vector<16xf32>
    %swap3A_43 = vector.shape_cast %broadcast_in_dim3A_28 : vector<16xf32> to vector<16xf32>
    tpu.vector_store %arg20[%swap3A_40], %swap3A_43 {strides = array<i32>} : memref<128xf32, #tpu.memory_space<vmem>>, vector<16xf32>,
    %swap3A_44 = arith.constant 64 : index
    %swap3A_45 = tpu.vector_load %arg20[%swap3A_44] {strides = array<i32>} : memref<128xf32, #tpu.memory_space<vmem>>, vector<16xf32>,
    %swap3A_46 = vector.shape_cast %swap3A_45 : vector<16xf32> to vector<16xf32>
    %swap3A_47 = vector.shape_cast %broadcast_in_dim3A_28 : vector<16xf32> to vector<16xf32>
    tpu.vector_store %arg20[%swap3A_44], %swap3A_47 {strides = array<i32>} : memref<128xf32, #tpu.memory_space<vmem>>, vector<16xf32>,
    %swap3A_48 = arith.constant 80 : index
    %swap3A_49 = tpu.vector_load %arg20[%swap3A_48] {strides = array<i32>} : memref<128xf32, #tpu.memory_space<vmem>>, vector<16xf32>,
    %swap3A_50 = vector.shape_cast %swap3A_49 : vector<16xf32> to vector<16xf32>
    %swap3A_51 = vector.shape_cast %broadcast_in_dim3A_28 : vector<16xf32> to vector<16xf32>
    tpu.vector_store %arg20[%swap3A_48], %swap3A_51 {strides = array<i32>} : memref<128xf32, #tpu.memory_space<vmem>>, vector<16xf32>,
    %swap3A_52 = arith.constant 96 : index
    %swap3A_53 = tpu.vector_load %arg20[%swap3A_52] {strides = array<i32>} : memref<128xf32, #tpu.memory_space<vmem>>, vector<16xf32>,
    %swap3A_54 = vector.shape_cast %swap3A_53 : vector<16xf32> to vector<16xf32>
    %swap3A_55 = vector.shape_cast %broadcast_in_dim3A_28 : vector<16xf32> to vector<16xf32>
    tpu.vector_store %arg20[%swap3A_52], %swap3A_55 {strides = array<i32>} : memref<128xf32, #tpu.memory_space<vmem>>, vector<16xf32>,
    %swap3A_56 = arith.constant 112 : index
    %swap3A_57 = tpu.vector_load %arg20[%swap3A_56] {strides = array<i32>} : memref<128xf32, #tpu.memory_space<vmem>>, vector<16xf32>,
    %swap3A_58 = vector.shape_cast %swap3A_57 : vector<16xf32> to vector<16xf32>
    %swap3A_59 = vector.shape_cast %broadcast_in_dim3A_28 : vector<16xf32> to vector<16xf32>
    tpu.vector_store %arg20[%swap3A_56], %swap3A_59 {strides = array<i32>} : memref<128xf32, #tpu.memory_space<vmem>>, vector<16xf32>,
    %swap3A_60 = arith.constant 0 : index
    %swap3A_61 = tpu.vector_load %arg21[%swap3A_60] {strides = array<i32>} : memref<640xf32, #tpu.memory_space<vmem>>, vector<16xf32>,
    %swap3A_62 = vector.shape_cast %swap3A_61 : vector<16xf32> to vector<16xf32>
    %swap3A_63 = vector.shape_cast %broadcast_in_dim3A_1 : vector<16xf32> to vector<16xf32>
    tpu.vector_store %arg21[%swap3A_60], %swap3A_63 {strides = array<i32>} : memref<640xf32, #tpu.memory_space<vmem>>, vector<16xf32>,
    %swap3A_64 = arith.constant 16 : index
    %swap3A_65 = tpu.vector_load %arg21[%swap3A_64] {strides = array<i32>} : memref<640xf32, #tpu.memory_space<vmem>>, vector<16xf32>,
    %swap3A_66 = vector.shape_cast %swap3A_65 : vector<16xf32> to vector<16xf32>
    %swap3A_67 = vector.shape_cast %broadcast_in_dim3A_1 : vector<16xf32> to vector<16xf32>
    tpu.vector_store %arg21[%swap3A_64], %swap3A_67 {strides = array<i32>} : memref<640xf32, #tpu.memory_space<vmem>>, vector<16xf32>,
    %swap3A_68 = arith.constant 32 : index
    %swap3A_69 = tpu.vector_load %arg21[%swap3A_68] {strides = array<i32>} : memref<640xf32, #tpu.memory_space<vmem>>, vector<16xf32>,
    %swap3A_70 = vector.shape_cast %swap3A_69 : vector<16xf32> to vector<16xf32>
    %swap3A_71 = vector.shape_cast %broadcast_in_dim3A_1 : vector<16xf32> to vector<16xf32>
    tpu.vector_store %arg21[%swap3A_68], %swap3A_71 {strides = array<i32>} : memref<640xf32, #tpu.memory_space<vmem>>, vector<16xf32>,
    %swap3A_72 = arith.constant 48 : index
    %swap3A_73 = tpu.vector_load %arg21[%swap3A_72] {strides = array<i32>} : memref<640xf32, #tpu.memory_space<vmem>>, vector<16xf32>,
    %swap3A_74 = vector.shape_cast %swap3A_73 : vector<16xf32> to vector<16xf32>
    %swap3A_75 = vector.shape_cast %broadcast_in_dim3A_1 : vector<16xf32> to vector<16xf32>
    tpu.vector_store %arg21[%swap3A_72], %swap3A_75 {strides = array<i32>} : memref<640xf32, #tpu.memory_space<vmem>>, vector<16xf32>,
    %swap3A_76 = arith.constant 64 : index
    %swap3A_77 = tpu.vector_load %arg21[%swap3A_76] {strides = array<i32>} : memref<640xf32, #tpu.memory_space<vmem>>, vector<16xf32>,
    %swap3A_78 = vector.shape_cast %swap3A_77 : vector<16xf32> to vector<16xf32>
    %swap3A_79 = vector.shape_cast %broadcast_in_dim3A_1 : vector<16xf32> to vector<16xf32>
    tpu.vector_store %arg21[%swap3A_76], %swap3A_79 {strides = array<i32>} : memref<640xf32, #tpu.memory_space<vmem>>, vector<16xf32>,
    %swap3A_80 = arith.constant 80 : index
    %swap3A_81 = tpu.vector_load %arg21[%swap3A_80] {strides = array<i32>} : memref<640xf32, #tpu.memory_space<vmem>>, vector<16xf32>,
    %swap3A_82 = vector.shape_cast %swap3A_81 : vector<16xf32> to vector<16xf32>
    %swap3A_83 = vector.shape_cast %broadcast_in_dim3A_1 : vector<16xf32> to vector<16xf32>
    tpu.vector_store %arg21[%swap3A_80], %swap3A_83 {strides = array<i32>} : memref<640xf32, #tpu.memory_space<vmem>>, vector<16xf32>,
    %swap3A_84 = arith.constant 96 : index
    %swap3A_85 = tpu.vector_load %arg21[%swap3A_84] {strides = array<i32>} : memref<640xf32, #tpu.memory_space<vmem>>, vector<16xf32>,
    %swap3A_86 = vector.shape_cast %swap3A_85 : vector<16xf32> to vector<16xf32>
    %swap3A_87 = vector.shape_cast %broadcast_in_dim3A_1 : vector<16xf32> to vector<16xf32>
    tpu.vector_store %arg21[%swap3A_84], %swap3A_87 {strides = array<i32>} : memref<640xf32, #tpu.memory_space<vmem>>, vector<16xf32>,
    %swap3A_88 = arith.constant 112 : index
    %swap3A_89 = tpu.vector_load %arg21[%swap3A_88] {strides = array<i32>} : memref<640xf32, #tpu.memory_space<vmem>>, vector<16xf32>,
    %swap3A_90 = vector.shape_cast %swap3A_89 : vector<16xf32> to vector<16xf32>
    %swap3A_91 = vector.shape_cast %broadcast_in_dim3A_1 : vector<16xf32> to vector<16xf32>
    tpu.vector_store %arg21[%swap3A_88], %swap3A_91 {strides = array<i32>} : memref<640xf32, #tpu.memory_space<vmem>>, vector<16xf32>,
    %swap3A_92 = arith.constant 128 : index
    %swap3A_93 = tpu.vector_load %arg21[%swap3A_92] {strides = array<i32>} : memref<640xf32, #tpu.memory_space<vmem>>, vector<16xf32>,
    %swap3A_94 = vector.shape_cast %swap3A_93 : vector<16xf32> to vector<16xf32>
    %swap3A_95 = vector.shape_cast %broadcast_in_dim3A_1 : vector<16xf32> to vector<16xf32>
    tpu.vector_store %arg21[%swap3A_92], %swap3A_95 {strides = array<i32>} : memref<640xf32, #tpu.memory_space<vmem>>, vector<16xf32>,
    %swap3A_96 = arith.constant 144 : index
    %swap3A_97 = tpu.vector_load %arg21[%swap3A_96] {strides = array<i32>} : memref<640xf32, #tpu.memory_space<vmem>>, vector<16xf32>,
    %swap3A_98 = vector.shape_cast %swap3A_97 : vector<16xf32> to vector<16xf32>
    %swap3A_99 = vector.shape_cast %broadcast_in_dim3A_1 : vector<16xf32> to vector<16xf32>
    tpu.vector_store %arg21[%swap3A_96], %swap3A_99 {strides = array<i32>} : memref<640xf32, #tpu.memory_space<vmem>>, vector<16xf32>,
    %swap3A_100 = arith.constant 160 : index
    %swap3A_101 = tpu.vector_load %arg21[%swap3A_100] {strides = array<i32>} : memref<640xf32, #tpu.memory_space<vmem>>, vector<16xf32>,
    %swap3A_102 = vector.shape_cast %swap3A_101 : vector<16xf32> to vector<16xf32>
    %swap3A_103 = vector.shape_cast %broadcast_in_dim3A_1 : vector<16xf32> to vector<16xf32>
    tpu.vector_store %arg21[%swap3A_100], %swap3A_103 {strides = array<i32>} : memref<640xf32, #tpu.memory_space<vmem>>, vector<16xf32>,
    %swap3A_104 = arith.constant 176 : index
    %swap3A_105 = tpu.vector_load %arg21[%swap3A_104] {strides = array<i32>} : memref<640xf32, #tpu.memory_space<vmem>>, vector<16xf32>,
    %swap3A_106 = vector.shape_cast %swap3A_105 : vector<16xf32> to vector<16xf32>
    %swap3A_107 = vector.shape_cast %broadcast_in_dim3A_1 : vector<16xf32> to vector<16xf32>
    tpu.vector_store %arg21[%swap3A_104], %swap3A_107 {strides = array<i32>} : memref<640xf32, #tpu.memory_space<vmem>>, vector<16xf32>,
    %swap3A_108 = arith.constant 192 : index
    %swap3A_109 = tpu.vector_load %arg21[%swap3A_108] {strides = array<i32>} : memref<640xf32, #tpu.memory_space<vmem>>, vector<16xf32>,
    %swap3A_110 = vector.shape_cast %swap3A_109 : vector<16xf32> to vector<16xf32>
    %swap3A_111 = vector.shape_cast %broadcast_in_dim3A_1 : vector<16xf32> to vector<16xf32>
    tpu.vector_store %arg21[%swap3A_108], %swap3A_111 {strides = array<i32>} : memref<640xf32, #tpu.memory_space<vmem>>, vector<16xf32>,
    %swap3A_112 = arith.constant 208 : index
    %swap3A_113 = tpu.vector_load %arg21[%swap3A_112] {strides = array<i32>} : memref<640xf32, #tpu.memory_space<vmem>>, vector<16xf32>,
    %swap3A_114 = vector.shape_cast %swap3A_113 : vector<16xf32> to vector<16xf32>
    %swap3A_115 = vector.shape_cast %broadcast_in_dim3A_1 : vector<16xf32> to vector<16xf32>
    tpu.vector_store %arg21[%swap3A_112], %swap3A_115 {strides = array<i32>} : memref<640xf32, #tpu.memory_space<vmem>>, vector<16xf32>,
    %swap3A_116 = arith.constant 224 : index
    %swap3A_117 = tpu.vector_load %arg21[%swap3A_116] {strides = array<i32>} : memref<640xf32, #tpu.memory_space<vmem>>, vector<16xf32>,
    %swap3A_118 = vector.shape_cast %swap3A_117 : vector<16xf32> to vector<16xf32>
    %swap3A_119 = vector.shape_cast %broadcast_in_dim3A_1 : vector<16xf32> to vector<16xf32>
    tpu.vector_store %arg21[%swap3A_116], %swap3A_119 {strides = array<i32>} : memref<640xf32, #tpu.memory_space<vmem>>, vector<16xf32>,
    %swap3A_120 = arith.constant 240 : index
    %swap3A_121 = tpu.vector_load %arg21[%swap3A_120] {strides = array<i32>} : memref<640xf32, #tpu.memory_space<vmem>>, vector<16xf32>,
    %swap3A_122 = vector.shape_cast %swap3A_121 : vector<16xf32> to vector<16xf32>
    %swap3A_123 = vector.shape_cast %broadcast_in_dim3A_1 : vector<16xf32> to vector<16xf32>
    tpu.vector_store %arg21[%swap3A_120], %swap3A_123 {strides = array<i32>} : memref<640xf32, #tpu.memory_space<vmem>>, vector<16xf32>,
    %swap3A_124 = arith.constant 256 : index
    %swap3A_125 = tpu.vector_load %arg21[%swap3A_124] {strides = array<i32>} : memref<640xf32, #tpu.memory_space<vmem>>, vector<16xf32>,
    %swap3A_126 = vector.shape_cast %swap3A_125 : vector<16xf32> to vector<16xf32>
    %swap3A_127 = vector.shape_cast %broadcast_in_dim3A_1 : vector<16xf32> to vector<16xf32>
    tpu.vector_store %arg21[%swap3A_124], %swap3A_127 {strides = array<i32>} : memref<640xf32, #tpu.memory_space<vmem>>, vector<16xf32>,
    %swap3A_128 = arith.constant 272 : index
    %swap3A_129 = tpu.vector_load %arg21[%swap3A_128] {strides = array<i32>} : memref<640xf32, #tpu.memory_space<vmem>>, vector<16xf32>,
    %swap3A_130 = vector.shape_cast %swap3A_129 : vector<16xf32> to vector<16xf32>
    %swap3A_131 = vector.shape_cast %broadcast_in_dim3A_1 : vector<16xf32> to vector<16xf32>
    tpu.vector_store %arg21[%swap3A_128], %swap3A_131 {strides = array<i32>} : memref<640xf32, #tpu.memory_space<vmem>>, vector<16xf32>,
    %swap3A_132 = arith.constant 288 : index
    %swap3A_133 = tpu.vector_load %arg21[%swap3A_132] {strides = array<i32>} : memref<640xf32, #tpu.memory_space<vmem>>, vector<16xf32>,
    %swap3A_134 = vector.shape_cast %swap3A_133 : vector<16xf32> to vector<16xf32>
    %swap3A_135 = vector.shape_cast %broadcast_in_dim3A_1 : vector<16xf32> to vector<16xf32>
    tpu.vector_store %arg21[%swap3A_132], %swap3A_135 {strides = array<i32>} : memref<640xf32, #tpu.memory_space<vmem>>, vector<16xf32>,
    %swap3A_136 = arith.constant 304 : index
    %swap3A_137 = tpu.vector_load %arg21[%swap3A_136] {strides = array<i32>} : memref<640xf32, #tpu.memory_space<vmem>>, vector<16xf32>,
    %swap3A_138 = vector.shape_cast %swap3A_137 : vector<16xf32> to vector<16xf32>
    %swap3A_139 = vector.shape_cast %broadcast_in_dim3A_1 : vector<16xf32> to vector<16xf32>
    tpu.vector_store %arg21[%swap3A_136], %swap3A_139 {strides = array<i32>} : memref<640xf32, #tpu.memory_space<vmem>>, vector<16xf32>,
    %swap3A_140 = arith.constant 320 : index
    %swap3A_141 = tpu.vector_load %arg21[%swap3A_140] {strides = array<i32>} : memref<640xf32, #tpu.memory_space<vmem>>, vector<16xf32>,
    %swap3A_142 = vector.shape_cast %swap3A_141 : vector<16xf32> to vector<16xf32>
    %swap3A_143 = vector.shape_cast %broadcast_in_dim3A_1 : vector<16xf32> to vector<16xf32>
    tpu.vector_store %arg21[%swap3A_140], %swap3A_143 {strides = array<i32>} : memref<640xf32, #tpu.memory_space<vmem>>, vector<16xf32>,
    %swap3A_144 = arith.constant 336 : index
    %swap3A_145 = tpu.vector_load %arg21[%swap3A_144] {strides = array<i32>} : memref<640xf32, #tpu.memory_space<vmem>>, vector<16xf32>,
    %swap3A_146 = vector.shape_cast %swap3A_145 : vector<16xf32> to vector<16xf32>
    %swap3A_147 = vector.shape_cast %broadcast_in_dim3A_1 : vector<16xf32> to vector<16xf32>
    tpu.vector_store %arg21[%swap3A_144], %swap3A_147 {strides = array<i32>} : memref<640xf32, #tpu.memory_space<vmem>>, vector<16xf32>,
    %swap3A_148 = arith.constant 352 : index
    %swap3A_149 = tpu.vector_load %arg21[%swap3A_148] {strides = array<i32>} : memref<640xf32, #tpu.memory_space<vmem>>, vector<16xf32>,
    %swap3A_150 = vector.shape_cast %swap3A_149 : vector<16xf32> to vector<16xf32>
    %swap3A_151 = vector.shape_cast %broadcast_in_dim3A_1 : vector<16xf32> to vector<16xf32>
    tpu.vector_store %arg21[%swap3A_148], %swap3A_151 {strides = array<i32>} : memref<640xf32, #tpu.memory_space<vmem>>, vector<16xf32>,
    %swap3A_152 = arith.constant 368 : index
    %swap3A_153 = tpu.vector_load %arg21[%swap3A_152] {strides = array<i32>} : memref<640xf32, #tpu.memory_space<vmem>>, vector<16xf32>,
    %swap3A_154 = vector.shape_cast %swap3A_153 : vector<16xf32> to vector<16xf32>
    %swap3A_155 = vector.shape_cast %broadcast_in_dim3A_1 : vector<16xf32> to vector<16xf32>
    tpu.vector_store %arg21[%swap3A_152], %swap3A_155 {strides = array<i32>} : memref<640xf32, #tpu.memory_space<vmem>>, vector<16xf32>,
    %swap3A_156 = arith.constant 384 : index
    %swap3A_157 = tpu.vector_load %arg21[%swap3A_156] {strides = array<i32>} : memref<640xf32, #tpu.memory_space<vmem>>, vector<16xf32>,
    %swap3A_158 = vector.shape_cast %swap3A_157 : vector<16xf32> to vector<16xf32>
    %swap3A_159 = vector.shape_cast %broadcast_in_dim3A_1 : vector<16xf32> to vector<16xf32>
    tpu.vector_store %arg21[%swap3A_156], %swap3A_159 {strides = array<i32>} : memref<640xf32, #tpu.memory_space<vmem>>, vector<16xf32>,
    %swap3A_160 = arith.constant 400 : index
    %swap3A_161 = tpu.vector_load %arg21[%swap3A_160] {strides = array<i32>} : memref<640xf32, #tpu.memory_space<vmem>>, vector<16xf32>,
    %swap3A_162 = vector.shape_cast %swap3A_161 : vector<16xf32> to vector<16xf32>
    %swap3A_163 = vector.shape_cast %broadcast_in_dim3A_1 : vector<16xf32> to vector<16xf32>
    tpu.vector_store %arg21[%swap3A_160], %swap3A_163 {strides = array<i32>} : memref<640xf32, #tpu.memory_space<vmem>>, vector<16xf32>,
    %swap3A_164 = arith.constant 416 : index
    %swap3A_165 = tpu.vector_load %arg21[%swap3A_164] {strides = array<i32>} : memref<640xf32, #tpu.memory_space<vmem>>, vector<16xf32>,
    %swap3A_166 = vector.shape_cast %swap3A_165 : vector<16xf32> to vector<16xf32>
    %swap3A_167 = vector.shape_cast %broadcast_in_dim3A_1 : vector<16xf32> to vector<16xf32>
    tpu.vector_store %arg21[%swap3A_164], %swap3A_167 {strides = array<i32>} : memref<640xf32, #tpu.memory_space<vmem>>, vector<16xf32>,
    %swap3A_168 = arith.constant 432 : index
    %swap3A_169 = tpu.vector_load %arg21[%swap3A_168] {strides = array<i32>} : memref<640xf32, #tpu.memory_space<vmem>>, vector<16xf32>,
    %swap3A_170 = vector.shape_cast %swap3A_169 : vector<16xf32> to vector<16xf32>
    %swap3A_171 = vector.shape_cast %broadcast_in_dim3A_1 : vector<16xf32> to vector<16xf32>
    tpu.vector_store %arg21[%swap3A_168], %swap3A_171 {strides = array<i32>} : memref<640xf32, #tpu.memory_space<vmem>>, vector<16xf32>,
    %swap3A_172 = arith.constant 448 : index
    %swap3A_173 = tpu.vector_load %arg21[%swap3A_172] {strides = array<i32>} : memref<640xf32, #tpu.memory_space<vmem>>, vector<16xf32>,
    %swap3A_174 = vector.shape_cast %swap3A_173 : vector<16xf32> to vector<16xf32>
    %swap3A_175 = vector.shape_cast %broadcast_in_dim3A_1 : vector<16xf32> to vector<16xf32>
    tpu.vector_store %arg21[%swap3A_172], %swap3A_175 {strides = array<i32>} : memref<640xf32, #tpu.memory_space<vmem>>, vector<16xf32>,
    %swap3A_176 = arith.constant 464 : index
    %swap3A_177 = tpu.vector_load %arg21[%swap3A_176] {strides = array<i32>} : memref<640xf32, #tpu.memory_space<vmem>>, vector<16xf32>,
    %swap3A_178 = vector.shape_cast %swap3A_177 : vector<16xf32> to vector<16xf32>
    %swap3A_179 = vector.shape_cast %broadcast_in_dim3A_1 : vector<16xf32> to vector<16xf32>
    tpu.vector_store %arg21[%swap3A_176], %swap3A_179 {strides = array<i32>} : memref<640xf32, #tpu.memory_space<vmem>>, vector<16xf32>,
    %swap3A_180 = arith.constant 480 : index
    %swap3A_181 = tpu.vector_load %arg21[%swap3A_180] {strides = array<i32>} : memref<640xf32, #tpu.memory_space<vmem>>, vector<16xf32>,
    %swap3A_182 = vector.shape_cast %swap3A_181 : vector<16xf32> to vector<16xf32>
    %swap3A_183 = vector.shape_cast %broadcast_in_dim3A_1 : vector<16xf32> to vector<16xf32>
    tpu.vector_store %arg21[%swap3A_180], %swap3A_183 {strides = array<i32>} : memref<640xf32, #tpu.memory_space<vmem>>, vector<16xf32>,
    %swap3A_184 = arith.constant 496 : index
    %swap3A_185 = tpu.vector_load %arg21[%swap3A_184] {strides = array<i32>} : memref<640xf32, #tpu.memory_space<vmem>>, vector<16xf32>,
    %swap3A_186 = vector.shape_cast %swap3A_185 : vector<16xf32> to vector<16xf32>
    %swap3A_187 = vector.shape_cast %broadcast_in_dim3A_1 : vector<16xf32> to vector<16xf32>
    tpu.vector_store %arg21[%swap3A_184], %swap3A_187 {strides = array<i32>} : memref<640xf32, #tpu.memory_space<vmem>>, vector<16xf32>,
    %swap3A_188 = arith.constant 512 : index
    %swap3A_189 = tpu.vector_load %arg21[%swap3A_188] {strides = array<i32>} : memref<640xf32, #tpu.memory_space<vmem>>, vector<16xf32>,
    %swap3A_190 = vector.shape_cast %swap3A_189 : vector<16xf32> to vector<16xf32>
    %swap3A_191 = vector.shape_cast %broadcast_in_dim3A_1 : vector<16xf32> to vector<16xf32>
    tpu.vector_store %arg21[%swap3A_188], %swap3A_191 {strides = array<i32>} : memref<640xf32, #tpu.memory_space<vmem>>, vector<16xf32>,
    %swap3A_192 = arith.constant 528 : index
    %swap3A_193 = tpu.vector_load %arg21[%swap3A_192] {strides = array<i32>} : memref<640xf32, #tpu.memory_space<vmem>>, vector<16xf32>,
    %swap3A_194 = vector.shape_cast %swap3A_193 : vector<16xf32> to vector<16xf32>
    %swap3A_195 = vector.shape_cast %broadcast_in_dim3A_1 : vector<16xf32> to vector<16xf32>
    tpu.vector_store %arg21[%swap3A_192], %swap3A_195 {strides = array<i32>} : memref<640xf32, #tpu.memory_space<vmem>>, vector<16xf32>,
    %swap3A_196 = arith.constant 544 : index
    %swap3A_197 = tpu.vector_load %arg21[%swap3A_196] {strides = array<i32>} : memref<640xf32, #tpu.memory_space<vmem>>, vector<16xf32>,
    %swap3A_198 = vector.shape_cast %swap3A_197 : vector<16xf32> to vector<16xf32>
    %swap3A_199 = vector.shape_cast %broadcast_in_dim3A_1 : vector<16xf32> to vector<16xf32>
    tpu.vector_store %arg21[%swap3A_196], %swap3A_199 {strides = array<i32>} : memref<640xf32, #tpu.memory_space<vmem>>, vector<16xf32>,
    %swap3A_200 = arith.constant 560 : index
    %swap3A_201 = tpu.vector_load %arg21[%swap3A_200] {strides = array<i32>} : memref<640xf32, #tpu.memory_space<vmem>>, vector<16xf32>,
    %swap3A_202 = vector.shape_cast %swap3A_201 : vector<16xf32> to vector<16xf32>
    %swap3A_203 = vector.shape_cast %broadcast_in_dim3A_1 : vector<16xf32> to vector<16xf32>
    tpu.vector_store %arg21[%swap3A_200], %swap3A_203 {strides = array<i32>} : memref<640xf32, #tpu.memory_space<vmem>>, vector<16xf32>,
    %swap3A_204 = arith.constant 576 : index
    %swap3A_205 = tpu.vector_load %arg21[%swap3A_204] {strides = array<i32>} : memref<640xf32, #tpu.memory_space<vmem>>, vector<16xf32>,
    %swap3A_206 = vector.shape_cast %swap3A_205 : vector<16xf32> to vector<16xf32>
    %swap3A_207 = vector.shape_cast %broadcast_in_dim3A_1 : vector<16xf32> to vector<16xf32>
    tpu.vector_store %arg21[%swap3A_204], %swap3A_207 {strides = array<i32>} : memref<640xf32, #tpu.memory_space<vmem>>, vector<16xf32>,
    %swap3A_208 = arith.constant 592 : index
    %swap3A_209 = tpu.vector_load %arg21[%swap3A_208] {strides = array<i32>} : memref<640xf32, #tpu.memory_space<vmem>>, vector<16xf32>,
    %swap3A_210 = vector.shape_cast %swap3A_209 : vector<16xf32> to vector<16xf32>
    %swap3A_211 = vector.shape_cast %broadcast_in_dim3A_1 : vector<16xf32> to vector<16xf32>
    tpu.vector_store %arg21[%swap3A_208], %swap3A_211 {strides = array<i32>} : memref<640xf32, #tpu.memory_space<vmem>>, vector<16xf32>,
    %swap3A_212 = arith.constant 608 : index
    %swap3A_213 = tpu.vector_load %arg21[%swap3A_212] {strides = array<i32>} : memref<640xf32, #tpu.memory_space<vmem>>, vector<16xf32>,
    %swap3A_214 = vector.shape_cast %swap3A_213 : vector<16xf32> to vector<16xf32>
    %swap3A_215 = vector.shape_cast %broadcast_in_dim3A_1 : vector<16xf32> to vector<16xf32>
    tpu.vector_store %arg21[%swap3A_212], %swap3A_215 {strides = array<i32>} : memref<640xf32, #tpu.memory_space<vmem>>, vector<16xf32>,
    %swap3A_216 = arith.constant 624 : index
    %swap3A_217 = tpu.vector_load %arg21[%swap3A_216] {strides = array<i32>} : memref<640xf32, #tpu.memory_space<vmem>>, vector<16xf32>,
    %swap3A_218 = vector.shape_cast %swap3A_217 : vector<16xf32> to vector<16xf32>
    %swap3A_219 = vector.shape_cast %broadcast_in_dim3A_1 : vector<16xf32> to vector<16xf32>
    tpu.vector_store %arg21[%swap3A_216], %swap3A_219 {strides = array<i32>} : memref<640xf32, #tpu.memory_space<vmem>>, vector<16xf32>,
    %mul3A_220 = arith.constant 640 : i32
    %mul3A_221 = arith.muli %arg1, %mul3A_220 : i32
    "tpu.region"() ({
      %run_scoped3A = tpu.sem_alloc : memref<!tpu.dma_semaphore, #tpu.memory_space<semaphore_mem>>
      %dma_start3A_317 = tpu.memref_slice %arg22[%mul3A_221] : memref<10240xf32, #tpu.memory_space<vmem_shared>> -> memref<640xf32, #tpu.memory_space<vmem_shared>>
      %dma_start3A_318 = tpu.memref_slice %arg22[%mul3A_221] : memref<10240xf32, #tpu.memory_space<vmem_shared>> -> memref<640xf32, #tpu.memory_space<vmem_shared>>
      tpu.enqueue_dma source(%arg21 : memref<640xf32, #tpu.memory_space<vmem>>) target(%dma_start3A_318 : memref<640xf32, #tpu.memory_space<vmem_shared>>) target_semaphore(%run_scoped3A : memref<!tpu.dma_semaphore, #tpu.memory_space<semaphore_mem>>)
      %dma_wait3A_319 = tpu.memref_slice %arg22[%mul3A_221] : memref<10240xf32, #tpu.memory_space<vmem_shared>> -> memref<640xf32, #tpu.memory_space<vmem_shared>>
      %dma_wait3A_320 = tpu.memref_slice %arg22[%mul3A_221] : memref<10240xf32, #tpu.memory_space<vmem_shared>> -> memref<640xf32, #tpu.memory_space<vmem_shared>>
      tpu.wait_dma2 semaphore(%run_scoped3A : memref<!tpu.dma_semaphore, #tpu.memory_space<semaphore_mem>>) src(%arg21 : memref<640xf32, #tpu.memory_space<vmem>>) dst(%dma_wait3A_320 : memref<640xf32, #tpu.memory_space<vmem_shared>>)
      tpu.yield
    }) : () -> ()
    %barrier3A = arith.constant 0 : index
    tpu.barrier barrier_id(%barrier3A)
    %mul3A_222 = arith.constant 80 : i32
    %mul3A_223 = arith.muli %add3A, %mul3A_222 : i32
    %add3A_224 = arith.constant 0 : i32
    %add3A_225 = arith.addi %mul3A_223, %add3A_224 : i32
    "tpu.region"() ({
      %run_scoped3A = tpu.sem_alloc : memref<!tpu.dma_semaphore, #tpu.memory_space<semaphore_mem>>
      %dma_start3A_317 = arith.constant 0 : i32
      %dma_start3A_318 = tpu.memref_slice %arg3[%add3A_225, %dma_start3A_317] : memref<2560x128xi32, #tpu.memory_space<hbm>> -> memref<8x128xi32, #tpu.memory_space<hbm>>
      %dma_start3A_319 = arith.constant 0 : i32
      %dma_start3A_320 = tpu.memref_slice %arg3[%add3A_225, %dma_start3A_319] : memref<2560x128xi32, #tpu.memory_space<hbm>> -> memref<8x128xi32, #tpu.memory_space<hbm>>
      tpu.enqueue_dma source(%dma_start3A_320 : memref<8x128xi32, #tpu.memory_space<hbm>>) target(%arg7 : memref<8x128xi32, #tpu.memory_space<vmem>>) target_semaphore(%run_scoped3A : memref<!tpu.dma_semaphore, #tpu.memory_space<semaphore_mem>>)
      %dma_wait3A_321 = arith.constant 0 : i32
      %dma_wait3A_322 = tpu.memref_slice %arg3[%add3A_225, %dma_wait3A_321] : memref<2560x128xi32, #tpu.memory_space<hbm>> -> memref<8x128xi32, #tpu.memory_space<hbm>>
      %dma_wait3A_323 = arith.constant 0 : i32
      %dma_wait3A_324 = tpu.memref_slice %arg3[%add3A_225, %dma_wait3A_323] : memref<2560x128xi32, #tpu.memory_space<hbm>> -> memref<8x128xi32, #tpu.memory_space<hbm>>
      tpu.wait_dma2 semaphore(%run_scoped3A : memref<!tpu.dma_semaphore, #tpu.memory_space<semaphore_mem>>) src(%dma_wait3A_324 : memref<8x128xi32, #tpu.memory_space<hbm>>) dst(%arg7 : memref<8x128xi32, #tpu.memory_space<vmem>>)
      tpu.yield
    }) : () -> ()
    %mul3A_226 = arith.constant 80 : i32
    %mul3A_227 = arith.muli %add3A, %mul3A_226 : i32
    %add3A_228 = arith.constant 0 : i32
    %add3A_229 = arith.addi %mul3A_227, %add3A_228 : i32
    "tpu.region"() ({
      %run_scoped3A = tpu.sem_alloc : memref<!tpu.dma_semaphore, #tpu.memory_space<semaphore_mem>>
      %dma_start3A_317 = arith.constant 0 : i32
      %dma_start3A_318 = tpu.memref_slice %arg4[%add3A_229, %dma_start3A_317] : memref<2560x128xi32, #tpu.memory_space<hbm>> -> memref<8x128xi32, #tpu.memory_space<hbm>>
      %dma_start3A_319 = arith.constant 0 : i32
      %dma_start3A_320 = tpu.memref_slice %arg4[%add3A_229, %dma_start3A_319] : memref<2560x128xi32, #tpu.memory_space<hbm>> -> memref<8x128xi32, #tpu.memory_space<hbm>>
      tpu.enqueue_dma source(%dma_start3A_320 : memref<8x128xi32, #tpu.memory_space<hbm>>) target(%arg8 : memref<8x128xi32, #tpu.memory_space<vmem>>) target_semaphore(%run_scoped3A : memref<!tpu.dma_semaphore, #tpu.memory_space<semaphore_mem>>)
      %dma_wait3A_321 = arith.constant 0 : i32
      %dma_wait3A_322 = tpu.memref_slice %arg4[%add3A_229, %dma_wait3A_321] : memref<2560x128xi32, #tpu.memory_space<hbm>> -> memref<8x128xi32, #tpu.memory_space<hbm>>
      %dma_wait3A_323 = arith.constant 0 : i32
      %dma_wait3A_324 = tpu.memref_slice %arg4[%add3A_229, %dma_wait3A_323] : memref<2560x128xi32, #tpu.memory_space<hbm>> -> memref<8x128xi32, #tpu.memory_space<hbm>>
      tpu.wait_dma2 semaphore(%run_scoped3A : memref<!tpu.dma_semaphore, #tpu.memory_space<semaphore_mem>>) src(%dma_wait3A_324 : memref<8x128xi32, #tpu.memory_space<hbm>>) dst(%arg8 : memref<8x128xi32, #tpu.memory_space<vmem>>)
      tpu.yield
    }) : () -> ()
    %mul3A_230 = arith.constant 80 : i32
    %mul3A_231 = arith.muli %add3A, %mul3A_230 : i32
    %add3A_232 = arith.constant 8 : i32
    %add3A_233 = arith.addi %mul3A_231, %add3A_232 : i32
    %dma_start3A = arith.constant 0 : i32
    %dma_start3A_234 = tpu.memref_slice %arg3[%add3A_233, %dma_start3A] : memref<2560x128xi32, #tpu.memory_space<hbm>> -> memref<8x128xi32, #tpu.memory_space<hbm>>
    %dma_start3A_235 = arith.constant 0 : i32
    %dma_start3A_236 = tpu.memref_slice %arg3[%add3A_233, %dma_start3A_235] : memref<2560x128xi32, #tpu.memory_space<hbm>> -> memref<8x128xi32, #tpu.memory_space<hbm>>
    tpu.enqueue_dma source(%dma_start3A_236 : memref<8x128xi32, #tpu.memory_space<hbm>>) target(%arg9 : memref<8x128xi32, #tpu.memory_space<vmem>>) target_semaphore(%arg15 : memref<!tpu.dma_semaphore, #tpu.memory_space<semaphore_mem>>)
    %mul3A_237 = arith.constant 80 : i32
    %mul3A_238 = arith.muli %add3A, %mul3A_237 : i32
    %add3A_239 = arith.constant 8 : i32
    %add3A_240 = arith.addi %mul3A_238, %add3A_239 : i32
    %dma_start3A_241 = arith.constant 0 : i32
    %dma_start3A_242 = tpu.memref_slice %arg4[%add3A_240, %dma_start3A_241] : memref<2560x128xi32, #tpu.memory_space<hbm>> -> memref<8x128xi32, #tpu.memory_space<hbm>>
    %dma_start3A_243 = arith.constant 0 : i32
    %dma_start3A_244 = tpu.memref_slice %arg4[%add3A_240, %dma_start3A_243] : memref<2560x128xi32, #tpu.memory_space<hbm>> -> memref<8x128xi32, #tpu.memory_space<hbm>>
    tpu.enqueue_dma source(%dma_start3A_244 : memref<8x128xi32, #tpu.memory_space<hbm>>) target(%arg10 : memref<8x128xi32, #tpu.memory_space<vmem>>) target_semaphore(%arg15 : memref<!tpu.dma_semaphore, #tpu.memory_space<semaphore_mem>>)
    %dma_start3A_245 = arith.constant 0 : i32
    %dma_start3A_246 = arith.constant 0 : i32
    %dma_start3A_247 = tpu.memref_slice %arg7[%dma_start3A_245, %dma_start3A_246] : memref<8x128xi32, #tpu.memory_space<vmem>> -> memref<1x128xi32, #tpu.memory_space<vmem>>
    %dma_start3A_248 = tpu.memref_squeeze %dma_start3A_247 : memref<1x128xi32, #tpu.memory_space<vmem>> -> memref<128xi32, #tpu.memory_space<vmem>>
    %dma_start3A_249 = arith.constant 0 : i32
    %dma_start3A_250 = arith.constant 0 : i32
    %dma_start3A_251 = tpu.memref_slice %arg2[%dma_start3A_249, %dma_start3A_250] : memref<10000x128xf32, #tpu.memory_space<hbm>> -> memref<10000x128xf32, #tpu.memory_space<hbm>>
    tpu.enqueue_indirect_dma source(%dma_start3A_251 : memref<10000x128xf32, #tpu.memory_space<hbm>>) target(%arg11 : memref<128x128xf32, #tpu.memory_space<vmem>>) offsets(%dma_start3A_248 : memref<128xi32, #tpu.memory_space<vmem>>) semaphore(%arg16 : memref<!tpu.dma_semaphore, #tpu.memory_space<semaphore_mem>>)
    %scan3A_252 = arith.constant 0 : i32
    %scan3A_253 = arith.constant 0 : i32
    %scan3A_254 = arith.constant 5 : i32
    %scan3A_255 = arith.addi %scan3A_253, %scan3A_254 : i32
    %scan3A_256 = arith.constant 1 : i32
    scf.for %scan3A_317 = %scan3A_253 to %scan3A_255 step %scan3A_256  : i32 {
      %mul3A_318 = arith.constant 2 : i32
      %mul3A_319 = arith.muli %mul3A_318, %scan3A_317 : i32
      %add3A_320 = arith.constant 0 : i32
      %add3A_321 = arith.addi %mul3A_319, %add3A_320 : i32
      %gt3A = arith.constant 0 : i32
      %gt3A_322 = arith.cmpi sgt, %add3A_321, %gt3A : i32
      %convert_element_type3A = arith.extui %gt3A_322 : i1 to i32
      %cond3A = arith.constant 0 : i32
      %cond3A_323 = arith.cmpi ne, %convert_element_type3A, %cond3A : i32
      scf.if %cond3A_323 {
        %dma_wait3A_753 = arith.constant 0 : i32
        %dma_wait3A_754 = arith.constant 0 : i32
        %dma_wait3A_755 = tpu.memref_slice %arg13[%dma_wait3A_753, %dma_wait3A_754] : memref<10240x128xf32, #tpu.memory_space<vmem_shared>> -> memref<128x128xf32, #tpu.memory_space<vmem_shared>>
        %dma_wait3A_756 = arith.constant 0 : i32
        %dma_wait3A_757 = arith.constant 0 : i32
        %dma_wait3A_758 = tpu.memref_slice %arg13[%dma_wait3A_756, %dma_wait3A_757] : memref<10240x128xf32, #tpu.memory_space<vmem_shared>> -> memref<128x128xf32, #tpu.memory_space<vmem_shared>>
        tpu.wait_dma2 semaphore(%arg19 : memref<!tpu.dma_semaphore, #tpu.memory_space<semaphore_mem>>) src(%arg12 : memref<128x128xf32, #tpu.memory_space<vmem>>) dst(%dma_wait3A_758 : memref<128x128xf32, #tpu.memory_space<vmem_shared>>)
      } else {
      }
      %dma_start3A_324 = arith.constant 1 : i32
      %dma_start3A_325 = arith.constant 0 : i32
      %dma_start3A_326 = tpu.memref_slice %arg7[%dma_start3A_324, %dma_start3A_325] : memref<8x128xi32, #tpu.memory_space<vmem>> -> memref<1x128xi32, #tpu.memory_space<vmem>>
      %dma_start3A_327 = tpu.memref_squeeze %dma_start3A_326 : memref<1x128xi32, #tpu.memory_space<vmem>> -> memref<128xi32, #tpu.memory_space<vmem>>
      %dma_start3A_328 = arith.constant 0 : i32
      %dma_start3A_329 = arith.constant 0 : i32
      %dma_start3A_330 = tpu.memref_slice %arg2[%dma_start3A_328, %dma_start3A_329] : memref<10000x128xf32, #tpu.memory_space<hbm>> -> memref<10000x128xf32, #tpu.memory_space<hbm>>
      tpu.enqueue_indirect_dma source(%dma_start3A_330 : memref<10000x128xf32, #tpu.memory_space<hbm>>) target(%arg12 : memref<128x128xf32, #tpu.memory_space<vmem>>) offsets(%dma_start3A_327 : memref<128xi32, #tpu.memory_space<vmem>>) semaphore(%arg17 : memref<!tpu.dma_semaphore, #tpu.memory_space<semaphore_mem>>)
      %dma_wait3A_331 = arith.constant 0 : i32
      %dma_wait3A_332 = arith.constant 0 : i32
      %dma_wait3A_333 = tpu.memref_slice %arg2[%dma_wait3A_331, %dma_wait3A_332] : memref<10000x128xf32, #tpu.memory_space<hbm>> -> memref<128x128xf32, #tpu.memory_space<hbm>>
      %dma_wait3A_334 = arith.constant 0 : i32
      %dma_wait3A_335 = arith.constant 0 : i32
      %dma_wait3A_336 = tpu.memref_slice %arg2[%dma_wait3A_334, %dma_wait3A_335] : memref<10000x128xf32, #tpu.memory_space<hbm>> -> memref<128x128xf32, #tpu.memory_space<hbm>>
      tpu.wait_dma2 semaphore(%arg16 : memref<!tpu.dma_semaphore, #tpu.memory_space<semaphore_mem>>) src(%dma_wait3A_336 : memref<128x128xf32, #tpu.memory_space<hbm>>) dst(%arg11 : memref<128x128xf32, #tpu.memory_space<vmem>>)
      %dma_start3A_337 = arith.constant 0 : i32
      %dma_start3A_338 = arith.constant 0 : i32
      %dma_start3A_339 = tpu.memref_slice %arg8[%dma_start3A_337, %dma_start3A_338] : memref<8x128xi32, #tpu.memory_space<vmem>> -> memref<1x128xi32, #tpu.memory_space<vmem>>
      %dma_start3A_340 = tpu.memref_squeeze %dma_start3A_339 : memref<1x128xi32, #tpu.memory_space<vmem>> -> memref<128xi32, #tpu.memory_space<vmem>>
      %dma_start3A_341 = arith.constant 0 : i32
      %dma_start3A_342 = arith.constant 0 : i32
      %dma_start3A_343 = tpu.memref_slice %arg13[%dma_start3A_341, %dma_start3A_342] : memref<10240x128xf32, #tpu.memory_space<vmem_shared>> -> memref<10240x128xf32, #tpu.memory_space<vmem_shared>>
      tpu.enqueue_indirect_dma source(%arg11 : memref<128x128xf32, #tpu.memory_space<vmem>>) target(%dma_start3A_343 : memref<10240x128xf32, #tpu.memory_space<vmem_shared>>) offsets(%dma_start3A_340 : memref<128xi32, #tpu.memory_space<vmem>>) semaphore(%arg18 : memref<!tpu.dma_semaphore, #tpu.memory_space<semaphore_mem>>) {add = true}
      %run_scoped3A = arith.constant 0 : i32
      "tpu.region"() ({
        %run_scoped3A_753 = tpu.sem_alloc : memref<!tpu.dma_semaphore, #tpu.memory_space<semaphore_mem>>
        %dma_start3A_754 = arith.constant 0 : i32
        %dma_start3A_755 = tpu.memref_slice %arg8[%run_scoped3A, %dma_start3A_754] : memref<8x128xi32, #tpu.memory_space<vmem>> -> memref<1x128xi32, #tpu.memory_space<vmem>>
        %dma_start3A_756 = tpu.memref_squeeze %dma_start3A_755 : memref<1x128xi32, #tpu.memory_space<vmem>> -> memref<128xi32, #tpu.memory_space<vmem>>
        %dma_start3A_757 = arith.constant 0 : i32
        %dma_start3A_758 = tpu.memref_slice %arg22[%dma_start3A_757] : memref<10240xf32, #tpu.memory_space<vmem_shared>> -> memref<10240xf32, #tpu.memory_space<vmem_shared>>
        tpu.enqueue_indirect_dma source(%arg20 : memref<128xf32, #tpu.memory_space<vmem>>) target(%dma_start3A_758 : memref<10240xf32, #tpu.memory_space<vmem_shared>>) offsets(%dma_start3A_756 : memref<128xi32, #tpu.memory_space<vmem>>) semaphore(%run_scoped3A_753 : memref<!tpu.dma_semaphore, #tpu.memory_space<semaphore_mem>>) {add = true}
        %dma_wait3A_759 = arith.constant 0 : i32
        %dma_wait3A_760 = tpu.memref_slice %arg8[%run_scoped3A, %dma_wait3A_759] : memref<8x128xi32, #tpu.memory_space<vmem>> -> memref<1x128xi32, #tpu.memory_space<vmem>>
        %dma_wait3A_761 = tpu.memref_squeeze %dma_wait3A_760 : memref<1x128xi32, #tpu.memory_space<vmem>> -> memref<128xi32, #tpu.memory_space<vmem>>
        %dma_wait3A_762 = arith.constant 0 : i32
        %dma_wait3A_763 = tpu.memref_slice %arg22[%dma_wait3A_762] : memref<10240xf32, #tpu.memory_space<vmem_shared>> -> memref<10240xf32, #tpu.memory_space<vmem_shared>>
        tpu.wait_indirect_dma semaphore(%run_scoped3A_753 : memref<!tpu.dma_semaphore, #tpu.memory_space<semaphore_mem>>) src(%arg20 : memref<128xf32, #tpu.memory_space<vmem>>) dst(%dma_wait3A_763 : memref<10240xf32, #tpu.memory_space<vmem_shared>>)
        tpu.yield
      }) : () -> ()
      %dma_wait3A_344 = arith.constant 0 : i32
      %dma_wait3A_345 = arith.constant 0 : i32
      %dma_wait3A_346 = tpu.memref_slice %arg13[%dma_wait3A_344, %dma_wait3A_345] : memref<10240x128xf32, #tpu.memory_space<vmem_shared>> -> memref<128x128xf32, #tpu.memory_space<vmem_shared>>
      %dma_wait3A_347 = arith.constant 0 : i32
      %dma_wait3A_348 = arith.constant 0 : i32
      %dma_wait3A_349 = tpu.memref_slice %arg13[%dma_wait3A_347, %dma_wait3A_348] : memref<10240x128xf32, #tpu.memory_space<vmem_shared>> -> memref<128x128xf32, #tpu.memory_space<vmem_shared>>
      tpu.wait_dma2 semaphore(%arg18 : memref<!tpu.dma_semaphore, #tpu.memory_space<semaphore_mem>>) src(%arg11 : memref<128x128xf32, #tpu.memory_space<vmem>>) dst(%dma_wait3A_349 : memref<128x128xf32, #tpu.memory_space<vmem_shared>>)
      %dma_start3A_350 = arith.constant 2 : i32
      %dma_start3A_351 = arith.constant 0 : i32
      %dma_start3A_352 = tpu.memref_slice %arg7[%dma_start3A_350, %dma_start3A_351] : memref<8x128xi32, #tpu.memory_space<vmem>> -> memref<1x128xi32, #tpu.memory_space<vmem>>
      %dma_start3A_353 = tpu.memref_squeeze %dma_start3A_352 : memref<1x128xi32, #tpu.memory_space<vmem>> -> memref<128xi32, #tpu.memory_space<vmem>>
      %dma_start3A_354 = arith.constant 0 : i32
      %dma_start3A_355 = arith.constant 0 : i32
      %dma_start3A_356 = tpu.memref_slice %arg2[%dma_start3A_354, %dma_start3A_355] : memref<10000x128xf32, #tpu.memory_space<hbm>> -> memref<10000x128xf32, #tpu.memory_space<hbm>>
      tpu.enqueue_indirect_dma source(%dma_start3A_356 : memref<10000x128xf32, #tpu.memory_space<hbm>>) target(%arg11 : memref<128x128xf32, #tpu.memory_space<vmem>>) offsets(%dma_start3A_353 : memref<128xi32, #tpu.memory_space<vmem>>) semaphore(%arg16 : memref<!tpu.dma_semaphore, #tpu.memory_space<semaphore_mem>>)
      %dma_wait3A_357 = arith.constant 0 : i32
      %dma_wait3A_358 = arith.constant 0 : i32
      %dma_wait3A_359 = tpu.memref_slice %arg2[%dma_wait3A_357, %dma_wait3A_358] : memref<10000x128xf32, #tpu.memory_space<hbm>> -> memref<128x128xf32, #tpu.memory_space<hbm>>
      %dma_wait3A_360 = arith.constant 0 : i32
      %dma_wait3A_361 = arith.constant 0 : i32
      %dma_wait3A_362 = tpu.memref_slice %arg2[%dma_wait3A_360, %dma_wait3A_361] : memref<10000x128xf32, #tpu.memory_space<hbm>> -> memref<128x128xf32, #tpu.memory_space<hbm>>
      tpu.wait_dma2 semaphore(%arg17 : memref<!tpu.dma_semaphore, #tpu.memory_space<semaphore_mem>>) src(%dma_wait3A_362 : memref<128x128xf32, #tpu.memory_space<hbm>>) dst(%arg12 : memref<128x128xf32, #tpu.memory_space<vmem>>)
      %dma_start3A_363 = arith.constant 1 : i32
      %dma_start3A_364 = arith.constant 0 : i32
      %dma_start3A_365 = tpu.memref_slice %arg8[%dma_start3A_363, %dma_start3A_364] : memref<8x128xi32, #tpu.memory_space<vmem>> -> memref<1x128xi32, #tpu.memory_space<vmem>>
      %dma_start3A_366 = tpu.memref_squeeze %dma_start3A_365 : memref<1x128xi32, #tpu.memory_space<vmem>> -> memref<128xi32, #tpu.memory_space<vmem>>
      %dma_start3A_367 = arith.constant 0 : i32
      %dma_start3A_368 = arith.constant 0 : i32
      %dma_start3A_369 = tpu.memref_slice %arg13[%dma_start3A_367, %dma_start3A_368] : memref<10240x128xf32, #tpu.memory_space<vmem_shared>> -> memref<10240x128xf32, #tpu.memory_space<vmem_shared>>
      tpu.enqueue_indirect_dma source(%arg12 : memref<128x128xf32, #tpu.memory_space<vmem>>) target(%dma_start3A_369 : memref<10240x128xf32, #tpu.memory_space<vmem_shared>>) offsets(%dma_start3A_366 : memref<128xi32, #tpu.memory_space<vmem>>) semaphore(%arg19 : memref<!tpu.dma_semaphore, #tpu.memory_space<semaphore_mem>>) {add = true}
      %run_scoped3A_370 = arith.constant 1 : i32
      "tpu.region"() ({
        %run_scoped3A_753 = tpu.sem_alloc : memref<!tpu.dma_semaphore, #tpu.memory_space<semaphore_mem>>
        %dma_start3A_754 = arith.constant 0 : i32
        %dma_start3A_755 = tpu.memref_slice %arg8[%run_scoped3A_370, %dma_start3A_754] : memref<8x128xi32, #tpu.memory_space<vmem>> -> memref<1x128xi32, #tpu.memory_space<vmem>>
        %dma_start3A_756 = tpu.memref_squeeze %dma_start3A_755 : memref<1x128xi32, #tpu.memory_space<vmem>> -> memref<128xi32, #tpu.memory_space<vmem>>
        %dma_start3A_757 = arith.constant 0 : i32
        %dma_start3A_758 = tpu.memref_slice %arg22[%dma_start3A_757] : memref<10240xf32, #tpu.memory_space<vmem_shared>> -> memref<10240xf32, #tpu.memory_space<vmem_shared>>
        tpu.enqueue_indirect_dma source(%arg20 : memref<128xf32, #tpu.memory_space<vmem>>) target(%dma_start3A_758 : memref<10240xf32, #tpu.memory_space<vmem_shared>>) offsets(%dma_start3A_756 : memref<128xi32, #tpu.memory_space<vmem>>) semaphore(%run_scoped3A_753 : memref<!tpu.dma_semaphore, #tpu.memory_space<semaphore_mem>>) {add = true}
        %dma_wait3A_759 = arith.constant 0 : i32
        %dma_wait3A_760 = tpu.memref_slice %arg8[%run_scoped3A_370, %dma_wait3A_759] : memref<8x128xi32, #tpu.memory_space<vmem>> -> memref<1x128xi32, #tpu.memory_space<vmem>>
        %dma_wait3A_761 = tpu.memref_squeeze %dma_wait3A_760 : memref<1x128xi32, #tpu.memory_space<vmem>> -> memref<128xi32, #tpu.memory_space<vmem>>
        %dma_wait3A_762 = arith.constant 0 : i32
        %dma_wait3A_763 = tpu.memref_slice %arg22[%dma_wait3A_762] : memref<10240xf32, #tpu.memory_space<vmem_shared>> -> memref<10240xf32, #tpu.memory_space<vmem_shared>>
        tpu.wait_indirect_dma semaphore(%run_scoped3A_753 : memref<!tpu.dma_semaphore, #tpu.memory_space<semaphore_mem>>) src(%arg20 : memref<128xf32, #tpu.memory_space<vmem>>) dst(%dma_wait3A_763 : memref<10240xf32, #tpu.memory_space<vmem_shared>>)
        tpu.yield
      }) : () -> ()
      %dma_wait3A_371 = arith.constant 0 : i32
      %dma_wait3A_372 = arith.constant 0 : i32
      %dma_wait3A_373 = tpu.memref_slice %arg13[%dma_wait3A_371, %dma_wait3A_372] : memref<10240x128xf32, #tpu.memory_space<vmem_shared>> -> memref<128x128xf32, #tpu.memory_space<vmem_shared>>
      %dma_wait3A_374 = arith.constant 0 : i32
      %dma_wait3A_375 = arith.constant 0 : i32
      %dma_wait3A_376 = tpu.memref_slice %arg13[%dma_wait3A_374, %dma_wait3A_375] : memref<10240x128xf32, #tpu.memory_space<vmem_shared>> -> memref<128x128xf32, #tpu.memory_space<vmem_shared>>
      tpu.wait_dma2 semaphore(%arg19 : memref<!tpu.dma_semaphore, #tpu.memory_space<semaphore_mem>>) src(%arg12 : memref<128x128xf32, #tpu.memory_space<vmem>>) dst(%dma_wait3A_376 : memref<128x128xf32, #tpu.memory_space<vmem_shared>>)
      %dma_start3A_377 = arith.constant 3 : i32
      %dma_start3A_378 = arith.constant 0 : i32
      %dma_start3A_379 = tpu.memref_slice %arg7[%dma_start3A_377, %dma_start3A_378] : memref<8x128xi32, #tpu.memory_space<vmem>> -> memref<1x128xi32, #tpu.memory_space<vmem>>
      %dma_start3A_380 = tpu.memref_squeeze %dma_start3A_379 : memref<1x128xi32, #tpu.memory_space<vmem>> -> memref<128xi32, #tpu.memory_space<vmem>>
      %dma_start3A_381 = arith.constant 0 : i32
      %dma_start3A_382 = arith.constant 0 : i32
      %dma_start3A_383 = tpu.memref_slice %arg2[%dma_start3A_381, %dma_start3A_382] : memref<10000x128xf32, #tpu.memory_space<hbm>> -> memref<10000x128xf32, #tpu.memory_space<hbm>>
      tpu.enqueue_indirect_dma source(%dma_start3A_383 : memref<10000x128xf32, #tpu.memory_space<hbm>>) target(%arg12 : memref<128x128xf32, #tpu.memory_space<vmem>>) offsets(%dma_start3A_380 : memref<128xi32, #tpu.memory_space<vmem>>) semaphore(%arg17 : memref<!tpu.dma_semaphore, #tpu.memory_space<semaphore_mem>>)
      %dma_wait3A_384 = arith.constant 0 : i32
      %dma_wait3A_385 = arith.constant 0 : i32
      %dma_wait3A_386 = tpu.memref_slice %arg2[%dma_wait3A_384, %dma_wait3A_385] : memref<10000x128xf32, #tpu.memory_space<hbm>> -> memref<128x128xf32, #tpu.memory_space<hbm>>
      %dma_wait3A_387 = arith.constant 0 : i32
      %dma_wait3A_388 = arith.constant 0 : i32
      %dma_wait3A_389 = tpu.memref_slice %arg2[%dma_wait3A_387, %dma_wait3A_388] : memref<10000x128xf32, #tpu.memory_space<hbm>> -> memref<128x128xf32, #tpu.memory_space<hbm>>
      tpu.wait_dma2 semaphore(%arg16 : memref<!tpu.dma_semaphore, #tpu.memory_space<semaphore_mem>>) src(%dma_wait3A_389 : memref<128x128xf32, #tpu.memory_space<hbm>>) dst(%arg11 : memref<128x128xf32, #tpu.memory_space<vmem>>)
      %dma_start3A_390 = arith.constant 2 : i32
      %dma_start3A_391 = arith.constant 0 : i32
      %dma_start3A_392 = tpu.memref_slice %arg8[%dma_start3A_390, %dma_start3A_391] : memref<8x128xi32, #tpu.memory_space<vmem>> -> memref<1x128xi32, #tpu.memory_space<vmem>>
      %dma_start3A_393 = tpu.memref_squeeze %dma_start3A_392 : memref<1x128xi32, #tpu.memory_space<vmem>> -> memref<128xi32, #tpu.memory_space<vmem>>
      %dma_start3A_394 = arith.constant 0 : i32
      %dma_start3A_395 = arith.constant 0 : i32
      %dma_start3A_396 = tpu.memref_slice %arg13[%dma_start3A_394, %dma_start3A_395] : memref<10240x128xf32, #tpu.memory_space<vmem_shared>> -> memref<10240x128xf32, #tpu.memory_space<vmem_shared>>
      tpu.enqueue_indirect_dma source(%arg11 : memref<128x128xf32, #tpu.memory_space<vmem>>) target(%dma_start3A_396 : memref<10240x128xf32, #tpu.memory_space<vmem_shared>>) offsets(%dma_start3A_393 : memref<128xi32, #tpu.memory_space<vmem>>) semaphore(%arg18 : memref<!tpu.dma_semaphore, #tpu.memory_space<semaphore_mem>>) {add = true}
      %run_scoped3A_397 = arith.constant 2 : i32
      "tpu.region"() ({
        %run_scoped3A_753 = tpu.sem_alloc : memref<!tpu.dma_semaphore, #tpu.memory_space<semaphore_mem>>
        %dma_start3A_754 = arith.constant 0 : i32
        %dma_start3A_755 = tpu.memref_slice %arg8[%run_scoped3A_397, %dma_start3A_754] : memref<8x128xi32, #tpu.memory_space<vmem>> -> memref<1x128xi32, #tpu.memory_space<vmem>>
        %dma_start3A_756 = tpu.memref_squeeze %dma_start3A_755 : memref<1x128xi32, #tpu.memory_space<vmem>> -> memref<128xi32, #tpu.memory_space<vmem>>
        %dma_start3A_757 = arith.constant 0 : i32
        %dma_start3A_758 = tpu.memref_slice %arg22[%dma_start3A_757] : memref<10240xf32, #tpu.memory_space<vmem_shared>> -> memref<10240xf32, #tpu.memory_space<vmem_shared>>
        tpu.enqueue_indirect_dma source(%arg20 : memref<128xf32, #tpu.memory_space<vmem>>) target(%dma_start3A_758 : memref<10240xf32, #tpu.memory_space<vmem_shared>>) offsets(%dma_start3A_756 : memref<128xi32, #tpu.memory_space<vmem>>) semaphore(%run_scoped3A_753 : memref<!tpu.dma_semaphore, #tpu.memory_space<semaphore_mem>>) {add = true}
        %dma_wait3A_759 = arith.constant 0 : i32
        %dma_wait3A_760 = tpu.memref_slice %arg8[%run_scoped3A_397, %dma_wait3A_759] : memref<8x128xi32, #tpu.memory_space<vmem>> -> memref<1x128xi32, #tpu.memory_space<vmem>>
        %dma_wait3A_761 = tpu.memref_squeeze %dma_wait3A_760 : memref<1x128xi32, #tpu.memory_space<vmem>> -> memref<128xi32, #tpu.memory_space<vmem>>
        %dma_wait3A_762 = arith.constant 0 : i32
        %dma_wait3A_763 = tpu.memref_slice %arg22[%dma_wait3A_762] : memref<10240xf32, #tpu.memory_space<vmem_shared>> -> memref<10240xf32, #tpu.memory_space<vmem_shared>>
        tpu.wait_indirect_dma semaphore(%run_scoped3A_753 : memref<!tpu.dma_semaphore, #tpu.memory_space<semaphore_mem>>) src(%arg20 : memref<128xf32, #tpu.memory_space<vmem>>) dst(%dma_wait3A_763 : memref<10240xf32, #tpu.memory_space<vmem_shared>>)
        tpu.yield
      }) : () -> ()
      %dma_wait3A_398 = arith.constant 0 : i32
      %dma_wait3A_399 = arith.constant 0 : i32
      %dma_wait3A_400 = tpu.memref_slice %arg13[%dma_wait3A_398, %dma_wait3A_399] : memref<10240x128xf32, #tpu.memory_space<vmem_shared>> -> memref<128x128xf32, #tpu.memory_space<vmem_shared>>
      %dma_wait3A_401 = arith.constant 0 : i32
      %dma_wait3A_402 = arith.constant 0 : i32
      %dma_wait3A_403 = tpu.memref_slice %arg13[%dma_wait3A_401, %dma_wait3A_402] : memref<10240x128xf32, #tpu.memory_space<vmem_shared>> -> memref<128x128xf32, #tpu.memory_space<vmem_shared>>
      tpu.wait_dma2 semaphore(%arg18 : memref<!tpu.dma_semaphore, #tpu.memory_space<semaphore_mem>>) src(%arg11 : memref<128x128xf32, #tpu.memory_space<vmem>>) dst(%dma_wait3A_403 : memref<128x128xf32, #tpu.memory_space<vmem_shared>>)
      %dma_start3A_404 = arith.constant 4 : i32
      %dma_start3A_405 = arith.constant 0 : i32
      %dma_start3A_406 = tpu.memref_slice %arg7[%dma_start3A_404, %dma_start3A_405] : memref<8x128xi32, #tpu.memory_space<vmem>> -> memref<1x128xi32, #tpu.memory_space<vmem>>
      %dma_start3A_407 = tpu.memref_squeeze %dma_start3A_406 : memref<1x128xi32, #tpu.memory_space<vmem>> -> memref<128xi32, #tpu.memory_space<vmem>>
      %dma_start3A_408 = arith.constant 0 : i32
      %dma_start3A_409 = arith.constant 0 : i32
      %dma_start3A_410 = tpu.memref_slice %arg2[%dma_start3A_408, %dma_start3A_409] : memref<10000x128xf32, #tpu.memory_space<hbm>> -> memref<10000x128xf32, #tpu.memory_space<hbm>>
      tpu.enqueue_indirect_dma source(%dma_start3A_410 : memref<10000x128xf32, #tpu.memory_space<hbm>>) target(%arg11 : memref<128x128xf32, #tpu.memory_space<vmem>>) offsets(%dma_start3A_407 : memref<128xi32, #tpu.memory_space<vmem>>) semaphore(%arg16 : memref<!tpu.dma_semaphore, #tpu.memory_space<semaphore_mem>>)
      %dma_wait3A_411 = arith.constant 0 : i32
      %dma_wait3A_412 = arith.constant 0 : i32
      %dma_wait3A_413 = tpu.memref_slice %arg2[%dma_wait3A_411, %dma_wait3A_412] : memref<10000x128xf32, #tpu.memory_space<hbm>> -> memref<128x128xf32, #tpu.memory_space<hbm>>
      %dma_wait3A_414 = arith.constant 0 : i32
      %dma_wait3A_415 = arith.constant 0 : i32
      %dma_wait3A_416 = tpu.memref_slice %arg2[%dma_wait3A_414, %dma_wait3A_415] : memref<10000x128xf32, #tpu.memory_space<hbm>> -> memref<128x128xf32, #tpu.memory_space<hbm>>
      tpu.wait_dma2 semaphore(%arg17 : memref<!tpu.dma_semaphore, #tpu.memory_space<semaphore_mem>>) src(%dma_wait3A_416 : memref<128x128xf32, #tpu.memory_space<hbm>>) dst(%arg12 : memref<128x128xf32, #tpu.memory_space<vmem>>)
      %dma_start3A_417 = arith.constant 3 : i32
      %dma_start3A_418 = arith.constant 0 : i32
      %dma_start3A_419 = tpu.memref_slice %arg8[%dma_start3A_417, %dma_start3A_418] : memref<8x128xi32, #tpu.memory_space<vmem>> -> memref<1x128xi32, #tpu.memory_space<vmem>>
      %dma_start3A_420 = tpu.memref_squeeze %dma_start3A_419 : memref<1x128xi32, #tpu.memory_space<vmem>> -> memref<128xi32, #tpu.memory_space<vmem>>
      %dma_start3A_421 = arith.constant 0 : i32
      %dma_start3A_422 = arith.constant 0 : i32
      %dma_start3A_423 = tpu.memref_slice %arg13[%dma_start3A_421, %dma_start3A_422] : memref<10240x128xf32, #tpu.memory_space<vmem_shared>> -> memref<10240x128xf32, #tpu.memory_space<vmem_shared>>
      tpu.enqueue_indirect_dma source(%arg12 : memref<128x128xf32, #tpu.memory_space<vmem>>) target(%dma_start3A_423 : memref<10240x128xf32, #tpu.memory_space<vmem_shared>>) offsets(%dma_start3A_420 : memref<128xi32, #tpu.memory_space<vmem>>) semaphore(%arg19 : memref<!tpu.dma_semaphore, #tpu.memory_space<semaphore_mem>>) {add = true}
      %run_scoped3A_424 = arith.constant 3 : i32
      "tpu.region"() ({
        %run_scoped3A_753 = tpu.sem_alloc : memref<!tpu.dma_semaphore, #tpu.memory_space<semaphore_mem>>
        %dma_start3A_754 = arith.constant 0 : i32
        %dma_start3A_755 = tpu.memref_slice %arg8[%run_scoped3A_424, %dma_start3A_754] : memref<8x128xi32, #tpu.memory_space<vmem>> -> memref<1x128xi32, #tpu.memory_space<vmem>>
        %dma_start3A_756 = tpu.memref_squeeze %dma_start3A_755 : memref<1x128xi32, #tpu.memory_space<vmem>> -> memref<128xi32, #tpu.memory_space<vmem>>
        %dma_start3A_757 = arith.constant 0 : i32
        %dma_start3A_758 = tpu.memref_slice %arg22[%dma_start3A_757] : memref<10240xf32, #tpu.memory_space<vmem_shared>> -> memref<10240xf32, #tpu.memory_space<vmem_shared>>
        tpu.enqueue_indirect_dma source(%arg20 : memref<128xf32, #tpu.memory_space<vmem>>) target(%dma_start3A_758 : memref<10240xf32, #tpu.memory_space<vmem_shared>>) offsets(%dma_start3A_756 : memref<128xi32, #tpu.memory_space<vmem>>) semaphore(%run_scoped3A_753 : memref<!tpu.dma_semaphore, #tpu.memory_space<semaphore_mem>>) {add = true}
        %dma_wait3A_759 = arith.constant 0 : i32
        %dma_wait3A_760 = tpu.memref_slice %arg8[%run_scoped3A_424, %dma_wait3A_759] : memref<8x128xi32, #tpu.memory_space<vmem>> -> memref<1x128xi32, #tpu.memory_space<vmem>>
        %dma_wait3A_761 = tpu.memref_squeeze %dma_wait3A_760 : memref<1x128xi32, #tpu.memory_space<vmem>> -> memref<128xi32, #tpu.memory_space<vmem>>
        %dma_wait3A_762 = arith.constant 0 : i32
        %dma_wait3A_763 = tpu.memref_slice %arg22[%dma_wait3A_762] : memref<10240xf32, #tpu.memory_space<vmem_shared>> -> memref<10240xf32, #tpu.memory_space<vmem_shared>>
        tpu.wait_indirect_dma semaphore(%run_scoped3A_753 : memref<!tpu.dma_semaphore, #tpu.memory_space<semaphore_mem>>) src(%arg20 : memref<128xf32, #tpu.memory_space<vmem>>) dst(%dma_wait3A_763 : memref<10240xf32, #tpu.memory_space<vmem_shared>>)
        tpu.yield
      }) : () -> ()
      %dma_wait3A_425 = arith.constant 0 : i32
      %dma_wait3A_426 = arith.constant 0 : i32
      %dma_wait3A_427 = tpu.memref_slice %arg13[%dma_wait3A_425, %dma_wait3A_426] : memref<10240x128xf32, #tpu.memory_space<vmem_shared>> -> memref<128x128xf32, #tpu.memory_space<vmem_shared>>
      %dma_wait3A_428 = arith.constant 0 : i32
      %dma_wait3A_429 = arith.constant 0 : i32
      %dma_wait3A_430 = tpu.memref_slice %arg13[%dma_wait3A_428, %dma_wait3A_429] : memref<10240x128xf32, #tpu.memory_space<vmem_shared>> -> memref<128x128xf32, #tpu.memory_space<vmem_shared>>
      tpu.wait_dma2 semaphore(%arg19 : memref<!tpu.dma_semaphore, #tpu.memory_space<semaphore_mem>>) src(%arg12 : memref<128x128xf32, #tpu.memory_space<vmem>>) dst(%dma_wait3A_430 : memref<128x128xf32, #tpu.memory_space<vmem_shared>>)
      %dma_start3A_431 = arith.constant 5 : i32
      %dma_start3A_432 = arith.constant 0 : i32
      %dma_start3A_433 = tpu.memref_slice %arg7[%dma_start3A_431, %dma_start3A_432] : memref<8x128xi32, #tpu.memory_space<vmem>> -> memref<1x128xi32, #tpu.memory_space<vmem>>
      %dma_start3A_434 = tpu.memref_squeeze %dma_start3A_433 : memref<1x128xi32, #tpu.memory_space<vmem>> -> memref<128xi32, #tpu.memory_space<vmem>>
      %dma_start3A_435 = arith.constant 0 : i32
      %dma_start3A_436 = arith.constant 0 : i32
      %dma_start3A_437 = tpu.memref_slice %arg2[%dma_start3A_435, %dma_start3A_436] : memref<10000x128xf32, #tpu.memory_space<hbm>> -> memref<10000x128xf32, #tpu.memory_space<hbm>>
      tpu.enqueue_indirect_dma source(%dma_start3A_437 : memref<10000x128xf32, #tpu.memory_space<hbm>>) target(%arg12 : memref<128x128xf32, #tpu.memory_space<vmem>>) offsets(%dma_start3A_434 : memref<128xi32, #tpu.memory_space<vmem>>) semaphore(%arg17 : memref<!tpu.dma_semaphore, #tpu.memory_space<semaphore_mem>>)
      %dma_wait3A_438 = arith.constant 0 : i32
      %dma_wait3A_439 = arith.constant 0 : i32
      %dma_wait3A_440 = tpu.memref_slice %arg2[%dma_wait3A_438, %dma_wait3A_439] : memref<10000x128xf32, #tpu.memory_space<hbm>> -> memref<128x128xf32, #tpu.memory_space<hbm>>
      %dma_wait3A_441 = arith.constant 0 : i32
      %dma_wait3A_442 = arith.constant 0 : i32
      %dma_wait3A_443 = tpu.memref_slice %arg2[%dma_wait3A_441, %dma_wait3A_442] : memref<10000x128xf32, #tpu.memory_space<hbm>> -> memref<128x128xf32, #tpu.memory_space<hbm>>
      tpu.wait_dma2 semaphore(%arg16 : memref<!tpu.dma_semaphore, #tpu.memory_space<semaphore_mem>>) src(%dma_wait3A_443 : memref<128x128xf32, #tpu.memory_space<hbm>>) dst(%arg11 : memref<128x128xf32, #tpu.memory_space<vmem>>)
      %dma_start3A_444 = arith.constant 4 : i32
      %dma_start3A_445 = arith.constant 0 : i32
      %dma_start3A_446 = tpu.memref_slice %arg8[%dma_start3A_444, %dma_start3A_445] : memref<8x128xi32, #tpu.memory_space<vmem>> -> memref<1x128xi32, #tpu.memory_space<vmem>>
      %dma_start3A_447 = tpu.memref_squeeze %dma_start3A_446 : memref<1x128xi32, #tpu.memory_space<vmem>> -> memref<128xi32, #tpu.memory_space<vmem>>
      %dma_start3A_448 = arith.constant 0 : i32
      %dma_start3A_449 = arith.constant 0 : i32
      %dma_start3A_450 = tpu.memref_slice %arg13[%dma_start3A_448, %dma_start3A_449] : memref<10240x128xf32, #tpu.memory_space<vmem_shared>> -> memref<10240x128xf32, #tpu.memory_space<vmem_shared>>
      tpu.enqueue_indirect_dma source(%arg11 : memref<128x128xf32, #tpu.memory_space<vmem>>) target(%dma_start3A_450 : memref<10240x128xf32, #tpu.memory_space<vmem_shared>>) offsets(%dma_start3A_447 : memref<128xi32, #tpu.memory_space<vmem>>) semaphore(%arg18 : memref<!tpu.dma_semaphore, #tpu.memory_space<semaphore_mem>>) {add = true}
      %run_scoped3A_451 = arith.constant 4 : i32
      "tpu.region"() ({
        %run_scoped3A_753 = tpu.sem_alloc : memref<!tpu.dma_semaphore, #tpu.memory_space<semaphore_mem>>
        %dma_start3A_754 = arith.constant 0 : i32
        %dma_start3A_755 = tpu.memref_slice %arg8[%run_scoped3A_451, %dma_start3A_754] : memref<8x128xi32, #tpu.memory_space<vmem>> -> memref<1x128xi32, #tpu.memory_space<vmem>>
        %dma_start3A_756 = tpu.memref_squeeze %dma_start3A_755 : memref<1x128xi32, #tpu.memory_space<vmem>> -> memref<128xi32, #tpu.memory_space<vmem>>
        %dma_start3A_757 = arith.constant 0 : i32
        %dma_start3A_758 = tpu.memref_slice %arg22[%dma_start3A_757] : memref<10240xf32, #tpu.memory_space<vmem_shared>> -> memref<10240xf32, #tpu.memory_space<vmem_shared>>
        tpu.enqueue_indirect_dma source(%arg20 : memref<128xf32, #tpu.memory_space<vmem>>) target(%dma_start3A_758 : memref<10240xf32, #tpu.memory_space<vmem_shared>>) offsets(%dma_start3A_756 : memref<128xi32, #tpu.memory_space<vmem>>) semaphore(%run_scoped3A_753 : memref<!tpu.dma_semaphore, #tpu.memory_space<semaphore_mem>>) {add = true}
        %dma_wait3A_759 = arith.constant 0 : i32
        %dma_wait3A_760 = tpu.memref_slice %arg8[%run_scoped3A_451, %dma_wait3A_759] : memref<8x128xi32, #tpu.memory_space<vmem>> -> memref<1x128xi32, #tpu.memory_space<vmem>>
        %dma_wait3A_761 = tpu.memref_squeeze %dma_wait3A_760 : memref<1x128xi32, #tpu.memory_space<vmem>> -> memref<128xi32, #tpu.memory_space<vmem>>
        %dma_wait3A_762 = arith.constant 0 : i32
        %dma_wait3A_763 = tpu.memref_slice %arg22[%dma_wait3A_762] : memref<10240xf32, #tpu.memory_space<vmem_shared>> -> memref<10240xf32, #tpu.memory_space<vmem_shared>>
        tpu.wait_indirect_dma semaphore(%run_scoped3A_753 : memref<!tpu.dma_semaphore, #tpu.memory_space<semaphore_mem>>) src(%arg20 : memref<128xf32, #tpu.memory_space<vmem>>) dst(%dma_wait3A_763 : memref<10240xf32, #tpu.memory_space<vmem_shared>>)
        tpu.yield
      }) : () -> ()
      %dma_wait3A_452 = arith.constant 0 : i32
      %dma_wait3A_453 = arith.constant 0 : i32
      %dma_wait3A_454 = tpu.memref_slice %arg13[%dma_wait3A_452, %dma_wait3A_453] : memref<10240x128xf32, #tpu.memory_space<vmem_shared>> -> memref<128x128xf32, #tpu.memory_space<vmem_shared>>
      %dma_wait3A_455 = arith.constant 0 : i32
      %dma_wait3A_456 = arith.constant 0 : i32
      %dma_wait3A_457 = tpu.memref_slice %arg13[%dma_wait3A_455, %dma_wait3A_456] : memref<10240x128xf32, #tpu.memory_space<vmem_shared>> -> memref<128x128xf32, #tpu.memory_space<vmem_shared>>
      tpu.wait_dma2 semaphore(%arg18 : memref<!tpu.dma_semaphore, #tpu.memory_space<semaphore_mem>>) src(%arg11 : memref<128x128xf32, #tpu.memory_space<vmem>>) dst(%dma_wait3A_457 : memref<128x128xf32, #tpu.memory_space<vmem_shared>>)
      %dma_start3A_458 = arith.constant 6 : i32
      %dma_start3A_459 = arith.constant 0 : i32
      %dma_start3A_460 = tpu.memref_slice %arg7[%dma_start3A_458, %dma_start3A_459] : memref<8x128xi32, #tpu.memory_space<vmem>> -> memref<1x128xi32, #tpu.memory_space<vmem>>
      %dma_start3A_461 = tpu.memref_squeeze %dma_start3A_460 : memref<1x128xi32, #tpu.memory_space<vmem>> -> memref<128xi32, #tpu.memory_space<vmem>>
      %dma_start3A_462 = arith.constant 0 : i32
      %dma_start3A_463 = arith.constant 0 : i32
      %dma_start3A_464 = tpu.memref_slice %arg2[%dma_start3A_462, %dma_start3A_463] : memref<10000x128xf32, #tpu.memory_space<hbm>> -> memref<10000x128xf32, #tpu.memory_space<hbm>>
      tpu.enqueue_indirect_dma source(%dma_start3A_464 : memref<10000x128xf32, #tpu.memory_space<hbm>>) target(%arg11 : memref<128x128xf32, #tpu.memory_space<vmem>>) offsets(%dma_start3A_461 : memref<128xi32, #tpu.memory_space<vmem>>) semaphore(%arg16 : memref<!tpu.dma_semaphore, #tpu.memory_space<semaphore_mem>>)
      %dma_wait3A_465 = arith.constant 0 : i32
      %dma_wait3A_466 = arith.constant 0 : i32
      %dma_wait3A_467 = tpu.memref_slice %arg2[%dma_wait3A_465, %dma_wait3A_466] : memref<10000x128xf32, #tpu.memory_space<hbm>> -> memref<128x128xf32, #tpu.memory_space<hbm>>
      %dma_wait3A_468 = arith.constant 0 : i32
      %dma_wait3A_469 = arith.constant 0 : i32
      %dma_wait3A_470 = tpu.memref_slice %arg2[%dma_wait3A_468, %dma_wait3A_469] : memref<10000x128xf32, #tpu.memory_space<hbm>> -> memref<128x128xf32, #tpu.memory_space<hbm>>
      tpu.wait_dma2 semaphore(%arg17 : memref<!tpu.dma_semaphore, #tpu.memory_space<semaphore_mem>>) src(%dma_wait3A_470 : memref<128x128xf32, #tpu.memory_space<hbm>>) dst(%arg12 : memref<128x128xf32, #tpu.memory_space<vmem>>)
      %dma_start3A_471 = arith.constant 5 : i32
      %dma_start3A_472 = arith.constant 0 : i32
      %dma_start3A_473 = tpu.memref_slice %arg8[%dma_start3A_471, %dma_start3A_472] : memref<8x128xi32, #tpu.memory_space<vmem>> -> memref<1x128xi32, #tpu.memory_space<vmem>>
      %dma_start3A_474 = tpu.memref_squeeze %dma_start3A_473 : memref<1x128xi32, #tpu.memory_space<vmem>> -> memref<128xi32, #tpu.memory_space<vmem>>
      %dma_start3A_475 = arith.constant 0 : i32
      %dma_start3A_476 = arith.constant 0 : i32
      %dma_start3A_477 = tpu.memref_slice %arg13[%dma_start3A_475, %dma_start3A_476] : memref<10240x128xf32, #tpu.memory_space<vmem_shared>> -> memref<10240x128xf32, #tpu.memory_space<vmem_shared>>
      tpu.enqueue_indirect_dma source(%arg12 : memref<128x128xf32, #tpu.memory_space<vmem>>) target(%dma_start3A_477 : memref<10240x128xf32, #tpu.memory_space<vmem_shared>>) offsets(%dma_start3A_474 : memref<128xi32, #tpu.memory_space<vmem>>) semaphore(%arg19 : memref<!tpu.dma_semaphore, #tpu.memory_space<semaphore_mem>>) {add = true}
      %run_scoped3A_478 = arith.constant 5 : i32
      "tpu.region"() ({
        %run_scoped3A_753 = tpu.sem_alloc : memref<!tpu.dma_semaphore, #tpu.memory_space<semaphore_mem>>
        %dma_start3A_754 = arith.constant 0 : i32
        %dma_start3A_755 = tpu.memref_slice %arg8[%run_scoped3A_478, %dma_start3A_754] : memref<8x128xi32, #tpu.memory_space<vmem>> -> memref<1x128xi32, #tpu.memory_space<vmem>>
        %dma_start3A_756 = tpu.memref_squeeze %dma_start3A_755 : memref<1x128xi32, #tpu.memory_space<vmem>> -> memref<128xi32, #tpu.memory_space<vmem>>
        %dma_start3A_757 = arith.constant 0 : i32
        %dma_start3A_758 = tpu.memref_slice %arg22[%dma_start3A_757] : memref<10240xf32, #tpu.memory_space<vmem_shared>> -> memref<10240xf32, #tpu.memory_space<vmem_shared>>
        tpu.enqueue_indirect_dma source(%arg20 : memref<128xf32, #tpu.memory_space<vmem>>) target(%dma_start3A_758 : memref<10240xf32, #tpu.memory_space<vmem_shared>>) offsets(%dma_start3A_756 : memref<128xi32, #tpu.memory_space<vmem>>) semaphore(%run_scoped3A_753 : memref<!tpu.dma_semaphore, #tpu.memory_space<semaphore_mem>>) {add = true}
        %dma_wait3A_759 = arith.constant 0 : i32
        %dma_wait3A_760 = tpu.memref_slice %arg8[%run_scoped3A_478, %dma_wait3A_759] : memref<8x128xi32, #tpu.memory_space<vmem>> -> memref<1x128xi32, #tpu.memory_space<vmem>>
        %dma_wait3A_761 = tpu.memref_squeeze %dma_wait3A_760 : memref<1x128xi32, #tpu.memory_space<vmem>> -> memref<128xi32, #tpu.memory_space<vmem>>
        %dma_wait3A_762 = arith.constant 0 : i32
        %dma_wait3A_763 = tpu.memref_slice %arg22[%dma_wait3A_762] : memref<10240xf32, #tpu.memory_space<vmem_shared>> -> memref<10240xf32, #tpu.memory_space<vmem_shared>>
        tpu.wait_indirect_dma semaphore(%run_scoped3A_753 : memref<!tpu.dma_semaphore, #tpu.memory_space<semaphore_mem>>) src(%arg20 : memref<128xf32, #tpu.memory_space<vmem>>) dst(%dma_wait3A_763 : memref<10240xf32, #tpu.memory_space<vmem_shared>>)
        tpu.yield
      }) : () -> ()
      %dma_wait3A_479 = arith.constant 0 : i32
      %dma_wait3A_480 = arith.constant 0 : i32
      %dma_wait3A_481 = tpu.memref_slice %arg13[%dma_wait3A_479, %dma_wait3A_480] : memref<10240x128xf32, #tpu.memory_space<vmem_shared>> -> memref<128x128xf32, #tpu.memory_space<vmem_shared>>
      %dma_wait3A_482 = arith.constant 0 : i32
      %dma_wait3A_483 = arith.constant 0 : i32
      %dma_wait3A_484 = tpu.memref_slice %arg13[%dma_wait3A_482, %dma_wait3A_483] : memref<10240x128xf32, #tpu.memory_space<vmem_shared>> -> memref<128x128xf32, #tpu.memory_space<vmem_shared>>
      tpu.wait_dma2 semaphore(%arg19 : memref<!tpu.dma_semaphore, #tpu.memory_space<semaphore_mem>>) src(%arg12 : memref<128x128xf32, #tpu.memory_space<vmem>>) dst(%dma_wait3A_484 : memref<128x128xf32, #tpu.memory_space<vmem_shared>>)
      %dma_start3A_485 = arith.constant 7 : i32
      %dma_start3A_486 = arith.constant 0 : i32
      %dma_start3A_487 = tpu.memref_slice %arg7[%dma_start3A_485, %dma_start3A_486] : memref<8x128xi32, #tpu.memory_space<vmem>> -> memref<1x128xi32, #tpu.memory_space<vmem>>
      %dma_start3A_488 = tpu.memref_squeeze %dma_start3A_487 : memref<1x128xi32, #tpu.memory_space<vmem>> -> memref<128xi32, #tpu.memory_space<vmem>>
      %dma_start3A_489 = arith.constant 0 : i32
      %dma_start3A_490 = arith.constant 0 : i32
      %dma_start3A_491 = tpu.memref_slice %arg2[%dma_start3A_489, %dma_start3A_490] : memref<10000x128xf32, #tpu.memory_space<hbm>> -> memref<10000x128xf32, #tpu.memory_space<hbm>>
      tpu.enqueue_indirect_dma source(%dma_start3A_491 : memref<10000x128xf32, #tpu.memory_space<hbm>>) target(%arg12 : memref<128x128xf32, #tpu.memory_space<vmem>>) offsets(%dma_start3A_488 : memref<128xi32, #tpu.memory_space<vmem>>) semaphore(%arg17 : memref<!tpu.dma_semaphore, #tpu.memory_space<semaphore_mem>>)
      %dma_wait3A_492 = arith.constant 0 : i32
      %dma_wait3A_493 = arith.constant 0 : i32
      %dma_wait3A_494 = tpu.memref_slice %arg2[%dma_wait3A_492, %dma_wait3A_493] : memref<10000x128xf32, #tpu.memory_space<hbm>> -> memref<128x128xf32, #tpu.memory_space<hbm>>
      %dma_wait3A_495 = arith.constant 0 : i32
      %dma_wait3A_496 = arith.constant 0 : i32
      %dma_wait3A_497 = tpu.memref_slice %arg2[%dma_wait3A_495, %dma_wait3A_496] : memref<10000x128xf32, #tpu.memory_space<hbm>> -> memref<128x128xf32, #tpu.memory_space<hbm>>
      tpu.wait_dma2 semaphore(%arg16 : memref<!tpu.dma_semaphore, #tpu.memory_space<semaphore_mem>>) src(%dma_wait3A_497 : memref<128x128xf32, #tpu.memory_space<hbm>>) dst(%arg11 : memref<128x128xf32, #tpu.memory_space<vmem>>)
      %dma_start3A_498 = arith.constant 6 : i32
      %dma_start3A_499 = arith.constant 0 : i32
      %dma_start3A_500 = tpu.memref_slice %arg8[%dma_start3A_498, %dma_start3A_499] : memref<8x128xi32, #tpu.memory_space<vmem>> -> memref<1x128xi32, #tpu.memory_space<vmem>>
      %dma_start3A_501 = tpu.memref_squeeze %dma_start3A_500 : memref<1x128xi32, #tpu.memory_space<vmem>> -> memref<128xi32, #tpu.memory_space<vmem>>
      %dma_start3A_502 = arith.constant 0 : i32
      %dma_start3A_503 = arith.constant 0 : i32
      %dma_start3A_504 = tpu.memref_slice %arg13[%dma_start3A_502, %dma_start3A_503] : memref<10240x128xf32, #tpu.memory_space<vmem_shared>> -> memref<10240x128xf32, #tpu.memory_space<vmem_shared>>
      tpu.enqueue_indirect_dma source(%arg11 : memref<128x128xf32, #tpu.memory_space<vmem>>) target(%dma_start3A_504 : memref<10240x128xf32, #tpu.memory_space<vmem_shared>>) offsets(%dma_start3A_501 : memref<128xi32, #tpu.memory_space<vmem>>) semaphore(%arg18 : memref<!tpu.dma_semaphore, #tpu.memory_space<semaphore_mem>>) {add = true}
      %run_scoped3A_505 = arith.constant 6 : i32
      "tpu.region"() ({
        %run_scoped3A_753 = tpu.sem_alloc : memref<!tpu.dma_semaphore, #tpu.memory_space<semaphore_mem>>
        %dma_start3A_754 = arith.constant 0 : i32
        %dma_start3A_755 = tpu.memref_slice %arg8[%run_scoped3A_505, %dma_start3A_754] : memref<8x128xi32, #tpu.memory_space<vmem>> -> memref<1x128xi32, #tpu.memory_space<vmem>>
        %dma_start3A_756 = tpu.memref_squeeze %dma_start3A_755 : memref<1x128xi32, #tpu.memory_space<vmem>> -> memref<128xi32, #tpu.memory_space<vmem>>
        %dma_start3A_757 = arith.constant 0 : i32
        %dma_start3A_758 = tpu.memref_slice %arg22[%dma_start3A_757] : memref<10240xf32, #tpu.memory_space<vmem_shared>> -> memref<10240xf32, #tpu.memory_space<vmem_shared>>
        tpu.enqueue_indirect_dma source(%arg20 : memref<128xf32, #tpu.memory_space<vmem>>) target(%dma_start3A_758 : memref<10240xf32, #tpu.memory_space<vmem_shared>>) offsets(%dma_start3A_756 : memref<128xi32, #tpu.memory_space<vmem>>) semaphore(%run_scoped3A_753 : memref<!tpu.dma_semaphore, #tpu.memory_space<semaphore_mem>>) {add = true}
        %dma_wait3A_759 = arith.constant 0 : i32
        %dma_wait3A_760 = tpu.memref_slice %arg8[%run_scoped3A_505, %dma_wait3A_759] : memref<8x128xi32, #tpu.memory_space<vmem>> -> memref<1x128xi32, #tpu.memory_space<vmem>>
        %dma_wait3A_761 = tpu.memref_squeeze %dma_wait3A_760 : memref<1x128xi32, #tpu.memory_space<vmem>> -> memref<128xi32, #tpu.memory_space<vmem>>
        %dma_wait3A_762 = arith.constant 0 : i32
        %dma_wait3A_763 = tpu.memref_slice %arg22[%dma_wait3A_762] : memref<10240xf32, #tpu.memory_space<vmem_shared>> -> memref<10240xf32, #tpu.memory_space<vmem_shared>>
        tpu.wait_indirect_dma semaphore(%run_scoped3A_753 : memref<!tpu.dma_semaphore, #tpu.memory_space<semaphore_mem>>) src(%arg20 : memref<128xf32, #tpu.memory_space<vmem>>) dst(%dma_wait3A_763 : memref<10240xf32, #tpu.memory_space<vmem_shared>>)
        tpu.yield
      }) : () -> ()
      %add3A_506 = arith.constant 1 : i32
      %add3A_507 = arith.addi %add3A_321, %add3A_506 : i32
      %lt3A = arith.constant 10 : i32
      %lt3A_508 = arith.cmpi slt, %add3A_507, %lt3A : i32
      %convert_element_type3A_509 = arith.extui %lt3A_508 : i1 to i32
      %cond3A_510 = arith.constant 0 : i32
      %cond3A_511 = arith.cmpi ne, %convert_element_type3A_509, %cond3A_510 : i32
      scf.if %cond3A_511 {
        %dma_wait3A_753 = arith.constant 0 : i32
        %dma_wait3A_754 = arith.constant 0 : i32
        %dma_wait3A_755 = tpu.memref_slice %arg13[%dma_wait3A_753, %dma_wait3A_754] : memref<10240x128xf32, #tpu.memory_space<vmem_shared>> -> memref<128x128xf32, #tpu.memory_space<vmem_shared>>
        %dma_wait3A_756 = arith.constant 0 : i32
        %dma_wait3A_757 = arith.constant 0 : i32
        %dma_wait3A_758 = tpu.memref_slice %arg13[%dma_wait3A_756, %dma_wait3A_757] : memref<10240x128xf32, #tpu.memory_space<vmem_shared>> -> memref<128x128xf32, #tpu.memory_space<vmem_shared>>
        tpu.wait_dma2 semaphore(%arg18 : memref<!tpu.dma_semaphore, #tpu.memory_space<semaphore_mem>>) src(%arg11 : memref<128x128xf32, #tpu.memory_space<vmem>>) dst(%dma_wait3A_758 : memref<128x128xf32, #tpu.memory_space<vmem_shared>>)
        %dma_wait3A_759 = arith.constant 0 : i32
        %dma_wait3A_760 = arith.constant 0 : i32
        %dma_wait3A_761 = tpu.memref_slice %arg3[%dma_wait3A_759, %dma_wait3A_760] : memref<2560x128xi32, #tpu.memory_space<hbm>> -> memref<8x128xi32, #tpu.memory_space<hbm>>
        %dma_wait3A_762 = arith.constant 0 : i32
        %dma_wait3A_763 = arith.constant 0 : i32
        %dma_wait3A_764 = tpu.memref_slice %arg3[%dma_wait3A_762, %dma_wait3A_763] : memref<2560x128xi32, #tpu.memory_space<hbm>> -> memref<8x128xi32, #tpu.memory_space<hbm>>
        tpu.wait_dma2 semaphore(%arg15 : memref<!tpu.dma_semaphore, #tpu.memory_space<semaphore_mem>>) src(%dma_wait3A_764 : memref<8x128xi32, #tpu.memory_space<hbm>>) dst(%arg9 : memref<8x128xi32, #tpu.memory_space<vmem>>)
        %dma_wait3A_765 = arith.constant 0 : i32
        %dma_wait3A_766 = arith.constant 0 : i32
        %dma_wait3A_767 = tpu.memref_slice %arg4[%dma_wait3A_765, %dma_wait3A_766] : memref<2560x128xi32, #tpu.memory_space<hbm>> -> memref<8x128xi32, #tpu.memory_space<hbm>>
        %dma_wait3A_768 = arith.constant 0 : i32
        %dma_wait3A_769 = arith.constant 0 : i32
        %dma_wait3A_770 = tpu.memref_slice %arg4[%dma_wait3A_768, %dma_wait3A_769] : memref<2560x128xi32, #tpu.memory_space<hbm>> -> memref<8x128xi32, #tpu.memory_space<hbm>>
        tpu.wait_dma2 semaphore(%arg15 : memref<!tpu.dma_semaphore, #tpu.memory_space<semaphore_mem>>) src(%dma_wait3A_770 : memref<8x128xi32, #tpu.memory_space<hbm>>) dst(%arg10 : memref<8x128xi32, #tpu.memory_space<vmem>>)
        %dma_start3A_771 = arith.constant 0 : i32
        %dma_start3A_772 = arith.constant 0 : i32
        %dma_start3A_773 = tpu.memref_slice %arg9[%dma_start3A_771, %dma_start3A_772] : memref<8x128xi32, #tpu.memory_space<vmem>> -> memref<1x128xi32, #tpu.memory_space<vmem>>
        %dma_start3A_774 = tpu.memref_squeeze %dma_start3A_773 : memref<1x128xi32, #tpu.memory_space<vmem>> -> memref<128xi32, #tpu.memory_space<vmem>>
        %dma_start3A_775 = arith.constant 0 : i32
        %dma_start3A_776 = arith.constant 0 : i32
        %dma_start3A_777 = tpu.memref_slice %arg2[%dma_start3A_775, %dma_start3A_776] : memref<10000x128xf32, #tpu.memory_space<hbm>> -> memref<10000x128xf32, #tpu.memory_space<hbm>>
        tpu.enqueue_indirect_dma source(%dma_start3A_777 : memref<10000x128xf32, #tpu.memory_space<hbm>>) target(%arg11 : memref<128x128xf32, #tpu.memory_space<vmem>>) offsets(%dma_start3A_774 : memref<128xi32, #tpu.memory_space<vmem>>) semaphore(%arg16 : memref<!tpu.dma_semaphore, #tpu.memory_space<semaphore_mem>>)
      } else {
      }
      %dma_wait3A_512 = arith.constant 0 : i32
      %dma_wait3A_513 = arith.constant 0 : i32
      %dma_wait3A_514 = tpu.memref_slice %arg2[%dma_wait3A_512, %dma_wait3A_513] : memref<10000x128xf32, #tpu.memory_space<hbm>> -> memref<128x128xf32, #tpu.memory_space<hbm>>
      %dma_wait3A_515 = arith.constant 0 : i32
      %dma_wait3A_516 = arith.constant 0 : i32
      %dma_wait3A_517 = tpu.memref_slice %arg2[%dma_wait3A_515, %dma_wait3A_516] : memref<10000x128xf32, #tpu.memory_space<hbm>> -> memref<128x128xf32, #tpu.memory_space<hbm>>
      tpu.wait_dma2 semaphore(%arg17 : memref<!tpu.dma_semaphore, #tpu.memory_space<semaphore_mem>>) src(%dma_wait3A_517 : memref<128x128xf32, #tpu.memory_space<hbm>>) dst(%arg12 : memref<128x128xf32, #tpu.memory_space<vmem>>)
      %dma_start3A_518 = arith.constant 7 : i32
      %dma_start3A_519 = arith.constant 0 : i32
      %dma_start3A_520 = tpu.memref_slice %arg8[%dma_start3A_518, %dma_start3A_519] : memref<8x128xi32, #tpu.memory_space<vmem>> -> memref<1x128xi32, #tpu.memory_space<vmem>>
      %dma_start3A_521 = tpu.memref_squeeze %dma_start3A_520 : memref<1x128xi32, #tpu.memory_space<vmem>> -> memref<128xi32, #tpu.memory_space<vmem>>
      %dma_start3A_522 = arith.constant 0 : i32
      %dma_start3A_523 = arith.constant 0 : i32
      %dma_start3A_524 = tpu.memref_slice %arg13[%dma_start3A_522, %dma_start3A_523] : memref<10240x128xf32, #tpu.memory_space<vmem_shared>> -> memref<10240x128xf32, #tpu.memory_space<vmem_shared>>
      tpu.enqueue_indirect_dma source(%arg12 : memref<128x128xf32, #tpu.memory_space<vmem>>) target(%dma_start3A_524 : memref<10240x128xf32, #tpu.memory_space<vmem_shared>>) offsets(%dma_start3A_521 : memref<128xi32, #tpu.memory_space<vmem>>) semaphore(%arg19 : memref<!tpu.dma_semaphore, #tpu.memory_space<semaphore_mem>>) {add = true}
      %run_scoped3A_525 = arith.constant 7 : i32
      "tpu.region"() ({
        %run_scoped3A_753 = tpu.sem_alloc : memref<!tpu.dma_semaphore, #tpu.memory_space<semaphore_mem>>
        %dma_start3A_754 = arith.constant 0 : i32
        %dma_start3A_755 = tpu.memref_slice %arg8[%run_scoped3A_525, %dma_start3A_754] : memref<8x128xi32, #tpu.memory_space<vmem>> -> memref<1x128xi32, #tpu.memory_space<vmem>>
        %dma_start3A_756 = tpu.memref_squeeze %dma_start3A_755 : memref<1x128xi32, #tpu.memory_space<vmem>> -> memref<128xi32, #tpu.memory_space<vmem>>
        %dma_start3A_757 = arith.constant 0 : i32
        %dma_start3A_758 = tpu.memref_slice %arg22[%dma_start3A_757] : memref<10240xf32, #tpu.memory_space<vmem_shared>> -> memref<10240xf32, #tpu.memory_space<vmem_shared>>
        tpu.enqueue_indirect_dma source(%arg20 : memref<128xf32, #tpu.memory_space<vmem>>) target(%dma_start3A_758 : memref<10240xf32, #tpu.memory_space<vmem_shared>>) offsets(%dma_start3A_756 : memref<128xi32, #tpu.memory_space<vmem>>) semaphore(%run_scoped3A_753 : memref<!tpu.dma_semaphore, #tpu.memory_space<semaphore_mem>>) {add = true}
        %dma_wait3A_759 = arith.constant 0 : i32
        %dma_wait3A_760 = tpu.memref_slice %arg8[%run_scoped3A_525, %dma_wait3A_759] : memref<8x128xi32, #tpu.memory_space<vmem>> -> memref<1x128xi32, #tpu.memory_space<vmem>>
        %dma_wait3A_761 = tpu.memref_squeeze %dma_wait3A_760 : memref<1x128xi32, #tpu.memory_space<vmem>> -> memref<128xi32, #tpu.memory_space<vmem>>
        %dma_wait3A_762 = arith.constant 0 : i32
        %dma_wait3A_763 = tpu.memref_slice %arg22[%dma_wait3A_762] : memref<10240xf32, #tpu.memory_space<vmem_shared>> -> memref<10240xf32, #tpu.memory_space<vmem_shared>>
        tpu.wait_indirect_dma semaphore(%run_scoped3A_753 : memref<!tpu.dma_semaphore, #tpu.memory_space<semaphore_mem>>) src(%arg20 : memref<128xf32, #tpu.memory_space<vmem>>) dst(%dma_wait3A_763 : memref<10240xf32, #tpu.memory_space<vmem_shared>>)
        tpu.yield
      }) : () -> ()
      %add3A_526 = arith.constant 2 : i32
      %add3A_527 = arith.addi %add3A_321, %add3A_526 : i32
      %lt3A_528 = arith.constant 10 : i32
      %lt3A_529 = arith.cmpi slt, %add3A_527, %lt3A_528 : i32
      %convert_element_type3A_530 = arith.extui %lt3A_529 : i1 to i32
      %cond3A_531 = arith.constant 0 : i32
      %cond3A_532 = arith.cmpi ne, %convert_element_type3A_530, %cond3A_531 : i32
      scf.if %cond3A_532 {
        %add3A_753 = arith.constant 2 : i32
        %add3A_754 = arith.addi %add3A_321, %add3A_753 : i32
        %mul3A_755 = arith.constant 80 : i32
        %mul3A_756 = arith.muli %add3A, %mul3A_755 : i32
        %mul3A_757 = arith.constant 8 : i32
        %mul3A_758 = arith.muli %add3A_754, %mul3A_757 : i32
        %add3A_759 = arith.addi %mul3A_756, %mul3A_758 : i32
        %dma_start3A_760 = arith.constant 0 : i32
        %dma_start3A_761 = tpu.memref_slice %arg3[%add3A_759, %dma_start3A_760] : memref<2560x128xi32, #tpu.memory_space<hbm>> -> memref<8x128xi32, #tpu.memory_space<hbm>>
        %dma_start3A_762 = arith.constant 0 : i32
        %dma_start3A_763 = tpu.memref_slice %arg3[%add3A_759, %dma_start3A_762] : memref<2560x128xi32, #tpu.memory_space<hbm>> -> memref<8x128xi32, #tpu.memory_space<hbm>>
        tpu.enqueue_dma source(%dma_start3A_763 : memref<8x128xi32, #tpu.memory_space<hbm>>) target(%arg7 : memref<8x128xi32, #tpu.memory_space<vmem>>) target_semaphore(%arg14 : memref<!tpu.dma_semaphore, #tpu.memory_space<semaphore_mem>>)
        %add3A_764 = arith.constant 2 : i32
        %add3A_765 = arith.addi %add3A_321, %add3A_764 : i32
        %mul3A_766 = arith.constant 80 : i32
        %mul3A_767 = arith.muli %add3A, %mul3A_766 : i32
        %mul3A_768 = arith.constant 8 : i32
        %mul3A_769 = arith.muli %add3A_765, %mul3A_768 : i32
        %add3A_770 = arith.addi %mul3A_767, %mul3A_769 : i32
        %dma_start3A_771 = arith.constant 0 : i32
        %dma_start3A_772 = tpu.memref_slice %arg4[%add3A_770, %dma_start3A_771] : memref<2560x128xi32, #tpu.memory_space<hbm>> -> memref<8x128xi32, #tpu.memory_space<hbm>>
        %dma_start3A_773 = arith.constant 0 : i32
        %dma_start3A_774 = tpu.memref_slice %arg4[%add3A_770, %dma_start3A_773] : memref<2560x128xi32, #tpu.memory_space<hbm>> -> memref<8x128xi32, #tpu.memory_space<hbm>>
        tpu.enqueue_dma source(%dma_start3A_774 : memref<8x128xi32, #tpu.memory_space<hbm>>) target(%arg8 : memref<8x128xi32, #tpu.memory_space<vmem>>) target_semaphore(%arg14 : memref<!tpu.dma_semaphore, #tpu.memory_space<semaphore_mem>>)
      } else {
      }
      %mul3A_533 = arith.constant 2 : i32
      %mul3A_534 = arith.muli %mul3A_533, %scan3A_317 : i32
      %add3A_535 = arith.constant 1 : i32
      %add3A_536 = arith.addi %mul3A_534, %add3A_535 : i32
      %gt3A_537 = arith.constant 0 : i32
      %gt3A_538 = arith.cmpi sgt, %add3A_536, %gt3A_537 : i32
      %convert_element_type3A_539 = arith.extui %gt3A_538 : i1 to i32
      %cond3A_540 = arith.constant 0 : i32
      %cond3A_541 = arith.cmpi ne, %convert_element_type3A_539, %cond3A_540 : i32
      scf.if %cond3A_541 {
        %dma_wait3A_753 = arith.constant 0 : i32
        %dma_wait3A_754 = arith.constant 0 : i32
        %dma_wait3A_755 = tpu.memref_slice %arg13[%dma_wait3A_753, %dma_wait3A_754] : memref<10240x128xf32, #tpu.memory_space<vmem_shared>> -> memref<128x128xf32, #tpu.memory_space<vmem_shared>>
        %dma_wait3A_756 = arith.constant 0 : i32
        %dma_wait3A_757 = arith.constant 0 : i32
        %dma_wait3A_758 = tpu.memref_slice %arg13[%dma_wait3A_756, %dma_wait3A_757] : memref<10240x128xf32, #tpu.memory_space<vmem_shared>> -> memref<128x128xf32, #tpu.memory_space<vmem_shared>>
        tpu.wait_dma2 semaphore(%arg19 : memref<!tpu.dma_semaphore, #tpu.memory_space<semaphore_mem>>) src(%arg12 : memref<128x128xf32, #tpu.memory_space<vmem>>) dst(%dma_wait3A_758 : memref<128x128xf32, #tpu.memory_space<vmem_shared>>)
      } else {
      }
      %dma_start3A_542 = arith.constant 1 : i32
      %dma_start3A_543 = arith.constant 0 : i32
      %dma_start3A_544 = tpu.memref_slice %arg9[%dma_start3A_542, %dma_start3A_543] : memref<8x128xi32, #tpu.memory_space<vmem>> -> memref<1x128xi32, #tpu.memory_space<vmem>>
      %dma_start3A_545 = tpu.memref_squeeze %dma_start3A_544 : memref<1x128xi32, #tpu.memory_space<vmem>> -> memref<128xi32, #tpu.memory_space<vmem>>
      %dma_start3A_546 = arith.constant 0 : i32
      %dma_start3A_547 = arith.constant 0 : i32
      %dma_start3A_548 = tpu.memref_slice %arg2[%dma_start3A_546, %dma_start3A_547] : memref<10000x128xf32, #tpu.memory_space<hbm>> -> memref<10000x128xf32, #tpu.memory_space<hbm>>
      tpu.enqueue_indirect_dma source(%dma_start3A_548 : memref<10000x128xf32, #tpu.memory_space<hbm>>) target(%arg12 : memref<128x128xf32, #tpu.memory_space<vmem>>) offsets(%dma_start3A_545 : memref<128xi32, #tpu.memory_space<vmem>>) semaphore(%arg17 : memref<!tpu.dma_semaphore, #tpu.memory_space<semaphore_mem>>)
      %dma_wait3A_549 = arith.constant 0 : i32
      %dma_wait3A_550 = arith.constant 0 : i32
      %dma_wait3A_551 = tpu.memref_slice %arg2[%dma_wait3A_549, %dma_wait3A_550] : memref<10000x128xf32, #tpu.memory_space<hbm>> -> memref<128x128xf32, #tpu.memory_space<hbm>>
      %dma_wait3A_552 = arith.constant 0 : i32
      %dma_wait3A_553 = arith.constant 0 : i32
      %dma_wait3A_554 = tpu.memref_slice %arg2[%dma_wait3A_552, %dma_wait3A_553] : memref<10000x128xf32, #tpu.memory_space<hbm>> -> memref<128x128xf32, #tpu.memory_space<hbm>>
      tpu.wait_dma2 semaphore(%arg16 : memref<!tpu.dma_semaphore, #tpu.memory_space<semaphore_mem>>) src(%dma_wait3A_554 : memref<128x128xf32, #tpu.memory_space<hbm>>) dst(%arg11 : memref<128x128xf32, #tpu.memory_space<vmem>>)
      %dma_start3A_555 = arith.constant 0 : i32
      %dma_start3A_556 = arith.constant 0 : i32
      %dma_start3A_557 = tpu.memref_slice %arg10[%dma_start3A_555, %dma_start3A_556] : memref<8x128xi32, #tpu.memory_space<vmem>> -> memref<1x128xi32, #tpu.memory_space<vmem>>
      %dma_start3A_558 = tpu.memref_squeeze %dma_start3A_557 : memref<1x128xi32, #tpu.memory_space<vmem>> -> memref<128xi32, #tpu.memory_space<vmem>>
      %dma_start3A_559 = arith.constant 0 : i32
      %dma_start3A_560 = arith.constant 0 : i32
      %dma_start3A_561 = tpu.memref_slice %arg13[%dma_start3A_559, %dma_start3A_560] : memref<10240x128xf32, #tpu.memory_space<vmem_shared>> -> memref<10240x128xf32, #tpu.memory_space<vmem_shared>>
      tpu.enqueue_indirect_dma source(%arg11 : memref<128x128xf32, #tpu.memory_space<vmem>>) target(%dma_start3A_561 : memref<10240x128xf32, #tpu.memory_space<vmem_shared>>) offsets(%dma_start3A_558 : memref<128xi32, #tpu.memory_space<vmem>>) semaphore(%arg18 : memref<!tpu.dma_semaphore, #tpu.memory_space<semaphore_mem>>) {add = true}
      %run_scoped3A_562 = arith.constant 0 : i32
      "tpu.region"() ({
        %run_scoped3A_753 = tpu.sem_alloc : memref<!tpu.dma_semaphore, #tpu.memory_space<semaphore_mem>>
        %dma_start3A_754 = arith.constant 0 : i32
        %dma_start3A_755 = tpu.memref_slice %arg10[%run_scoped3A_562, %dma_start3A_754] : memref<8x128xi32, #tpu.memory_space<vmem>> -> memref<1x128xi32, #tpu.memory_space<vmem>>
        %dma_start3A_756 = tpu.memref_squeeze %dma_start3A_755 : memref<1x128xi32, #tpu.memory_space<vmem>> -> memref<128xi32, #tpu.memory_space<vmem>>
        %dma_start3A_757 = arith.constant 0 : i32
        %dma_start3A_758 = tpu.memref_slice %arg22[%dma_start3A_757] : memref<10240xf32, #tpu.memory_space<vmem_shared>> -> memref<10240xf32, #tpu.memory_space<vmem_shared>>
        tpu.enqueue_indirect_dma source(%arg20 : memref<128xf32, #tpu.memory_space<vmem>>) target(%dma_start3A_758 : memref<10240xf32, #tpu.memory_space<vmem_shared>>) offsets(%dma_start3A_756 : memref<128xi32, #tpu.memory_space<vmem>>) semaphore(%run_scoped3A_753 : memref<!tpu.dma_semaphore, #tpu.memory_space<semaphore_mem>>) {add = true}
        %dma_wait3A_759 = arith.constant 0 : i32
        %dma_wait3A_760 = tpu.memref_slice %arg10[%run_scoped3A_562, %dma_wait3A_759] : memref<8x128xi32, #tpu.memory_space<vmem>> -> memref<1x128xi32, #tpu.memory_space<vmem>>
        %dma_wait3A_761 = tpu.memref_squeeze %dma_wait3A_760 : memref<1x128xi32, #tpu.memory_space<vmem>> -> memref<128xi32, #tpu.memory_space<vmem>>
        %dma_wait3A_762 = arith.constant 0 : i32
        %dma_wait3A_763 = tpu.memref_slice %arg22[%dma_wait3A_762] : memref<10240xf32, #tpu.memory_space<vmem_shared>> -> memref<10240xf32, #tpu.memory_space<vmem_shared>>
        tpu.wait_indirect_dma semaphore(%run_scoped3A_753 : memref<!tpu.dma_semaphore, #tpu.memory_space<semaphore_mem>>) src(%arg20 : memref<128xf32, #tpu.memory_space<vmem>>) dst(%dma_wait3A_763 : memref<10240xf32, #tpu.memory_space<vmem_shared>>)
        tpu.yield
      }) : () -> ()
      %dma_wait3A_563 = arith.constant 0 : i32
      %dma_wait3A_564 = arith.constant 0 : i32
      %dma_wait3A_565 = tpu.memref_slice %arg13[%dma_wait3A_563, %dma_wait3A_564] : memref<10240x128xf32, #tpu.memory_space<vmem_shared>> -> memref<128x128xf32, #tpu.memory_space<vmem_shared>>
      %dma_wait3A_566 = arith.constant 0 : i32
      %dma_wait3A_567 = arith.constant 0 : i32
      %dma_wait3A_568 = tpu.memref_slice %arg13[%dma_wait3A_566, %dma_wait3A_567] : memref<10240x128xf32, #tpu.memory_space<vmem_shared>> -> memref<128x128xf32, #tpu.memory_space<vmem_shared>>
      tpu.wait_dma2 semaphore(%arg18 : memref<!tpu.dma_semaphore, #tpu.memory_space<semaphore_mem>>) src(%arg11 : memref<128x128xf32, #tpu.memory_space<vmem>>) dst(%dma_wait3A_568 : memref<128x128xf32, #tpu.memory_space<vmem_shared>>)
      %dma_start3A_569 = arith.constant 2 : i32
      %dma_start3A_570 = arith.constant 0 : i32
      %dma_start3A_571 = tpu.memref_slice %arg9[%dma_start3A_569, %dma_start3A_570] : memref<8x128xi32, #tpu.memory_space<vmem>> -> memref<1x128xi32, #tpu.memory_space<vmem>>
      %dma_start3A_572 = tpu.memref_squeeze %dma_start3A_571 : memref<1x128xi32, #tpu.memory_space<vmem>> -> memref<128xi32, #tpu.memory_space<vmem>>
      %dma_start3A_573 = arith.constant 0 : i32
      %dma_start3A_574 = arith.constant 0 : i32
      %dma_start3A_575 = tpu.memref_slice %arg2[%dma_start3A_573, %dma_start3A_574] : memref<10000x128xf32, #tpu.memory_space<hbm>> -> memref<10000x128xf32, #tpu.memory_space<hbm>>
      tpu.enqueue_indirect_dma source(%dma_start3A_575 : memref<10000x128xf32, #tpu.memory_space<hbm>>) target(%arg11 : memref<128x128xf32, #tpu.memory_space<vmem>>) offsets(%dma_start3A_572 : memref<128xi32, #tpu.memory_space<vmem>>) semaphore(%arg16 : memref<!tpu.dma_semaphore, #tpu.memory_space<semaphore_mem>>)
      %dma_wait3A_576 = arith.constant 0 : i32
      %dma_wait3A_577 = arith.constant 0 : i32
      %dma_wait3A_578 = tpu.memref_slice %arg2[%dma_wait3A_576, %dma_wait3A_577] : memref<10000x128xf32, #tpu.memory_space<hbm>> -> memref<128x128xf32, #tpu.memory_space<hbm>>
      %dma_wait3A_579 = arith.constant 0 : i32
      %dma_wait3A_580 = arith.constant 0 : i32
      %dma_wait3A_581 = tpu.memref_slice %arg2[%dma_wait3A_579, %dma_wait3A_580] : memref<10000x128xf32, #tpu.memory_space<hbm>> -> memref<128x128xf32, #tpu.memory_space<hbm>>
      tpu.wait_dma2 semaphore(%arg17 : memref<!tpu.dma_semaphore, #tpu.memory_space<semaphore_mem>>) src(%dma_wait3A_581 : memref<128x128xf32, #tpu.memory_space<hbm>>) dst(%arg12 : memref<128x128xf32, #tpu.memory_space<vmem>>)
      %dma_start3A_582 = arith.constant 1 : i32
      %dma_start3A_583 = arith.constant 0 : i32
      %dma_start3A_584 = tpu.memref_slice %arg10[%dma_start3A_582, %dma_start3A_583] : memref<8x128xi32, #tpu.memory_space<vmem>> -> memref<1x128xi32, #tpu.memory_space<vmem>>
      %dma_start3A_585 = tpu.memref_squeeze %dma_start3A_584 : memref<1x128xi32, #tpu.memory_space<vmem>> -> memref<128xi32, #tpu.memory_space<vmem>>
      %dma_start3A_586 = arith.constant 0 : i32
      %dma_start3A_587 = arith.constant 0 : i32
      %dma_start3A_588 = tpu.memref_slice %arg13[%dma_start3A_586, %dma_start3A_587] : memref<10240x128xf32, #tpu.memory_space<vmem_shared>> -> memref<10240x128xf32, #tpu.memory_space<vmem_shared>>
      tpu.enqueue_indirect_dma source(%arg12 : memref<128x128xf32, #tpu.memory_space<vmem>>) target(%dma_start3A_588 : memref<10240x128xf32, #tpu.memory_space<vmem_shared>>) offsets(%dma_start3A_585 : memref<128xi32, #tpu.memory_space<vmem>>) semaphore(%arg19 : memref<!tpu.dma_semaphore, #tpu.memory_space<semaphore_mem>>) {add = true}
      %run_scoped3A_589 = arith.constant 1 : i32
      "tpu.region"() ({
        %run_scoped3A_753 = tpu.sem_alloc : memref<!tpu.dma_semaphore, #tpu.memory_space<semaphore_mem>>
        %dma_start3A_754 = arith.constant 0 : i32
        %dma_start3A_755 = tpu.memref_slice %arg10[%run_scoped3A_589, %dma_start3A_754] : memref<8x128xi32, #tpu.memory_space<vmem>> -> memref<1x128xi32, #tpu.memory_space<vmem>>
        %dma_start3A_756 = tpu.memref_squeeze %dma_start3A_755 : memref<1x128xi32, #tpu.memory_space<vmem>> -> memref<128xi32, #tpu.memory_space<vmem>>
        %dma_start3A_757 = arith.constant 0 : i32
        %dma_start3A_758 = tpu.memref_slice %arg22[%dma_start3A_757] : memref<10240xf32, #tpu.memory_space<vmem_shared>> -> memref<10240xf32, #tpu.memory_space<vmem_shared>>
        tpu.enqueue_indirect_dma source(%arg20 : memref<128xf32, #tpu.memory_space<vmem>>) target(%dma_start3A_758 : memref<10240xf32, #tpu.memory_space<vmem_shared>>) offsets(%dma_start3A_756 : memref<128xi32, #tpu.memory_space<vmem>>) semaphore(%run_scoped3A_753 : memref<!tpu.dma_semaphore, #tpu.memory_space<semaphore_mem>>) {add = true}
        %dma_wait3A_759 = arith.constant 0 : i32
        %dma_wait3A_760 = tpu.memref_slice %arg10[%run_scoped3A_589, %dma_wait3A_759] : memref<8x128xi32, #tpu.memory_space<vmem>> -> memref<1x128xi32, #tpu.memory_space<vmem>>
        %dma_wait3A_761 = tpu.memref_squeeze %dma_wait3A_760 : memref<1x128xi32, #tpu.memory_space<vmem>> -> memref<128xi32, #tpu.memory_space<vmem>>
        %dma_wait3A_762 = arith.constant 0 : i32
        %dma_wait3A_763 = tpu.memref_slice %arg22[%dma_wait3A_762] : memref<10240xf32, #tpu.memory_space<vmem_shared>> -> memref<10240xf32, #tpu.memory_space<vmem_shared>>
        tpu.wait_indirect_dma semaphore(%run_scoped3A_753 : memref<!tpu.dma_semaphore, #tpu.memory_space<semaphore_mem>>) src(%arg20 : memref<128xf32, #tpu.memory_space<vmem>>) dst(%dma_wait3A_763 : memref<10240xf32, #tpu.memory_space<vmem_shared>>)
        tpu.yield
      }) : () -> ()
      %dma_wait3A_590 = arith.constant 0 : i32
      %dma_wait3A_591 = arith.constant 0 : i32
      %dma_wait3A_592 = tpu.memref_slice %arg13[%dma_wait3A_590, %dma_wait3A_591] : memref<10240x128xf32, #tpu.memory_space<vmem_shared>> -> memref<128x128xf32, #tpu.memory_space<vmem_shared>>
      %dma_wait3A_593 = arith.constant 0 : i32
      %dma_wait3A_594 = arith.constant 0 : i32
      %dma_wait3A_595 = tpu.memref_slice %arg13[%dma_wait3A_593, %dma_wait3A_594] : memref<10240x128xf32, #tpu.memory_space<vmem_shared>> -> memref<128x128xf32, #tpu.memory_space<vmem_shared>>
      tpu.wait_dma2 semaphore(%arg19 : memref<!tpu.dma_semaphore, #tpu.memory_space<semaphore_mem>>) src(%arg12 : memref<128x128xf32, #tpu.memory_space<vmem>>) dst(%dma_wait3A_595 : memref<128x128xf32, #tpu.memory_space<vmem_shared>>)
      %dma_start3A_596 = arith.constant 3 : i32
      %dma_start3A_597 = arith.constant 0 : i32
      %dma_start3A_598 = tpu.memref_slice %arg9[%dma_start3A_596, %dma_start3A_597] : memref<8x128xi32, #tpu.memory_space<vmem>> -> memref<1x128xi32, #tpu.memory_space<vmem>>
      %dma_start3A_599 = tpu.memref_squeeze %dma_start3A_598 : memref<1x128xi32, #tpu.memory_space<vmem>> -> memref<128xi32, #tpu.memory_space<vmem>>
      %dma_start3A_600 = arith.constant 0 : i32
      %dma_start3A_601 = arith.constant 0 : i32
      %dma_start3A_602 = tpu.memref_slice %arg2[%dma_start3A_600, %dma_start3A_601] : memref<10000x128xf32, #tpu.memory_space<hbm>> -> memref<10000x128xf32, #tpu.memory_space<hbm>>
      tpu.enqueue_indirect_dma source(%dma_start3A_602 : memref<10000x128xf32, #tpu.memory_space<hbm>>) target(%arg12 : memref<128x128xf32, #tpu.memory_space<vmem>>) offsets(%dma_start3A_599 : memref<128xi32, #tpu.memory_space<vmem>>) semaphore(%arg17 : memref<!tpu.dma_semaphore, #tpu.memory_space<semaphore_mem>>)
      %dma_wait3A_603 = arith.constant 0 : i32
      %dma_wait3A_604 = arith.constant 0 : i32
      %dma_wait3A_605 = tpu.memref_slice %arg2[%dma_wait3A_603, %dma_wait3A_604] : memref<10000x128xf32, #tpu.memory_space<hbm>> -> memref<128x128xf32, #tpu.memory_space<hbm>>
      %dma_wait3A_606 = arith.constant 0 : i32
      %dma_wait3A_607 = arith.constant 0 : i32
      %dma_wait3A_608 = tpu.memref_slice %arg2[%dma_wait3A_606, %dma_wait3A_607] : memref<10000x128xf32, #tpu.memory_space<hbm>> -> memref<128x128xf32, #tpu.memory_space<hbm>>
      tpu.wait_dma2 semaphore(%arg16 : memref<!tpu.dma_semaphore, #tpu.memory_space<semaphore_mem>>) src(%dma_wait3A_608 : memref<128x128xf32, #tpu.memory_space<hbm>>) dst(%arg11 : memref<128x128xf32, #tpu.memory_space<vmem>>)
      %dma_start3A_609 = arith.constant 2 : i32
      %dma_start3A_610 = arith.constant 0 : i32
      %dma_start3A_611 = tpu.memref_slice %arg10[%dma_start3A_609, %dma_start3A_610] : memref<8x128xi32, #tpu.memory_space<vmem>> -> memref<1x128xi32, #tpu.memory_space<vmem>>
      %dma_start3A_612 = tpu.memref_squeeze %dma_start3A_611 : memref<1x128xi32, #tpu.memory_space<vmem>> -> memref<128xi32, #tpu.memory_space<vmem>>
      %dma_start3A_613 = arith.constant 0 : i32
      %dma_start3A_614 = arith.constant 0 : i32
      %dma_start3A_615 = tpu.memref_slice %arg13[%dma_start3A_613, %dma_start3A_614] : memref<10240x128xf32, #tpu.memory_space<vmem_shared>> -> memref<10240x128xf32, #tpu.memory_space<vmem_shared>>
      tpu.enqueue_indirect_dma source(%arg11 : memref<128x128xf32, #tpu.memory_space<vmem>>) target(%dma_start3A_615 : memref<10240x128xf32, #tpu.memory_space<vmem_shared>>) offsets(%dma_start3A_612 : memref<128xi32, #tpu.memory_space<vmem>>) semaphore(%arg18 : memref<!tpu.dma_semaphore, #tpu.memory_space<semaphore_mem>>) {add = true}
      %run_scoped3A_616 = arith.constant 2 : i32
      "tpu.region"() ({
        %run_scoped3A_753 = tpu.sem_alloc : memref<!tpu.dma_semaphore, #tpu.memory_space<semaphore_mem>>
        %dma_start3A_754 = arith.constant 0 : i32
        %dma_start3A_755 = tpu.memref_slice %arg10[%run_scoped3A_616, %dma_start3A_754] : memref<8x128xi32, #tpu.memory_space<vmem>> -> memref<1x128xi32, #tpu.memory_space<vmem>>
        %dma_start3A_756 = tpu.memref_squeeze %dma_start3A_755 : memref<1x128xi32, #tpu.memory_space<vmem>> -> memref<128xi32, #tpu.memory_space<vmem>>
        %dma_start3A_757 = arith.constant 0 : i32
        %dma_start3A_758 = tpu.memref_slice %arg22[%dma_start3A_757] : memref<10240xf32, #tpu.memory_space<vmem_shared>> -> memref<10240xf32, #tpu.memory_space<vmem_shared>>
        tpu.enqueue_indirect_dma source(%arg20 : memref<128xf32, #tpu.memory_space<vmem>>) target(%dma_start3A_758 : memref<10240xf32, #tpu.memory_space<vmem_shared>>) offsets(%dma_start3A_756 : memref<128xi32, #tpu.memory_space<vmem>>) semaphore(%run_scoped3A_753 : memref<!tpu.dma_semaphore, #tpu.memory_space<semaphore_mem>>) {add = true}
        %dma_wait3A_759 = arith.constant 0 : i32
        %dma_wait3A_760 = tpu.memref_slice %arg10[%run_scoped3A_616, %dma_wait3A_759] : memref<8x128xi32, #tpu.memory_space<vmem>> -> memref<1x128xi32, #tpu.memory_space<vmem>>
        %dma_wait3A_761 = tpu.memref_squeeze %dma_wait3A_760 : memref<1x128xi32, #tpu.memory_space<vmem>> -> memref<128xi32, #tpu.memory_space<vmem>>
        %dma_wait3A_762 = arith.constant 0 : i32
        %dma_wait3A_763 = tpu.memref_slice %arg22[%dma_wait3A_762] : memref<10240xf32, #tpu.memory_space<vmem_shared>> -> memref<10240xf32, #tpu.memory_space<vmem_shared>>
        tpu.wait_indirect_dma semaphore(%run_scoped3A_753 : memref<!tpu.dma_semaphore, #tpu.memory_space<semaphore_mem>>) src(%arg20 : memref<128xf32, #tpu.memory_space<vmem>>) dst(%dma_wait3A_763 : memref<10240xf32, #tpu.memory_space<vmem_shared>>)
        tpu.yield
      }) : () -> ()
      %dma_wait3A_617 = arith.constant 0 : i32
      %dma_wait3A_618 = arith.constant 0 : i32
      %dma_wait3A_619 = tpu.memref_slice %arg13[%dma_wait3A_617, %dma_wait3A_618] : memref<10240x128xf32, #tpu.memory_space<vmem_shared>> -> memref<128x128xf32, #tpu.memory_space<vmem_shared>>
      %dma_wait3A_620 = arith.constant 0 : i32
      %dma_wait3A_621 = arith.constant 0 : i32
      %dma_wait3A_622 = tpu.memref_slice %arg13[%dma_wait3A_620, %dma_wait3A_621] : memref<10240x128xf32, #tpu.memory_space<vmem_shared>> -> memref<128x128xf32, #tpu.memory_space<vmem_shared>>
      tpu.wait_dma2 semaphore(%arg18 : memref<!tpu.dma_semaphore, #tpu.memory_space<semaphore_mem>>) src(%arg11 : memref<128x128xf32, #tpu.memory_space<vmem>>) dst(%dma_wait3A_622 : memref<128x128xf32, #tpu.memory_space<vmem_shared>>)
      %dma_start3A_623 = arith.constant 4 : i32
      %dma_start3A_624 = arith.constant 0 : i32
      %dma_start3A_625 = tpu.memref_slice %arg9[%dma_start3A_623, %dma_start3A_624] : memref<8x128xi32, #tpu.memory_space<vmem>> -> memref<1x128xi32, #tpu.memory_space<vmem>>
      %dma_start3A_626 = tpu.memref_squeeze %dma_start3A_625 : memref<1x128xi32, #tpu.memory_space<vmem>> -> memref<128xi32, #tpu.memory_space<vmem>>
      %dma_start3A_627 = arith.constant 0 : i32
      %dma_start3A_628 = arith.constant 0 : i32
      %dma_start3A_629 = tpu.memref_slice %arg2[%dma_start3A_627, %dma_start3A_628] : memref<10000x128xf32, #tpu.memory_space<hbm>> -> memref<10000x128xf32, #tpu.memory_space<hbm>>
      tpu.enqueue_indirect_dma source(%dma_start3A_629 : memref<10000x128xf32, #tpu.memory_space<hbm>>) target(%arg11 : memref<128x128xf32, #tpu.memory_space<vmem>>) offsets(%dma_start3A_626 : memref<128xi32, #tpu.memory_space<vmem>>) semaphore(%arg16 : memref<!tpu.dma_semaphore, #tpu.memory_space<semaphore_mem>>)
      %dma_wait3A_630 = arith.constant 0 : i32
      %dma_wait3A_631 = arith.constant 0 : i32
      %dma_wait3A_632 = tpu.memref_slice %arg2[%dma_wait3A_630, %dma_wait3A_631] : memref<10000x128xf32, #tpu.memory_space<hbm>> -> memref<128x128xf32, #tpu.memory_space<hbm>>
      %dma_wait3A_633 = arith.constant 0 : i32
      %dma_wait3A_634 = arith.constant 0 : i32
      %dma_wait3A_635 = tpu.memref_slice %arg2[%dma_wait3A_633, %dma_wait3A_634] : memref<10000x128xf32, #tpu.memory_space<hbm>> -> memref<128x128xf32, #tpu.memory_space<hbm>>
      tpu.wait_dma2 semaphore(%arg17 : memref<!tpu.dma_semaphore, #tpu.memory_space<semaphore_mem>>) src(%dma_wait3A_635 : memref<128x128xf32, #tpu.memory_space<hbm>>) dst(%arg12 : memref<128x128xf32, #tpu.memory_space<vmem>>)
      %dma_start3A_636 = arith.constant 3 : i32
      %dma_start3A_637 = arith.constant 0 : i32
      %dma_start3A_638 = tpu.memref_slice %arg10[%dma_start3A_636, %dma_start3A_637] : memref<8x128xi32, #tpu.memory_space<vmem>> -> memref<1x128xi32, #tpu.memory_space<vmem>>
      %dma_start3A_639 = tpu.memref_squeeze %dma_start3A_638 : memref<1x128xi32, #tpu.memory_space<vmem>> -> memref<128xi32, #tpu.memory_space<vmem>>
      %dma_start3A_640 = arith.constant 0 : i32
      %dma_start3A_641 = arith.constant 0 : i32
      %dma_start3A_642 = tpu.memref_slice %arg13[%dma_start3A_640, %dma_start3A_641] : memref<10240x128xf32, #tpu.memory_space<vmem_shared>> -> memref<10240x128xf32, #tpu.memory_space<vmem_shared>>
      tpu.enqueue_indirect_dma source(%arg12 : memref<128x128xf32, #tpu.memory_space<vmem>>) target(%dma_start3A_642 : memref<10240x128xf32, #tpu.memory_space<vmem_shared>>) offsets(%dma_start3A_639 : memref<128xi32, #tpu.memory_space<vmem>>) semaphore(%arg19 : memref<!tpu.dma_semaphore, #tpu.memory_space<semaphore_mem>>) {add = true}
      %run_scoped3A_643 = arith.constant 3 : i32
      "tpu.region"() ({
        %run_scoped3A_753 = tpu.sem_alloc : memref<!tpu.dma_semaphore, #tpu.memory_space<semaphore_mem>>
        %dma_start3A_754 = arith.constant 0 : i32
        %dma_start3A_755 = tpu.memref_slice %arg10[%run_scoped3A_643, %dma_start3A_754] : memref<8x128xi32, #tpu.memory_space<vmem>> -> memref<1x128xi32, #tpu.memory_space<vmem>>
        %dma_start3A_756 = tpu.memref_squeeze %dma_start3A_755 : memref<1x128xi32, #tpu.memory_space<vmem>> -> memref<128xi32, #tpu.memory_space<vmem>>
        %dma_start3A_757 = arith.constant 0 : i32
        %dma_start3A_758 = tpu.memref_slice %arg22[%dma_start3A_757] : memref<10240xf32, #tpu.memory_space<vmem_shared>> -> memref<10240xf32, #tpu.memory_space<vmem_shared>>
        tpu.enqueue_indirect_dma source(%arg20 : memref<128xf32, #tpu.memory_space<vmem>>) target(%dma_start3A_758 : memref<10240xf32, #tpu.memory_space<vmem_shared>>) offsets(%dma_start3A_756 : memref<128xi32, #tpu.memory_space<vmem>>) semaphore(%run_scoped3A_753 : memref<!tpu.dma_semaphore, #tpu.memory_space<semaphore_mem>>) {add = true}
        %dma_wait3A_759 = arith.constant 0 : i32
        %dma_wait3A_760 = tpu.memref_slice %arg10[%run_scoped3A_643, %dma_wait3A_759] : memref<8x128xi32, #tpu.memory_space<vmem>> -> memref<1x128xi32, #tpu.memory_space<vmem>>
        %dma_wait3A_761 = tpu.memref_squeeze %dma_wait3A_760 : memref<1x128xi32, #tpu.memory_space<vmem>> -> memref<128xi32, #tpu.memory_space<vmem>>
        %dma_wait3A_762 = arith.constant 0 : i32
        %dma_wait3A_763 = tpu.memref_slice %arg22[%dma_wait3A_762] : memref<10240xf32, #tpu.memory_space<vmem_shared>> -> memref<10240xf32, #tpu.memory_space<vmem_shared>>
        tpu.wait_indirect_dma semaphore(%run_scoped3A_753 : memref<!tpu.dma_semaphore, #tpu.memory_space<semaphore_mem>>) src(%arg20 : memref<128xf32, #tpu.memory_space<vmem>>) dst(%dma_wait3A_763 : memref<10240xf32, #tpu.memory_space<vmem_shared>>)
        tpu.yield
      }) : () -> ()
      %dma_wait3A_644 = arith.constant 0 : i32
      %dma_wait3A_645 = arith.constant 0 : i32
      %dma_wait3A_646 = tpu.memref_slice %arg13[%dma_wait3A_644, %dma_wait3A_645] : memref<10240x128xf32, #tpu.memory_space<vmem_shared>> -> memref<128x128xf32, #tpu.memory_space<vmem_shared>>
      %dma_wait3A_647 = arith.constant 0 : i32
      %dma_wait3A_648 = arith.constant 0 : i32
      %dma_wait3A_649 = tpu.memref_slice %arg13[%dma_wait3A_647, %dma_wait3A_648] : memref<10240x128xf32, #tpu.memory_space<vmem_shared>> -> memref<128x128xf32, #tpu.memory_space<vmem_shared>>
      tpu.wait_dma2 semaphore(%arg19 : memref<!tpu.dma_semaphore, #tpu.memory_space<semaphore_mem>>) src(%arg12 : memref<128x128xf32, #tpu.memory_space<vmem>>) dst(%dma_wait3A_649 : memref<128x128xf32, #tpu.memory_space<vmem_shared>>)
      %dma_start3A_650 = arith.constant 5 : i32
      %dma_start3A_651 = arith.constant 0 : i32
      %dma_start3A_652 = tpu.memref_slice %arg9[%dma_start3A_650, %dma_start3A_651] : memref<8x128xi32, #tpu.memory_space<vmem>> -> memref<1x128xi32, #tpu.memory_space<vmem>>
      %dma_start3A_653 = tpu.memref_squeeze %dma_start3A_652 : memref<1x128xi32, #tpu.memory_space<vmem>> -> memref<128xi32, #tpu.memory_space<vmem>>
      %dma_start3A_654 = arith.constant 0 : i32
      %dma_start3A_655 = arith.constant 0 : i32
      %dma_start3A_656 = tpu.memref_slice %arg2[%dma_start3A_654, %dma_start3A_655] : memref<10000x128xf32, #tpu.memory_space<hbm>> -> memref<10000x128xf32, #tpu.memory_space<hbm>>
      tpu.enqueue_indirect_dma source(%dma_start3A_656 : memref<10000x128xf32, #tpu.memory_space<hbm>>) target(%arg12 : memref<128x128xf32, #tpu.memory_space<vmem>>) offsets(%dma_start3A_653 : memref<128xi32, #tpu.memory_space<vmem>>) semaphore(%arg17 : memref<!tpu.dma_semaphore, #tpu.memory_space<semaphore_mem>>)
      %dma_wait3A_657 = arith.constant 0 : i32
      %dma_wait3A_658 = arith.constant 0 : i32
      %dma_wait3A_659 = tpu.memref_slice %arg2[%dma_wait3A_657, %dma_wait3A_658] : memref<10000x128xf32, #tpu.memory_space<hbm>> -> memref<128x128xf32, #tpu.memory_space<hbm>>
      %dma_wait3A_660 = arith.constant 0 : i32
      %dma_wait3A_661 = arith.constant 0 : i32
      %dma_wait3A_662 = tpu.memref_slice %arg2[%dma_wait3A_660, %dma_wait3A_661] : memref<10000x128xf32, #tpu.memory_space<hbm>> -> memref<128x128xf32, #tpu.memory_space<hbm>>
      tpu.wait_dma2 semaphore(%arg16 : memref<!tpu.dma_semaphore, #tpu.memory_space<semaphore_mem>>) src(%dma_wait3A_662 : memref<128x128xf32, #tpu.memory_space<hbm>>) dst(%arg11 : memref<128x128xf32, #tpu.memory_space<vmem>>)
      %dma_start3A_663 = arith.constant 4 : i32
      %dma_start3A_664 = arith.constant 0 : i32
      %dma_start3A_665 = tpu.memref_slice %arg10[%dma_start3A_663, %dma_start3A_664] : memref<8x128xi32, #tpu.memory_space<vmem>> -> memref<1x128xi32, #tpu.memory_space<vmem>>
      %dma_start3A_666 = tpu.memref_squeeze %dma_start3A_665 : memref<1x128xi32, #tpu.memory_space<vmem>> -> memref<128xi32, #tpu.memory_space<vmem>>
      %dma_start3A_667 = arith.constant 0 : i32
      %dma_start3A_668 = arith.constant 0 : i32
      %dma_start3A_669 = tpu.memref_slice %arg13[%dma_start3A_667, %dma_start3A_668] : memref<10240x128xf32, #tpu.memory_space<vmem_shared>> -> memref<10240x128xf32, #tpu.memory_space<vmem_shared>>
      tpu.enqueue_indirect_dma source(%arg11 : memref<128x128xf32, #tpu.memory_space<vmem>>) target(%dma_start3A_669 : memref<10240x128xf32, #tpu.memory_space<vmem_shared>>) offsets(%dma_start3A_666 : memref<128xi32, #tpu.memory_space<vmem>>) semaphore(%arg18 : memref<!tpu.dma_semaphore, #tpu.memory_space<semaphore_mem>>) {add = true}
      %run_scoped3A_670 = arith.constant 4 : i32
      "tpu.region"() ({
        %run_scoped3A_753 = tpu.sem_alloc : memref<!tpu.dma_semaphore, #tpu.memory_space<semaphore_mem>>
        %dma_start3A_754 = arith.constant 0 : i32
        %dma_start3A_755 = tpu.memref_slice %arg10[%run_scoped3A_670, %dma_start3A_754] : memref<8x128xi32, #tpu.memory_space<vmem>> -> memref<1x128xi32, #tpu.memory_space<vmem>>
        %dma_start3A_756 = tpu.memref_squeeze %dma_start3A_755 : memref<1x128xi32, #tpu.memory_space<vmem>> -> memref<128xi32, #tpu.memory_space<vmem>>
        %dma_start3A_757 = arith.constant 0 : i32
        %dma_start3A_758 = tpu.memref_slice %arg22[%dma_start3A_757] : memref<10240xf32, #tpu.memory_space<vmem_shared>> -> memref<10240xf32, #tpu.memory_space<vmem_shared>>
        tpu.enqueue_indirect_dma source(%arg20 : memref<128xf32, #tpu.memory_space<vmem>>) target(%dma_start3A_758 : memref<10240xf32, #tpu.memory_space<vmem_shared>>) offsets(%dma_start3A_756 : memref<128xi32, #tpu.memory_space<vmem>>) semaphore(%run_scoped3A_753 : memref<!tpu.dma_semaphore, #tpu.memory_space<semaphore_mem>>) {add = true}
        %dma_wait3A_759 = arith.constant 0 : i32
        %dma_wait3A_760 = tpu.memref_slice %arg10[%run_scoped3A_670, %dma_wait3A_759] : memref<8x128xi32, #tpu.memory_space<vmem>> -> memref<1x128xi32, #tpu.memory_space<vmem>>
        %dma_wait3A_761 = tpu.memref_squeeze %dma_wait3A_760 : memref<1x128xi32, #tpu.memory_space<vmem>> -> memref<128xi32, #tpu.memory_space<vmem>>
        %dma_wait3A_762 = arith.constant 0 : i32
        %dma_wait3A_763 = tpu.memref_slice %arg22[%dma_wait3A_762] : memref<10240xf32, #tpu.memory_space<vmem_shared>> -> memref<10240xf32, #tpu.memory_space<vmem_shared>>
        tpu.wait_indirect_dma semaphore(%run_scoped3A_753 : memref<!tpu.dma_semaphore, #tpu.memory_space<semaphore_mem>>) src(%arg20 : memref<128xf32, #tpu.memory_space<vmem>>) dst(%dma_wait3A_763 : memref<10240xf32, #tpu.memory_space<vmem_shared>>)
        tpu.yield
      }) : () -> ()
      %dma_wait3A_671 = arith.constant 0 : i32
      %dma_wait3A_672 = arith.constant 0 : i32
      %dma_wait3A_673 = tpu.memref_slice %arg13[%dma_wait3A_671, %dma_wait3A_672] : memref<10240x128xf32, #tpu.memory_space<vmem_shared>> -> memref<128x128xf32, #tpu.memory_space<vmem_shared>>
      %dma_wait3A_674 = arith.constant 0 : i32
      %dma_wait3A_675 = arith.constant 0 : i32
      %dma_wait3A_676 = tpu.memref_slice %arg13[%dma_wait3A_674, %dma_wait3A_675] : memref<10240x128xf32, #tpu.memory_space<vmem_shared>> -> memref<128x128xf32, #tpu.memory_space<vmem_shared>>
      tpu.wait_dma2 semaphore(%arg18 : memref<!tpu.dma_semaphore, #tpu.memory_space<semaphore_mem>>) src(%arg11 : memref<128x128xf32, #tpu.memory_space<vmem>>) dst(%dma_wait3A_676 : memref<128x128xf32, #tpu.memory_space<vmem_shared>>)
      %dma_start3A_677 = arith.constant 6 : i32
      %dma_start3A_678 = arith.constant 0 : i32
      %dma_start3A_679 = tpu.memref_slice %arg9[%dma_start3A_677, %dma_start3A_678] : memref<8x128xi32, #tpu.memory_space<vmem>> -> memref<1x128xi32, #tpu.memory_space<vmem>>
      %dma_start3A_680 = tpu.memref_squeeze %dma_start3A_679 : memref<1x128xi32, #tpu.memory_space<vmem>> -> memref<128xi32, #tpu.memory_space<vmem>>
      %dma_start3A_681 = arith.constant 0 : i32
      %dma_start3A_682 = arith.constant 0 : i32
      %dma_start3A_683 = tpu.memref_slice %arg2[%dma_start3A_681, %dma_start3A_682] : memref<10000x128xf32, #tpu.memory_space<hbm>> -> memref<10000x128xf32, #tpu.memory_space<hbm>>
      tpu.enqueue_indirect_dma source(%dma_start3A_683 : memref<10000x128xf32, #tpu.memory_space<hbm>>) target(%arg11 : memref<128x128xf32, #tpu.memory_space<vmem>>) offsets(%dma_start3A_680 : memref<128xi32, #tpu.memory_space<vmem>>) semaphore(%arg16 : memref<!tpu.dma_semaphore, #tpu.memory_space<semaphore_mem>>)
      %dma_wait3A_684 = arith.constant 0 : i32
      %dma_wait3A_685 = arith.constant 0 : i32
      %dma_wait3A_686 = tpu.memref_slice %arg2[%dma_wait3A_684, %dma_wait3A_685] : memref<10000x128xf32, #tpu.memory_space<hbm>> -> memref<128x128xf32, #tpu.memory_space<hbm>>
      %dma_wait3A_687 = arith.constant 0 : i32
      %dma_wait3A_688 = arith.constant 0 : i32
      %dma_wait3A_689 = tpu.memref_slice %arg2[%dma_wait3A_687, %dma_wait3A_688] : memref<10000x128xf32, #tpu.memory_space<hbm>> -> memref<128x128xf32, #tpu.memory_space<hbm>>
      tpu.wait_dma2 semaphore(%arg17 : memref<!tpu.dma_semaphore, #tpu.memory_space<semaphore_mem>>) src(%dma_wait3A_689 : memref<128x128xf32, #tpu.memory_space<hbm>>) dst(%arg12 : memref<128x128xf32, #tpu.memory_space<vmem>>)
      %dma_start3A_690 = arith.constant 5 : i32
      %dma_start3A_691 = arith.constant 0 : i32
      %dma_start3A_692 = tpu.memref_slice %arg10[%dma_start3A_690, %dma_start3A_691] : memref<8x128xi32, #tpu.memory_space<vmem>> -> memref<1x128xi32, #tpu.memory_space<vmem>>
      %dma_start3A_693 = tpu.memref_squeeze %dma_start3A_692 : memref<1x128xi32, #tpu.memory_space<vmem>> -> memref<128xi32, #tpu.memory_space<vmem>>
      %dma_start3A_694 = arith.constant 0 : i32
      %dma_start3A_695 = arith.constant 0 : i32
      %dma_start3A_696 = tpu.memref_slice %arg13[%dma_start3A_694, %dma_start3A_695] : memref<10240x128xf32, #tpu.memory_space<vmem_shared>> -> memref<10240x128xf32, #tpu.memory_space<vmem_shared>>
      tpu.enqueue_indirect_dma source(%arg12 : memref<128x128xf32, #tpu.memory_space<vmem>>) target(%dma_start3A_696 : memref<10240x128xf32, #tpu.memory_space<vmem_shared>>) offsets(%dma_start3A_693 : memref<128xi32, #tpu.memory_space<vmem>>) semaphore(%arg19 : memref<!tpu.dma_semaphore, #tpu.memory_space<semaphore_mem>>) {add = true}
      %run_scoped3A_697 = arith.constant 5 : i32
      "tpu.region"() ({
        %run_scoped3A_753 = tpu.sem_alloc : memref<!tpu.dma_semaphore, #tpu.memory_space<semaphore_mem>>
        %dma_start3A_754 = arith.constant 0 : i32
        %dma_start3A_755 = tpu.memref_slice %arg10[%run_scoped3A_697, %dma_start3A_754] : memref<8x128xi32, #tpu.memory_space<vmem>> -> memref<1x128xi32, #tpu.memory_space<vmem>>
        %dma_start3A_756 = tpu.memref_squeeze %dma_start3A_755 : memref<1x128xi32, #tpu.memory_space<vmem>> -> memref<128xi32, #tpu.memory_space<vmem>>
        %dma_start3A_757 = arith.constant 0 : i32
        %dma_start3A_758 = tpu.memref_slice %arg22[%dma_start3A_757] : memref<10240xf32, #tpu.memory_space<vmem_shared>> -> memref<10240xf32, #tpu.memory_space<vmem_shared>>
        tpu.enqueue_indirect_dma source(%arg20 : memref<128xf32, #tpu.memory_space<vmem>>) target(%dma_start3A_758 : memref<10240xf32, #tpu.memory_space<vmem_shared>>) offsets(%dma_start3A_756 : memref<128xi32, #tpu.memory_space<vmem>>) semaphore(%run_scoped3A_753 : memref<!tpu.dma_semaphore, #tpu.memory_space<semaphore_mem>>) {add = true}
        %dma_wait3A_759 = arith.constant 0 : i32
        %dma_wait3A_760 = tpu.memref_slice %arg10[%run_scoped3A_697, %dma_wait3A_759] : memref<8x128xi32, #tpu.memory_space<vmem>> -> memref<1x128xi32, #tpu.memory_space<vmem>>
        %dma_wait3A_761 = tpu.memref_squeeze %dma_wait3A_760 : memref<1x128xi32, #tpu.memory_space<vmem>> -> memref<128xi32, #tpu.memory_space<vmem>>
        %dma_wait3A_762 = arith.constant 0 : i32
        %dma_wait3A_763 = tpu.memref_slice %arg22[%dma_wait3A_762] : memref<10240xf32, #tpu.memory_space<vmem_shared>> -> memref<10240xf32, #tpu.memory_space<vmem_shared>>
        tpu.wait_indirect_dma semaphore(%run_scoped3A_753 : memref<!tpu.dma_semaphore, #tpu.memory_space<semaphore_mem>>) src(%arg20 : memref<128xf32, #tpu.memory_space<vmem>>) dst(%dma_wait3A_763 : memref<10240xf32, #tpu.memory_space<vmem_shared>>)
        tpu.yield
      }) : () -> ()
      %dma_wait3A_698 = arith.constant 0 : i32
      %dma_wait3A_699 = arith.constant 0 : i32
      %dma_wait3A_700 = tpu.memref_slice %arg13[%dma_wait3A_698, %dma_wait3A_699] : memref<10240x128xf32, #tpu.memory_space<vmem_shared>> -> memref<128x128xf32, #tpu.memory_space<vmem_shared>>
      %dma_wait3A_701 = arith.constant 0 : i32
      %dma_wait3A_702 = arith.constant 0 : i32
      %dma_wait3A_703 = tpu.memref_slice %arg13[%dma_wait3A_701, %dma_wait3A_702] : memref<10240x128xf32, #tpu.memory_space<vmem_shared>> -> memref<128x128xf32, #tpu.memory_space<vmem_shared>>
      tpu.wait_dma2 semaphore(%arg19 : memref<!tpu.dma_semaphore, #tpu.memory_space<semaphore_mem>>) src(%arg12 : memref<128x128xf32, #tpu.memory_space<vmem>>) dst(%dma_wait3A_703 : memref<128x128xf32, #tpu.memory_space<vmem_shared>>)
      %dma_start3A_704 = arith.constant 7 : i32
      %dma_start3A_705 = arith.constant 0 : i32
      %dma_start3A_706 = tpu.memref_slice %arg9[%dma_start3A_704, %dma_start3A_705] : memref<8x128xi32, #tpu.memory_space<vmem>> -> memref<1x128xi32, #tpu.memory_space<vmem>>
      %dma_start3A_707 = tpu.memref_squeeze %dma_start3A_706 : memref<1x128xi32, #tpu.memory_space<vmem>> -> memref<128xi32, #tpu.memory_space<vmem>>
      %dma_start3A_708 = arith.constant 0 : i32
      %dma_start3A_709 = arith.constant 0 : i32
      %dma_start3A_710 = tpu.memref_slice %arg2[%dma_start3A_708, %dma_start3A_709] : memref<10000x128xf32, #tpu.memory_space<hbm>> -> memref<10000x128xf32, #tpu.memory_space<hbm>>
      tpu.enqueue_indirect_dma source(%dma_start3A_710 : memref<10000x128xf32, #tpu.memory_space<hbm>>) target(%arg12 : memref<128x128xf32, #tpu.memory_space<vmem>>) offsets(%dma_start3A_707 : memref<128xi32, #tpu.memory_space<vmem>>) semaphore(%arg17 : memref<!tpu.dma_semaphore, #tpu.memory_space<semaphore_mem>>)
      %dma_wait3A_711 = arith.constant 0 : i32
      %dma_wait3A_712 = arith.constant 0 : i32
      %dma_wait3A_713 = tpu.memref_slice %arg2[%dma_wait3A_711, %dma_wait3A_712] : memref<10000x128xf32, #tpu.memory_space<hbm>> -> memref<128x128xf32, #tpu.memory_space<hbm>>
      %dma_wait3A_714 = arith.constant 0 : i32
      %dma_wait3A_715 = arith.constant 0 : i32
      %dma_wait3A_716 = tpu.memref_slice %arg2[%dma_wait3A_714, %dma_wait3A_715] : memref<10000x128xf32, #tpu.memory_space<hbm>> -> memref<128x128xf32, #tpu.memory_space<hbm>>
      tpu.wait_dma2 semaphore(%arg16 : memref<!tpu.dma_semaphore, #tpu.memory_space<semaphore_mem>>) src(%dma_wait3A_716 : memref<128x128xf32, #tpu.memory_space<hbm>>) dst(%arg11 : memref<128x128xf32, #tpu.memory_space<vmem>>)
      %dma_start3A_717 = arith.constant 6 : i32
      %dma_start3A_718 = arith.constant 0 : i32
      %dma_start3A_719 = tpu.memref_slice %arg10[%dma_start3A_717, %dma_start3A_718] : memref<8x128xi32, #tpu.memory_space<vmem>> -> memref<1x128xi32, #tpu.memory_space<vmem>>
      %dma_start3A_720 = tpu.memref_squeeze %dma_start3A_719 : memref<1x128xi32, #tpu.memory_space<vmem>> -> memref<128xi32, #tpu.memory_space<vmem>>
      %dma_start3A_721 = arith.constant 0 : i32
      %dma_start3A_722 = arith.constant 0 : i32
      %dma_start3A_723 = tpu.memref_slice %arg13[%dma_start3A_721, %dma_start3A_722] : memref<10240x128xf32, #tpu.memory_space<vmem_shared>> -> memref<10240x128xf32, #tpu.memory_space<vmem_shared>>
      tpu.enqueue_indirect_dma source(%arg11 : memref<128x128xf32, #tpu.memory_space<vmem>>) target(%dma_start3A_723 : memref<10240x128xf32, #tpu.memory_space<vmem_shared>>) offsets(%dma_start3A_720 : memref<128xi32, #tpu.memory_space<vmem>>) semaphore(%arg18 : memref<!tpu.dma_semaphore, #tpu.memory_space<semaphore_mem>>) {add = true}
      %run_scoped3A_724 = arith.constant 6 : i32
      "tpu.region"() ({
        %run_scoped3A_753 = tpu.sem_alloc : memref<!tpu.dma_semaphore, #tpu.memory_space<semaphore_mem>>
        %dma_start3A_754 = arith.constant 0 : i32
        %dma_start3A_755 = tpu.memref_slice %arg10[%run_scoped3A_724, %dma_start3A_754] : memref<8x128xi32, #tpu.memory_space<vmem>> -> memref<1x128xi32, #tpu.memory_space<vmem>>
        %dma_start3A_756 = tpu.memref_squeeze %dma_start3A_755 : memref<1x128xi32, #tpu.memory_space<vmem>> -> memref<128xi32, #tpu.memory_space<vmem>>
        %dma_start3A_757 = arith.constant 0 : i32
        %dma_start3A_758 = tpu.memref_slice %arg22[%dma_start3A_757] : memref<10240xf32, #tpu.memory_space<vmem_shared>> -> memref<10240xf32, #tpu.memory_space<vmem_shared>>
        tpu.enqueue_indirect_dma source(%arg20 : memref<128xf32, #tpu.memory_space<vmem>>) target(%dma_start3A_758 : memref<10240xf32, #tpu.memory_space<vmem_shared>>) offsets(%dma_start3A_756 : memref<128xi32, #tpu.memory_space<vmem>>) semaphore(%run_scoped3A_753 : memref<!tpu.dma_semaphore, #tpu.memory_space<semaphore_mem>>) {add = true}
        %dma_wait3A_759 = arith.constant 0 : i32
        %dma_wait3A_760 = tpu.memref_slice %arg10[%run_scoped3A_724, %dma_wait3A_759] : memref<8x128xi32, #tpu.memory_space<vmem>> -> memref<1x128xi32, #tpu.memory_space<vmem>>
        %dma_wait3A_761 = tpu.memref_squeeze %dma_wait3A_760 : memref<1x128xi32, #tpu.memory_space<vmem>> -> memref<128xi32, #tpu.memory_space<vmem>>
        %dma_wait3A_762 = arith.constant 0 : i32
        %dma_wait3A_763 = tpu.memref_slice %arg22[%dma_wait3A_762] : memref<10240xf32, #tpu.memory_space<vmem_shared>> -> memref<10240xf32, #tpu.memory_space<vmem_shared>>
        tpu.wait_indirect_dma semaphore(%run_scoped3A_753 : memref<!tpu.dma_semaphore, #tpu.memory_space<semaphore_mem>>) src(%arg20 : memref<128xf32, #tpu.memory_space<vmem>>) dst(%dma_wait3A_763 : memref<10240xf32, #tpu.memory_space<vmem_shared>>)
        tpu.yield
      }) : () -> ()
      %add3A_725 = arith.constant 1 : i32
      %add3A_726 = arith.addi %add3A_536, %add3A_725 : i32
      %lt3A_727 = arith.constant 10 : i32
      %lt3A_728 = arith.cmpi slt, %add3A_726, %lt3A_727 : i32
      %convert_element_type3A_729 = arith.extui %lt3A_728 : i1 to i32
      %cond3A_730 = arith.constant 0 : i32
      %cond3A_731 = arith.cmpi ne, %convert_element_type3A_729, %cond3A_730 : i32
      scf.if %cond3A_731 {
        %dma_wait3A_753 = arith.constant 0 : i32
        %dma_wait3A_754 = arith.constant 0 : i32
        %dma_wait3A_755 = tpu.memref_slice %arg13[%dma_wait3A_753, %dma_wait3A_754] : memref<10240x128xf32, #tpu.memory_space<vmem_shared>> -> memref<128x128xf32, #tpu.memory_space<vmem_shared>>
        %dma_wait3A_756 = arith.constant 0 : i32
        %dma_wait3A_757 = arith.constant 0 : i32
        %dma_wait3A_758 = tpu.memref_slice %arg13[%dma_wait3A_756, %dma_wait3A_757] : memref<10240x128xf32, #tpu.memory_space<vmem_shared>> -> memref<128x128xf32, #tpu.memory_space<vmem_shared>>
        tpu.wait_dma2 semaphore(%arg18 : memref<!tpu.dma_semaphore, #tpu.memory_space<semaphore_mem>>) src(%arg11 : memref<128x128xf32, #tpu.memory_space<vmem>>) dst(%dma_wait3A_758 : memref<128x128xf32, #tpu.memory_space<vmem_shared>>)
        %dma_wait3A_759 = arith.constant 0 : i32
        %dma_wait3A_760 = arith.constant 0 : i32
        %dma_wait3A_761 = tpu.memref_slice %arg3[%dma_wait3A_759, %dma_wait3A_760] : memref<2560x128xi32, #tpu.memory_space<hbm>> -> memref<8x128xi32, #tpu.memory_space<hbm>>
        %dma_wait3A_762 = arith.constant 0 : i32
        %dma_wait3A_763 = arith.constant 0 : i32
        %dma_wait3A_764 = tpu.memref_slice %arg3[%dma_wait3A_762, %dma_wait3A_763] : memref<2560x128xi32, #tpu.memory_space<hbm>> -> memref<8x128xi32, #tpu.memory_space<hbm>>
        tpu.wait_dma2 semaphore(%arg14 : memref<!tpu.dma_semaphore, #tpu.memory_space<semaphore_mem>>) src(%dma_wait3A_764 : memref<8x128xi32, #tpu.memory_space<hbm>>) dst(%arg7 : memref<8x128xi32, #tpu.memory_space<vmem>>)
        %dma_wait3A_765 = arith.constant 0 : i32
        %dma_wait3A_766 = arith.constant 0 : i32
        %dma_wait3A_767 = tpu.memref_slice %arg4[%dma_wait3A_765, %dma_wait3A_766] : memref<2560x128xi32, #tpu.memory_space<hbm>> -> memref<8x128xi32, #tpu.memory_space<hbm>>
        %dma_wait3A_768 = arith.constant 0 : i32
        %dma_wait3A_769 = arith.constant 0 : i32
        %dma_wait3A_770 = tpu.memref_slice %arg4[%dma_wait3A_768, %dma_wait3A_769] : memref<2560x128xi32, #tpu.memory_space<hbm>> -> memref<8x128xi32, #tpu.memory_space<hbm>>
        tpu.wait_dma2 semaphore(%arg14 : memref<!tpu.dma_semaphore, #tpu.memory_space<semaphore_mem>>) src(%dma_wait3A_770 : memref<8x128xi32, #tpu.memory_space<hbm>>) dst(%arg8 : memref<8x128xi32, #tpu.memory_space<vmem>>)
        %dma_start3A_771 = arith.constant 0 : i32
        %dma_start3A_772 = arith.constant 0 : i32
        %dma_start3A_773 = tpu.memref_slice %arg7[%dma_start3A_771, %dma_start3A_772] : memref<8x128xi32, #tpu.memory_space<vmem>> -> memref<1x128xi32, #tpu.memory_space<vmem>>
        %dma_start3A_774 = tpu.memref_squeeze %dma_start3A_773 : memref<1x128xi32, #tpu.memory_space<vmem>> -> memref<128xi32, #tpu.memory_space<vmem>>
        %dma_start3A_775 = arith.constant 0 : i32
        %dma_start3A_776 = arith.constant 0 : i32
        %dma_start3A_777 = tpu.memref_slice %arg2[%dma_start3A_775, %dma_start3A_776] : memref<10000x128xf32, #tpu.memory_space<hbm>> -> memref<10000x128xf32, #tpu.memory_space<hbm>>
        tpu.enqueue_indirect_dma source(%dma_start3A_777 : memref<10000x128xf32, #tpu.memory_space<hbm>>) target(%arg11 : memref<128x128xf32, #tpu.memory_space<vmem>>) offsets(%dma_start3A_774 : memref<128xi32, #tpu.memory_space<vmem>>) semaphore(%arg16 : memref<!tpu.dma_semaphore, #tpu.memory_space<semaphore_mem>>)
      } else {
      }
      %dma_wait3A_732 = arith.constant 0 : i32
      %dma_wait3A_733 = arith.constant 0 : i32
      %dma_wait3A_734 = tpu.memref_slice %arg2[%dma_wait3A_732, %dma_wait3A_733] : memref<10000x128xf32, #tpu.memory_space<hbm>> -> memref<128x128xf32, #tpu.memory_space<hbm>>
      %dma_wait3A_735 = arith.constant 0 : i32
      %dma_wait3A_736 = arith.constant 0 : i32
      %dma_wait3A_737 = tpu.memref_slice %arg2[%dma_wait3A_735, %dma_wait3A_736] : memref<10000x128xf32, #tpu.memory_space<hbm>> -> memref<128x128xf32, #tpu.memory_space<hbm>>
      tpu.wait_dma2 semaphore(%arg17 : memref<!tpu.dma_semaphore, #tpu.memory_space<semaphore_mem>>) src(%dma_wait3A_737 : memref<128x128xf32, #tpu.memory_space<hbm>>) dst(%arg12 : memref<128x128xf32, #tpu.memory_space<vmem>>)
      %dma_start3A_738 = arith.constant 7 : i32
      %dma_start3A_739 = arith.constant 0 : i32
      %dma_start3A_740 = tpu.memref_slice %arg10[%dma_start3A_738, %dma_start3A_739] : memref<8x128xi32, #tpu.memory_space<vmem>> -> memref<1x128xi32, #tpu.memory_space<vmem>>
      %dma_start3A_741 = tpu.memref_squeeze %dma_start3A_740 : memref<1x128xi32, #tpu.memory_space<vmem>> -> memref<128xi32, #tpu.memory_space<vmem>>
      %dma_start3A_742 = arith.constant 0 : i32
      %dma_start3A_743 = arith.constant 0 : i32
      %dma_start3A_744 = tpu.memref_slice %arg13[%dma_start3A_742, %dma_start3A_743] : memref<10240x128xf32, #tpu.memory_space<vmem_shared>> -> memref<10240x128xf32, #tpu.memory_space<vmem_shared>>
      tpu.enqueue_indirect_dma source(%arg12 : memref<128x128xf32, #tpu.memory_space<vmem>>) target(%dma_start3A_744 : memref<10240x128xf32, #tpu.memory_space<vmem_shared>>) offsets(%dma_start3A_741 : memref<128xi32, #tpu.memory_space<vmem>>) semaphore(%arg19 : memref<!tpu.dma_semaphore, #tpu.memory_space<semaphore_mem>>) {add = true}
      %run_scoped3A_745 = arith.constant 7 : i32
      "tpu.region"() ({
        %run_scoped3A_753 = tpu.sem_alloc : memref<!tpu.dma_semaphore, #tpu.memory_space<semaphore_mem>>
        %dma_start3A_754 = arith.constant 0 : i32
        %dma_start3A_755 = tpu.memref_slice %arg10[%run_scoped3A_745, %dma_start3A_754] : memref<8x128xi32, #tpu.memory_space<vmem>> -> memref<1x128xi32, #tpu.memory_space<vmem>>
        %dma_start3A_756 = tpu.memref_squeeze %dma_start3A_755 : memref<1x128xi32, #tpu.memory_space<vmem>> -> memref<128xi32, #tpu.memory_space<vmem>>
        %dma_start3A_757 = arith.constant 0 : i32
        %dma_start3A_758 = tpu.memref_slice %arg22[%dma_start3A_757] : memref<10240xf32, #tpu.memory_space<vmem_shared>> -> memref<10240xf32, #tpu.memory_space<vmem_shared>>
        tpu.enqueue_indirect_dma source(%arg20 : memref<128xf32, #tpu.memory_space<vmem>>) target(%dma_start3A_758 : memref<10240xf32, #tpu.memory_space<vmem_shared>>) offsets(%dma_start3A_756 : memref<128xi32, #tpu.memory_space<vmem>>) semaphore(%run_scoped3A_753 : memref<!tpu.dma_semaphore, #tpu.memory_space<semaphore_mem>>) {add = true}
        %dma_wait3A_759 = arith.constant 0 : i32
        %dma_wait3A_760 = tpu.memref_slice %arg10[%run_scoped3A_745, %dma_wait3A_759] : memref<8x128xi32, #tpu.memory_space<vmem>> -> memref<1x128xi32, #tpu.memory_space<vmem>>
        %dma_wait3A_761 = tpu.memref_squeeze %dma_wait3A_760 : memref<1x128xi32, #tpu.memory_space<vmem>> -> memref<128xi32, #tpu.memory_space<vmem>>
        %dma_wait3A_762 = arith.constant 0 : i32
        %dma_wait3A_763 = tpu.memref_slice %arg22[%dma_wait3A_762] : memref<10240xf32, #tpu.memory_space<vmem_shared>> -> memref<10240xf32, #tpu.memory_space<vmem_shared>>
        tpu.wait_indirect_dma semaphore(%run_scoped3A_753 : memref<!tpu.dma_semaphore, #tpu.memory_space<semaphore_mem>>) src(%arg20 : memref<128xf32, #tpu.memory_space<vmem>>) dst(%dma_wait3A_763 : memref<10240xf32, #tpu.memory_space<vmem_shared>>)
        tpu.yield
      }) : () -> ()
      %add3A_746 = arith.constant 2 : i32
      %add3A_747 = arith.addi %add3A_536, %add3A_746 : i32
      %lt3A_748 = arith.constant 10 : i32
      %lt3A_749 = arith.cmpi slt, %add3A_747, %lt3A_748 : i32
      %convert_element_type3A_750 = arith.extui %lt3A_749 : i1 to i32
      %cond3A_751 = arith.constant 0 : i32
      %cond3A_752 = arith.cmpi ne, %convert_element_type3A_750, %cond3A_751 : i32
      scf.if %cond3A_752 {
        %add3A_753 = arith.constant 2 : i32
        %add3A_754 = arith.addi %add3A_536, %add3A_753 : i32
        %mul3A_755 = arith.constant 80 : i32
        %mul3A_756 = arith.muli %add3A, %mul3A_755 : i32
        %mul3A_757 = arith.constant 8 : i32
        %mul3A_758 = arith.muli %add3A_754, %mul3A_757 : i32
        %add3A_759 = arith.addi %mul3A_756, %mul3A_758 : i32
        %dma_start3A_760 = arith.constant 0 : i32
        %dma_start3A_761 = tpu.memref_slice %arg3[%add3A_759, %dma_start3A_760] : memref<2560x128xi32, #tpu.memory_space<hbm>> -> memref<8x128xi32, #tpu.memory_space<hbm>>
        %dma_start3A_762 = arith.constant 0 : i32
        %dma_start3A_763 = tpu.memref_slice %arg3[%add3A_759, %dma_start3A_762] : memref<2560x128xi32, #tpu.memory_space<hbm>> -> memref<8x128xi32, #tpu.memory_space<hbm>>
        tpu.enqueue_dma source(%dma_start3A_763 : memref<8x128xi32, #tpu.memory_space<hbm>>) target(%arg9 : memref<8x128xi32, #tpu.memory_space<vmem>>) target_semaphore(%arg15 : memref<!tpu.dma_semaphore, #tpu.memory_space<semaphore_mem>>)
        %add3A_764 = arith.constant 2 : i32
        %add3A_765 = arith.addi %add3A_536, %add3A_764 : i32
        %mul3A_766 = arith.constant 80 : i32
        %mul3A_767 = arith.muli %add3A, %mul3A_766 : i32
        %mul3A_768 = arith.constant 8 : i32
        %mul3A_769 = arith.muli %add3A_765, %mul3A_768 : i32
        %add3A_770 = arith.addi %mul3A_767, %mul3A_769 : i32
        %dma_start3A_771 = arith.constant 0 : i32
        %dma_start3A_772 = tpu.memref_slice %arg4[%add3A_770, %dma_start3A_771] : memref<2560x128xi32, #tpu.memory_space<hbm>> -> memref<8x128xi32, #tpu.memory_space<hbm>>
        %dma_start3A_773 = arith.constant 0 : i32
        %dma_start3A_774 = tpu.memref_slice %arg4[%add3A_770, %dma_start3A_773] : memref<2560x128xi32, #tpu.memory_space<hbm>> -> memref<8x128xi32, #tpu.memory_space<hbm>>
        tpu.enqueue_dma source(%dma_start3A_774 : memref<8x128xi32, #tpu.memory_space<hbm>>) target(%arg10 : memref<8x128xi32, #tpu.memory_space<vmem>>) target_semaphore(%arg15 : memref<!tpu.dma_semaphore, #tpu.memory_space<semaphore_mem>>)
      } else {
      }
    }
    %scan3A_257 = arith.constant 5 : i32
    %dma_wait3A = arith.constant 0 : i32
    %dma_wait3A_258 = arith.constant 0 : i32
    %dma_wait3A_259 = tpu.memref_slice %arg13[%dma_wait3A, %dma_wait3A_258] : memref<10240x128xf32, #tpu.memory_space<vmem_shared>> -> memref<128x128xf32, #tpu.memory_space<vmem_shared>>
    %dma_wait3A_260 = arith.constant 0 : i32
    %dma_wait3A_261 = arith.constant 0 : i32
    %dma_wait3A_262 = tpu.memref_slice %arg13[%dma_wait3A_260, %dma_wait3A_261] : memref<10240x128xf32, #tpu.memory_space<vmem_shared>> -> memref<128x128xf32, #tpu.memory_space<vmem_shared>>
    tpu.wait_dma2 semaphore(%arg18 : memref<!tpu.dma_semaphore, #tpu.memory_space<semaphore_mem>>) src(%arg11 : memref<128x128xf32, #tpu.memory_space<vmem>>) dst(%dma_wait3A_262 : memref<128x128xf32, #tpu.memory_space<vmem_shared>>)
    %dma_wait3A_263 = arith.constant 0 : i32
    %dma_wait3A_264 = arith.constant 0 : i32
    %dma_wait3A_265 = tpu.memref_slice %arg13[%dma_wait3A_263, %dma_wait3A_264] : memref<10240x128xf32, #tpu.memory_space<vmem_shared>> -> memref<128x128xf32, #tpu.memory_space<vmem_shared>>
    %dma_wait3A_266 = arith.constant 0 : i32
    %dma_wait3A_267 = arith.constant 0 : i32
    %dma_wait3A_268 = tpu.memref_slice %arg13[%dma_wait3A_266, %dma_wait3A_267] : memref<10240x128xf32, #tpu.memory_space<vmem_shared>> -> memref<128x128xf32, #tpu.memory_space<vmem_shared>>
    tpu.wait_dma2 semaphore(%arg19 : memref<!tpu.dma_semaphore, #tpu.memory_space<semaphore_mem>>) src(%arg12 : memref<128x128xf32, #tpu.memory_space<vmem>>) dst(%dma_wait3A_268 : memref<128x128xf32, #tpu.memory_space<vmem_shared>>)
    %barrier3A_269 = arith.constant 0 : index
    tpu.barrier barrier_id(%barrier3A_269)
    %mul3A_270 = arith.constant 640 : i32
    %mul3A_271 = arith.muli %arg1, %mul3A_270 : i32
    %add3A_272 = arith.constant 0 : i32
    %add3A_273 = arith.addi %mul3A_271, %add3A_272 : i32
    "tpu.region"() ({
      %run_scoped3A = tpu.sem_alloc : memref<!tpu.dma_semaphore, #tpu.memory_space<semaphore_mem>>
      %dma_start3A_317 = arith.constant 0 : i32
      %dma_start3A_318 = tpu.memref_slice %arg13[%add3A_273, %dma_start3A_317] : memref<10240x128xf32, #tpu.memory_space<vmem_shared>> -> memref<128x128xf32, #tpu.memory_space<vmem_shared>>
      %dma_start3A_319 = arith.constant 0 : i32
      %dma_start3A_320 = tpu.memref_slice %arg13[%add3A_273, %dma_start3A_319] : memref<10240x128xf32, #tpu.memory_space<vmem_shared>> -> memref<128x128xf32, #tpu.memory_space<vmem_shared>>
      tpu.enqueue_dma source(%dma_start3A_320 : memref<128x128xf32, #tpu.memory_space<vmem_shared>>) target(%arg11 : memref<128x128xf32, #tpu.memory_space<vmem>>) target_semaphore(%run_scoped3A : memref<!tpu.dma_semaphore, #tpu.memory_space<semaphore_mem>>)
      %dma_wait3A_321 = arith.constant 0 : i32
      %dma_wait3A_322 = tpu.memref_slice %arg13[%add3A_273, %dma_wait3A_321] : memref<10240x128xf32, #tpu.memory_space<vmem_shared>> -> memref<128x128xf32, #tpu.memory_space<vmem_shared>>
      %dma_wait3A_323 = arith.constant 0 : i32
      %dma_wait3A_324 = tpu.memref_slice %arg13[%add3A_273, %dma_wait3A_323] : memref<10240x128xf32, #tpu.memory_space<vmem_shared>> -> memref<128x128xf32, #tpu.memory_space<vmem_shared>>
      tpu.wait_dma2 semaphore(%run_scoped3A : memref<!tpu.dma_semaphore, #tpu.memory_space<semaphore_mem>>) src(%dma_wait3A_324 : memref<128x128xf32, #tpu.memory_space<vmem_shared>>) dst(%arg11 : memref<128x128xf32, #tpu.memory_space<vmem>>)
      tpu.yield
    }) : () -> ()
    %mul3A_274 = arith.constant 640 : i32
    %mul3A_275 = arith.muli %arg1, %mul3A_274 : i32
    %add3A_276 = arith.constant 0 : i32
    %add3A_277 = arith.addi %mul3A_275, %add3A_276 : i32
    "tpu.region"() ({
      %run_scoped3A = tpu.sem_alloc : memref<!tpu.dma_semaphore, #tpu.memory_space<semaphore_mem>>
      %dma_start3A_317 = arith.constant 0 : i32
      %dma_start3A_318 = tpu.memref_slice %arg5[%arg0, %add3A_277, %dma_start3A_317] : memref<2x10240x128xf32, #tpu.memory_space<hbm>> -> memref<1x128x128xf32, #tpu.memory_space<hbm>>
      %dma_start3A_319 = tpu.memref_squeeze %dma_start3A_318 : memref<1x128x128xf32, #tpu.memory_space<hbm>> -> memref<128x128xf32, #tpu.memory_space<hbm>>
      %dma_start3A_320 = arith.constant 0 : i32
      %dma_start3A_321 = tpu.memref_slice %arg5[%arg0, %add3A_277, %dma_start3A_320] : memref<2x10240x128xf32, #tpu.memory_space<hbm>> -> memref<1x128x128xf32, #tpu.memory_space<hbm>>
      %dma_start3A_322 = tpu.memref_squeeze %dma_start3A_321 : memref<1x128x128xf32, #tpu.memory_space<hbm>> -> memref<128x128xf32, #tpu.memory_space<hbm>>
      tpu.enqueue_dma source(%arg11 : memref<128x128xf32, #tpu.memory_space<vmem>>) target(%dma_start3A_322 : memref<128x128xf32, #tpu.memory_space<hbm>>) target_semaphore(%run_scoped3A : memref<!tpu.dma_semaphore, #tpu.memory_space<semaphore_mem>>)
      %dma_wait3A_323 = arith.constant 0 : i32
      %dma_wait3A_324 = tpu.memref_slice %arg5[%arg0, %add3A_277, %dma_wait3A_323] : memref<2x10240x128xf32, #tpu.memory_space<hbm>> -> memref<1x128x128xf32, #tpu.memory_space<hbm>>
      %dma_wait3A_325 = tpu.memref_squeeze %dma_wait3A_324 : memref<1x128x128xf32, #tpu.memory_space<hbm>> -> memref<128x128xf32, #tpu.memory_space<hbm>>
      %dma_wait3A_326 = arith.constant 0 : i32
      %dma_wait3A_327 = tpu.memref_slice %arg5[%arg0, %add3A_277, %dma_wait3A_326] : memref<2x10240x128xf32, #tpu.memory_space<hbm>> -> memref<1x128x128xf32, #tpu.memory_space<hbm>>
      %dma_wait3A_328 = tpu.memref_squeeze %dma_wait3A_327 : memref<1x128x128xf32, #tpu.memory_space<hbm>> -> memref<128x128xf32, #tpu.memory_space<hbm>>
      tpu.wait_dma2 semaphore(%run_scoped3A : memref<!tpu.dma_semaphore, #tpu.memory_space<semaphore_mem>>) src(%arg11 : memref<128x128xf32, #tpu.memory_space<vmem>>) dst(%dma_wait3A_328 : memref<128x128xf32, #tpu.memory_space<hbm>>)
      tpu.yield
    }) : () -> ()
    %mul3A_278 = arith.constant 640 : i32
    %mul3A_279 = arith.muli %arg1, %mul3A_278 : i32
    %add3A_280 = arith.constant 128 : i32
    %add3A_281 = arith.addi %mul3A_279, %add3A_280 : i32
    "tpu.region"() ({
      %run_scoped3A = tpu.sem_alloc : memref<!tpu.dma_semaphore, #tpu.memory_space<semaphore_mem>>
      %dma_start3A_317 = arith.constant 0 : i32
      %dma_start3A_318 = tpu.memref_slice %arg13[%add3A_281, %dma_start3A_317] : memref<10240x128xf32, #tpu.memory_space<vmem_shared>> -> memref<128x128xf32, #tpu.memory_space<vmem_shared>>
      %dma_start3A_319 = arith.constant 0 : i32
      %dma_start3A_320 = tpu.memref_slice %arg13[%add3A_281, %dma_start3A_319] : memref<10240x128xf32, #tpu.memory_space<vmem_shared>> -> memref<128x128xf32, #tpu.memory_space<vmem_shared>>
      tpu.enqueue_dma source(%dma_start3A_320 : memref<128x128xf32, #tpu.memory_space<vmem_shared>>) target(%arg11 : memref<128x128xf32, #tpu.memory_space<vmem>>) target_semaphore(%run_scoped3A : memref<!tpu.dma_semaphore, #tpu.memory_space<semaphore_mem>>)
      %dma_wait3A_321 = arith.constant 0 : i32
      %dma_wait3A_322 = tpu.memref_slice %arg13[%add3A_281, %dma_wait3A_321] : memref<10240x128xf32, #tpu.memory_space<vmem_shared>> -> memref<128x128xf32, #tpu.memory_space<vmem_shared>>
      %dma_wait3A_323 = arith.constant 0 : i32
      %dma_wait3A_324 = tpu.memref_slice %arg13[%add3A_281, %dma_wait3A_323] : memref<10240x128xf32, #tpu.memory_space<vmem_shared>> -> memref<128x128xf32, #tpu.memory_space<vmem_shared>>
      tpu.wait_dma2 semaphore(%run_scoped3A : memref<!tpu.dma_semaphore, #tpu.memory_space<semaphore_mem>>) src(%dma_wait3A_324 : memref<128x128xf32, #tpu.memory_space<vmem_shared>>) dst(%arg11 : memref<128x128xf32, #tpu.memory_space<vmem>>)
      tpu.yield
    }) : () -> ()
    %mul3A_282 = arith.constant 640 : i32
    %mul3A_283 = arith.muli %arg1, %mul3A_282 : i32
    %add3A_284 = arith.constant 128 : i32
    %add3A_285 = arith.addi %mul3A_283, %add3A_284 : i32
    "tpu.region"() ({
      %run_scoped3A = tpu.sem_alloc : memref<!tpu.dma_semaphore, #tpu.memory_space<semaphore_mem>>
      %dma_start3A_317 = arith.constant 0 : i32
      %dma_start3A_318 = tpu.memref_slice %arg5[%arg0, %add3A_285, %dma_start3A_317] : memref<2x10240x128xf32, #tpu.memory_space<hbm>> -> memref<1x128x128xf32, #tpu.memory_space<hbm>>
      %dma_start3A_319 = tpu.memref_squeeze %dma_start3A_318 : memref<1x128x128xf32, #tpu.memory_space<hbm>> -> memref<128x128xf32, #tpu.memory_space<hbm>>
      %dma_start3A_320 = arith.constant 0 : i32
      %dma_start3A_321 = tpu.memref_slice %arg5[%arg0, %add3A_285, %dma_start3A_320] : memref<2x10240x128xf32, #tpu.memory_space<hbm>> -> memref<1x128x128xf32, #tpu.memory_space<hbm>>
      %dma_start3A_322 = tpu.memref_squeeze %dma_start3A_321 : memref<1x128x128xf32, #tpu.memory_space<hbm>> -> memref<128x128xf32, #tpu.memory_space<hbm>>
      tpu.enqueue_dma source(%arg11 : memref<128x128xf32, #tpu.memory_space<vmem>>) target(%dma_start3A_322 : memref<128x128xf32, #tpu.memory_space<hbm>>) target_semaphore(%run_scoped3A : memref<!tpu.dma_semaphore, #tpu.memory_space<semaphore_mem>>)
      %dma_wait3A_323 = arith.constant 0 : i32
      %dma_wait3A_324 = tpu.memref_slice %arg5[%arg0, %add3A_285, %dma_wait3A_323] : memref<2x10240x128xf32, #tpu.memory_space<hbm>> -> memref<1x128x128xf32, #tpu.memory_space<hbm>>
      %dma_wait3A_325 = tpu.memref_squeeze %dma_wait3A_324 : memref<1x128x128xf32, #tpu.memory_space<hbm>> -> memref<128x128xf32, #tpu.memory_space<hbm>>
      %dma_wait3A_326 = arith.constant 0 : i32
      %dma_wait3A_327 = tpu.memref_slice %arg5[%arg0, %add3A_285, %dma_wait3A_326] : memref<2x10240x128xf32, #tpu.memory_space<hbm>> -> memref<1x128x128xf32, #tpu.memory_space<hbm>>
      %dma_wait3A_328 = tpu.memref_squeeze %dma_wait3A_327 : memref<1x128x128xf32, #tpu.memory_space<hbm>> -> memref<128x128xf32, #tpu.memory_space<hbm>>
      tpu.wait_dma2 semaphore(%run_scoped3A : memref<!tpu.dma_semaphore, #tpu.memory_space<semaphore_mem>>) src(%arg11 : memref<128x128xf32, #tpu.memory_space<vmem>>) dst(%dma_wait3A_328 : memref<128x128xf32, #tpu.memory_space<hbm>>)
      tpu.yield
    }) : () -> ()
    %mul3A_286 = arith.constant 640 : i32
    %mul3A_287 = arith.muli %arg1, %mul3A_286 : i32
    %add3A_288 = arith.constant 256 : i32
    %add3A_289 = arith.addi %mul3A_287, %add3A_288 : i32
    "tpu.region"() ({
      %run_scoped3A = tpu.sem_alloc : memref<!tpu.dma_semaphore, #tpu.memory_space<semaphore_mem>>
      %dma_start3A_317 = arith.constant 0 : i32
      %dma_start3A_318 = tpu.memref_slice %arg13[%add3A_289, %dma_start3A_317] : memref<10240x128xf32, #tpu.memory_space<vmem_shared>> -> memref<128x128xf32, #tpu.memory_space<vmem_shared>>
      %dma_start3A_319 = arith.constant 0 : i32
      %dma_start3A_320 = tpu.memref_slice %arg13[%add3A_289, %dma_start3A_319] : memref<10240x128xf32, #tpu.memory_space<vmem_shared>> -> memref<128x128xf32, #tpu.memory_space<vmem_shared>>
      tpu.enqueue_dma source(%dma_start3A_320 : memref<128x128xf32, #tpu.memory_space<vmem_shared>>) target(%arg11 : memref<128x128xf32, #tpu.memory_space<vmem>>) target_semaphore(%run_scoped3A : memref<!tpu.dma_semaphore, #tpu.memory_space<semaphore_mem>>)
      %dma_wait3A_321 = arith.constant 0 : i32
      %dma_wait3A_322 = tpu.memref_slice %arg13[%add3A_289, %dma_wait3A_321] : memref<10240x128xf32, #tpu.memory_space<vmem_shared>> -> memref<128x128xf32, #tpu.memory_space<vmem_shared>>
      %dma_wait3A_323 = arith.constant 0 : i32
      %dma_wait3A_324 = tpu.memref_slice %arg13[%add3A_289, %dma_wait3A_323] : memref<10240x128xf32, #tpu.memory_space<vmem_shared>> -> memref<128x128xf32, #tpu.memory_space<vmem_shared>>
      tpu.wait_dma2 semaphore(%run_scoped3A : memref<!tpu.dma_semaphore, #tpu.memory_space<semaphore_mem>>) src(%dma_wait3A_324 : memref<128x128xf32, #tpu.memory_space<vmem_shared>>) dst(%arg11 : memref<128x128xf32, #tpu.memory_space<vmem>>)
      tpu.yield
    }) : () -> ()
    %mul3A_290 = arith.constant 640 : i32
    %mul3A_291 = arith.muli %arg1, %mul3A_290 : i32
    %add3A_292 = arith.constant 256 : i32
    %add3A_293 = arith.addi %mul3A_291, %add3A_292 : i32
    "tpu.region"() ({
      %run_scoped3A = tpu.sem_alloc : memref<!tpu.dma_semaphore, #tpu.memory_space<semaphore_mem>>
      %dma_start3A_317 = arith.constant 0 : i32
      %dma_start3A_318 = tpu.memref_slice %arg5[%arg0, %add3A_293, %dma_start3A_317] : memref<2x10240x128xf32, #tpu.memory_space<hbm>> -> memref<1x128x128xf32, #tpu.memory_space<hbm>>
      %dma_start3A_319 = tpu.memref_squeeze %dma_start3A_318 : memref<1x128x128xf32, #tpu.memory_space<hbm>> -> memref<128x128xf32, #tpu.memory_space<hbm>>
      %dma_start3A_320 = arith.constant 0 : i32
      %dma_start3A_321 = tpu.memref_slice %arg5[%arg0, %add3A_293, %dma_start3A_320] : memref<2x10240x128xf32, #tpu.memory_space<hbm>> -> memref<1x128x128xf32, #tpu.memory_space<hbm>>
      %dma_start3A_322 = tpu.memref_squeeze %dma_start3A_321 : memref<1x128x128xf32, #tpu.memory_space<hbm>> -> memref<128x128xf32, #tpu.memory_space<hbm>>
      tpu.enqueue_dma source(%arg11 : memref<128x128xf32, #tpu.memory_space<vmem>>) target(%dma_start3A_322 : memref<128x128xf32, #tpu.memory_space<hbm>>) target_semaphore(%run_scoped3A : memref<!tpu.dma_semaphore, #tpu.memory_space<semaphore_mem>>)
      %dma_wait3A_323 = arith.constant 0 : i32
      %dma_wait3A_324 = tpu.memref_slice %arg5[%arg0, %add3A_293, %dma_wait3A_323] : memref<2x10240x128xf32, #tpu.memory_space<hbm>> -> memref<1x128x128xf32, #tpu.memory_space<hbm>>
      %dma_wait3A_325 = tpu.memref_squeeze %dma_wait3A_324 : memref<1x128x128xf32, #tpu.memory_space<hbm>> -> memref<128x128xf32, #tpu.memory_space<hbm>>
      %dma_wait3A_326 = arith.constant 0 : i32
      %dma_wait3A_327 = tpu.memref_slice %arg5[%arg0, %add3A_293, %dma_wait3A_326] : memref<2x10240x128xf32, #tpu.memory_space<hbm>> -> memref<1x128x128xf32, #tpu.memory_space<hbm>>
      %dma_wait3A_328 = tpu.memref_squeeze %dma_wait3A_327 : memref<1x128x128xf32, #tpu.memory_space<hbm>> -> memref<128x128xf32, #tpu.memory_space<hbm>>
      tpu.wait_dma2 semaphore(%run_scoped3A : memref<!tpu.dma_semaphore, #tpu.memory_space<semaphore_mem>>) src(%arg11 : memref<128x128xf32, #tpu.memory_space<vmem>>) dst(%dma_wait3A_328 : memref<128x128xf32, #tpu.memory_space<hbm>>)
      tpu.yield
    }) : () -> ()
    %mul3A_294 = arith.constant 640 : i32
    %mul3A_295 = arith.muli %arg1, %mul3A_294 : i32
    %add3A_296 = arith.constant 384 : i32
    %add3A_297 = arith.addi %mul3A_295, %add3A_296 : i32
    "tpu.region"() ({
      %run_scoped3A = tpu.sem_alloc : memref<!tpu.dma_semaphore, #tpu.memory_space<semaphore_mem>>
      %dma_start3A_317 = arith.constant 0 : i32
      %dma_start3A_318 = tpu.memref_slice %arg13[%add3A_297, %dma_start3A_317] : memref<10240x128xf32, #tpu.memory_space<vmem_shared>> -> memref<128x128xf32, #tpu.memory_space<vmem_shared>>
      %dma_start3A_319 = arith.constant 0 : i32
      %dma_start3A_320 = tpu.memref_slice %arg13[%add3A_297, %dma_start3A_319] : memref<10240x128xf32, #tpu.memory_space<vmem_shared>> -> memref<128x128xf32, #tpu.memory_space<vmem_shared>>
      tpu.enqueue_dma source(%dma_start3A_320 : memref<128x128xf32, #tpu.memory_space<vmem_shared>>) target(%arg11 : memref<128x128xf32, #tpu.memory_space<vmem>>) target_semaphore(%run_scoped3A : memref<!tpu.dma_semaphore, #tpu.memory_space<semaphore_mem>>)
      %dma_wait3A_321 = arith.constant 0 : i32
      %dma_wait3A_322 = tpu.memref_slice %arg13[%add3A_297, %dma_wait3A_321] : memref<10240x128xf32, #tpu.memory_space<vmem_shared>> -> memref<128x128xf32, #tpu.memory_space<vmem_shared>>
      %dma_wait3A_323 = arith.constant 0 : i32
      %dma_wait3A_324 = tpu.memref_slice %arg13[%add3A_297, %dma_wait3A_323] : memref<10240x128xf32, #tpu.memory_space<vmem_shared>> -> memref<128x128xf32, #tpu.memory_space<vmem_shared>>
      tpu.wait_dma2 semaphore(%run_scoped3A : memref<!tpu.dma_semaphore, #tpu.memory_space<semaphore_mem>>) src(%dma_wait3A_324 : memref<128x128xf32, #tpu.memory_space<vmem_shared>>) dst(%arg11 : memref<128x128xf32, #tpu.memory_space<vmem>>)
      tpu.yield
    }) : () -> ()
    %mul3A_298 = arith.constant 640 : i32
    %mul3A_299 = arith.muli %arg1, %mul3A_298 : i32
    %add3A_300 = arith.constant 384 : i32
    %add3A_301 = arith.addi %mul3A_299, %add3A_300 : i32
    "tpu.region"() ({
      %run_scoped3A = tpu.sem_alloc : memref<!tpu.dma_semaphore, #tpu.memory_space<semaphore_mem>>
      %dma_start3A_317 = arith.constant 0 : i32
      %dma_start3A_318 = tpu.memref_slice %arg5[%arg0, %add3A_301, %dma_start3A_317] : memref<2x10240x128xf32, #tpu.memory_space<hbm>> -> memref<1x128x128xf32, #tpu.memory_space<hbm>>
      %dma_start3A_319 = tpu.memref_squeeze %dma_start3A_318 : memref<1x128x128xf32, #tpu.memory_space<hbm>> -> memref<128x128xf32, #tpu.memory_space<hbm>>
      %dma_start3A_320 = arith.constant 0 : i32
      %dma_start3A_321 = tpu.memref_slice %arg5[%arg0, %add3A_301, %dma_start3A_320] : memref<2x10240x128xf32, #tpu.memory_space<hbm>> -> memref<1x128x128xf32, #tpu.memory_space<hbm>>
      %dma_start3A_322 = tpu.memref_squeeze %dma_start3A_321 : memref<1x128x128xf32, #tpu.memory_space<hbm>> -> memref<128x128xf32, #tpu.memory_space<hbm>>
      tpu.enqueue_dma source(%arg11 : memref<128x128xf32, #tpu.memory_space<vmem>>) target(%dma_start3A_322 : memref<128x128xf32, #tpu.memory_space<hbm>>) target_semaphore(%run_scoped3A : memref<!tpu.dma_semaphore, #tpu.memory_space<semaphore_mem>>)
      %dma_wait3A_323 = arith.constant 0 : i32
      %dma_wait3A_324 = tpu.memref_slice %arg5[%arg0, %add3A_301, %dma_wait3A_323] : memref<2x10240x128xf32, #tpu.memory_space<hbm>> -> memref<1x128x128xf32, #tpu.memory_space<hbm>>
      %dma_wait3A_325 = tpu.memref_squeeze %dma_wait3A_324 : memref<1x128x128xf32, #tpu.memory_space<hbm>> -> memref<128x128xf32, #tpu.memory_space<hbm>>
      %dma_wait3A_326 = arith.constant 0 : i32
      %dma_wait3A_327 = tpu.memref_slice %arg5[%arg0, %add3A_301, %dma_wait3A_326] : memref<2x10240x128xf32, #tpu.memory_space<hbm>> -> memref<1x128x128xf32, #tpu.memory_space<hbm>>
      %dma_wait3A_328 = tpu.memref_squeeze %dma_wait3A_327 : memref<1x128x128xf32, #tpu.memory_space<hbm>> -> memref<128x128xf32, #tpu.memory_space<hbm>>
      tpu.wait_dma2 semaphore(%run_scoped3A : memref<!tpu.dma_semaphore, #tpu.memory_space<semaphore_mem>>) src(%arg11 : memref<128x128xf32, #tpu.memory_space<vmem>>) dst(%dma_wait3A_328 : memref<128x128xf32, #tpu.memory_space<hbm>>)
      tpu.yield
    }) : () -> ()
    %mul3A_302 = arith.constant 640 : i32
    %mul3A_303 = arith.muli %arg1, %mul3A_302 : i32
    %add3A_304 = arith.constant 512 : i32
    %add3A_305 = arith.addi %mul3A_303, %add3A_304 : i32
    "tpu.region"() ({
      %run_scoped3A = tpu.sem_alloc : memref<!tpu.dma_semaphore, #tpu.memory_space<semaphore_mem>>
      %dma_start3A_317 = arith.constant 0 : i32
      %dma_start3A_318 = tpu.memref_slice %arg13[%add3A_305, %dma_start3A_317] : memref<10240x128xf32, #tpu.memory_space<vmem_shared>> -> memref<128x128xf32, #tpu.memory_space<vmem_shared>>
      %dma_start3A_319 = arith.constant 0 : i32
      %dma_start3A_320 = tpu.memref_slice %arg13[%add3A_305, %dma_start3A_319] : memref<10240x128xf32, #tpu.memory_space<vmem_shared>> -> memref<128x128xf32, #tpu.memory_space<vmem_shared>>
      tpu.enqueue_dma source(%dma_start3A_320 : memref<128x128xf32, #tpu.memory_space<vmem_shared>>) target(%arg11 : memref<128x128xf32, #tpu.memory_space<vmem>>) target_semaphore(%run_scoped3A : memref<!tpu.dma_semaphore, #tpu.memory_space<semaphore_mem>>)
      %dma_wait3A_321 = arith.constant 0 : i32
      %dma_wait3A_322 = tpu.memref_slice %arg13[%add3A_305, %dma_wait3A_321] : memref<10240x128xf32, #tpu.memory_space<vmem_shared>> -> memref<128x128xf32, #tpu.memory_space<vmem_shared>>
      %dma_wait3A_323 = arith.constant 0 : i32
      %dma_wait3A_324 = tpu.memref_slice %arg13[%add3A_305, %dma_wait3A_323] : memref<10240x128xf32, #tpu.memory_space<vmem_shared>> -> memref<128x128xf32, #tpu.memory_space<vmem_shared>>
      tpu.wait_dma2 semaphore(%run_scoped3A : memref<!tpu.dma_semaphore, #tpu.memory_space<semaphore_mem>>) src(%dma_wait3A_324 : memref<128x128xf32, #tpu.memory_space<vmem_shared>>) dst(%arg11 : memref<128x128xf32, #tpu.memory_space<vmem>>)
      tpu.yield
    }) : () -> ()
    %mul3A_306 = arith.constant 640 : i32
    %mul3A_307 = arith.muli %arg1, %mul3A_306 : i32
    %add3A_308 = arith.constant 512 : i32
    %add3A_309 = arith.addi %mul3A_307, %add3A_308 : i32
    "tpu.region"() ({
      %run_scoped3A = tpu.sem_alloc : memref<!tpu.dma_semaphore, #tpu.memory_space<semaphore_mem>>
      %dma_start3A_317 = arith.constant 0 : i32
      %dma_start3A_318 = tpu.memref_slice %arg5[%arg0, %add3A_309, %dma_start3A_317] : memref<2x10240x128xf32, #tpu.memory_space<hbm>> -> memref<1x128x128xf32, #tpu.memory_space<hbm>>
      %dma_start3A_319 = tpu.memref_squeeze %dma_start3A_318 : memref<1x128x128xf32, #tpu.memory_space<hbm>> -> memref<128x128xf32, #tpu.memory_space<hbm>>
      %dma_start3A_320 = arith.constant 0 : i32
      %dma_start3A_321 = tpu.memref_slice %arg5[%arg0, %add3A_309, %dma_start3A_320] : memref<2x10240x128xf32, #tpu.memory_space<hbm>> -> memref<1x128x128xf32, #tpu.memory_space<hbm>>
      %dma_start3A_322 = tpu.memref_squeeze %dma_start3A_321 : memref<1x128x128xf32, #tpu.memory_space<hbm>> -> memref<128x128xf32, #tpu.memory_space<hbm>>
      tpu.enqueue_dma source(%arg11 : memref<128x128xf32, #tpu.memory_space<vmem>>) target(%dma_start3A_322 : memref<128x128xf32, #tpu.memory_space<hbm>>) target_semaphore(%run_scoped3A : memref<!tpu.dma_semaphore, #tpu.memory_space<semaphore_mem>>)
      %dma_wait3A_323 = arith.constant 0 : i32
      %dma_wait3A_324 = tpu.memref_slice %arg5[%arg0, %add3A_309, %dma_wait3A_323] : memref<2x10240x128xf32, #tpu.memory_space<hbm>> -> memref<1x128x128xf32, #tpu.memory_space<hbm>>
      %dma_wait3A_325 = tpu.memref_squeeze %dma_wait3A_324 : memref<1x128x128xf32, #tpu.memory_space<hbm>> -> memref<128x128xf32, #tpu.memory_space<hbm>>
      %dma_wait3A_326 = arith.constant 0 : i32
      %dma_wait3A_327 = tpu.memref_slice %arg5[%arg0, %add3A_309, %dma_wait3A_326] : memref<2x10240x128xf32, #tpu.memory_space<hbm>> -> memref<1x128x128xf32, #tpu.memory_space<hbm>>
      %dma_wait3A_328 = tpu.memref_squeeze %dma_wait3A_327 : memref<1x128x128xf32, #tpu.memory_space<hbm>> -> memref<128x128xf32, #tpu.memory_space<hbm>>
      tpu.wait_dma2 semaphore(%run_scoped3A : memref<!tpu.dma_semaphore, #tpu.memory_space<semaphore_mem>>) src(%arg11 : memref<128x128xf32, #tpu.memory_space<vmem>>) dst(%dma_wait3A_328 : memref<128x128xf32, #tpu.memory_space<hbm>>)
      tpu.yield
    }) : () -> ()
    %mul3A_310 = arith.constant 640 : i32
    %mul3A_311 = arith.muli %arg1, %mul3A_310 : i32
    "tpu.region"() ({
      %run_scoped3A = tpu.sem_alloc : memref<!tpu.dma_semaphore, #tpu.memory_space<semaphore_mem>>
      %dma_start3A_317 = tpu.memref_slice %arg22[%mul3A_311] : memref<10240xf32, #tpu.memory_space<vmem_shared>> -> memref<640xf32, #tpu.memory_space<vmem_shared>>
      %dma_start3A_318 = tpu.memref_slice %arg22[%mul3A_311] : memref<10240xf32, #tpu.memory_space<vmem_shared>> -> memref<640xf32, #tpu.memory_space<vmem_shared>>
      tpu.enqueue_dma source(%dma_start3A_318 : memref<640xf32, #tpu.memory_space<vmem_shared>>) target(%arg21 : memref<640xf32, #tpu.memory_space<vmem>>) target_semaphore(%run_scoped3A : memref<!tpu.dma_semaphore, #tpu.memory_space<semaphore_mem>>)
      %dma_wait3A_319 = tpu.memref_slice %arg22[%mul3A_311] : memref<10240xf32, #tpu.memory_space<vmem_shared>> -> memref<640xf32, #tpu.memory_space<vmem_shared>>
      %dma_wait3A_320 = tpu.memref_slice %arg22[%mul3A_311] : memref<10240xf32, #tpu.memory_space<vmem_shared>> -> memref<640xf32, #tpu.memory_space<vmem_shared>>
      tpu.wait_dma2 semaphore(%run_scoped3A : memref<!tpu.dma_semaphore, #tpu.memory_space<semaphore_mem>>) src(%dma_wait3A_320 : memref<640xf32, #tpu.memory_space<vmem_shared>>) dst(%arg21 : memref<640xf32, #tpu.memory_space<vmem>>)
      tpu.yield
    }) : () -> ()
    %mul3A_312 = arith.constant 10240 : i32
    %mul3A_313 = arith.muli %arg0, %mul3A_312 : i32
    %mul3A_314 = arith.constant 640 : i32
    %mul3A_315 = arith.muli %arg1, %mul3A_314 : i32
    %add3A_316 = arith.addi %mul3A_313, %mul3A_315 : i32
    "tpu.region"() ({
      %run_scoped3A = tpu.sem_alloc : memref<!tpu.dma_semaphore, #tpu.memory_space<semaphore_mem>>
      %dma_start3A_317 = tpu.memref_slice %arg6[%add3A_316] : memref<20480xf32, #tpu.memory_space<hbm>> -> memref<640xf32, #tpu.memory_space<hbm>>
      %dma_start3A_318 = tpu.memref_slice %arg6[%add3A_316] : memref<20480xf32, #tpu.memory_space<hbm>> -> memref<640xf32, #tpu.memory_space<hbm>>
      tpu.enqueue_dma source(%arg21 : memref<640xf32, #tpu.memory_space<vmem>>) target(%dma_start3A_318 : memref<640xf32, #tpu.memory_space<hbm>>) target_semaphore(%run_scoped3A : memref<!tpu.dma_semaphore, #tpu.memory_space<semaphore_mem>>)
      %dma_wait3A_319 = tpu.memref_slice %arg6[%add3A_316] : memref<20480xf32, #tpu.memory_space<hbm>> -> memref<640xf32, #tpu.memory_space<hbm>>
      %dma_wait3A_320 = tpu.memref_slice %arg6[%add3A_316] : memref<20480xf32, #tpu.memory_space<hbm>> -> memref<640xf32, #tpu.memory_space<hbm>>
      tpu.wait_dma2 semaphore(%run_scoped3A : memref<!tpu.dma_semaphore, #tpu.memory_space<semaphore_mem>>) src(%arg21 : memref<640xf32, #tpu.memory_space<vmem>>) dst(%dma_wait3A_320 : memref<640xf32, #tpu.memory_space<hbm>>)
      tpu.yield
    }) : () -> ()
    return
  }
}

#map = affine_map<(d0, d1) -> (0, 0)>
#map1 = affine_map<(d0, d1) -> (0, 0, 0)>
module attributes {stable_mosaic.version = 14 : i64} {
  func.func @_seg_body(%arg0: i32, %arg1: i32, %arg2: memref<10000x128xf32, #tpu.memory_space<hbm>>, %arg3: memref<2560x128xi32, #tpu.memory_space<hbm>>, %arg4: memref<2560x128xi32, #tpu.memory_space<hbm>>, %arg5: memref<2x10240x128xf32, #tpu.memory_space<hbm>>, %arg6: memref<8x128xi32, #tpu.memory_space<vmem>>, %arg7: memref<8x128xi32, #tpu.memory_space<vmem>>, %arg8: memref<8x128xi32, #tpu.memory_space<vmem>>, %arg9: memref<8x128xi32, #tpu.memory_space<vmem>>, %arg10: memref<128x128xf32, #tpu.memory_space<vmem>>, %arg11: memref<128x128xf32, #tpu.memory_space<vmem>>, %arg12: memref<10240x128xf32, #tpu.memory_space<vmem_shared>>, %arg13: memref<!tpu.dma_semaphore, #tpu.memory_space<semaphore_mem>>, %arg14: memref<!tpu.dma_semaphore, #tpu.memory_space<semaphore_mem>>, %arg15: memref<!tpu.dma_semaphore, #tpu.memory_space<semaphore_mem>>, %arg16: memref<!tpu.dma_semaphore, #tpu.memory_space<semaphore_mem>>, %arg17: memref<!tpu.dma_semaphore, #tpu.memory_space<semaphore_mem>>, %arg18: memref<!tpu.dma_semaphore, #tpu.memory_space<semaphore_mem>>) attributes {dimension_semantics = [#tpu.dimension_semantics<core_parallel>, #tpu.dimension_semantics<subcore_parallel>], iteration_bounds = array<i64: 2, 16>, scalar_prefetch = 0 : i64, scratch_operands = 13 : i64, tpu.core_type = #tpu.core_type<sc_vector_subcore>, window_params = [{transform_indices = #map}, {transform_indices = #map}, {transform_indices = #map}, {transform_indices = #map1}]} {
    %mul3A = arith.constant 2 : i32
    %mul3A_0 = arith.muli %arg1, %mul3A : i32
    %add3A = arith.addi %mul3A_0, %arg0 : i32
    %broadcast_in_dim3A = arith.constant 0.000000e+00 : f32
    %broadcast_in_dim3A_1 = vector.broadcast %broadcast_in_dim3A : f32 to vector<16xf32>
    %scan3A = arith.constant 0 : i32
    %scan3A_2 = arith.constant 0 : i32
    %scan3A_3 = arith.constant 128 : i32
    %scan3A_4 = arith.addi %scan3A_2, %scan3A_3 : i32
    %scan3A_5 = arith.constant 1 : i32
    scf.for %scan3A_115 = %scan3A_2 to %scan3A_4 step %scan3A_5  : i32 {
      %swap3A = arith.index_cast %scan3A_115 : i32 to index
      %swap3A_116 = arith.constant 0 : index
      %swap3A_117 = tpu.vector_load %arg10[%swap3A, %swap3A_116] {strides = array<i32>} : memref<128x128xf32, #tpu.memory_space<vmem>>, vector<1x16xf32>,
      %swap3A_118 = vector.shape_cast %swap3A_117 : vector<1x16xf32> to vector<16xf32>
      %swap3A_119 = vector.shape_cast %broadcast_in_dim3A_1 : vector<16xf32> to vector<1x16xf32>
      tpu.vector_store %arg10[%swap3A, %swap3A_116], %swap3A_119 {strides = array<i32>} : memref<128x128xf32, #tpu.memory_space<vmem>>, vector<1x16xf32>,
      %swap3A_120 = arith.index_cast %scan3A_115 : i32 to index
      %swap3A_121 = arith.constant 16 : index
      %swap3A_122 = tpu.vector_load %arg10[%swap3A_120, %swap3A_121] {strides = array<i32>} : memref<128x128xf32, #tpu.memory_space<vmem>>, vector<1x16xf32>,
      %swap3A_123 = vector.shape_cast %swap3A_122 : vector<1x16xf32> to vector<16xf32>
      %swap3A_124 = vector.shape_cast %broadcast_in_dim3A_1 : vector<16xf32> to vector<1x16xf32>
      tpu.vector_store %arg10[%swap3A_120, %swap3A_121], %swap3A_124 {strides = array<i32>} : memref<128x128xf32, #tpu.memory_space<vmem>>, vector<1x16xf32>,
      %swap3A_125 = arith.index_cast %scan3A_115 : i32 to index
      %swap3A_126 = arith.constant 32 : index
      %swap3A_127 = tpu.vector_load %arg10[%swap3A_125, %swap3A_126] {strides = array<i32>} : memref<128x128xf32, #tpu.memory_space<vmem>>, vector<1x16xf32>,
      %swap3A_128 = vector.shape_cast %swap3A_127 : vector<1x16xf32> to vector<16xf32>
      %swap3A_129 = vector.shape_cast %broadcast_in_dim3A_1 : vector<16xf32> to vector<1x16xf32>
      tpu.vector_store %arg10[%swap3A_125, %swap3A_126], %swap3A_129 {strides = array<i32>} : memref<128x128xf32, #tpu.memory_space<vmem>>, vector<1x16xf32>,
      %swap3A_130 = arith.index_cast %scan3A_115 : i32 to index
      %swap3A_131 = arith.constant 48 : index
      %swap3A_132 = tpu.vector_load %arg10[%swap3A_130, %swap3A_131] {strides = array<i32>} : memref<128x128xf32, #tpu.memory_space<vmem>>, vector<1x16xf32>,
      %swap3A_133 = vector.shape_cast %swap3A_132 : vector<1x16xf32> to vector<16xf32>
      %swap3A_134 = vector.shape_cast %broadcast_in_dim3A_1 : vector<16xf32> to vector<1x16xf32>
      tpu.vector_store %arg10[%swap3A_130, %swap3A_131], %swap3A_134 {strides = array<i32>} : memref<128x128xf32, #tpu.memory_space<vmem>>, vector<1x16xf32>,
      %swap3A_135 = arith.index_cast %scan3A_115 : i32 to index
      %swap3A_136 = arith.constant 64 : index
      %swap3A_137 = tpu.vector_load %arg10[%swap3A_135, %swap3A_136] {strides = array<i32>} : memref<128x128xf32, #tpu.memory_space<vmem>>, vector<1x16xf32>,
      %swap3A_138 = vector.shape_cast %swap3A_137 : vector<1x16xf32> to vector<16xf32>
      %swap3A_139 = vector.shape_cast %broadcast_in_dim3A_1 : vector<16xf32> to vector<1x16xf32>
      tpu.vector_store %arg10[%swap3A_135, %swap3A_136], %swap3A_139 {strides = array<i32>} : memref<128x128xf32, #tpu.memory_space<vmem>>, vector<1x16xf32>,
      %swap3A_140 = arith.index_cast %scan3A_115 : i32 to index
      %swap3A_141 = arith.constant 80 : index
      %swap3A_142 = tpu.vector_load %arg10[%swap3A_140, %swap3A_141] {strides = array<i32>} : memref<128x128xf32, #tpu.memory_space<vmem>>, vector<1x16xf32>,
      %swap3A_143 = vector.shape_cast %swap3A_142 : vector<1x16xf32> to vector<16xf32>
      %swap3A_144 = vector.shape_cast %broadcast_in_dim3A_1 : vector<16xf32> to vector<1x16xf32>
      tpu.vector_store %arg10[%swap3A_140, %swap3A_141], %swap3A_144 {strides = array<i32>} : memref<128x128xf32, #tpu.memory_space<vmem>>, vector<1x16xf32>,
      %swap3A_145 = arith.index_cast %scan3A_115 : i32 to index
      %swap3A_146 = arith.constant 96 : index
      %swap3A_147 = tpu.vector_load %arg10[%swap3A_145, %swap3A_146] {strides = array<i32>} : memref<128x128xf32, #tpu.memory_space<vmem>>, vector<1x16xf32>,
      %swap3A_148 = vector.shape_cast %swap3A_147 : vector<1x16xf32> to vector<16xf32>
      %swap3A_149 = vector.shape_cast %broadcast_in_dim3A_1 : vector<16xf32> to vector<1x16xf32>
      tpu.vector_store %arg10[%swap3A_145, %swap3A_146], %swap3A_149 {strides = array<i32>} : memref<128x128xf32, #tpu.memory_space<vmem>>, vector<1x16xf32>,
      %swap3A_150 = arith.index_cast %scan3A_115 : i32 to index
      %swap3A_151 = arith.constant 112 : index
      %swap3A_152 = tpu.vector_load %arg10[%swap3A_150, %swap3A_151] {strides = array<i32>} : memref<128x128xf32, #tpu.memory_space<vmem>>, vector<1x16xf32>,
      %swap3A_153 = vector.shape_cast %swap3A_152 : vector<1x16xf32> to vector<16xf32>
      %swap3A_154 = vector.shape_cast %broadcast_in_dim3A_1 : vector<16xf32> to vector<1x16xf32>
      tpu.vector_store %arg10[%swap3A_150, %swap3A_151], %swap3A_154 {strides = array<i32>} : memref<128x128xf32, #tpu.memory_space<vmem>>, vector<1x16xf32>,
    }
    %scan3A_6 = arith.constant 128 : i32
    %mul3A_7 = arith.constant 640 : i32
    %mul3A_8 = arith.muli %arg1, %mul3A_7 : i32
    %add3A_9 = arith.constant 0 : i32
    %add3A_10 = arith.addi %mul3A_8, %add3A_9 : i32
    "tpu.region"() ({
      %run_scoped3A = tpu.sem_alloc : memref<!tpu.dma_semaphore, #tpu.memory_space<semaphore_mem>>
      %dma_start3A_115 = arith.constant 0 : i32
      %dma_start3A_116 = tpu.memref_slice %arg12[%add3A_10, %dma_start3A_115] : memref<10240x128xf32, #tpu.memory_space<vmem_shared>> -> memref<128x128xf32, #tpu.memory_space<vmem_shared>>
      %dma_start3A_117 = arith.constant 0 : i32
      %dma_start3A_118 = tpu.memref_slice %arg12[%add3A_10, %dma_start3A_117] : memref<10240x128xf32, #tpu.memory_space<vmem_shared>> -> memref<128x128xf32, #tpu.memory_space<vmem_shared>>
      tpu.enqueue_dma source(%arg10 : memref<128x128xf32, #tpu.memory_space<vmem>>) target(%dma_start3A_118 : memref<128x128xf32, #tpu.memory_space<vmem_shared>>) target_semaphore(%run_scoped3A : memref<!tpu.dma_semaphore, #tpu.memory_space<semaphore_mem>>)
      %dma_wait3A_119 = arith.constant 0 : i32
      %dma_wait3A_120 = tpu.memref_slice %arg12[%add3A_10, %dma_wait3A_119] : memref<10240x128xf32, #tpu.memory_space<vmem_shared>> -> memref<128x128xf32, #tpu.memory_space<vmem_shared>>
      %dma_wait3A_121 = arith.constant 0 : i32
      %dma_wait3A_122 = tpu.memref_slice %arg12[%add3A_10, %dma_wait3A_121] : memref<10240x128xf32, #tpu.memory_space<vmem_shared>> -> memref<128x128xf32, #tpu.memory_space<vmem_shared>>
      tpu.wait_dma2 semaphore(%run_scoped3A : memref<!tpu.dma_semaphore, #tpu.memory_space<semaphore_mem>>) src(%arg10 : memref<128x128xf32, #tpu.memory_space<vmem>>) dst(%dma_wait3A_122 : memref<128x128xf32, #tpu.memory_space<vmem_shared>>)
      tpu.yield
    }) : () -> ()
    %mul3A_11 = arith.constant 640 : i32
    %mul3A_12 = arith.muli %arg1, %mul3A_11 : i32
    %add3A_13 = arith.constant 128 : i32
    %add3A_14 = arith.addi %mul3A_12, %add3A_13 : i32
    "tpu.region"() ({
      %run_scoped3A = tpu.sem_alloc : memref<!tpu.dma_semaphore, #tpu.memory_space<semaphore_mem>>
      %dma_start3A_115 = arith.constant 0 : i32
      %dma_start3A_116 = tpu.memref_slice %arg12[%add3A_14, %dma_start3A_115] : memref<10240x128xf32, #tpu.memory_space<vmem_shared>> -> memref<128x128xf32, #tpu.memory_space<vmem_shared>>
      %dma_start3A_117 = arith.constant 0 : i32
      %dma_start3A_118 = tpu.memref_slice %arg12[%add3A_14, %dma_start3A_117] : memref<10240x128xf32, #tpu.memory_space<vmem_shared>> -> memref<128x128xf32, #tpu.memory_space<vmem_shared>>
      tpu.enqueue_dma source(%arg10 : memref<128x128xf32, #tpu.memory_space<vmem>>) target(%dma_start3A_118 : memref<128x128xf32, #tpu.memory_space<vmem_shared>>) target_semaphore(%run_scoped3A : memref<!tpu.dma_semaphore, #tpu.memory_space<semaphore_mem>>)
      %dma_wait3A_119 = arith.constant 0 : i32
      %dma_wait3A_120 = tpu.memref_slice %arg12[%add3A_14, %dma_wait3A_119] : memref<10240x128xf32, #tpu.memory_space<vmem_shared>> -> memref<128x128xf32, #tpu.memory_space<vmem_shared>>
      %dma_wait3A_121 = arith.constant 0 : i32
      %dma_wait3A_122 = tpu.memref_slice %arg12[%add3A_14, %dma_wait3A_121] : memref<10240x128xf32, #tpu.memory_space<vmem_shared>> -> memref<128x128xf32, #tpu.memory_space<vmem_shared>>
      tpu.wait_dma2 semaphore(%run_scoped3A : memref<!tpu.dma_semaphore, #tpu.memory_space<semaphore_mem>>) src(%arg10 : memref<128x128xf32, #tpu.memory_space<vmem>>) dst(%dma_wait3A_122 : memref<128x128xf32, #tpu.memory_space<vmem_shared>>)
      tpu.yield
    }) : () -> ()
    %mul3A_15 = arith.constant 640 : i32
    %mul3A_16 = arith.muli %arg1, %mul3A_15 : i32
    %add3A_17 = arith.constant 256 : i32
    %add3A_18 = arith.addi %mul3A_16, %add3A_17 : i32
    "tpu.region"() ({
      %run_scoped3A = tpu.sem_alloc : memref<!tpu.dma_semaphore, #tpu.memory_space<semaphore_mem>>
      %dma_start3A_115 = arith.constant 0 : i32
      %dma_start3A_116 = tpu.memref_slice %arg12[%add3A_18, %dma_start3A_115] : memref<10240x128xf32, #tpu.memory_space<vmem_shared>> -> memref<128x128xf32, #tpu.memory_space<vmem_shared>>
      %dma_start3A_117 = arith.constant 0 : i32
      %dma_start3A_118 = tpu.memref_slice %arg12[%add3A_18, %dma_start3A_117] : memref<10240x128xf32, #tpu.memory_space<vmem_shared>> -> memref<128x128xf32, #tpu.memory_space<vmem_shared>>
      tpu.enqueue_dma source(%arg10 : memref<128x128xf32, #tpu.memory_space<vmem>>) target(%dma_start3A_118 : memref<128x128xf32, #tpu.memory_space<vmem_shared>>) target_semaphore(%run_scoped3A : memref<!tpu.dma_semaphore, #tpu.memory_space<semaphore_mem>>)
      %dma_wait3A_119 = arith.constant 0 : i32
      %dma_wait3A_120 = tpu.memref_slice %arg12[%add3A_18, %dma_wait3A_119] : memref<10240x128xf32, #tpu.memory_space<vmem_shared>> -> memref<128x128xf32, #tpu.memory_space<vmem_shared>>
      %dma_wait3A_121 = arith.constant 0 : i32
      %dma_wait3A_122 = tpu.memref_slice %arg12[%add3A_18, %dma_wait3A_121] : memref<10240x128xf32, #tpu.memory_space<vmem_shared>> -> memref<128x128xf32, #tpu.memory_space<vmem_shared>>
      tpu.wait_dma2 semaphore(%run_scoped3A : memref<!tpu.dma_semaphore, #tpu.memory_space<semaphore_mem>>) src(%arg10 : memref<128x128xf32, #tpu.memory_space<vmem>>) dst(%dma_wait3A_122 : memref<128x128xf32, #tpu.memory_space<vmem_shared>>)
      tpu.yield
    }) : () -> ()
    %mul3A_19 = arith.constant 640 : i32
    %mul3A_20 = arith.muli %arg1, %mul3A_19 : i32
    %add3A_21 = arith.constant 384 : i32
    %add3A_22 = arith.addi %mul3A_20, %add3A_21 : i32
    "tpu.region"() ({
      %run_scoped3A = tpu.sem_alloc : memref<!tpu.dma_semaphore, #tpu.memory_space<semaphore_mem>>
      %dma_start3A_115 = arith.constant 0 : i32
      %dma_start3A_116 = tpu.memref_slice %arg12[%add3A_22, %dma_start3A_115] : memref<10240x128xf32, #tpu.memory_space<vmem_shared>> -> memref<128x128xf32, #tpu.memory_space<vmem_shared>>
      %dma_start3A_117 = arith.constant 0 : i32
      %dma_start3A_118 = tpu.memref_slice %arg12[%add3A_22, %dma_start3A_117] : memref<10240x128xf32, #tpu.memory_space<vmem_shared>> -> memref<128x128xf32, #tpu.memory_space<vmem_shared>>
      tpu.enqueue_dma source(%arg10 : memref<128x128xf32, #tpu.memory_space<vmem>>) target(%dma_start3A_118 : memref<128x128xf32, #tpu.memory_space<vmem_shared>>) target_semaphore(%run_scoped3A : memref<!tpu.dma_semaphore, #tpu.memory_space<semaphore_mem>>)
      %dma_wait3A_119 = arith.constant 0 : i32
      %dma_wait3A_120 = tpu.memref_slice %arg12[%add3A_22, %dma_wait3A_119] : memref<10240x128xf32, #tpu.memory_space<vmem_shared>> -> memref<128x128xf32, #tpu.memory_space<vmem_shared>>
      %dma_wait3A_121 = arith.constant 0 : i32
      %dma_wait3A_122 = tpu.memref_slice %arg12[%add3A_22, %dma_wait3A_121] : memref<10240x128xf32, #tpu.memory_space<vmem_shared>> -> memref<128x128xf32, #tpu.memory_space<vmem_shared>>
      tpu.wait_dma2 semaphore(%run_scoped3A : memref<!tpu.dma_semaphore, #tpu.memory_space<semaphore_mem>>) src(%arg10 : memref<128x128xf32, #tpu.memory_space<vmem>>) dst(%dma_wait3A_122 : memref<128x128xf32, #tpu.memory_space<vmem_shared>>)
      tpu.yield
    }) : () -> ()
    %mul3A_23 = arith.constant 640 : i32
    %mul3A_24 = arith.muli %arg1, %mul3A_23 : i32
    %add3A_25 = arith.constant 512 : i32
    %add3A_26 = arith.addi %mul3A_24, %add3A_25 : i32
    "tpu.region"() ({
      %run_scoped3A = tpu.sem_alloc : memref<!tpu.dma_semaphore, #tpu.memory_space<semaphore_mem>>
      %dma_start3A_115 = arith.constant 0 : i32
      %dma_start3A_116 = tpu.memref_slice %arg12[%add3A_26, %dma_start3A_115] : memref<10240x128xf32, #tpu.memory_space<vmem_shared>> -> memref<128x128xf32, #tpu.memory_space<vmem_shared>>
      %dma_start3A_117 = arith.constant 0 : i32
      %dma_start3A_118 = tpu.memref_slice %arg12[%add3A_26, %dma_start3A_117] : memref<10240x128xf32, #tpu.memory_space<vmem_shared>> -> memref<128x128xf32, #tpu.memory_space<vmem_shared>>
      tpu.enqueue_dma source(%arg10 : memref<128x128xf32, #tpu.memory_space<vmem>>) target(%dma_start3A_118 : memref<128x128xf32, #tpu.memory_space<vmem_shared>>) target_semaphore(%run_scoped3A : memref<!tpu.dma_semaphore, #tpu.memory_space<semaphore_mem>>)
      %dma_wait3A_119 = arith.constant 0 : i32
      %dma_wait3A_120 = tpu.memref_slice %arg12[%add3A_26, %dma_wait3A_119] : memref<10240x128xf32, #tpu.memory_space<vmem_shared>> -> memref<128x128xf32, #tpu.memory_space<vmem_shared>>
      %dma_wait3A_121 = arith.constant 0 : i32
      %dma_wait3A_122 = tpu.memref_slice %arg12[%add3A_26, %dma_wait3A_121] : memref<10240x128xf32, #tpu.memory_space<vmem_shared>> -> memref<128x128xf32, #tpu.memory_space<vmem_shared>>
      tpu.wait_dma2 semaphore(%run_scoped3A : memref<!tpu.dma_semaphore, #tpu.memory_space<semaphore_mem>>) src(%arg10 : memref<128x128xf32, #tpu.memory_space<vmem>>) dst(%dma_wait3A_122 : memref<128x128xf32, #tpu.memory_space<vmem_shared>>)
      tpu.yield
    }) : () -> ()
    %barrier3A = arith.constant 0 : index
    tpu.barrier barrier_id(%barrier3A)
    %mul3A_27 = arith.constant 80 : i32
    %mul3A_28 = arith.muli %add3A, %mul3A_27 : i32
    %add3A_29 = arith.constant 0 : i32
    %add3A_30 = arith.addi %mul3A_28, %add3A_29 : i32
    "tpu.region"() ({
      %run_scoped3A = tpu.sem_alloc : memref<!tpu.dma_semaphore, #tpu.memory_space<semaphore_mem>>
      %dma_start3A_115 = arith.constant 0 : i32
      %dma_start3A_116 = tpu.memref_slice %arg3[%add3A_30, %dma_start3A_115] : memref<2560x128xi32, #tpu.memory_space<hbm>> -> memref<8x128xi32, #tpu.memory_space<hbm>>
      %dma_start3A_117 = arith.constant 0 : i32
      %dma_start3A_118 = tpu.memref_slice %arg3[%add3A_30, %dma_start3A_117] : memref<2560x128xi32, #tpu.memory_space<hbm>> -> memref<8x128xi32, #tpu.memory_space<hbm>>
      tpu.enqueue_dma source(%dma_start3A_118 : memref<8x128xi32, #tpu.memory_space<hbm>>) target(%arg6 : memref<8x128xi32, #tpu.memory_space<vmem>>) target_semaphore(%run_scoped3A : memref<!tpu.dma_semaphore, #tpu.memory_space<semaphore_mem>>)
      %dma_wait3A_119 = arith.constant 0 : i32
      %dma_wait3A_120 = tpu.memref_slice %arg3[%add3A_30, %dma_wait3A_119] : memref<2560x128xi32, #tpu.memory_space<hbm>> -> memref<8x128xi32, #tpu.memory_space<hbm>>
      %dma_wait3A_121 = arith.constant 0 : i32
      %dma_wait3A_122 = tpu.memref_slice %arg3[%add3A_30, %dma_wait3A_121] : memref<2560x128xi32, #tpu.memory_space<hbm>> -> memref<8x128xi32, #tpu.memory_space<hbm>>
      tpu.wait_dma2 semaphore(%run_scoped3A : memref<!tpu.dma_semaphore, #tpu.memory_space<semaphore_mem>>) src(%dma_wait3A_122 : memref<8x128xi32, #tpu.memory_space<hbm>>) dst(%arg6 : memref<8x128xi32, #tpu.memory_space<vmem>>)
      tpu.yield
    }) : () -> ()
    %mul3A_31 = arith.constant 80 : i32
    %mul3A_32 = arith.muli %add3A, %mul3A_31 : i32
    %add3A_33 = arith.constant 0 : i32
    %add3A_34 = arith.addi %mul3A_32, %add3A_33 : i32
    "tpu.region"() ({
      %run_scoped3A = tpu.sem_alloc : memref<!tpu.dma_semaphore, #tpu.memory_space<semaphore_mem>>
      %dma_start3A_115 = arith.constant 0 : i32
      %dma_start3A_116 = tpu.memref_slice %arg4[%add3A_34, %dma_start3A_115] : memref<2560x128xi32, #tpu.memory_space<hbm>> -> memref<8x128xi32, #tpu.memory_space<hbm>>
      %dma_start3A_117 = arith.constant 0 : i32
      %dma_start3A_118 = tpu.memref_slice %arg4[%add3A_34, %dma_start3A_117] : memref<2560x128xi32, #tpu.memory_space<hbm>> -> memref<8x128xi32, #tpu.memory_space<hbm>>
      tpu.enqueue_dma source(%dma_start3A_118 : memref<8x128xi32, #tpu.memory_space<hbm>>) target(%arg7 : memref<8x128xi32, #tpu.memory_space<vmem>>) target_semaphore(%run_scoped3A : memref<!tpu.dma_semaphore, #tpu.memory_space<semaphore_mem>>)
      %dma_wait3A_119 = arith.constant 0 : i32
      %dma_wait3A_120 = tpu.memref_slice %arg4[%add3A_34, %dma_wait3A_119] : memref<2560x128xi32, #tpu.memory_space<hbm>> -> memref<8x128xi32, #tpu.memory_space<hbm>>
      %dma_wait3A_121 = arith.constant 0 : i32
      %dma_wait3A_122 = tpu.memref_slice %arg4[%add3A_34, %dma_wait3A_121] : memref<2560x128xi32, #tpu.memory_space<hbm>> -> memref<8x128xi32, #tpu.memory_space<hbm>>
      tpu.wait_dma2 semaphore(%run_scoped3A : memref<!tpu.dma_semaphore, #tpu.memory_space<semaphore_mem>>) src(%dma_wait3A_122 : memref<8x128xi32, #tpu.memory_space<hbm>>) dst(%arg7 : memref<8x128xi32, #tpu.memory_space<vmem>>)
      tpu.yield
    }) : () -> ()
    %mul3A_35 = arith.constant 80 : i32
    %mul3A_36 = arith.muli %add3A, %mul3A_35 : i32
    %add3A_37 = arith.constant 8 : i32
    %add3A_38 = arith.addi %mul3A_36, %add3A_37 : i32
    %dma_start3A = arith.constant 0 : i32
    %dma_start3A_39 = tpu.memref_slice %arg3[%add3A_38, %dma_start3A] : memref<2560x128xi32, #tpu.memory_space<hbm>> -> memref<8x128xi32, #tpu.memory_space<hbm>>
    %dma_start3A_40 = arith.constant 0 : i32
    %dma_start3A_41 = tpu.memref_slice %arg3[%add3A_38, %dma_start3A_40] : memref<2560x128xi32, #tpu.memory_space<hbm>> -> memref<8x128xi32, #tpu.memory_space<hbm>>
    tpu.enqueue_dma source(%dma_start3A_41 : memref<8x128xi32, #tpu.memory_space<hbm>>) target(%arg8 : memref<8x128xi32, #tpu.memory_space<vmem>>) target_semaphore(%arg14 : memref<!tpu.dma_semaphore, #tpu.memory_space<semaphore_mem>>)
    %mul3A_42 = arith.constant 80 : i32
    %mul3A_43 = arith.muli %add3A, %mul3A_42 : i32
    %add3A_44 = arith.constant 8 : i32
    %add3A_45 = arith.addi %mul3A_43, %add3A_44 : i32
    %dma_start3A_46 = arith.constant 0 : i32
    %dma_start3A_47 = tpu.memref_slice %arg4[%add3A_45, %dma_start3A_46] : memref<2560x128xi32, #tpu.memory_space<hbm>> -> memref<8x128xi32, #tpu.memory_space<hbm>>
    %dma_start3A_48 = arith.constant 0 : i32
    %dma_start3A_49 = tpu.memref_slice %arg4[%add3A_45, %dma_start3A_48] : memref<2560x128xi32, #tpu.memory_space<hbm>> -> memref<8x128xi32, #tpu.memory_space<hbm>>
    tpu.enqueue_dma source(%dma_start3A_49 : memref<8x128xi32, #tpu.memory_space<hbm>>) target(%arg9 : memref<8x128xi32, #tpu.memory_space<vmem>>) target_semaphore(%arg14 : memref<!tpu.dma_semaphore, #tpu.memory_space<semaphore_mem>>)
    %dma_start3A_50 = arith.constant 0 : i32
    %dma_start3A_51 = arith.constant 0 : i32
    %dma_start3A_52 = tpu.memref_slice %arg6[%dma_start3A_50, %dma_start3A_51] : memref<8x128xi32, #tpu.memory_space<vmem>> -> memref<1x128xi32, #tpu.memory_space<vmem>>
    %dma_start3A_53 = tpu.memref_squeeze %dma_start3A_52 : memref<1x128xi32, #tpu.memory_space<vmem>> -> memref<128xi32, #tpu.memory_space<vmem>>
    %dma_start3A_54 = arith.constant 0 : i32
    %dma_start3A_55 = arith.constant 0 : i32
    %dma_start3A_56 = tpu.memref_slice %arg2[%dma_start3A_54, %dma_start3A_55] : memref<10000x128xf32, #tpu.memory_space<hbm>> -> memref<10000x128xf32, #tpu.memory_space<hbm>>
    tpu.enqueue_indirect_dma source(%dma_start3A_56 : memref<10000x128xf32, #tpu.memory_space<hbm>>) target(%arg10 : memref<128x128xf32, #tpu.memory_space<vmem>>) offsets(%dma_start3A_53 : memref<128xi32, #tpu.memory_space<vmem>>) semaphore(%arg15 : memref<!tpu.dma_semaphore, #tpu.memory_space<semaphore_mem>>)
    %scan3A_57 = arith.constant 0 : i32
    %scan3A_58 = arith.constant 0 : i32
    %scan3A_59 = arith.constant 5 : i32
    %scan3A_60 = arith.addi %scan3A_58, %scan3A_59 : i32
    %scan3A_61 = arith.constant 1 : i32
    scf.for %scan3A_115 = %scan3A_58 to %scan3A_60 step %scan3A_61  : i32 {
      %mul3A_116 = arith.constant 2 : i32
      %mul3A_117 = arith.muli %mul3A_116, %scan3A_115 : i32
      %add3A_118 = arith.constant 0 : i32
      %add3A_119 = arith.addi %mul3A_117, %add3A_118 : i32
      %gt3A = arith.constant 0 : i32
      %gt3A_120 = arith.cmpi sgt, %add3A_119, %gt3A : i32
      %convert_element_type3A = arith.extui %gt3A_120 : i1 to i32
      %cond3A = arith.constant 0 : i32
      %cond3A_121 = arith.cmpi ne, %convert_element_type3A, %cond3A : i32
      scf.if %cond3A_121 {
        %dma_wait3A_536 = arith.constant 0 : i32
        %dma_wait3A_537 = arith.constant 0 : i32
        %dma_wait3A_538 = tpu.memref_slice %arg12[%dma_wait3A_536, %dma_wait3A_537] : memref<10240x128xf32, #tpu.memory_space<vmem_shared>> -> memref<128x128xf32, #tpu.memory_space<vmem_shared>>
        %dma_wait3A_539 = arith.constant 0 : i32
        %dma_wait3A_540 = arith.constant 0 : i32
        %dma_wait3A_541 = tpu.memref_slice %arg12[%dma_wait3A_539, %dma_wait3A_540] : memref<10240x128xf32, #tpu.memory_space<vmem_shared>> -> memref<128x128xf32, #tpu.memory_space<vmem_shared>>
        tpu.wait_dma2 semaphore(%arg18 : memref<!tpu.dma_semaphore, #tpu.memory_space<semaphore_mem>>) src(%arg11 : memref<128x128xf32, #tpu.memory_space<vmem>>) dst(%dma_wait3A_541 : memref<128x128xf32, #tpu.memory_space<vmem_shared>>)
      } else {
      }
      %dma_start3A_122 = arith.constant 1 : i32
      %dma_start3A_123 = arith.constant 0 : i32
      %dma_start3A_124 = tpu.memref_slice %arg6[%dma_start3A_122, %dma_start3A_123] : memref<8x128xi32, #tpu.memory_space<vmem>> -> memref<1x128xi32, #tpu.memory_space<vmem>>
      %dma_start3A_125 = tpu.memref_squeeze %dma_start3A_124 : memref<1x128xi32, #tpu.memory_space<vmem>> -> memref<128xi32, #tpu.memory_space<vmem>>
      %dma_start3A_126 = arith.constant 0 : i32
      %dma_start3A_127 = arith.constant 0 : i32
      %dma_start3A_128 = tpu.memref_slice %arg2[%dma_start3A_126, %dma_start3A_127] : memref<10000x128xf32, #tpu.memory_space<hbm>> -> memref<10000x128xf32, #tpu.memory_space<hbm>>
      tpu.enqueue_indirect_dma source(%dma_start3A_128 : memref<10000x128xf32, #tpu.memory_space<hbm>>) target(%arg11 : memref<128x128xf32, #tpu.memory_space<vmem>>) offsets(%dma_start3A_125 : memref<128xi32, #tpu.memory_space<vmem>>) semaphore(%arg16 : memref<!tpu.dma_semaphore, #tpu.memory_space<semaphore_mem>>)
      %dma_wait3A_129 = arith.constant 0 : i32
      %dma_wait3A_130 = arith.constant 0 : i32
      %dma_wait3A_131 = tpu.memref_slice %arg2[%dma_wait3A_129, %dma_wait3A_130] : memref<10000x128xf32, #tpu.memory_space<hbm>> -> memref<128x128xf32, #tpu.memory_space<hbm>>
      %dma_wait3A_132 = arith.constant 0 : i32
      %dma_wait3A_133 = arith.constant 0 : i32
      %dma_wait3A_134 = tpu.memref_slice %arg2[%dma_wait3A_132, %dma_wait3A_133] : memref<10000x128xf32, #tpu.memory_space<hbm>> -> memref<128x128xf32, #tpu.memory_space<hbm>>
      tpu.wait_dma2 semaphore(%arg15 : memref<!tpu.dma_semaphore, #tpu.memory_space<semaphore_mem>>) src(%dma_wait3A_134 : memref<128x128xf32, #tpu.memory_space<hbm>>) dst(%arg10 : memref<128x128xf32, #tpu.memory_space<vmem>>)
      %dma_start3A_135 = arith.constant 0 : i32
      %dma_start3A_136 = arith.constant 0 : i32
      %dma_start3A_137 = tpu.memref_slice %arg7[%dma_start3A_135, %dma_start3A_136] : memref<8x128xi32, #tpu.memory_space<vmem>> -> memref<1x128xi32, #tpu.memory_space<vmem>>
      %dma_start3A_138 = tpu.memref_squeeze %dma_start3A_137 : memref<1x128xi32, #tpu.memory_space<vmem>> -> memref<128xi32, #tpu.memory_space<vmem>>
      %dma_start3A_139 = arith.constant 0 : i32
      %dma_start3A_140 = arith.constant 0 : i32
      %dma_start3A_141 = tpu.memref_slice %arg12[%dma_start3A_139, %dma_start3A_140] : memref<10240x128xf32, #tpu.memory_space<vmem_shared>> -> memref<10240x128xf32, #tpu.memory_space<vmem_shared>>
      tpu.enqueue_indirect_dma source(%arg10 : memref<128x128xf32, #tpu.memory_space<vmem>>) target(%dma_start3A_141 : memref<10240x128xf32, #tpu.memory_space<vmem_shared>>) offsets(%dma_start3A_138 : memref<128xi32, #tpu.memory_space<vmem>>) semaphore(%arg17 : memref<!tpu.dma_semaphore, #tpu.memory_space<semaphore_mem>>) {add = true}
      %dma_wait3A_142 = arith.constant 0 : i32
      %dma_wait3A_143 = arith.constant 0 : i32
      %dma_wait3A_144 = tpu.memref_slice %arg12[%dma_wait3A_142, %dma_wait3A_143] : memref<10240x128xf32, #tpu.memory_space<vmem_shared>> -> memref<128x128xf32, #tpu.memory_space<vmem_shared>>
      %dma_wait3A_145 = arith.constant 0 : i32
      %dma_wait3A_146 = arith.constant 0 : i32
      %dma_wait3A_147 = tpu.memref_slice %arg12[%dma_wait3A_145, %dma_wait3A_146] : memref<10240x128xf32, #tpu.memory_space<vmem_shared>> -> memref<128x128xf32, #tpu.memory_space<vmem_shared>>
      tpu.wait_dma2 semaphore(%arg17 : memref<!tpu.dma_semaphore, #tpu.memory_space<semaphore_mem>>) src(%arg10 : memref<128x128xf32, #tpu.memory_space<vmem>>) dst(%dma_wait3A_147 : memref<128x128xf32, #tpu.memory_space<vmem_shared>>)
      %dma_start3A_148 = arith.constant 2 : i32
      %dma_start3A_149 = arith.constant 0 : i32
      %dma_start3A_150 = tpu.memref_slice %arg6[%dma_start3A_148, %dma_start3A_149] : memref<8x128xi32, #tpu.memory_space<vmem>> -> memref<1x128xi32, #tpu.memory_space<vmem>>
      %dma_start3A_151 = tpu.memref_squeeze %dma_start3A_150 : memref<1x128xi32, #tpu.memory_space<vmem>> -> memref<128xi32, #tpu.memory_space<vmem>>
      %dma_start3A_152 = arith.constant 0 : i32
      %dma_start3A_153 = arith.constant 0 : i32
      %dma_start3A_154 = tpu.memref_slice %arg2[%dma_start3A_152, %dma_start3A_153] : memref<10000x128xf32, #tpu.memory_space<hbm>> -> memref<10000x128xf32, #tpu.memory_space<hbm>>
      tpu.enqueue_indirect_dma source(%dma_start3A_154 : memref<10000x128xf32, #tpu.memory_space<hbm>>) target(%arg10 : memref<128x128xf32, #tpu.memory_space<vmem>>) offsets(%dma_start3A_151 : memref<128xi32, #tpu.memory_space<vmem>>) semaphore(%arg15 : memref<!tpu.dma_semaphore, #tpu.memory_space<semaphore_mem>>)
      %dma_wait3A_155 = arith.constant 0 : i32
      %dma_wait3A_156 = arith.constant 0 : i32
      %dma_wait3A_157 = tpu.memref_slice %arg2[%dma_wait3A_155, %dma_wait3A_156] : memref<10000x128xf32, #tpu.memory_space<hbm>> -> memref<128x128xf32, #tpu.memory_space<hbm>>
      %dma_wait3A_158 = arith.constant 0 : i32
      %dma_wait3A_159 = arith.constant 0 : i32
      %dma_wait3A_160 = tpu.memref_slice %arg2[%dma_wait3A_158, %dma_wait3A_159] : memref<10000x128xf32, #tpu.memory_space<hbm>> -> memref<128x128xf32, #tpu.memory_space<hbm>>
      tpu.wait_dma2 semaphore(%arg16 : memref<!tpu.dma_semaphore, #tpu.memory_space<semaphore_mem>>) src(%dma_wait3A_160 : memref<128x128xf32, #tpu.memory_space<hbm>>) dst(%arg11 : memref<128x128xf32, #tpu.memory_space<vmem>>)
      %dma_start3A_161 = arith.constant 1 : i32
      %dma_start3A_162 = arith.constant 0 : i32
      %dma_start3A_163 = tpu.memref_slice %arg7[%dma_start3A_161, %dma_start3A_162] : memref<8x128xi32, #tpu.memory_space<vmem>> -> memref<1x128xi32, #tpu.memory_space<vmem>>
      %dma_start3A_164 = tpu.memref_squeeze %dma_start3A_163 : memref<1x128xi32, #tpu.memory_space<vmem>> -> memref<128xi32, #tpu.memory_space<vmem>>
      %dma_start3A_165 = arith.constant 0 : i32
      %dma_start3A_166 = arith.constant 0 : i32
      %dma_start3A_167 = tpu.memref_slice %arg12[%dma_start3A_165, %dma_start3A_166] : memref<10240x128xf32, #tpu.memory_space<vmem_shared>> -> memref<10240x128xf32, #tpu.memory_space<vmem_shared>>
      tpu.enqueue_indirect_dma source(%arg11 : memref<128x128xf32, #tpu.memory_space<vmem>>) target(%dma_start3A_167 : memref<10240x128xf32, #tpu.memory_space<vmem_shared>>) offsets(%dma_start3A_164 : memref<128xi32, #tpu.memory_space<vmem>>) semaphore(%arg18 : memref<!tpu.dma_semaphore, #tpu.memory_space<semaphore_mem>>) {add = true}
      %dma_wait3A_168 = arith.constant 0 : i32
      %dma_wait3A_169 = arith.constant 0 : i32
      %dma_wait3A_170 = tpu.memref_slice %arg12[%dma_wait3A_168, %dma_wait3A_169] : memref<10240x128xf32, #tpu.memory_space<vmem_shared>> -> memref<128x128xf32, #tpu.memory_space<vmem_shared>>
      %dma_wait3A_171 = arith.constant 0 : i32
      %dma_wait3A_172 = arith.constant 0 : i32
      %dma_wait3A_173 = tpu.memref_slice %arg12[%dma_wait3A_171, %dma_wait3A_172] : memref<10240x128xf32, #tpu.memory_space<vmem_shared>> -> memref<128x128xf32, #tpu.memory_space<vmem_shared>>
      tpu.wait_dma2 semaphore(%arg18 : memref<!tpu.dma_semaphore, #tpu.memory_space<semaphore_mem>>) src(%arg11 : memref<128x128xf32, #tpu.memory_space<vmem>>) dst(%dma_wait3A_173 : memref<128x128xf32, #tpu.memory_space<vmem_shared>>)
      %dma_start3A_174 = arith.constant 3 : i32
      %dma_start3A_175 = arith.constant 0 : i32
      %dma_start3A_176 = tpu.memref_slice %arg6[%dma_start3A_174, %dma_start3A_175] : memref<8x128xi32, #tpu.memory_space<vmem>> -> memref<1x128xi32, #tpu.memory_space<vmem>>
      %dma_start3A_177 = tpu.memref_squeeze %dma_start3A_176 : memref<1x128xi32, #tpu.memory_space<vmem>> -> memref<128xi32, #tpu.memory_space<vmem>>
      %dma_start3A_178 = arith.constant 0 : i32
      %dma_start3A_179 = arith.constant 0 : i32
      %dma_start3A_180 = tpu.memref_slice %arg2[%dma_start3A_178, %dma_start3A_179] : memref<10000x128xf32, #tpu.memory_space<hbm>> -> memref<10000x128xf32, #tpu.memory_space<hbm>>
      tpu.enqueue_indirect_dma source(%dma_start3A_180 : memref<10000x128xf32, #tpu.memory_space<hbm>>) target(%arg11 : memref<128x128xf32, #tpu.memory_space<vmem>>) offsets(%dma_start3A_177 : memref<128xi32, #tpu.memory_space<vmem>>) semaphore(%arg16 : memref<!tpu.dma_semaphore, #tpu.memory_space<semaphore_mem>>)
      %dma_wait3A_181 = arith.constant 0 : i32
      %dma_wait3A_182 = arith.constant 0 : i32
      %dma_wait3A_183 = tpu.memref_slice %arg2[%dma_wait3A_181, %dma_wait3A_182] : memref<10000x128xf32, #tpu.memory_space<hbm>> -> memref<128x128xf32, #tpu.memory_space<hbm>>
      %dma_wait3A_184 = arith.constant 0 : i32
      %dma_wait3A_185 = arith.constant 0 : i32
      %dma_wait3A_186 = tpu.memref_slice %arg2[%dma_wait3A_184, %dma_wait3A_185] : memref<10000x128xf32, #tpu.memory_space<hbm>> -> memref<128x128xf32, #tpu.memory_space<hbm>>
      tpu.wait_dma2 semaphore(%arg15 : memref<!tpu.dma_semaphore, #tpu.memory_space<semaphore_mem>>) src(%dma_wait3A_186 : memref<128x128xf32, #tpu.memory_space<hbm>>) dst(%arg10 : memref<128x128xf32, #tpu.memory_space<vmem>>)
      %dma_start3A_187 = arith.constant 2 : i32
      %dma_start3A_188 = arith.constant 0 : i32
      %dma_start3A_189 = tpu.memref_slice %arg7[%dma_start3A_187, %dma_start3A_188] : memref<8x128xi32, #tpu.memory_space<vmem>> -> memref<1x128xi32, #tpu.memory_space<vmem>>
      %dma_start3A_190 = tpu.memref_squeeze %dma_start3A_189 : memref<1x128xi32, #tpu.memory_space<vmem>> -> memref<128xi32, #tpu.memory_space<vmem>>
      %dma_start3A_191 = arith.constant 0 : i32
      %dma_start3A_192 = arith.constant 0 : i32
      %dma_start3A_193 = tpu.memref_slice %arg12[%dma_start3A_191, %dma_start3A_192] : memref<10240x128xf32, #tpu.memory_space<vmem_shared>> -> memref<10240x128xf32, #tpu.memory_space<vmem_shared>>
      tpu.enqueue_indirect_dma source(%arg10 : memref<128x128xf32, #tpu.memory_space<vmem>>) target(%dma_start3A_193 : memref<10240x128xf32, #tpu.memory_space<vmem_shared>>) offsets(%dma_start3A_190 : memref<128xi32, #tpu.memory_space<vmem>>) semaphore(%arg17 : memref<!tpu.dma_semaphore, #tpu.memory_space<semaphore_mem>>) {add = true}
      %dma_wait3A_194 = arith.constant 0 : i32
      %dma_wait3A_195 = arith.constant 0 : i32
      %dma_wait3A_196 = tpu.memref_slice %arg12[%dma_wait3A_194, %dma_wait3A_195] : memref<10240x128xf32, #tpu.memory_space<vmem_shared>> -> memref<128x128xf32, #tpu.memory_space<vmem_shared>>
      %dma_wait3A_197 = arith.constant 0 : i32
      %dma_wait3A_198 = arith.constant 0 : i32
      %dma_wait3A_199 = tpu.memref_slice %arg12[%dma_wait3A_197, %dma_wait3A_198] : memref<10240x128xf32, #tpu.memory_space<vmem_shared>> -> memref<128x128xf32, #tpu.memory_space<vmem_shared>>
      tpu.wait_dma2 semaphore(%arg17 : memref<!tpu.dma_semaphore, #tpu.memory_space<semaphore_mem>>) src(%arg10 : memref<128x128xf32, #tpu.memory_space<vmem>>) dst(%dma_wait3A_199 : memref<128x128xf32, #tpu.memory_space<vmem_shared>>)
      %dma_start3A_200 = arith.constant 4 : i32
      %dma_start3A_201 = arith.constant 0 : i32
      %dma_start3A_202 = tpu.memref_slice %arg6[%dma_start3A_200, %dma_start3A_201] : memref<8x128xi32, #tpu.memory_space<vmem>> -> memref<1x128xi32, #tpu.memory_space<vmem>>
      %dma_start3A_203 = tpu.memref_squeeze %dma_start3A_202 : memref<1x128xi32, #tpu.memory_space<vmem>> -> memref<128xi32, #tpu.memory_space<vmem>>
      %dma_start3A_204 = arith.constant 0 : i32
      %dma_start3A_205 = arith.constant 0 : i32
      %dma_start3A_206 = tpu.memref_slice %arg2[%dma_start3A_204, %dma_start3A_205] : memref<10000x128xf32, #tpu.memory_space<hbm>> -> memref<10000x128xf32, #tpu.memory_space<hbm>>
      tpu.enqueue_indirect_dma source(%dma_start3A_206 : memref<10000x128xf32, #tpu.memory_space<hbm>>) target(%arg10 : memref<128x128xf32, #tpu.memory_space<vmem>>) offsets(%dma_start3A_203 : memref<128xi32, #tpu.memory_space<vmem>>) semaphore(%arg15 : memref<!tpu.dma_semaphore, #tpu.memory_space<semaphore_mem>>)
      %dma_wait3A_207 = arith.constant 0 : i32
      %dma_wait3A_208 = arith.constant 0 : i32
      %dma_wait3A_209 = tpu.memref_slice %arg2[%dma_wait3A_207, %dma_wait3A_208] : memref<10000x128xf32, #tpu.memory_space<hbm>> -> memref<128x128xf32, #tpu.memory_space<hbm>>
      %dma_wait3A_210 = arith.constant 0 : i32
      %dma_wait3A_211 = arith.constant 0 : i32
      %dma_wait3A_212 = tpu.memref_slice %arg2[%dma_wait3A_210, %dma_wait3A_211] : memref<10000x128xf32, #tpu.memory_space<hbm>> -> memref<128x128xf32, #tpu.memory_space<hbm>>
      tpu.wait_dma2 semaphore(%arg16 : memref<!tpu.dma_semaphore, #tpu.memory_space<semaphore_mem>>) src(%dma_wait3A_212 : memref<128x128xf32, #tpu.memory_space<hbm>>) dst(%arg11 : memref<128x128xf32, #tpu.memory_space<vmem>>)
      %dma_start3A_213 = arith.constant 3 : i32
      %dma_start3A_214 = arith.constant 0 : i32
      %dma_start3A_215 = tpu.memref_slice %arg7[%dma_start3A_213, %dma_start3A_214] : memref<8x128xi32, #tpu.memory_space<vmem>> -> memref<1x128xi32, #tpu.memory_space<vmem>>
      %dma_start3A_216 = tpu.memref_squeeze %dma_start3A_215 : memref<1x128xi32, #tpu.memory_space<vmem>> -> memref<128xi32, #tpu.memory_space<vmem>>
      %dma_start3A_217 = arith.constant 0 : i32
      %dma_start3A_218 = arith.constant 0 : i32
      %dma_start3A_219 = tpu.memref_slice %arg12[%dma_start3A_217, %dma_start3A_218] : memref<10240x128xf32, #tpu.memory_space<vmem_shared>> -> memref<10240x128xf32, #tpu.memory_space<vmem_shared>>
      tpu.enqueue_indirect_dma source(%arg11 : memref<128x128xf32, #tpu.memory_space<vmem>>) target(%dma_start3A_219 : memref<10240x128xf32, #tpu.memory_space<vmem_shared>>) offsets(%dma_start3A_216 : memref<128xi32, #tpu.memory_space<vmem>>) semaphore(%arg18 : memref<!tpu.dma_semaphore, #tpu.memory_space<semaphore_mem>>) {add = true}
      %dma_wait3A_220 = arith.constant 0 : i32
      %dma_wait3A_221 = arith.constant 0 : i32
      %dma_wait3A_222 = tpu.memref_slice %arg12[%dma_wait3A_220, %dma_wait3A_221] : memref<10240x128xf32, #tpu.memory_space<vmem_shared>> -> memref<128x128xf32, #tpu.memory_space<vmem_shared>>
      %dma_wait3A_223 = arith.constant 0 : i32
      %dma_wait3A_224 = arith.constant 0 : i32
      %dma_wait3A_225 = tpu.memref_slice %arg12[%dma_wait3A_223, %dma_wait3A_224] : memref<10240x128xf32, #tpu.memory_space<vmem_shared>> -> memref<128x128xf32, #tpu.memory_space<vmem_shared>>
      tpu.wait_dma2 semaphore(%arg18 : memref<!tpu.dma_semaphore, #tpu.memory_space<semaphore_mem>>) src(%arg11 : memref<128x128xf32, #tpu.memory_space<vmem>>) dst(%dma_wait3A_225 : memref<128x128xf32, #tpu.memory_space<vmem_shared>>)
      %dma_start3A_226 = arith.constant 5 : i32
      %dma_start3A_227 = arith.constant 0 : i32
      %dma_start3A_228 = tpu.memref_slice %arg6[%dma_start3A_226, %dma_start3A_227] : memref<8x128xi32, #tpu.memory_space<vmem>> -> memref<1x128xi32, #tpu.memory_space<vmem>>
      %dma_start3A_229 = tpu.memref_squeeze %dma_start3A_228 : memref<1x128xi32, #tpu.memory_space<vmem>> -> memref<128xi32, #tpu.memory_space<vmem>>
      %dma_start3A_230 = arith.constant 0 : i32
      %dma_start3A_231 = arith.constant 0 : i32
      %dma_start3A_232 = tpu.memref_slice %arg2[%dma_start3A_230, %dma_start3A_231] : memref<10000x128xf32, #tpu.memory_space<hbm>> -> memref<10000x128xf32, #tpu.memory_space<hbm>>
      tpu.enqueue_indirect_dma source(%dma_start3A_232 : memref<10000x128xf32, #tpu.memory_space<hbm>>) target(%arg11 : memref<128x128xf32, #tpu.memory_space<vmem>>) offsets(%dma_start3A_229 : memref<128xi32, #tpu.memory_space<vmem>>) semaphore(%arg16 : memref<!tpu.dma_semaphore, #tpu.memory_space<semaphore_mem>>)
      %dma_wait3A_233 = arith.constant 0 : i32
      %dma_wait3A_234 = arith.constant 0 : i32
      %dma_wait3A_235 = tpu.memref_slice %arg2[%dma_wait3A_233, %dma_wait3A_234] : memref<10000x128xf32, #tpu.memory_space<hbm>> -> memref<128x128xf32, #tpu.memory_space<hbm>>
      %dma_wait3A_236 = arith.constant 0 : i32
      %dma_wait3A_237 = arith.constant 0 : i32
      %dma_wait3A_238 = tpu.memref_slice %arg2[%dma_wait3A_236, %dma_wait3A_237] : memref<10000x128xf32, #tpu.memory_space<hbm>> -> memref<128x128xf32, #tpu.memory_space<hbm>>
      tpu.wait_dma2 semaphore(%arg15 : memref<!tpu.dma_semaphore, #tpu.memory_space<semaphore_mem>>) src(%dma_wait3A_238 : memref<128x128xf32, #tpu.memory_space<hbm>>) dst(%arg10 : memref<128x128xf32, #tpu.memory_space<vmem>>)
      %dma_start3A_239 = arith.constant 4 : i32
      %dma_start3A_240 = arith.constant 0 : i32
      %dma_start3A_241 = tpu.memref_slice %arg7[%dma_start3A_239, %dma_start3A_240] : memref<8x128xi32, #tpu.memory_space<vmem>> -> memref<1x128xi32, #tpu.memory_space<vmem>>
      %dma_start3A_242 = tpu.memref_squeeze %dma_start3A_241 : memref<1x128xi32, #tpu.memory_space<vmem>> -> memref<128xi32, #tpu.memory_space<vmem>>
      %dma_start3A_243 = arith.constant 0 : i32
      %dma_start3A_244 = arith.constant 0 : i32
      %dma_start3A_245 = tpu.memref_slice %arg12[%dma_start3A_243, %dma_start3A_244] : memref<10240x128xf32, #tpu.memory_space<vmem_shared>> -> memref<10240x128xf32, #tpu.memory_space<vmem_shared>>
      tpu.enqueue_indirect_dma source(%arg10 : memref<128x128xf32, #tpu.memory_space<vmem>>) target(%dma_start3A_245 : memref<10240x128xf32, #tpu.memory_space<vmem_shared>>) offsets(%dma_start3A_242 : memref<128xi32, #tpu.memory_space<vmem>>) semaphore(%arg17 : memref<!tpu.dma_semaphore, #tpu.memory_space<semaphore_mem>>) {add = true}
      %dma_wait3A_246 = arith.constant 0 : i32
      %dma_wait3A_247 = arith.constant 0 : i32
      %dma_wait3A_248 = tpu.memref_slice %arg12[%dma_wait3A_246, %dma_wait3A_247] : memref<10240x128xf32, #tpu.memory_space<vmem_shared>> -> memref<128x128xf32, #tpu.memory_space<vmem_shared>>
      %dma_wait3A_249 = arith.constant 0 : i32
      %dma_wait3A_250 = arith.constant 0 : i32
      %dma_wait3A_251 = tpu.memref_slice %arg12[%dma_wait3A_249, %dma_wait3A_250] : memref<10240x128xf32, #tpu.memory_space<vmem_shared>> -> memref<128x128xf32, #tpu.memory_space<vmem_shared>>
      tpu.wait_dma2 semaphore(%arg17 : memref<!tpu.dma_semaphore, #tpu.memory_space<semaphore_mem>>) src(%arg10 : memref<128x128xf32, #tpu.memory_space<vmem>>) dst(%dma_wait3A_251 : memref<128x128xf32, #tpu.memory_space<vmem_shared>>)
      %dma_start3A_252 = arith.constant 6 : i32
      %dma_start3A_253 = arith.constant 0 : i32
      %dma_start3A_254 = tpu.memref_slice %arg6[%dma_start3A_252, %dma_start3A_253] : memref<8x128xi32, #tpu.memory_space<vmem>> -> memref<1x128xi32, #tpu.memory_space<vmem>>
      %dma_start3A_255 = tpu.memref_squeeze %dma_start3A_254 : memref<1x128xi32, #tpu.memory_space<vmem>> -> memref<128xi32, #tpu.memory_space<vmem>>
      %dma_start3A_256 = arith.constant 0 : i32
      %dma_start3A_257 = arith.constant 0 : i32
      %dma_start3A_258 = tpu.memref_slice %arg2[%dma_start3A_256, %dma_start3A_257] : memref<10000x128xf32, #tpu.memory_space<hbm>> -> memref<10000x128xf32, #tpu.memory_space<hbm>>
      tpu.enqueue_indirect_dma source(%dma_start3A_258 : memref<10000x128xf32, #tpu.memory_space<hbm>>) target(%arg10 : memref<128x128xf32, #tpu.memory_space<vmem>>) offsets(%dma_start3A_255 : memref<128xi32, #tpu.memory_space<vmem>>) semaphore(%arg15 : memref<!tpu.dma_semaphore, #tpu.memory_space<semaphore_mem>>)
      %dma_wait3A_259 = arith.constant 0 : i32
      %dma_wait3A_260 = arith.constant 0 : i32
      %dma_wait3A_261 = tpu.memref_slice %arg2[%dma_wait3A_259, %dma_wait3A_260] : memref<10000x128xf32, #tpu.memory_space<hbm>> -> memref<128x128xf32, #tpu.memory_space<hbm>>
      %dma_wait3A_262 = arith.constant 0 : i32
      %dma_wait3A_263 = arith.constant 0 : i32
      %dma_wait3A_264 = tpu.memref_slice %arg2[%dma_wait3A_262, %dma_wait3A_263] : memref<10000x128xf32, #tpu.memory_space<hbm>> -> memref<128x128xf32, #tpu.memory_space<hbm>>
      tpu.wait_dma2 semaphore(%arg16 : memref<!tpu.dma_semaphore, #tpu.memory_space<semaphore_mem>>) src(%dma_wait3A_264 : memref<128x128xf32, #tpu.memory_space<hbm>>) dst(%arg11 : memref<128x128xf32, #tpu.memory_space<vmem>>)
      %dma_start3A_265 = arith.constant 5 : i32
      %dma_start3A_266 = arith.constant 0 : i32
      %dma_start3A_267 = tpu.memref_slice %arg7[%dma_start3A_265, %dma_start3A_266] : memref<8x128xi32, #tpu.memory_space<vmem>> -> memref<1x128xi32, #tpu.memory_space<vmem>>
      %dma_start3A_268 = tpu.memref_squeeze %dma_start3A_267 : memref<1x128xi32, #tpu.memory_space<vmem>> -> memref<128xi32, #tpu.memory_space<vmem>>
      %dma_start3A_269 = arith.constant 0 : i32
      %dma_start3A_270 = arith.constant 0 : i32
      %dma_start3A_271 = tpu.memref_slice %arg12[%dma_start3A_269, %dma_start3A_270] : memref<10240x128xf32, #tpu.memory_space<vmem_shared>> -> memref<10240x128xf32, #tpu.memory_space<vmem_shared>>
      tpu.enqueue_indirect_dma source(%arg11 : memref<128x128xf32, #tpu.memory_space<vmem>>) target(%dma_start3A_271 : memref<10240x128xf32, #tpu.memory_space<vmem_shared>>) offsets(%dma_start3A_268 : memref<128xi32, #tpu.memory_space<vmem>>) semaphore(%arg18 : memref<!tpu.dma_semaphore, #tpu.memory_space<semaphore_mem>>) {add = true}
      %dma_wait3A_272 = arith.constant 0 : i32
      %dma_wait3A_273 = arith.constant 0 : i32
      %dma_wait3A_274 = tpu.memref_slice %arg12[%dma_wait3A_272, %dma_wait3A_273] : memref<10240x128xf32, #tpu.memory_space<vmem_shared>> -> memref<128x128xf32, #tpu.memory_space<vmem_shared>>
      %dma_wait3A_275 = arith.constant 0 : i32
      %dma_wait3A_276 = arith.constant 0 : i32
      %dma_wait3A_277 = tpu.memref_slice %arg12[%dma_wait3A_275, %dma_wait3A_276] : memref<10240x128xf32, #tpu.memory_space<vmem_shared>> -> memref<128x128xf32, #tpu.memory_space<vmem_shared>>
      tpu.wait_dma2 semaphore(%arg18 : memref<!tpu.dma_semaphore, #tpu.memory_space<semaphore_mem>>) src(%arg11 : memref<128x128xf32, #tpu.memory_space<vmem>>) dst(%dma_wait3A_277 : memref<128x128xf32, #tpu.memory_space<vmem_shared>>)
      %dma_start3A_278 = arith.constant 7 : i32
      %dma_start3A_279 = arith.constant 0 : i32
      %dma_start3A_280 = tpu.memref_slice %arg6[%dma_start3A_278, %dma_start3A_279] : memref<8x128xi32, #tpu.memory_space<vmem>> -> memref<1x128xi32, #tpu.memory_space<vmem>>
      %dma_start3A_281 = tpu.memref_squeeze %dma_start3A_280 : memref<1x128xi32, #tpu.memory_space<vmem>> -> memref<128xi32, #tpu.memory_space<vmem>>
      %dma_start3A_282 = arith.constant 0 : i32
      %dma_start3A_283 = arith.constant 0 : i32
      %dma_start3A_284 = tpu.memref_slice %arg2[%dma_start3A_282, %dma_start3A_283] : memref<10000x128xf32, #tpu.memory_space<hbm>> -> memref<10000x128xf32, #tpu.memory_space<hbm>>
      tpu.enqueue_indirect_dma source(%dma_start3A_284 : memref<10000x128xf32, #tpu.memory_space<hbm>>) target(%arg11 : memref<128x128xf32, #tpu.memory_space<vmem>>) offsets(%dma_start3A_281 : memref<128xi32, #tpu.memory_space<vmem>>) semaphore(%arg16 : memref<!tpu.dma_semaphore, #tpu.memory_space<semaphore_mem>>)
      %dma_wait3A_285 = arith.constant 0 : i32
      %dma_wait3A_286 = arith.constant 0 : i32
      %dma_wait3A_287 = tpu.memref_slice %arg2[%dma_wait3A_285, %dma_wait3A_286] : memref<10000x128xf32, #tpu.memory_space<hbm>> -> memref<128x128xf32, #tpu.memory_space<hbm>>
      %dma_wait3A_288 = arith.constant 0 : i32
      %dma_wait3A_289 = arith.constant 0 : i32
      %dma_wait3A_290 = tpu.memref_slice %arg2[%dma_wait3A_288, %dma_wait3A_289] : memref<10000x128xf32, #tpu.memory_space<hbm>> -> memref<128x128xf32, #tpu.memory_space<hbm>>
      tpu.wait_dma2 semaphore(%arg15 : memref<!tpu.dma_semaphore, #tpu.memory_space<semaphore_mem>>) src(%dma_wait3A_290 : memref<128x128xf32, #tpu.memory_space<hbm>>) dst(%arg10 : memref<128x128xf32, #tpu.memory_space<vmem>>)
      %dma_start3A_291 = arith.constant 6 : i32
      %dma_start3A_292 = arith.constant 0 : i32
      %dma_start3A_293 = tpu.memref_slice %arg7[%dma_start3A_291, %dma_start3A_292] : memref<8x128xi32, #tpu.memory_space<vmem>> -> memref<1x128xi32, #tpu.memory_space<vmem>>
      %dma_start3A_294 = tpu.memref_squeeze %dma_start3A_293 : memref<1x128xi32, #tpu.memory_space<vmem>> -> memref<128xi32, #tpu.memory_space<vmem>>
      %dma_start3A_295 = arith.constant 0 : i32
      %dma_start3A_296 = arith.constant 0 : i32
      %dma_start3A_297 = tpu.memref_slice %arg12[%dma_start3A_295, %dma_start3A_296] : memref<10240x128xf32, #tpu.memory_space<vmem_shared>> -> memref<10240x128xf32, #tpu.memory_space<vmem_shared>>
      tpu.enqueue_indirect_dma source(%arg10 : memref<128x128xf32, #tpu.memory_space<vmem>>) target(%dma_start3A_297 : memref<10240x128xf32, #tpu.memory_space<vmem_shared>>) offsets(%dma_start3A_294 : memref<128xi32, #tpu.memory_space<vmem>>) semaphore(%arg17 : memref<!tpu.dma_semaphore, #tpu.memory_space<semaphore_mem>>) {add = true}
      %add3A_298 = arith.constant 1 : i32
      %add3A_299 = arith.addi %add3A_119, %add3A_298 : i32
      %lt3A = arith.constant 10 : i32
      %lt3A_300 = arith.cmpi slt, %add3A_299, %lt3A : i32
      %convert_element_type3A_301 = arith.extui %lt3A_300 : i1 to i32
      %cond3A_302 = arith.constant 0 : i32
      %cond3A_303 = arith.cmpi ne, %convert_element_type3A_301, %cond3A_302 : i32
      scf.if %cond3A_303 {
        %dma_wait3A_536 = arith.constant 0 : i32
        %dma_wait3A_537 = arith.constant 0 : i32
        %dma_wait3A_538 = tpu.memref_slice %arg12[%dma_wait3A_536, %dma_wait3A_537] : memref<10240x128xf32, #tpu.memory_space<vmem_shared>> -> memref<128x128xf32, #tpu.memory_space<vmem_shared>>
        %dma_wait3A_539 = arith.constant 0 : i32
        %dma_wait3A_540 = arith.constant 0 : i32
        %dma_wait3A_541 = tpu.memref_slice %arg12[%dma_wait3A_539, %dma_wait3A_540] : memref<10240x128xf32, #tpu.memory_space<vmem_shared>> -> memref<128x128xf32, #tpu.memory_space<vmem_shared>>
        tpu.wait_dma2 semaphore(%arg17 : memref<!tpu.dma_semaphore, #tpu.memory_space<semaphore_mem>>) src(%arg10 : memref<128x128xf32, #tpu.memory_space<vmem>>) dst(%dma_wait3A_541 : memref<128x128xf32, #tpu.memory_space<vmem_shared>>)
        %dma_wait3A_542 = arith.constant 0 : i32
        %dma_wait3A_543 = arith.constant 0 : i32
        %dma_wait3A_544 = tpu.memref_slice %arg3[%dma_wait3A_542, %dma_wait3A_543] : memref<2560x128xi32, #tpu.memory_space<hbm>> -> memref<8x128xi32, #tpu.memory_space<hbm>>
        %dma_wait3A_545 = arith.constant 0 : i32
        %dma_wait3A_546 = arith.constant 0 : i32
        %dma_wait3A_547 = tpu.memref_slice %arg3[%dma_wait3A_545, %dma_wait3A_546] : memref<2560x128xi32, #tpu.memory_space<hbm>> -> memref<8x128xi32, #tpu.memory_space<hbm>>
        tpu.wait_dma2 semaphore(%arg14 : memref<!tpu.dma_semaphore, #tpu.memory_space<semaphore_mem>>) src(%dma_wait3A_547 : memref<8x128xi32, #tpu.memory_space<hbm>>) dst(%arg8 : memref<8x128xi32, #tpu.memory_space<vmem>>)
        %dma_wait3A_548 = arith.constant 0 : i32
        %dma_wait3A_549 = arith.constant 0 : i32
        %dma_wait3A_550 = tpu.memref_slice %arg4[%dma_wait3A_548, %dma_wait3A_549] : memref<2560x128xi32, #tpu.memory_space<hbm>> -> memref<8x128xi32, #tpu.memory_space<hbm>>
        %dma_wait3A_551 = arith.constant 0 : i32
        %dma_wait3A_552 = arith.constant 0 : i32
        %dma_wait3A_553 = tpu.memref_slice %arg4[%dma_wait3A_551, %dma_wait3A_552] : memref<2560x128xi32, #tpu.memory_space<hbm>> -> memref<8x128xi32, #tpu.memory_space<hbm>>
        tpu.wait_dma2 semaphore(%arg14 : memref<!tpu.dma_semaphore, #tpu.memory_space<semaphore_mem>>) src(%dma_wait3A_553 : memref<8x128xi32, #tpu.memory_space<hbm>>) dst(%arg9 : memref<8x128xi32, #tpu.memory_space<vmem>>)
        %dma_start3A_554 = arith.constant 0 : i32
        %dma_start3A_555 = arith.constant 0 : i32
        %dma_start3A_556 = tpu.memref_slice %arg8[%dma_start3A_554, %dma_start3A_555] : memref<8x128xi32, #tpu.memory_space<vmem>> -> memref<1x128xi32, #tpu.memory_space<vmem>>
        %dma_start3A_557 = tpu.memref_squeeze %dma_start3A_556 : memref<1x128xi32, #tpu.memory_space<vmem>> -> memref<128xi32, #tpu.memory_space<vmem>>
        %dma_start3A_558 = arith.constant 0 : i32
        %dma_start3A_559 = arith.constant 0 : i32
        %dma_start3A_560 = tpu.memref_slice %arg2[%dma_start3A_558, %dma_start3A_559] : memref<10000x128xf32, #tpu.memory_space<hbm>> -> memref<10000x128xf32, #tpu.memory_space<hbm>>
        tpu.enqueue_indirect_dma source(%dma_start3A_560 : memref<10000x128xf32, #tpu.memory_space<hbm>>) target(%arg10 : memref<128x128xf32, #tpu.memory_space<vmem>>) offsets(%dma_start3A_557 : memref<128xi32, #tpu.memory_space<vmem>>) semaphore(%arg15 : memref<!tpu.dma_semaphore, #tpu.memory_space<semaphore_mem>>)
      } else {
      }
      %dma_wait3A_304 = arith.constant 0 : i32
      %dma_wait3A_305 = arith.constant 0 : i32
      %dma_wait3A_306 = tpu.memref_slice %arg2[%dma_wait3A_304, %dma_wait3A_305] : memref<10000x128xf32, #tpu.memory_space<hbm>> -> memref<128x128xf32, #tpu.memory_space<hbm>>
      %dma_wait3A_307 = arith.constant 0 : i32
      %dma_wait3A_308 = arith.constant 0 : i32
      %dma_wait3A_309 = tpu.memref_slice %arg2[%dma_wait3A_307, %dma_wait3A_308] : memref<10000x128xf32, #tpu.memory_space<hbm>> -> memref<128x128xf32, #tpu.memory_space<hbm>>
      tpu.wait_dma2 semaphore(%arg16 : memref<!tpu.dma_semaphore, #tpu.memory_space<semaphore_mem>>) src(%dma_wait3A_309 : memref<128x128xf32, #tpu.memory_space<hbm>>) dst(%arg11 : memref<128x128xf32, #tpu.memory_space<vmem>>)
      %dma_start3A_310 = arith.constant 7 : i32
      %dma_start3A_311 = arith.constant 0 : i32
      %dma_start3A_312 = tpu.memref_slice %arg7[%dma_start3A_310, %dma_start3A_311] : memref<8x128xi32, #tpu.memory_space<vmem>> -> memref<1x128xi32, #tpu.memory_space<vmem>>
      %dma_start3A_313 = tpu.memref_squeeze %dma_start3A_312 : memref<1x128xi32, #tpu.memory_space<vmem>> -> memref<128xi32, #tpu.memory_space<vmem>>
      %dma_start3A_314 = arith.constant 0 : i32
      %dma_start3A_315 = arith.constant 0 : i32
      %dma_start3A_316 = tpu.memref_slice %arg12[%dma_start3A_314, %dma_start3A_315] : memref<10240x128xf32, #tpu.memory_space<vmem_shared>> -> memref<10240x128xf32, #tpu.memory_space<vmem_shared>>
      tpu.enqueue_indirect_dma source(%arg11 : memref<128x128xf32, #tpu.memory_space<vmem>>) target(%dma_start3A_316 : memref<10240x128xf32, #tpu.memory_space<vmem_shared>>) offsets(%dma_start3A_313 : memref<128xi32, #tpu.memory_space<vmem>>) semaphore(%arg18 : memref<!tpu.dma_semaphore, #tpu.memory_space<semaphore_mem>>) {add = true}
      %add3A_317 = arith.constant 2 : i32
      %add3A_318 = arith.addi %add3A_119, %add3A_317 : i32
      %lt3A_319 = arith.constant 10 : i32
      %lt3A_320 = arith.cmpi slt, %add3A_318, %lt3A_319 : i32
      %convert_element_type3A_321 = arith.extui %lt3A_320 : i1 to i32
      %cond3A_322 = arith.constant 0 : i32
      %cond3A_323 = arith.cmpi ne, %convert_element_type3A_321, %cond3A_322 : i32
      scf.if %cond3A_323 {
        %add3A_536 = arith.constant 2 : i32
        %add3A_537 = arith.addi %add3A_119, %add3A_536 : i32
        %mul3A_538 = arith.constant 80 : i32
        %mul3A_539 = arith.muli %add3A, %mul3A_538 : i32
        %mul3A_540 = arith.constant 8 : i32
        %mul3A_541 = arith.muli %add3A_537, %mul3A_540 : i32
        %add3A_542 = arith.addi %mul3A_539, %mul3A_541 : i32
        %dma_start3A_543 = arith.constant 0 : i32
        %dma_start3A_544 = tpu.memref_slice %arg3[%add3A_542, %dma_start3A_543] : memref<2560x128xi32, #tpu.memory_space<hbm>> -> memref<8x128xi32, #tpu.memory_space<hbm>>
        %dma_start3A_545 = arith.constant 0 : i32
        %dma_start3A_546 = tpu.memref_slice %arg3[%add3A_542, %dma_start3A_545] : memref<2560x128xi32, #tpu.memory_space<hbm>> -> memref<8x128xi32, #tpu.memory_space<hbm>>
        tpu.enqueue_dma source(%dma_start3A_546 : memref<8x128xi32, #tpu.memory_space<hbm>>) target(%arg6 : memref<8x128xi32, #tpu.memory_space<vmem>>) target_semaphore(%arg13 : memref<!tpu.dma_semaphore, #tpu.memory_space<semaphore_mem>>)
        %add3A_547 = arith.constant 2 : i32
        %add3A_548 = arith.addi %add3A_119, %add3A_547 : i32
        %mul3A_549 = arith.constant 80 : i32
        %mul3A_550 = arith.muli %add3A, %mul3A_549 : i32
        %mul3A_551 = arith.constant 8 : i32
        %mul3A_552 = arith.muli %add3A_548, %mul3A_551 : i32
        %add3A_553 = arith.addi %mul3A_550, %mul3A_552 : i32
        %dma_start3A_554 = arith.constant 0 : i32
        %dma_start3A_555 = tpu.memref_slice %arg4[%add3A_553, %dma_start3A_554] : memref<2560x128xi32, #tpu.memory_space<hbm>> -> memref<8x128xi32, #tpu.memory_space<hbm>>
        %dma_start3A_556 = arith.constant 0 : i32
        %dma_start3A_557 = tpu.memref_slice %arg4[%add3A_553, %dma_start3A_556] : memref<2560x128xi32, #tpu.memory_space<hbm>> -> memref<8x128xi32, #tpu.memory_space<hbm>>
        tpu.enqueue_dma source(%dma_start3A_557 : memref<8x128xi32, #tpu.memory_space<hbm>>) target(%arg7 : memref<8x128xi32, #tpu.memory_space<vmem>>) target_semaphore(%arg13 : memref<!tpu.dma_semaphore, #tpu.memory_space<semaphore_mem>>)
      } else {
      }
      %mul3A_324 = arith.constant 2 : i32
      %mul3A_325 = arith.muli %mul3A_324, %scan3A_115 : i32
      %add3A_326 = arith.constant 1 : i32
      %add3A_327 = arith.addi %mul3A_325, %add3A_326 : i32
      %gt3A_328 = arith.constant 0 : i32
      %gt3A_329 = arith.cmpi sgt, %add3A_327, %gt3A_328 : i32
      %convert_element_type3A_330 = arith.extui %gt3A_329 : i1 to i32
      %cond3A_331 = arith.constant 0 : i32
      %cond3A_332 = arith.cmpi ne, %convert_element_type3A_330, %cond3A_331 : i32
      scf.if %cond3A_332 {
        %dma_wait3A_536 = arith.constant 0 : i32
        %dma_wait3A_537 = arith.constant 0 : i32
        %dma_wait3A_538 = tpu.memref_slice %arg12[%dma_wait3A_536, %dma_wait3A_537] : memref<10240x128xf32, #tpu.memory_space<vmem_shared>> -> memref<128x128xf32, #tpu.memory_space<vmem_shared>>
        %dma_wait3A_539 = arith.constant 0 : i32
        %dma_wait3A_540 = arith.constant 0 : i32
        %dma_wait3A_541 = tpu.memref_slice %arg12[%dma_wait3A_539, %dma_wait3A_540] : memref<10240x128xf32, #tpu.memory_space<vmem_shared>> -> memref<128x128xf32, #tpu.memory_space<vmem_shared>>
        tpu.wait_dma2 semaphore(%arg18 : memref<!tpu.dma_semaphore, #tpu.memory_space<semaphore_mem>>) src(%arg11 : memref<128x128xf32, #tpu.memory_space<vmem>>) dst(%dma_wait3A_541 : memref<128x128xf32, #tpu.memory_space<vmem_shared>>)
      } else {
      }
      %dma_start3A_333 = arith.constant 1 : i32
      %dma_start3A_334 = arith.constant 0 : i32
      %dma_start3A_335 = tpu.memref_slice %arg8[%dma_start3A_333, %dma_start3A_334] : memref<8x128xi32, #tpu.memory_space<vmem>> -> memref<1x128xi32, #tpu.memory_space<vmem>>
      %dma_start3A_336 = tpu.memref_squeeze %dma_start3A_335 : memref<1x128xi32, #tpu.memory_space<vmem>> -> memref<128xi32, #tpu.memory_space<vmem>>
      %dma_start3A_337 = arith.constant 0 : i32
      %dma_start3A_338 = arith.constant 0 : i32
      %dma_start3A_339 = tpu.memref_slice %arg2[%dma_start3A_337, %dma_start3A_338] : memref<10000x128xf32, #tpu.memory_space<hbm>> -> memref<10000x128xf32, #tpu.memory_space<hbm>>
      tpu.enqueue_indirect_dma source(%dma_start3A_339 : memref<10000x128xf32, #tpu.memory_space<hbm>>) target(%arg11 : memref<128x128xf32, #tpu.memory_space<vmem>>) offsets(%dma_start3A_336 : memref<128xi32, #tpu.memory_space<vmem>>) semaphore(%arg16 : memref<!tpu.dma_semaphore, #tpu.memory_space<semaphore_mem>>)
      %dma_wait3A_340 = arith.constant 0 : i32
      %dma_wait3A_341 = arith.constant 0 : i32
      %dma_wait3A_342 = tpu.memref_slice %arg2[%dma_wait3A_340, %dma_wait3A_341] : memref<10000x128xf32, #tpu.memory_space<hbm>> -> memref<128x128xf32, #tpu.memory_space<hbm>>
      %dma_wait3A_343 = arith.constant 0 : i32
      %dma_wait3A_344 = arith.constant 0 : i32
      %dma_wait3A_345 = tpu.memref_slice %arg2[%dma_wait3A_343, %dma_wait3A_344] : memref<10000x128xf32, #tpu.memory_space<hbm>> -> memref<128x128xf32, #tpu.memory_space<hbm>>
      tpu.wait_dma2 semaphore(%arg15 : memref<!tpu.dma_semaphore, #tpu.memory_space<semaphore_mem>>) src(%dma_wait3A_345 : memref<128x128xf32, #tpu.memory_space<hbm>>) dst(%arg10 : memref<128x128xf32, #tpu.memory_space<vmem>>)
      %dma_start3A_346 = arith.constant 0 : i32
      %dma_start3A_347 = arith.constant 0 : i32
      %dma_start3A_348 = tpu.memref_slice %arg9[%dma_start3A_346, %dma_start3A_347] : memref<8x128xi32, #tpu.memory_space<vmem>> -> memref<1x128xi32, #tpu.memory_space<vmem>>
      %dma_start3A_349 = tpu.memref_squeeze %dma_start3A_348 : memref<1x128xi32, #tpu.memory_space<vmem>> -> memref<128xi32, #tpu.memory_space<vmem>>
      %dma_start3A_350 = arith.constant 0 : i32
      %dma_start3A_351 = arith.constant 0 : i32
      %dma_start3A_352 = tpu.memref_slice %arg12[%dma_start3A_350, %dma_start3A_351] : memref<10240x128xf32, #tpu.memory_space<vmem_shared>> -> memref<10240x128xf32, #tpu.memory_space<vmem_shared>>
      tpu.enqueue_indirect_dma source(%arg10 : memref<128x128xf32, #tpu.memory_space<vmem>>) target(%dma_start3A_352 : memref<10240x128xf32, #tpu.memory_space<vmem_shared>>) offsets(%dma_start3A_349 : memref<128xi32, #tpu.memory_space<vmem>>) semaphore(%arg17 : memref<!tpu.dma_semaphore, #tpu.memory_space<semaphore_mem>>) {add = true}
      %dma_wait3A_353 = arith.constant 0 : i32
      %dma_wait3A_354 = arith.constant 0 : i32
      %dma_wait3A_355 = tpu.memref_slice %arg12[%dma_wait3A_353, %dma_wait3A_354] : memref<10240x128xf32, #tpu.memory_space<vmem_shared>> -> memref<128x128xf32, #tpu.memory_space<vmem_shared>>
      %dma_wait3A_356 = arith.constant 0 : i32
      %dma_wait3A_357 = arith.constant 0 : i32
      %dma_wait3A_358 = tpu.memref_slice %arg12[%dma_wait3A_356, %dma_wait3A_357] : memref<10240x128xf32, #tpu.memory_space<vmem_shared>> -> memref<128x128xf32, #tpu.memory_space<vmem_shared>>
      tpu.wait_dma2 semaphore(%arg17 : memref<!tpu.dma_semaphore, #tpu.memory_space<semaphore_mem>>) src(%arg10 : memref<128x128xf32, #tpu.memory_space<vmem>>) dst(%dma_wait3A_358 : memref<128x128xf32, #tpu.memory_space<vmem_shared>>)
      %dma_start3A_359 = arith.constant 2 : i32
      %dma_start3A_360 = arith.constant 0 : i32
      %dma_start3A_361 = tpu.memref_slice %arg8[%dma_start3A_359, %dma_start3A_360] : memref<8x128xi32, #tpu.memory_space<vmem>> -> memref<1x128xi32, #tpu.memory_space<vmem>>
      %dma_start3A_362 = tpu.memref_squeeze %dma_start3A_361 : memref<1x128xi32, #tpu.memory_space<vmem>> -> memref<128xi32, #tpu.memory_space<vmem>>
      %dma_start3A_363 = arith.constant 0 : i32
      %dma_start3A_364 = arith.constant 0 : i32
      %dma_start3A_365 = tpu.memref_slice %arg2[%dma_start3A_363, %dma_start3A_364] : memref<10000x128xf32, #tpu.memory_space<hbm>> -> memref<10000x128xf32, #tpu.memory_space<hbm>>
      tpu.enqueue_indirect_dma source(%dma_start3A_365 : memref<10000x128xf32, #tpu.memory_space<hbm>>) target(%arg10 : memref<128x128xf32, #tpu.memory_space<vmem>>) offsets(%dma_start3A_362 : memref<128xi32, #tpu.memory_space<vmem>>) semaphore(%arg15 : memref<!tpu.dma_semaphore, #tpu.memory_space<semaphore_mem>>)
      %dma_wait3A_366 = arith.constant 0 : i32
      %dma_wait3A_367 = arith.constant 0 : i32
      %dma_wait3A_368 = tpu.memref_slice %arg2[%dma_wait3A_366, %dma_wait3A_367] : memref<10000x128xf32, #tpu.memory_space<hbm>> -> memref<128x128xf32, #tpu.memory_space<hbm>>
      %dma_wait3A_369 = arith.constant 0 : i32
      %dma_wait3A_370 = arith.constant 0 : i32
      %dma_wait3A_371 = tpu.memref_slice %arg2[%dma_wait3A_369, %dma_wait3A_370] : memref<10000x128xf32, #tpu.memory_space<hbm>> -> memref<128x128xf32, #tpu.memory_space<hbm>>
      tpu.wait_dma2 semaphore(%arg16 : memref<!tpu.dma_semaphore, #tpu.memory_space<semaphore_mem>>) src(%dma_wait3A_371 : memref<128x128xf32, #tpu.memory_space<hbm>>) dst(%arg11 : memref<128x128xf32, #tpu.memory_space<vmem>>)
      %dma_start3A_372 = arith.constant 1 : i32
      %dma_start3A_373 = arith.constant 0 : i32
      %dma_start3A_374 = tpu.memref_slice %arg9[%dma_start3A_372, %dma_start3A_373] : memref<8x128xi32, #tpu.memory_space<vmem>> -> memref<1x128xi32, #tpu.memory_space<vmem>>
      %dma_start3A_375 = tpu.memref_squeeze %dma_start3A_374 : memref<1x128xi32, #tpu.memory_space<vmem>> -> memref<128xi32, #tpu.memory_space<vmem>>
      %dma_start3A_376 = arith.constant 0 : i32
      %dma_start3A_377 = arith.constant 0 : i32
      %dma_start3A_378 = tpu.memref_slice %arg12[%dma_start3A_376, %dma_start3A_377] : memref<10240x128xf32, #tpu.memory_space<vmem_shared>> -> memref<10240x128xf32, #tpu.memory_space<vmem_shared>>
      tpu.enqueue_indirect_dma source(%arg11 : memref<128x128xf32, #tpu.memory_space<vmem>>) target(%dma_start3A_378 : memref<10240x128xf32, #tpu.memory_space<vmem_shared>>) offsets(%dma_start3A_375 : memref<128xi32, #tpu.memory_space<vmem>>) semaphore(%arg18 : memref<!tpu.dma_semaphore, #tpu.memory_space<semaphore_mem>>) {add = true}
      %dma_wait3A_379 = arith.constant 0 : i32
      %dma_wait3A_380 = arith.constant 0 : i32
      %dma_wait3A_381 = tpu.memref_slice %arg12[%dma_wait3A_379, %dma_wait3A_380] : memref<10240x128xf32, #tpu.memory_space<vmem_shared>> -> memref<128x128xf32, #tpu.memory_space<vmem_shared>>
      %dma_wait3A_382 = arith.constant 0 : i32
      %dma_wait3A_383 = arith.constant 0 : i32
      %dma_wait3A_384 = tpu.memref_slice %arg12[%dma_wait3A_382, %dma_wait3A_383] : memref<10240x128xf32, #tpu.memory_space<vmem_shared>> -> memref<128x128xf32, #tpu.memory_space<vmem_shared>>
      tpu.wait_dma2 semaphore(%arg18 : memref<!tpu.dma_semaphore, #tpu.memory_space<semaphore_mem>>) src(%arg11 : memref<128x128xf32, #tpu.memory_space<vmem>>) dst(%dma_wait3A_384 : memref<128x128xf32, #tpu.memory_space<vmem_shared>>)
      %dma_start3A_385 = arith.constant 3 : i32
      %dma_start3A_386 = arith.constant 0 : i32
      %dma_start3A_387 = tpu.memref_slice %arg8[%dma_start3A_385, %dma_start3A_386] : memref<8x128xi32, #tpu.memory_space<vmem>> -> memref<1x128xi32, #tpu.memory_space<vmem>>
      %dma_start3A_388 = tpu.memref_squeeze %dma_start3A_387 : memref<1x128xi32, #tpu.memory_space<vmem>> -> memref<128xi32, #tpu.memory_space<vmem>>
      %dma_start3A_389 = arith.constant 0 : i32
      %dma_start3A_390 = arith.constant 0 : i32
      %dma_start3A_391 = tpu.memref_slice %arg2[%dma_start3A_389, %dma_start3A_390] : memref<10000x128xf32, #tpu.memory_space<hbm>> -> memref<10000x128xf32, #tpu.memory_space<hbm>>
      tpu.enqueue_indirect_dma source(%dma_start3A_391 : memref<10000x128xf32, #tpu.memory_space<hbm>>) target(%arg11 : memref<128x128xf32, #tpu.memory_space<vmem>>) offsets(%dma_start3A_388 : memref<128xi32, #tpu.memory_space<vmem>>) semaphore(%arg16 : memref<!tpu.dma_semaphore, #tpu.memory_space<semaphore_mem>>)
      %dma_wait3A_392 = arith.constant 0 : i32
      %dma_wait3A_393 = arith.constant 0 : i32
      %dma_wait3A_394 = tpu.memref_slice %arg2[%dma_wait3A_392, %dma_wait3A_393] : memref<10000x128xf32, #tpu.memory_space<hbm>> -> memref<128x128xf32, #tpu.memory_space<hbm>>
      %dma_wait3A_395 = arith.constant 0 : i32
      %dma_wait3A_396 = arith.constant 0 : i32
      %dma_wait3A_397 = tpu.memref_slice %arg2[%dma_wait3A_395, %dma_wait3A_396] : memref<10000x128xf32, #tpu.memory_space<hbm>> -> memref<128x128xf32, #tpu.memory_space<hbm>>
      tpu.wait_dma2 semaphore(%arg15 : memref<!tpu.dma_semaphore, #tpu.memory_space<semaphore_mem>>) src(%dma_wait3A_397 : memref<128x128xf32, #tpu.memory_space<hbm>>) dst(%arg10 : memref<128x128xf32, #tpu.memory_space<vmem>>)
      %dma_start3A_398 = arith.constant 2 : i32
      %dma_start3A_399 = arith.constant 0 : i32
      %dma_start3A_400 = tpu.memref_slice %arg9[%dma_start3A_398, %dma_start3A_399] : memref<8x128xi32, #tpu.memory_space<vmem>> -> memref<1x128xi32, #tpu.memory_space<vmem>>
      %dma_start3A_401 = tpu.memref_squeeze %dma_start3A_400 : memref<1x128xi32, #tpu.memory_space<vmem>> -> memref<128xi32, #tpu.memory_space<vmem>>
      %dma_start3A_402 = arith.constant 0 : i32
      %dma_start3A_403 = arith.constant 0 : i32
      %dma_start3A_404 = tpu.memref_slice %arg12[%dma_start3A_402, %dma_start3A_403] : memref<10240x128xf32, #tpu.memory_space<vmem_shared>> -> memref<10240x128xf32, #tpu.memory_space<vmem_shared>>
      tpu.enqueue_indirect_dma source(%arg10 : memref<128x128xf32, #tpu.memory_space<vmem>>) target(%dma_start3A_404 : memref<10240x128xf32, #tpu.memory_space<vmem_shared>>) offsets(%dma_start3A_401 : memref<128xi32, #tpu.memory_space<vmem>>) semaphore(%arg17 : memref<!tpu.dma_semaphore, #tpu.memory_space<semaphore_mem>>) {add = true}
      %dma_wait3A_405 = arith.constant 0 : i32
      %dma_wait3A_406 = arith.constant 0 : i32
      %dma_wait3A_407 = tpu.memref_slice %arg12[%dma_wait3A_405, %dma_wait3A_406] : memref<10240x128xf32, #tpu.memory_space<vmem_shared>> -> memref<128x128xf32, #tpu.memory_space<vmem_shared>>
      %dma_wait3A_408 = arith.constant 0 : i32
      %dma_wait3A_409 = arith.constant 0 : i32
      %dma_wait3A_410 = tpu.memref_slice %arg12[%dma_wait3A_408, %dma_wait3A_409] : memref<10240x128xf32, #tpu.memory_space<vmem_shared>> -> memref<128x128xf32, #tpu.memory_space<vmem_shared>>
      tpu.wait_dma2 semaphore(%arg17 : memref<!tpu.dma_semaphore, #tpu.memory_space<semaphore_mem>>) src(%arg10 : memref<128x128xf32, #tpu.memory_space<vmem>>) dst(%dma_wait3A_410 : memref<128x128xf32, #tpu.memory_space<vmem_shared>>)
      %dma_start3A_411 = arith.constant 4 : i32
      %dma_start3A_412 = arith.constant 0 : i32
      %dma_start3A_413 = tpu.memref_slice %arg8[%dma_start3A_411, %dma_start3A_412] : memref<8x128xi32, #tpu.memory_space<vmem>> -> memref<1x128xi32, #tpu.memory_space<vmem>>
      %dma_start3A_414 = tpu.memref_squeeze %dma_start3A_413 : memref<1x128xi32, #tpu.memory_space<vmem>> -> memref<128xi32, #tpu.memory_space<vmem>>
      %dma_start3A_415 = arith.constant 0 : i32
      %dma_start3A_416 = arith.constant 0 : i32
      %dma_start3A_417 = tpu.memref_slice %arg2[%dma_start3A_415, %dma_start3A_416] : memref<10000x128xf32, #tpu.memory_space<hbm>> -> memref<10000x128xf32, #tpu.memory_space<hbm>>
      tpu.enqueue_indirect_dma source(%dma_start3A_417 : memref<10000x128xf32, #tpu.memory_space<hbm>>) target(%arg10 : memref<128x128xf32, #tpu.memory_space<vmem>>) offsets(%dma_start3A_414 : memref<128xi32, #tpu.memory_space<vmem>>) semaphore(%arg15 : memref<!tpu.dma_semaphore, #tpu.memory_space<semaphore_mem>>)
      %dma_wait3A_418 = arith.constant 0 : i32
      %dma_wait3A_419 = arith.constant 0 : i32
      %dma_wait3A_420 = tpu.memref_slice %arg2[%dma_wait3A_418, %dma_wait3A_419] : memref<10000x128xf32, #tpu.memory_space<hbm>> -> memref<128x128xf32, #tpu.memory_space<hbm>>
      %dma_wait3A_421 = arith.constant 0 : i32
      %dma_wait3A_422 = arith.constant 0 : i32
      %dma_wait3A_423 = tpu.memref_slice %arg2[%dma_wait3A_421, %dma_wait3A_422] : memref<10000x128xf32, #tpu.memory_space<hbm>> -> memref<128x128xf32, #tpu.memory_space<hbm>>
      tpu.wait_dma2 semaphore(%arg16 : memref<!tpu.dma_semaphore, #tpu.memory_space<semaphore_mem>>) src(%dma_wait3A_423 : memref<128x128xf32, #tpu.memory_space<hbm>>) dst(%arg11 : memref<128x128xf32, #tpu.memory_space<vmem>>)
      %dma_start3A_424 = arith.constant 3 : i32
      %dma_start3A_425 = arith.constant 0 : i32
      %dma_start3A_426 = tpu.memref_slice %arg9[%dma_start3A_424, %dma_start3A_425] : memref<8x128xi32, #tpu.memory_space<vmem>> -> memref<1x128xi32, #tpu.memory_space<vmem>>
      %dma_start3A_427 = tpu.memref_squeeze %dma_start3A_426 : memref<1x128xi32, #tpu.memory_space<vmem>> -> memref<128xi32, #tpu.memory_space<vmem>>
      %dma_start3A_428 = arith.constant 0 : i32
      %dma_start3A_429 = arith.constant 0 : i32
      %dma_start3A_430 = tpu.memref_slice %arg12[%dma_start3A_428, %dma_start3A_429] : memref<10240x128xf32, #tpu.memory_space<vmem_shared>> -> memref<10240x128xf32, #tpu.memory_space<vmem_shared>>
      tpu.enqueue_indirect_dma source(%arg11 : memref<128x128xf32, #tpu.memory_space<vmem>>) target(%dma_start3A_430 : memref<10240x128xf32, #tpu.memory_space<vmem_shared>>) offsets(%dma_start3A_427 : memref<128xi32, #tpu.memory_space<vmem>>) semaphore(%arg18 : memref<!tpu.dma_semaphore, #tpu.memory_space<semaphore_mem>>) {add = true}
      %dma_wait3A_431 = arith.constant 0 : i32
      %dma_wait3A_432 = arith.constant 0 : i32
      %dma_wait3A_433 = tpu.memref_slice %arg12[%dma_wait3A_431, %dma_wait3A_432] : memref<10240x128xf32, #tpu.memory_space<vmem_shared>> -> memref<128x128xf32, #tpu.memory_space<vmem_shared>>
      %dma_wait3A_434 = arith.constant 0 : i32
      %dma_wait3A_435 = arith.constant 0 : i32
      %dma_wait3A_436 = tpu.memref_slice %arg12[%dma_wait3A_434, %dma_wait3A_435] : memref<10240x128xf32, #tpu.memory_space<vmem_shared>> -> memref<128x128xf32, #tpu.memory_space<vmem_shared>>
      tpu.wait_dma2 semaphore(%arg18 : memref<!tpu.dma_semaphore, #tpu.memory_space<semaphore_mem>>) src(%arg11 : memref<128x128xf32, #tpu.memory_space<vmem>>) dst(%dma_wait3A_436 : memref<128x128xf32, #tpu.memory_space<vmem_shared>>)
      %dma_start3A_437 = arith.constant 5 : i32
      %dma_start3A_438 = arith.constant 0 : i32
      %dma_start3A_439 = tpu.memref_slice %arg8[%dma_start3A_437, %dma_start3A_438] : memref<8x128xi32, #tpu.memory_space<vmem>> -> memref<1x128xi32, #tpu.memory_space<vmem>>
      %dma_start3A_440 = tpu.memref_squeeze %dma_start3A_439 : memref<1x128xi32, #tpu.memory_space<vmem>> -> memref<128xi32, #tpu.memory_space<vmem>>
      %dma_start3A_441 = arith.constant 0 : i32
      %dma_start3A_442 = arith.constant 0 : i32
      %dma_start3A_443 = tpu.memref_slice %arg2[%dma_start3A_441, %dma_start3A_442] : memref<10000x128xf32, #tpu.memory_space<hbm>> -> memref<10000x128xf32, #tpu.memory_space<hbm>>
      tpu.enqueue_indirect_dma source(%dma_start3A_443 : memref<10000x128xf32, #tpu.memory_space<hbm>>) target(%arg11 : memref<128x128xf32, #tpu.memory_space<vmem>>) offsets(%dma_start3A_440 : memref<128xi32, #tpu.memory_space<vmem>>) semaphore(%arg16 : memref<!tpu.dma_semaphore, #tpu.memory_space<semaphore_mem>>)
      %dma_wait3A_444 = arith.constant 0 : i32
      %dma_wait3A_445 = arith.constant 0 : i32
      %dma_wait3A_446 = tpu.memref_slice %arg2[%dma_wait3A_444, %dma_wait3A_445] : memref<10000x128xf32, #tpu.memory_space<hbm>> -> memref<128x128xf32, #tpu.memory_space<hbm>>
      %dma_wait3A_447 = arith.constant 0 : i32
      %dma_wait3A_448 = arith.constant 0 : i32
      %dma_wait3A_449 = tpu.memref_slice %arg2[%dma_wait3A_447, %dma_wait3A_448] : memref<10000x128xf32, #tpu.memory_space<hbm>> -> memref<128x128xf32, #tpu.memory_space<hbm>>
      tpu.wait_dma2 semaphore(%arg15 : memref<!tpu.dma_semaphore, #tpu.memory_space<semaphore_mem>>) src(%dma_wait3A_449 : memref<128x128xf32, #tpu.memory_space<hbm>>) dst(%arg10 : memref<128x128xf32, #tpu.memory_space<vmem>>)
      %dma_start3A_450 = arith.constant 4 : i32
      %dma_start3A_451 = arith.constant 0 : i32
      %dma_start3A_452 = tpu.memref_slice %arg9[%dma_start3A_450, %dma_start3A_451] : memref<8x128xi32, #tpu.memory_space<vmem>> -> memref<1x128xi32, #tpu.memory_space<vmem>>
      %dma_start3A_453 = tpu.memref_squeeze %dma_start3A_452 : memref<1x128xi32, #tpu.memory_space<vmem>> -> memref<128xi32, #tpu.memory_space<vmem>>
      %dma_start3A_454 = arith.constant 0 : i32
      %dma_start3A_455 = arith.constant 0 : i32
      %dma_start3A_456 = tpu.memref_slice %arg12[%dma_start3A_454, %dma_start3A_455] : memref<10240x128xf32, #tpu.memory_space<vmem_shared>> -> memref<10240x128xf32, #tpu.memory_space<vmem_shared>>
      tpu.enqueue_indirect_dma source(%arg10 : memref<128x128xf32, #tpu.memory_space<vmem>>) target(%dma_start3A_456 : memref<10240x128xf32, #tpu.memory_space<vmem_shared>>) offsets(%dma_start3A_453 : memref<128xi32, #tpu.memory_space<vmem>>) semaphore(%arg17 : memref<!tpu.dma_semaphore, #tpu.memory_space<semaphore_mem>>) {add = true}
      %dma_wait3A_457 = arith.constant 0 : i32
      %dma_wait3A_458 = arith.constant 0 : i32
      %dma_wait3A_459 = tpu.memref_slice %arg12[%dma_wait3A_457, %dma_wait3A_458] : memref<10240x128xf32, #tpu.memory_space<vmem_shared>> -> memref<128x128xf32, #tpu.memory_space<vmem_shared>>
      %dma_wait3A_460 = arith.constant 0 : i32
      %dma_wait3A_461 = arith.constant 0 : i32
      %dma_wait3A_462 = tpu.memref_slice %arg12[%dma_wait3A_460, %dma_wait3A_461] : memref<10240x128xf32, #tpu.memory_space<vmem_shared>> -> memref<128x128xf32, #tpu.memory_space<vmem_shared>>
      tpu.wait_dma2 semaphore(%arg17 : memref<!tpu.dma_semaphore, #tpu.memory_space<semaphore_mem>>) src(%arg10 : memref<128x128xf32, #tpu.memory_space<vmem>>) dst(%dma_wait3A_462 : memref<128x128xf32, #tpu.memory_space<vmem_shared>>)
      %dma_start3A_463 = arith.constant 6 : i32
      %dma_start3A_464 = arith.constant 0 : i32
      %dma_start3A_465 = tpu.memref_slice %arg8[%dma_start3A_463, %dma_start3A_464] : memref<8x128xi32, #tpu.memory_space<vmem>> -> memref<1x128xi32, #tpu.memory_space<vmem>>
      %dma_start3A_466 = tpu.memref_squeeze %dma_start3A_465 : memref<1x128xi32, #tpu.memory_space<vmem>> -> memref<128xi32, #tpu.memory_space<vmem>>
      %dma_start3A_467 = arith.constant 0 : i32
      %dma_start3A_468 = arith.constant 0 : i32
      %dma_start3A_469 = tpu.memref_slice %arg2[%dma_start3A_467, %dma_start3A_468] : memref<10000x128xf32, #tpu.memory_space<hbm>> -> memref<10000x128xf32, #tpu.memory_space<hbm>>
      tpu.enqueue_indirect_dma source(%dma_start3A_469 : memref<10000x128xf32, #tpu.memory_space<hbm>>) target(%arg10 : memref<128x128xf32, #tpu.memory_space<vmem>>) offsets(%dma_start3A_466 : memref<128xi32, #tpu.memory_space<vmem>>) semaphore(%arg15 : memref<!tpu.dma_semaphore, #tpu.memory_space<semaphore_mem>>)
      %dma_wait3A_470 = arith.constant 0 : i32
      %dma_wait3A_471 = arith.constant 0 : i32
      %dma_wait3A_472 = tpu.memref_slice %arg2[%dma_wait3A_470, %dma_wait3A_471] : memref<10000x128xf32, #tpu.memory_space<hbm>> -> memref<128x128xf32, #tpu.memory_space<hbm>>
      %dma_wait3A_473 = arith.constant 0 : i32
      %dma_wait3A_474 = arith.constant 0 : i32
      %dma_wait3A_475 = tpu.memref_slice %arg2[%dma_wait3A_473, %dma_wait3A_474] : memref<10000x128xf32, #tpu.memory_space<hbm>> -> memref<128x128xf32, #tpu.memory_space<hbm>>
      tpu.wait_dma2 semaphore(%arg16 : memref<!tpu.dma_semaphore, #tpu.memory_space<semaphore_mem>>) src(%dma_wait3A_475 : memref<128x128xf32, #tpu.memory_space<hbm>>) dst(%arg11 : memref<128x128xf32, #tpu.memory_space<vmem>>)
      %dma_start3A_476 = arith.constant 5 : i32
      %dma_start3A_477 = arith.constant 0 : i32
      %dma_start3A_478 = tpu.memref_slice %arg9[%dma_start3A_476, %dma_start3A_477] : memref<8x128xi32, #tpu.memory_space<vmem>> -> memref<1x128xi32, #tpu.memory_space<vmem>>
      %dma_start3A_479 = tpu.memref_squeeze %dma_start3A_478 : memref<1x128xi32, #tpu.memory_space<vmem>> -> memref<128xi32, #tpu.memory_space<vmem>>
      %dma_start3A_480 = arith.constant 0 : i32
      %dma_start3A_481 = arith.constant 0 : i32
      %dma_start3A_482 = tpu.memref_slice %arg12[%dma_start3A_480, %dma_start3A_481] : memref<10240x128xf32, #tpu.memory_space<vmem_shared>> -> memref<10240x128xf32, #tpu.memory_space<vmem_shared>>
      tpu.enqueue_indirect_dma source(%arg11 : memref<128x128xf32, #tpu.memory_space<vmem>>) target(%dma_start3A_482 : memref<10240x128xf32, #tpu.memory_space<vmem_shared>>) offsets(%dma_start3A_479 : memref<128xi32, #tpu.memory_space<vmem>>) semaphore(%arg18 : memref<!tpu.dma_semaphore, #tpu.memory_space<semaphore_mem>>) {add = true}
      %dma_wait3A_483 = arith.constant 0 : i32
      %dma_wait3A_484 = arith.constant 0 : i32
      %dma_wait3A_485 = tpu.memref_slice %arg12[%dma_wait3A_483, %dma_wait3A_484] : memref<10240x128xf32, #tpu.memory_space<vmem_shared>> -> memref<128x128xf32, #tpu.memory_space<vmem_shared>>
      %dma_wait3A_486 = arith.constant 0 : i32
      %dma_wait3A_487 = arith.constant 0 : i32
      %dma_wait3A_488 = tpu.memref_slice %arg12[%dma_wait3A_486, %dma_wait3A_487] : memref<10240x128xf32, #tpu.memory_space<vmem_shared>> -> memref<128x128xf32, #tpu.memory_space<vmem_shared>>
      tpu.wait_dma2 semaphore(%arg18 : memref<!tpu.dma_semaphore, #tpu.memory_space<semaphore_mem>>) src(%arg11 : memref<128x128xf32, #tpu.memory_space<vmem>>) dst(%dma_wait3A_488 : memref<128x128xf32, #tpu.memory_space<vmem_shared>>)
      %dma_start3A_489 = arith.constant 7 : i32
      %dma_start3A_490 = arith.constant 0 : i32
      %dma_start3A_491 = tpu.memref_slice %arg8[%dma_start3A_489, %dma_start3A_490] : memref<8x128xi32, #tpu.memory_space<vmem>> -> memref<1x128xi32, #tpu.memory_space<vmem>>
      %dma_start3A_492 = tpu.memref_squeeze %dma_start3A_491 : memref<1x128xi32, #tpu.memory_space<vmem>> -> memref<128xi32, #tpu.memory_space<vmem>>
      %dma_start3A_493 = arith.constant 0 : i32
      %dma_start3A_494 = arith.constant 0 : i32
      %dma_start3A_495 = tpu.memref_slice %arg2[%dma_start3A_493, %dma_start3A_494] : memref<10000x128xf32, #tpu.memory_space<hbm>> -> memref<10000x128xf32, #tpu.memory_space<hbm>>
      tpu.enqueue_indirect_dma source(%dma_start3A_495 : memref<10000x128xf32, #tpu.memory_space<hbm>>) target(%arg11 : memref<128x128xf32, #tpu.memory_space<vmem>>) offsets(%dma_start3A_492 : memref<128xi32, #tpu.memory_space<vmem>>) semaphore(%arg16 : memref<!tpu.dma_semaphore, #tpu.memory_space<semaphore_mem>>)
      %dma_wait3A_496 = arith.constant 0 : i32
      %dma_wait3A_497 = arith.constant 0 : i32
      %dma_wait3A_498 = tpu.memref_slice %arg2[%dma_wait3A_496, %dma_wait3A_497] : memref<10000x128xf32, #tpu.memory_space<hbm>> -> memref<128x128xf32, #tpu.memory_space<hbm>>
      %dma_wait3A_499 = arith.constant 0 : i32
      %dma_wait3A_500 = arith.constant 0 : i32
      %dma_wait3A_501 = tpu.memref_slice %arg2[%dma_wait3A_499, %dma_wait3A_500] : memref<10000x128xf32, #tpu.memory_space<hbm>> -> memref<128x128xf32, #tpu.memory_space<hbm>>
      tpu.wait_dma2 semaphore(%arg15 : memref<!tpu.dma_semaphore, #tpu.memory_space<semaphore_mem>>) src(%dma_wait3A_501 : memref<128x128xf32, #tpu.memory_space<hbm>>) dst(%arg10 : memref<128x128xf32, #tpu.memory_space<vmem>>)
      %dma_start3A_502 = arith.constant 6 : i32
      %dma_start3A_503 = arith.constant 0 : i32
      %dma_start3A_504 = tpu.memref_slice %arg9[%dma_start3A_502, %dma_start3A_503] : memref<8x128xi32, #tpu.memory_space<vmem>> -> memref<1x128xi32, #tpu.memory_space<vmem>>
      %dma_start3A_505 = tpu.memref_squeeze %dma_start3A_504 : memref<1x128xi32, #tpu.memory_space<vmem>> -> memref<128xi32, #tpu.memory_space<vmem>>
      %dma_start3A_506 = arith.constant 0 : i32
      %dma_start3A_507 = arith.constant 0 : i32
      %dma_start3A_508 = tpu.memref_slice %arg12[%dma_start3A_506, %dma_start3A_507] : memref<10240x128xf32, #tpu.memory_space<vmem_shared>> -> memref<10240x128xf32, #tpu.memory_space<vmem_shared>>
      tpu.enqueue_indirect_dma source(%arg10 : memref<128x128xf32, #tpu.memory_space<vmem>>) target(%dma_start3A_508 : memref<10240x128xf32, #tpu.memory_space<vmem_shared>>) offsets(%dma_start3A_505 : memref<128xi32, #tpu.memory_space<vmem>>) semaphore(%arg17 : memref<!tpu.dma_semaphore, #tpu.memory_space<semaphore_mem>>) {add = true}
      %add3A_509 = arith.constant 1 : i32
      %add3A_510 = arith.addi %add3A_327, %add3A_509 : i32
      %lt3A_511 = arith.constant 10 : i32
      %lt3A_512 = arith.cmpi slt, %add3A_510, %lt3A_511 : i32
      %convert_element_type3A_513 = arith.extui %lt3A_512 : i1 to i32
      %cond3A_514 = arith.constant 0 : i32
      %cond3A_515 = arith.cmpi ne, %convert_element_type3A_513, %cond3A_514 : i32
      scf.if %cond3A_515 {
        %dma_wait3A_536 = arith.constant 0 : i32
        %dma_wait3A_537 = arith.constant 0 : i32
        %dma_wait3A_538 = tpu.memref_slice %arg12[%dma_wait3A_536, %dma_wait3A_537] : memref<10240x128xf32, #tpu.memory_space<vmem_shared>> -> memref<128x128xf32, #tpu.memory_space<vmem_shared>>
        %dma_wait3A_539 = arith.constant 0 : i32
        %dma_wait3A_540 = arith.constant 0 : i32
        %dma_wait3A_541 = tpu.memref_slice %arg12[%dma_wait3A_539, %dma_wait3A_540] : memref<10240x128xf32, #tpu.memory_space<vmem_shared>> -> memref<128x128xf32, #tpu.memory_space<vmem_shared>>
        tpu.wait_dma2 semaphore(%arg17 : memref<!tpu.dma_semaphore, #tpu.memory_space<semaphore_mem>>) src(%arg10 : memref<128x128xf32, #tpu.memory_space<vmem>>) dst(%dma_wait3A_541 : memref<128x128xf32, #tpu.memory_space<vmem_shared>>)
        %dma_wait3A_542 = arith.constant 0 : i32
        %dma_wait3A_543 = arith.constant 0 : i32
        %dma_wait3A_544 = tpu.memref_slice %arg3[%dma_wait3A_542, %dma_wait3A_543] : memref<2560x128xi32, #tpu.memory_space<hbm>> -> memref<8x128xi32, #tpu.memory_space<hbm>>
        %dma_wait3A_545 = arith.constant 0 : i32
        %dma_wait3A_546 = arith.constant 0 : i32
        %dma_wait3A_547 = tpu.memref_slice %arg3[%dma_wait3A_545, %dma_wait3A_546] : memref<2560x128xi32, #tpu.memory_space<hbm>> -> memref<8x128xi32, #tpu.memory_space<hbm>>
        tpu.wait_dma2 semaphore(%arg13 : memref<!tpu.dma_semaphore, #tpu.memory_space<semaphore_mem>>) src(%dma_wait3A_547 : memref<8x128xi32, #tpu.memory_space<hbm>>) dst(%arg6 : memref<8x128xi32, #tpu.memory_space<vmem>>)
        %dma_wait3A_548 = arith.constant 0 : i32
        %dma_wait3A_549 = arith.constant 0 : i32
        %dma_wait3A_550 = tpu.memref_slice %arg4[%dma_wait3A_548, %dma_wait3A_549] : memref<2560x128xi32, #tpu.memory_space<hbm>> -> memref<8x128xi32, #tpu.memory_space<hbm>>
        %dma_wait3A_551 = arith.constant 0 : i32
        %dma_wait3A_552 = arith.constant 0 : i32
        %dma_wait3A_553 = tpu.memref_slice %arg4[%dma_wait3A_551, %dma_wait3A_552] : memref<2560x128xi32, #tpu.memory_space<hbm>> -> memref<8x128xi32, #tpu.memory_space<hbm>>
        tpu.wait_dma2 semaphore(%arg13 : memref<!tpu.dma_semaphore, #tpu.memory_space<semaphore_mem>>) src(%dma_wait3A_553 : memref<8x128xi32, #tpu.memory_space<hbm>>) dst(%arg7 : memref<8x128xi32, #tpu.memory_space<vmem>>)
        %dma_start3A_554 = arith.constant 0 : i32
        %dma_start3A_555 = arith.constant 0 : i32
        %dma_start3A_556 = tpu.memref_slice %arg6[%dma_start3A_554, %dma_start3A_555] : memref<8x128xi32, #tpu.memory_space<vmem>> -> memref<1x128xi32, #tpu.memory_space<vmem>>
        %dma_start3A_557 = tpu.memref_squeeze %dma_start3A_556 : memref<1x128xi32, #tpu.memory_space<vmem>> -> memref<128xi32, #tpu.memory_space<vmem>>
        %dma_start3A_558 = arith.constant 0 : i32
        %dma_start3A_559 = arith.constant 0 : i32
        %dma_start3A_560 = tpu.memref_slice %arg2[%dma_start3A_558, %dma_start3A_559] : memref<10000x128xf32, #tpu.memory_space<hbm>> -> memref<10000x128xf32, #tpu.memory_space<hbm>>
        tpu.enqueue_indirect_dma source(%dma_start3A_560 : memref<10000x128xf32, #tpu.memory_space<hbm>>) target(%arg10 : memref<128x128xf32, #tpu.memory_space<vmem>>) offsets(%dma_start3A_557 : memref<128xi32, #tpu.memory_space<vmem>>) semaphore(%arg15 : memref<!tpu.dma_semaphore, #tpu.memory_space<semaphore_mem>>)
      } else {
      }
      %dma_wait3A_516 = arith.constant 0 : i32
      %dma_wait3A_517 = arith.constant 0 : i32
      %dma_wait3A_518 = tpu.memref_slice %arg2[%dma_wait3A_516, %dma_wait3A_517] : memref<10000x128xf32, #tpu.memory_space<hbm>> -> memref<128x128xf32, #tpu.memory_space<hbm>>
      %dma_wait3A_519 = arith.constant 0 : i32
      %dma_wait3A_520 = arith.constant 0 : i32
      %dma_wait3A_521 = tpu.memref_slice %arg2[%dma_wait3A_519, %dma_wait3A_520] : memref<10000x128xf32, #tpu.memory_space<hbm>> -> memref<128x128xf32, #tpu.memory_space<hbm>>
      tpu.wait_dma2 semaphore(%arg16 : memref<!tpu.dma_semaphore, #tpu.memory_space<semaphore_mem>>) src(%dma_wait3A_521 : memref<128x128xf32, #tpu.memory_space<hbm>>) dst(%arg11 : memref<128x128xf32, #tpu.memory_space<vmem>>)
      %dma_start3A_522 = arith.constant 7 : i32
      %dma_start3A_523 = arith.constant 0 : i32
      %dma_start3A_524 = tpu.memref_slice %arg9[%dma_start3A_522, %dma_start3A_523] : memref<8x128xi32, #tpu.memory_space<vmem>> -> memref<1x128xi32, #tpu.memory_space<vmem>>
      %dma_start3A_525 = tpu.memref_squeeze %dma_start3A_524 : memref<1x128xi32, #tpu.memory_space<vmem>> -> memref<128xi32, #tpu.memory_space<vmem>>
      %dma_start3A_526 = arith.constant 0 : i32
      %dma_start3A_527 = arith.constant 0 : i32
      %dma_start3A_528 = tpu.memref_slice %arg12[%dma_start3A_526, %dma_start3A_527] : memref<10240x128xf32, #tpu.memory_space<vmem_shared>> -> memref<10240x128xf32, #tpu.memory_space<vmem_shared>>
      tpu.enqueue_indirect_dma source(%arg11 : memref<128x128xf32, #tpu.memory_space<vmem>>) target(%dma_start3A_528 : memref<10240x128xf32, #tpu.memory_space<vmem_shared>>) offsets(%dma_start3A_525 : memref<128xi32, #tpu.memory_space<vmem>>) semaphore(%arg18 : memref<!tpu.dma_semaphore, #tpu.memory_space<semaphore_mem>>) {add = true}
      %add3A_529 = arith.constant 2 : i32
      %add3A_530 = arith.addi %add3A_327, %add3A_529 : i32
      %lt3A_531 = arith.constant 10 : i32
      %lt3A_532 = arith.cmpi slt, %add3A_530, %lt3A_531 : i32
      %convert_element_type3A_533 = arith.extui %lt3A_532 : i1 to i32
      %cond3A_534 = arith.constant 0 : i32
      %cond3A_535 = arith.cmpi ne, %convert_element_type3A_533, %cond3A_534 : i32
      scf.if %cond3A_535 {
        %add3A_536 = arith.constant 2 : i32
        %add3A_537 = arith.addi %add3A_327, %add3A_536 : i32
        %mul3A_538 = arith.constant 80 : i32
        %mul3A_539 = arith.muli %add3A, %mul3A_538 : i32
        %mul3A_540 = arith.constant 8 : i32
        %mul3A_541 = arith.muli %add3A_537, %mul3A_540 : i32
        %add3A_542 = arith.addi %mul3A_539, %mul3A_541 : i32
        %dma_start3A_543 = arith.constant 0 : i32
        %dma_start3A_544 = tpu.memref_slice %arg3[%add3A_542, %dma_start3A_543] : memref<2560x128xi32, #tpu.memory_space<hbm>> -> memref<8x128xi32, #tpu.memory_space<hbm>>
        %dma_start3A_545 = arith.constant 0 : i32
        %dma_start3A_546 = tpu.memref_slice %arg3[%add3A_542, %dma_start3A_545] : memref<2560x128xi32, #tpu.memory_space<hbm>> -> memref<8x128xi32, #tpu.memory_space<hbm>>
        tpu.enqueue_dma source(%dma_start3A_546 : memref<8x128xi32, #tpu.memory_space<hbm>>) target(%arg8 : memref<8x128xi32, #tpu.memory_space<vmem>>) target_semaphore(%arg14 : memref<!tpu.dma_semaphore, #tpu.memory_space<semaphore_mem>>)
        %add3A_547 = arith.constant 2 : i32
        %add3A_548 = arith.addi %add3A_327, %add3A_547 : i32
        %mul3A_549 = arith.constant 80 : i32
        %mul3A_550 = arith.muli %add3A, %mul3A_549 : i32
        %mul3A_551 = arith.constant 8 : i32
        %mul3A_552 = arith.muli %add3A_548, %mul3A_551 : i32
        %add3A_553 = arith.addi %mul3A_550, %mul3A_552 : i32
        %dma_start3A_554 = arith.constant 0 : i32
        %dma_start3A_555 = tpu.memref_slice %arg4[%add3A_553, %dma_start3A_554] : memref<2560x128xi32, #tpu.memory_space<hbm>> -> memref<8x128xi32, #tpu.memory_space<hbm>>
        %dma_start3A_556 = arith.constant 0 : i32
        %dma_start3A_557 = tpu.memref_slice %arg4[%add3A_553, %dma_start3A_556] : memref<2560x128xi32, #tpu.memory_space<hbm>> -> memref<8x128xi32, #tpu.memory_space<hbm>>
        tpu.enqueue_dma source(%dma_start3A_557 : memref<8x128xi32, #tpu.memory_space<hbm>>) target(%arg9 : memref<8x128xi32, #tpu.memory_space<vmem>>) target_semaphore(%arg14 : memref<!tpu.dma_semaphore, #tpu.memory_space<semaphore_mem>>)
      } else {
      }
    }
    %scan3A_62 = arith.constant 5 : i32
    %dma_wait3A = arith.constant 0 : i32
    %dma_wait3A_63 = arith.constant 0 : i32
    %dma_wait3A_64 = tpu.memref_slice %arg12[%dma_wait3A, %dma_wait3A_63] : memref<10240x128xf32, #tpu.memory_space<vmem_shared>> -> memref<128x128xf32, #tpu.memory_space<vmem_shared>>
    %dma_wait3A_65 = arith.constant 0 : i32
    %dma_wait3A_66 = arith.constant 0 : i32
    %dma_wait3A_67 = tpu.memref_slice %arg12[%dma_wait3A_65, %dma_wait3A_66] : memref<10240x128xf32, #tpu.memory_space<vmem_shared>> -> memref<128x128xf32, #tpu.memory_space<vmem_shared>>
    tpu.wait_dma2 semaphore(%arg17 : memref<!tpu.dma_semaphore, #tpu.memory_space<semaphore_mem>>) src(%arg10 : memref<128x128xf32, #tpu.memory_space<vmem>>) dst(%dma_wait3A_67 : memref<128x128xf32, #tpu.memory_space<vmem_shared>>)
    %dma_wait3A_68 = arith.constant 0 : i32
    %dma_wait3A_69 = arith.constant 0 : i32
    %dma_wait3A_70 = tpu.memref_slice %arg12[%dma_wait3A_68, %dma_wait3A_69] : memref<10240x128xf32, #tpu.memory_space<vmem_shared>> -> memref<128x128xf32, #tpu.memory_space<vmem_shared>>
    %dma_wait3A_71 = arith.constant 0 : i32
    %dma_wait3A_72 = arith.constant 0 : i32
    %dma_wait3A_73 = tpu.memref_slice %arg12[%dma_wait3A_71, %dma_wait3A_72] : memref<10240x128xf32, #tpu.memory_space<vmem_shared>> -> memref<128x128xf32, #tpu.memory_space<vmem_shared>>
    tpu.wait_dma2 semaphore(%arg18 : memref<!tpu.dma_semaphore, #tpu.memory_space<semaphore_mem>>) src(%arg11 : memref<128x128xf32, #tpu.memory_space<vmem>>) dst(%dma_wait3A_73 : memref<128x128xf32, #tpu.memory_space<vmem_shared>>)
    %barrier3A_74 = arith.constant 0 : index
    tpu.barrier barrier_id(%barrier3A_74)
    %mul3A_75 = arith.constant 640 : i32
    %mul3A_76 = arith.muli %arg1, %mul3A_75 : i32
    %add3A_77 = arith.constant 0 : i32
    %add3A_78 = arith.addi %mul3A_76, %add3A_77 : i32
    "tpu.region"() ({
      %run_scoped3A = tpu.sem_alloc : memref<!tpu.dma_semaphore, #tpu.memory_space<semaphore_mem>>
      %dma_start3A_115 = arith.constant 0 : i32
      %dma_start3A_116 = tpu.memref_slice %arg12[%add3A_78, %dma_start3A_115] : memref<10240x128xf32, #tpu.memory_space<vmem_shared>> -> memref<128x128xf32, #tpu.memory_space<vmem_shared>>
      %dma_start3A_117 = arith.constant 0 : i32
      %dma_start3A_118 = tpu.memref_slice %arg12[%add3A_78, %dma_start3A_117] : memref<10240x128xf32, #tpu.memory_space<vmem_shared>> -> memref<128x128xf32, #tpu.memory_space<vmem_shared>>
      tpu.enqueue_dma source(%dma_start3A_118 : memref<128x128xf32, #tpu.memory_space<vmem_shared>>) target(%arg10 : memref<128x128xf32, #tpu.memory_space<vmem>>) target_semaphore(%run_scoped3A : memref<!tpu.dma_semaphore, #tpu.memory_space<semaphore_mem>>)
      %dma_wait3A_119 = arith.constant 0 : i32
      %dma_wait3A_120 = tpu.memref_slice %arg12[%add3A_78, %dma_wait3A_119] : memref<10240x128xf32, #tpu.memory_space<vmem_shared>> -> memref<128x128xf32, #tpu.memory_space<vmem_shared>>
      %dma_wait3A_121 = arith.constant 0 : i32
      %dma_wait3A_122 = tpu.memref_slice %arg12[%add3A_78, %dma_wait3A_121] : memref<10240x128xf32, #tpu.memory_space<vmem_shared>> -> memref<128x128xf32, #tpu.memory_space<vmem_shared>>
      tpu.wait_dma2 semaphore(%run_scoped3A : memref<!tpu.dma_semaphore, #tpu.memory_space<semaphore_mem>>) src(%dma_wait3A_122 : memref<128x128xf32, #tpu.memory_space<vmem_shared>>) dst(%arg10 : memref<128x128xf32, #tpu.memory_space<vmem>>)
      tpu.yield
    }) : () -> ()
    %mul3A_79 = arith.constant 640 : i32
    %mul3A_80 = arith.muli %arg1, %mul3A_79 : i32
    %add3A_81 = arith.constant 0 : i32
    %add3A_82 = arith.addi %mul3A_80, %add3A_81 : i32
    "tpu.region"() ({
      %run_scoped3A = tpu.sem_alloc : memref<!tpu.dma_semaphore, #tpu.memory_space<semaphore_mem>>
      %dma_start3A_115 = arith.constant 0 : i32
      %dma_start3A_116 = tpu.memref_slice %arg5[%arg0, %add3A_82, %dma_start3A_115] : memref<2x10240x128xf32, #tpu.memory_space<hbm>> -> memref<1x128x128xf32, #tpu.memory_space<hbm>>
      %dma_start3A_117 = tpu.memref_squeeze %dma_start3A_116 : memref<1x128x128xf32, #tpu.memory_space<hbm>> -> memref<128x128xf32, #tpu.memory_space<hbm>>
      %dma_start3A_118 = arith.constant 0 : i32
      %dma_start3A_119 = tpu.memref_slice %arg5[%arg0, %add3A_82, %dma_start3A_118] : memref<2x10240x128xf32, #tpu.memory_space<hbm>> -> memref<1x128x128xf32, #tpu.memory_space<hbm>>
      %dma_start3A_120 = tpu.memref_squeeze %dma_start3A_119 : memref<1x128x128xf32, #tpu.memory_space<hbm>> -> memref<128x128xf32, #tpu.memory_space<hbm>>
      tpu.enqueue_dma source(%arg10 : memref<128x128xf32, #tpu.memory_space<vmem>>) target(%dma_start3A_120 : memref<128x128xf32, #tpu.memory_space<hbm>>) target_semaphore(%run_scoped3A : memref<!tpu.dma_semaphore, #tpu.memory_space<semaphore_mem>>)
      %dma_wait3A_121 = arith.constant 0 : i32
      %dma_wait3A_122 = tpu.memref_slice %arg5[%arg0, %add3A_82, %dma_wait3A_121] : memref<2x10240x128xf32, #tpu.memory_space<hbm>> -> memref<1x128x128xf32, #tpu.memory_space<hbm>>
      %dma_wait3A_123 = tpu.memref_squeeze %dma_wait3A_122 : memref<1x128x128xf32, #tpu.memory_space<hbm>> -> memref<128x128xf32, #tpu.memory_space<hbm>>
      %dma_wait3A_124 = arith.constant 0 : i32
      %dma_wait3A_125 = tpu.memref_slice %arg5[%arg0, %add3A_82, %dma_wait3A_124] : memref<2x10240x128xf32, #tpu.memory_space<hbm>> -> memref<1x128x128xf32, #tpu.memory_space<hbm>>
      %dma_wait3A_126 = tpu.memref_squeeze %dma_wait3A_125 : memref<1x128x128xf32, #tpu.memory_space<hbm>> -> memref<128x128xf32, #tpu.memory_space<hbm>>
      tpu.wait_dma2 semaphore(%run_scoped3A : memref<!tpu.dma_semaphore, #tpu.memory_space<semaphore_mem>>) src(%arg10 : memref<128x128xf32, #tpu.memory_space<vmem>>) dst(%dma_wait3A_126 : memref<128x128xf32, #tpu.memory_space<hbm>>)
      tpu.yield
    }) : () -> ()
    %mul3A_83 = arith.constant 640 : i32
    %mul3A_84 = arith.muli %arg1, %mul3A_83 : i32
    %add3A_85 = arith.constant 128 : i32
    %add3A_86 = arith.addi %mul3A_84, %add3A_85 : i32
    "tpu.region"() ({
      %run_scoped3A = tpu.sem_alloc : memref<!tpu.dma_semaphore, #tpu.memory_space<semaphore_mem>>
      %dma_start3A_115 = arith.constant 0 : i32
      %dma_start3A_116 = tpu.memref_slice %arg12[%add3A_86, %dma_start3A_115] : memref<10240x128xf32, #tpu.memory_space<vmem_shared>> -> memref<128x128xf32, #tpu.memory_space<vmem_shared>>
      %dma_start3A_117 = arith.constant 0 : i32
      %dma_start3A_118 = tpu.memref_slice %arg12[%add3A_86, %dma_start3A_117] : memref<10240x128xf32, #tpu.memory_space<vmem_shared>> -> memref<128x128xf32, #tpu.memory_space<vmem_shared>>
      tpu.enqueue_dma source(%dma_start3A_118 : memref<128x128xf32, #tpu.memory_space<vmem_shared>>) target(%arg10 : memref<128x128xf32, #tpu.memory_space<vmem>>) target_semaphore(%run_scoped3A : memref<!tpu.dma_semaphore, #tpu.memory_space<semaphore_mem>>)
      %dma_wait3A_119 = arith.constant 0 : i32
      %dma_wait3A_120 = tpu.memref_slice %arg12[%add3A_86, %dma_wait3A_119] : memref<10240x128xf32, #tpu.memory_space<vmem_shared>> -> memref<128x128xf32, #tpu.memory_space<vmem_shared>>
      %dma_wait3A_121 = arith.constant 0 : i32
      %dma_wait3A_122 = tpu.memref_slice %arg12[%add3A_86, %dma_wait3A_121] : memref<10240x128xf32, #tpu.memory_space<vmem_shared>> -> memref<128x128xf32, #tpu.memory_space<vmem_shared>>
      tpu.wait_dma2 semaphore(%run_scoped3A : memref<!tpu.dma_semaphore, #tpu.memory_space<semaphore_mem>>) src(%dma_wait3A_122 : memref<128x128xf32, #tpu.memory_space<vmem_shared>>) dst(%arg10 : memref<128x128xf32, #tpu.memory_space<vmem>>)
      tpu.yield
    }) : () -> ()
    %mul3A_87 = arith.constant 640 : i32
    %mul3A_88 = arith.muli %arg1, %mul3A_87 : i32
    %add3A_89 = arith.constant 128 : i32
    %add3A_90 = arith.addi %mul3A_88, %add3A_89 : i32
    "tpu.region"() ({
      %run_scoped3A = tpu.sem_alloc : memref<!tpu.dma_semaphore, #tpu.memory_space<semaphore_mem>>
      %dma_start3A_115 = arith.constant 0 : i32
      %dma_start3A_116 = tpu.memref_slice %arg5[%arg0, %add3A_90, %dma_start3A_115] : memref<2x10240x128xf32, #tpu.memory_space<hbm>> -> memref<1x128x128xf32, #tpu.memory_space<hbm>>
      %dma_start3A_117 = tpu.memref_squeeze %dma_start3A_116 : memref<1x128x128xf32, #tpu.memory_space<hbm>> -> memref<128x128xf32, #tpu.memory_space<hbm>>
      %dma_start3A_118 = arith.constant 0 : i32
      %dma_start3A_119 = tpu.memref_slice %arg5[%arg0, %add3A_90, %dma_start3A_118] : memref<2x10240x128xf32, #tpu.memory_space<hbm>> -> memref<1x128x128xf32, #tpu.memory_space<hbm>>
      %dma_start3A_120 = tpu.memref_squeeze %dma_start3A_119 : memref<1x128x128xf32, #tpu.memory_space<hbm>> -> memref<128x128xf32, #tpu.memory_space<hbm>>
      tpu.enqueue_dma source(%arg10 : memref<128x128xf32, #tpu.memory_space<vmem>>) target(%dma_start3A_120 : memref<128x128xf32, #tpu.memory_space<hbm>>) target_semaphore(%run_scoped3A : memref<!tpu.dma_semaphore, #tpu.memory_space<semaphore_mem>>)
      %dma_wait3A_121 = arith.constant 0 : i32
      %dma_wait3A_122 = tpu.memref_slice %arg5[%arg0, %add3A_90, %dma_wait3A_121] : memref<2x10240x128xf32, #tpu.memory_space<hbm>> -> memref<1x128x128xf32, #tpu.memory_space<hbm>>
      %dma_wait3A_123 = tpu.memref_squeeze %dma_wait3A_122 : memref<1x128x128xf32, #tpu.memory_space<hbm>> -> memref<128x128xf32, #tpu.memory_space<hbm>>
      %dma_wait3A_124 = arith.constant 0 : i32
      %dma_wait3A_125 = tpu.memref_slice %arg5[%arg0, %add3A_90, %dma_wait3A_124] : memref<2x10240x128xf32, #tpu.memory_space<hbm>> -> memref<1x128x128xf32, #tpu.memory_space<hbm>>
      %dma_wait3A_126 = tpu.memref_squeeze %dma_wait3A_125 : memref<1x128x128xf32, #tpu.memory_space<hbm>> -> memref<128x128xf32, #tpu.memory_space<hbm>>
      tpu.wait_dma2 semaphore(%run_scoped3A : memref<!tpu.dma_semaphore, #tpu.memory_space<semaphore_mem>>) src(%arg10 : memref<128x128xf32, #tpu.memory_space<vmem>>) dst(%dma_wait3A_126 : memref<128x128xf32, #tpu.memory_space<hbm>>)
      tpu.yield
    }) : () -> ()
    %mul3A_91 = arith.constant 640 : i32
    %mul3A_92 = arith.muli %arg1, %mul3A_91 : i32
    %add3A_93 = arith.constant 256 : i32
    %add3A_94 = arith.addi %mul3A_92, %add3A_93 : i32
    "tpu.region"() ({
      %run_scoped3A = tpu.sem_alloc : memref<!tpu.dma_semaphore, #tpu.memory_space<semaphore_mem>>
      %dma_start3A_115 = arith.constant 0 : i32
      %dma_start3A_116 = tpu.memref_slice %arg12[%add3A_94, %dma_start3A_115] : memref<10240x128xf32, #tpu.memory_space<vmem_shared>> -> memref<128x128xf32, #tpu.memory_space<vmem_shared>>
      %dma_start3A_117 = arith.constant 0 : i32
      %dma_start3A_118 = tpu.memref_slice %arg12[%add3A_94, %dma_start3A_117] : memref<10240x128xf32, #tpu.memory_space<vmem_shared>> -> memref<128x128xf32, #tpu.memory_space<vmem_shared>>
      tpu.enqueue_dma source(%dma_start3A_118 : memref<128x128xf32, #tpu.memory_space<vmem_shared>>) target(%arg10 : memref<128x128xf32, #tpu.memory_space<vmem>>) target_semaphore(%run_scoped3A : memref<!tpu.dma_semaphore, #tpu.memory_space<semaphore_mem>>)
      %dma_wait3A_119 = arith.constant 0 : i32
      %dma_wait3A_120 = tpu.memref_slice %arg12[%add3A_94, %dma_wait3A_119] : memref<10240x128xf32, #tpu.memory_space<vmem_shared>> -> memref<128x128xf32, #tpu.memory_space<vmem_shared>>
      %dma_wait3A_121 = arith.constant 0 : i32
      %dma_wait3A_122 = tpu.memref_slice %arg12[%add3A_94, %dma_wait3A_121] : memref<10240x128xf32, #tpu.memory_space<vmem_shared>> -> memref<128x128xf32, #tpu.memory_space<vmem_shared>>
      tpu.wait_dma2 semaphore(%run_scoped3A : memref<!tpu.dma_semaphore, #tpu.memory_space<semaphore_mem>>) src(%dma_wait3A_122 : memref<128x128xf32, #tpu.memory_space<vmem_shared>>) dst(%arg10 : memref<128x128xf32, #tpu.memory_space<vmem>>)
      tpu.yield
    }) : () -> ()
    %mul3A_95 = arith.constant 640 : i32
    %mul3A_96 = arith.muli %arg1, %mul3A_95 : i32
    %add3A_97 = arith.constant 256 : i32
    %add3A_98 = arith.addi %mul3A_96, %add3A_97 : i32
    "tpu.region"() ({
      %run_scoped3A = tpu.sem_alloc : memref<!tpu.dma_semaphore, #tpu.memory_space<semaphore_mem>>
      %dma_start3A_115 = arith.constant 0 : i32
      %dma_start3A_116 = tpu.memref_slice %arg5[%arg0, %add3A_98, %dma_start3A_115] : memref<2x10240x128xf32, #tpu.memory_space<hbm>> -> memref<1x128x128xf32, #tpu.memory_space<hbm>>
      %dma_start3A_117 = tpu.memref_squeeze %dma_start3A_116 : memref<1x128x128xf32, #tpu.memory_space<hbm>> -> memref<128x128xf32, #tpu.memory_space<hbm>>
      %dma_start3A_118 = arith.constant 0 : i32
      %dma_start3A_119 = tpu.memref_slice %arg5[%arg0, %add3A_98, %dma_start3A_118] : memref<2x10240x128xf32, #tpu.memory_space<hbm>> -> memref<1x128x128xf32, #tpu.memory_space<hbm>>
      %dma_start3A_120 = tpu.memref_squeeze %dma_start3A_119 : memref<1x128x128xf32, #tpu.memory_space<hbm>> -> memref<128x128xf32, #tpu.memory_space<hbm>>
      tpu.enqueue_dma source(%arg10 : memref<128x128xf32, #tpu.memory_space<vmem>>) target(%dma_start3A_120 : memref<128x128xf32, #tpu.memory_space<hbm>>) target_semaphore(%run_scoped3A : memref<!tpu.dma_semaphore, #tpu.memory_space<semaphore_mem>>)
      %dma_wait3A_121 = arith.constant 0 : i32
      %dma_wait3A_122 = tpu.memref_slice %arg5[%arg0, %add3A_98, %dma_wait3A_121] : memref<2x10240x128xf32, #tpu.memory_space<hbm>> -> memref<1x128x128xf32, #tpu.memory_space<hbm>>
      %dma_wait3A_123 = tpu.memref_squeeze %dma_wait3A_122 : memref<1x128x128xf32, #tpu.memory_space<hbm>> -> memref<128x128xf32, #tpu.memory_space<hbm>>
      %dma_wait3A_124 = arith.constant 0 : i32
      %dma_wait3A_125 = tpu.memref_slice %arg5[%arg0, %add3A_98, %dma_wait3A_124] : memref<2x10240x128xf32, #tpu.memory_space<hbm>> -> memref<1x128x128xf32, #tpu.memory_space<hbm>>
      %dma_wait3A_126 = tpu.memref_squeeze %dma_wait3A_125 : memref<1x128x128xf32, #tpu.memory_space<hbm>> -> memref<128x128xf32, #tpu.memory_space<hbm>>
      tpu.wait_dma2 semaphore(%run_scoped3A : memref<!tpu.dma_semaphore, #tpu.memory_space<semaphore_mem>>) src(%arg10 : memref<128x128xf32, #tpu.memory_space<vmem>>) dst(%dma_wait3A_126 : memref<128x128xf32, #tpu.memory_space<hbm>>)
      tpu.yield
    }) : () -> ()
    %mul3A_99 = arith.constant 640 : i32
    %mul3A_100 = arith.muli %arg1, %mul3A_99 : i32
    %add3A_101 = arith.constant 384 : i32
    %add3A_102 = arith.addi %mul3A_100, %add3A_101 : i32
    "tpu.region"() ({
      %run_scoped3A = tpu.sem_alloc : memref<!tpu.dma_semaphore, #tpu.memory_space<semaphore_mem>>
      %dma_start3A_115 = arith.constant 0 : i32
      %dma_start3A_116 = tpu.memref_slice %arg12[%add3A_102, %dma_start3A_115] : memref<10240x128xf32, #tpu.memory_space<vmem_shared>> -> memref<128x128xf32, #tpu.memory_space<vmem_shared>>
      %dma_start3A_117 = arith.constant 0 : i32
      %dma_start3A_118 = tpu.memref_slice %arg12[%add3A_102, %dma_start3A_117] : memref<10240x128xf32, #tpu.memory_space<vmem_shared>> -> memref<128x128xf32, #tpu.memory_space<vmem_shared>>
      tpu.enqueue_dma source(%dma_start3A_118 : memref<128x128xf32, #tpu.memory_space<vmem_shared>>) target(%arg10 : memref<128x128xf32, #tpu.memory_space<vmem>>) target_semaphore(%run_scoped3A : memref<!tpu.dma_semaphore, #tpu.memory_space<semaphore_mem>>)
      %dma_wait3A_119 = arith.constant 0 : i32
      %dma_wait3A_120 = tpu.memref_slice %arg12[%add3A_102, %dma_wait3A_119] : memref<10240x128xf32, #tpu.memory_space<vmem_shared>> -> memref<128x128xf32, #tpu.memory_space<vmem_shared>>
      %dma_wait3A_121 = arith.constant 0 : i32
      %dma_wait3A_122 = tpu.memref_slice %arg12[%add3A_102, %dma_wait3A_121] : memref<10240x128xf32, #tpu.memory_space<vmem_shared>> -> memref<128x128xf32, #tpu.memory_space<vmem_shared>>
      tpu.wait_dma2 semaphore(%run_scoped3A : memref<!tpu.dma_semaphore, #tpu.memory_space<semaphore_mem>>) src(%dma_wait3A_122 : memref<128x128xf32, #tpu.memory_space<vmem_shared>>) dst(%arg10 : memref<128x128xf32, #tpu.memory_space<vmem>>)
      tpu.yield
    }) : () -> ()
    %mul3A_103 = arith.constant 640 : i32
    %mul3A_104 = arith.muli %arg1, %mul3A_103 : i32
    %add3A_105 = arith.constant 384 : i32
    %add3A_106 = arith.addi %mul3A_104, %add3A_105 : i32
    "tpu.region"() ({
      %run_scoped3A = tpu.sem_alloc : memref<!tpu.dma_semaphore, #tpu.memory_space<semaphore_mem>>
      %dma_start3A_115 = arith.constant 0 : i32
      %dma_start3A_116 = tpu.memref_slice %arg5[%arg0, %add3A_106, %dma_start3A_115] : memref<2x10240x128xf32, #tpu.memory_space<hbm>> -> memref<1x128x128xf32, #tpu.memory_space<hbm>>
      %dma_start3A_117 = tpu.memref_squeeze %dma_start3A_116 : memref<1x128x128xf32, #tpu.memory_space<hbm>> -> memref<128x128xf32, #tpu.memory_space<hbm>>
      %dma_start3A_118 = arith.constant 0 : i32
      %dma_start3A_119 = tpu.memref_slice %arg5[%arg0, %add3A_106, %dma_start3A_118] : memref<2x10240x128xf32, #tpu.memory_space<hbm>> -> memref<1x128x128xf32, #tpu.memory_space<hbm>>
      %dma_start3A_120 = tpu.memref_squeeze %dma_start3A_119 : memref<1x128x128xf32, #tpu.memory_space<hbm>> -> memref<128x128xf32, #tpu.memory_space<hbm>>
      tpu.enqueue_dma source(%arg10 : memref<128x128xf32, #tpu.memory_space<vmem>>) target(%dma_start3A_120 : memref<128x128xf32, #tpu.memory_space<hbm>>) target_semaphore(%run_scoped3A : memref<!tpu.dma_semaphore, #tpu.memory_space<semaphore_mem>>)
      %dma_wait3A_121 = arith.constant 0 : i32
      %dma_wait3A_122 = tpu.memref_slice %arg5[%arg0, %add3A_106, %dma_wait3A_121] : memref<2x10240x128xf32, #tpu.memory_space<hbm>> -> memref<1x128x128xf32, #tpu.memory_space<hbm>>
      %dma_wait3A_123 = tpu.memref_squeeze %dma_wait3A_122 : memref<1x128x128xf32, #tpu.memory_space<hbm>> -> memref<128x128xf32, #tpu.memory_space<hbm>>
      %dma_wait3A_124 = arith.constant 0 : i32
      %dma_wait3A_125 = tpu.memref_slice %arg5[%arg0, %add3A_106, %dma_wait3A_124] : memref<2x10240x128xf32, #tpu.memory_space<hbm>> -> memref<1x128x128xf32, #tpu.memory_space<hbm>>
      %dma_wait3A_126 = tpu.memref_squeeze %dma_wait3A_125 : memref<1x128x128xf32, #tpu.memory_space<hbm>> -> memref<128x128xf32, #tpu.memory_space<hbm>>
      tpu.wait_dma2 semaphore(%run_scoped3A : memref<!tpu.dma_semaphore, #tpu.memory_space<semaphore_mem>>) src(%arg10 : memref<128x128xf32, #tpu.memory_space<vmem>>) dst(%dma_wait3A_126 : memref<128x128xf32, #tpu.memory_space<hbm>>)
      tpu.yield
    }) : () -> ()
    %mul3A_107 = arith.constant 640 : i32
    %mul3A_108 = arith.muli %arg1, %mul3A_107 : i32
    %add3A_109 = arith.constant 512 : i32
    %add3A_110 = arith.addi %mul3A_108, %add3A_109 : i32
    "tpu.region"() ({
      %run_scoped3A = tpu.sem_alloc : memref<!tpu.dma_semaphore, #tpu.memory_space<semaphore_mem>>
      %dma_start3A_115 = arith.constant 0 : i32
      %dma_start3A_116 = tpu.memref_slice %arg12[%add3A_110, %dma_start3A_115] : memref<10240x128xf32, #tpu.memory_space<vmem_shared>> -> memref<128x128xf32, #tpu.memory_space<vmem_shared>>
      %dma_start3A_117 = arith.constant 0 : i32
      %dma_start3A_118 = tpu.memref_slice %arg12[%add3A_110, %dma_start3A_117] : memref<10240x128xf32, #tpu.memory_space<vmem_shared>> -> memref<128x128xf32, #tpu.memory_space<vmem_shared>>
      tpu.enqueue_dma source(%dma_start3A_118 : memref<128x128xf32, #tpu.memory_space<vmem_shared>>) target(%arg10 : memref<128x128xf32, #tpu.memory_space<vmem>>) target_semaphore(%run_scoped3A : memref<!tpu.dma_semaphore, #tpu.memory_space<semaphore_mem>>)
      %dma_wait3A_119 = arith.constant 0 : i32
      %dma_wait3A_120 = tpu.memref_slice %arg12[%add3A_110, %dma_wait3A_119] : memref<10240x128xf32, #tpu.memory_space<vmem_shared>> -> memref<128x128xf32, #tpu.memory_space<vmem_shared>>
      %dma_wait3A_121 = arith.constant 0 : i32
      %dma_wait3A_122 = tpu.memref_slice %arg12[%add3A_110, %dma_wait3A_121] : memref<10240x128xf32, #tpu.memory_space<vmem_shared>> -> memref<128x128xf32, #tpu.memory_space<vmem_shared>>
      tpu.wait_dma2 semaphore(%run_scoped3A : memref<!tpu.dma_semaphore, #tpu.memory_space<semaphore_mem>>) src(%dma_wait3A_122 : memref<128x128xf32, #tpu.memory_space<vmem_shared>>) dst(%arg10 : memref<128x128xf32, #tpu.memory_space<vmem>>)
      tpu.yield
    }) : () -> ()
    %mul3A_111 = arith.constant 640 : i32
    %mul3A_112 = arith.muli %arg1, %mul3A_111 : i32
    %add3A_113 = arith.constant 512 : i32
    %add3A_114 = arith.addi %mul3A_112, %add3A_113 : i32
    "tpu.region"() ({
      %run_scoped3A = tpu.sem_alloc : memref<!tpu.dma_semaphore, #tpu.memory_space<semaphore_mem>>
      %dma_start3A_115 = arith.constant 0 : i32
      %dma_start3A_116 = tpu.memref_slice %arg5[%arg0, %add3A_114, %dma_start3A_115] : memref<2x10240x128xf32, #tpu.memory_space<hbm>> -> memref<1x128x128xf32, #tpu.memory_space<hbm>>
      %dma_start3A_117 = tpu.memref_squeeze %dma_start3A_116 : memref<1x128x128xf32, #tpu.memory_space<hbm>> -> memref<128x128xf32, #tpu.memory_space<hbm>>
      %dma_start3A_118 = arith.constant 0 : i32
      %dma_start3A_119 = tpu.memref_slice %arg5[%arg0, %add3A_114, %dma_start3A_118] : memref<2x10240x128xf32, #tpu.memory_space<hbm>> -> memref<1x128x128xf32, #tpu.memory_space<hbm>>
      %dma_start3A_120 = tpu.memref_squeeze %dma_start3A_119 : memref<1x128x128xf32, #tpu.memory_space<hbm>> -> memref<128x128xf32, #tpu.memory_space<hbm>>
      tpu.enqueue_dma source(%arg10 : memref<128x128xf32, #tpu.memory_space<vmem>>) target(%dma_start3A_120 : memref<128x128xf32, #tpu.memory_space<hbm>>) target_semaphore(%run_scoped3A : memref<!tpu.dma_semaphore, #tpu.memory_space<semaphore_mem>>)
      %dma_wait3A_121 = arith.constant 0 : i32
      %dma_wait3A_122 = tpu.memref_slice %arg5[%arg0, %add3A_114, %dma_wait3A_121] : memref<2x10240x128xf32, #tpu.memory_space<hbm>> -> memref<1x128x128xf32, #tpu.memory_space<hbm>>
      %dma_wait3A_123 = tpu.memref_squeeze %dma_wait3A_122 : memref<1x128x128xf32, #tpu.memory_space<hbm>> -> memref<128x128xf32, #tpu.memory_space<hbm>>
      %dma_wait3A_124 = arith.constant 0 : i32
      %dma_wait3A_125 = tpu.memref_slice %arg5[%arg0, %add3A_114, %dma_wait3A_124] : memref<2x10240x128xf32, #tpu.memory_space<hbm>> -> memref<1x128x128xf32, #tpu.memory_space<hbm>>
      %dma_wait3A_126 = tpu.memref_squeeze %dma_wait3A_125 : memref<1x128x128xf32, #tpu.memory_space<hbm>> -> memref<128x128xf32, #tpu.memory_space<hbm>>
      tpu.wait_dma2 semaphore(%run_scoped3A : memref<!tpu.dma_semaphore, #tpu.memory_space<semaphore_mem>>) src(%arg10 : memref<128x128xf32, #tpu.memory_space<vmem>>) dst(%dma_wait3A_126 : memref<128x128xf32, #tpu.memory_space<hbm>>)
      tpu.yield
    }) : () -> ()
    return
  }
}

module attributes {stable_mosaic.version = 14 : i64} {
  func.func @_log1p_body(%arg0: i32, %arg1: memref<2000x128xf32, #tpu.memory_space<vmem>>, %arg2: memref<2000x128xf32, #tpu.memory_space<vmem>>) attributes {dimension_semantics = [#tpu.dimension_semantics<arbitrary>], iteration_bounds = array<i64: 5>, scalar_prefetch = 0 : i64, scratch_operands = 0 : i64, tpu.core_type = #tpu.core_type<tc>, window_params = [{transform_indices = @transform_0, window_bounds = array<i64: 2000, 128>}, {transform_indices = @transform_1, window_bounds = array<i64: 2000, 128>}]} {
    %get3A = arith.constant 0 : index
    %get3A_0 = arith.constant 0 : index
    %get3A_1 = vector.load %arg1[%get3A, %get3A_0] : memref<2000x128xf32, #tpu.memory_space<vmem>>, vector<2000x128xf32>
    %add3A = arith.constant 1.000000e+00 : f32
    %add3A_2 = vector.broadcast %add3A : f32 to vector<2000x128xf32>
    %add3A_3 = arith.addf %get3A_1, %add3A_2 : vector<2000x128xf32>
    %log3A = math.log %add3A_3 : vector<2000x128xf32>
    %swap3A = arith.constant 0 : index
    %swap3A_4 = arith.constant 0 : index
    %swap3A_5 = vector.load %arg2[%swap3A, %swap3A_4] : memref<2000x128xf32, #tpu.memory_space<vmem>>, vector<2000x128xf32>
    tpu.vector_store %arg2[%swap3A, %swap3A_4], %log3A {strides = array<i32>} : memref<2000x128xf32, #tpu.memory_space<vmem>>, vector<2000x128xf32>,
    return
  }
  func.func @transform_0(%arg0: i32) -> (i32, i32) {
    %c0_i32 = arith.constant 0 : i32
    %c0_i32_0 = arith.constant 0 : i32
    return %arg0, %c0_i32 : i32, i32
  }
  func.func @transform_1(%arg0: i32) -> (i32, i32) {
    %c0_i32 = arith.constant 0 : i32
    %c0_i32_0 = arith.constant 0 : i32
    return %arg0, %c0_i32 : i32, i32
  }
}

module attributes {stable_mosaic.version = 14 : i64} {
  func.func @_layer0_body(%arg0: i32, %arg1: memref<2000x128xf32, #tpu.memory_space<vmem>>, %arg2: memref<1x2000x128xf32, #tpu.memory_space<vmem>>, %arg3: memref<1x2000x128xf32, #tpu.memory_space<vmem>>, %arg4: memref<1x2000x1xf32, #tpu.memory_space<vmem>>, %arg5: memref<1x2000x1xf32, #tpu.memory_space<vmem>>, %arg6: memref<128x128xf32, #tpu.memory_space<vmem>>, %arg7: memref<128x128xf32, #tpu.memory_space<vmem>>, %arg8: memref<1x128xf32, #tpu.memory_space<vmem>>, %arg9: memref<2000x128xf32, #tpu.memory_space<vmem>>) attributes {dimension_semantics = [#tpu.dimension_semantics<arbitrary>], iteration_bounds = array<i64: 5>, scalar_prefetch = 0 : i64, scratch_operands = 0 : i64, tpu.core_type = #tpu.core_type<tc>, window_params = [{transform_indices = @transform_0, window_bounds = array<i64: 2000, 128>}, {transform_indices = @transform_1, window_bounds = array<i64: 1, 2000, 128>}, {transform_indices = @transform_2, window_bounds = array<i64: 1, 2000, 128>}, {transform_indices = @transform_3, window_bounds = array<i64: 1, 2000, 1>}, {transform_indices = @transform_4, window_bounds = array<i64: 1, 2000, 1>}, {pipeline_mode = #tpu.pipeline_mode<synchronous>, transform_indices = @transform_5, window_bounds = array<i64: 128, 128>}, {pipeline_mode = #tpu.pipeline_mode<synchronous>, transform_indices = @transform_6, window_bounds = array<i64: 128, 128>}, {pipeline_mode = #tpu.pipeline_mode<synchronous>, transform_indices = @transform_7, window_bounds = array<i64: 1, 128>}, {transform_indices = @transform_8, window_bounds = array<i64: 2000, 128>}]} {
    %get3A = arith.constant 0 : index
    %get3A_0 = arith.constant 0 : index
    %get3A_1 = arith.constant 0 : index
    %get3A_2 = vector.load %arg4[%get3A, %get3A_0, %get3A_1] : memref<1x2000x1xf32, #tpu.memory_space<vmem>>, vector<1x2000x1xf32>
    %get3A_3 = vector.shape_cast %get3A_2 : vector<1x2000x1xf32> to vector<2000x1xf32>
    %get3A_4 = arith.constant 0 : index
    %get3A_5 = arith.constant 0 : index
    %get3A_6 = arith.constant 0 : index
    %get3A_7 = vector.load %arg5[%get3A_4, %get3A_5, %get3A_6] : memref<1x2000x1xf32, #tpu.memory_space<vmem>>, vector<1x2000x1xf32>
    %get3A_8 = vector.shape_cast %get3A_7 : vector<1x2000x1xf32> to vector<2000x1xf32>
    %add3A = arith.addf %get3A_3, %get3A_8 : vector<2000x1xf32>
    %max3A = arith.constant 1.000000e+00 : f32
    %max3A_9 = vector.broadcast %max3A : f32 to vector<2000x1xf32>
    %max3A_10 = arith.maximumf %add3A, %max3A_9 : vector<2000x1xf32>
    %get3A_11 = arith.constant 0 : index
    %get3A_12 = arith.constant 0 : index
    %get3A_13 = arith.constant 0 : index
    %get3A_14 = vector.load %arg2[%get3A_11, %get3A_12, %get3A_13] : memref<1x2000x128xf32, #tpu.memory_space<vmem>>, vector<1x2000x128xf32>
    %get3A_15 = vector.shape_cast %get3A_14 : vector<1x2000x128xf32> to vector<2000x128xf32>
    %get3A_16 = arith.constant 0 : index
    %get3A_17 = arith.constant 0 : index
    %get3A_18 = arith.constant 0 : index
    %get3A_19 = vector.load %arg3[%get3A_16, %get3A_17, %get3A_18] : memref<1x2000x128xf32, #tpu.memory_space<vmem>>, vector<1x2000x128xf32>
    %get3A_20 = vector.shape_cast %get3A_19 : vector<1x2000x128xf32> to vector<2000x128xf32>
    %add3A_21 = arith.addf %get3A_15, %get3A_20 : vector<2000x128xf32>
    %div3A = vector.broadcast %max3A_10 : vector<2000x1xf32> to vector<2000x128xf32>
    %div3A_22 = arith.divf %add3A_21, %div3A : vector<2000x128xf32>
    %get3A_23 = arith.constant 0 : index
    %get3A_24 = arith.constant 0 : index
    %get3A_25 = vector.load %arg1[%get3A_23, %get3A_24] : memref<2000x128xf32, #tpu.memory_space<vmem>>, vector<2000x128xf32>
    %get3A_26 = arith.constant 0 : index
    %get3A_27 = arith.constant 0 : index
    %get3A_28 = vector.load %arg6[%get3A_26, %get3A_27] : memref<128x128xf32, #tpu.memory_space<vmem>>, vector<128x128xf32>
    %dot_general3A = arith.constant dense<0.000000e+00> : vector<2000x128xf32>
    %dot_general3A_29 = tpu.matmul %get3A_25, %get3A_28, %dot_general3A {dimension_numbers = #tpu.dot_dimension_numbers<[1], [0], [0], [1], [0, 0, 1, 1], [], []>, transpose_lhs_hint = false} : vector<2000x128xf32>, vector<128x128xf32>, vector<2000x128xf32> -> vector<2000x128xf32>
    %get3A_30 = arith.constant 0 : index
    %get3A_31 = arith.constant 0 : index
    %get3A_32 = vector.load %arg7[%get3A_30, %get3A_31] : memref<128x128xf32, #tpu.memory_space<vmem>>, vector<128x128xf32>
    %dot_general3A_33 = arith.constant dense<0.000000e+00> : vector<2000x128xf32>
    %dot_general3A_34 = tpu.matmul %div3A_22, %get3A_32, %dot_general3A_33 {dimension_numbers = #tpu.dot_dimension_numbers<[1], [0], [0], [1], [0, 0, 1, 1], [], []>, transpose_lhs_hint = false} : vector<2000x128xf32>, vector<128x128xf32>, vector<2000x128xf32> -> vector<2000x128xf32>
    %add3A_35 = arith.addf %dot_general3A_29, %dot_general3A_34 : vector<2000x128xf32>
    %get3A_36 = arith.constant 0 : index
    %get3A_37 = arith.constant 0 : index
    %get3A_38 = vector.load %arg8[%get3A_36, %get3A_37] : memref<1x128xf32, #tpu.memory_space<vmem>>, vector<1x128xf32>
    %add3A_39 = vector.broadcast %get3A_38 : vector<1x128xf32> to vector<2000x128xf32>
    %add3A_40 = arith.addf %add3A_35, %add3A_39 : vector<2000x128xf32>
    %max3A_41 = arith.constant 0.000000e+00 : f32
    %max3A_42 = vector.broadcast %max3A_41 : f32 to vector<2000x128xf32>
    %max3A_43 = arith.maximumf %add3A_40, %max3A_42 : vector<2000x128xf32>
    %mul3A = arith.mulf %max3A_43, %max3A_43 : vector<2000x128xf32>
    %reduce_sum3A = arith.constant dense<0.000000e+00> : vector<2000xf32>
    %reduce_sum3A_44 = vector.multi_reduction <add>, %mul3A, %reduce_sum3A [1] : vector<2000x128xf32> to vector<2000xf32>
    %broadcast_in_dim3A = vector.shape_cast %reduce_sum3A_44 : vector<2000xf32> to vector<2000x1xf32>
    %sqrt3A = math.sqrt %broadcast_in_dim3A : vector<2000x1xf32>
    %max3A_45 = arith.constant 9.99999996E-13 : f32
    %max3A_46 = vector.broadcast %max3A_45 : f32 to vector<2000x1xf32>
    %max3A_47 = arith.maximumf %sqrt3A, %max3A_46 : vector<2000x1xf32>
    %div3A_48 = vector.broadcast %max3A_47 : vector<2000x1xf32> to vector<2000x128xf32>
    %div3A_49 = arith.divf %max3A_43, %div3A_48 : vector<2000x128xf32>
    %swap3A = arith.constant 0 : index
    %swap3A_50 = arith.constant 0 : index
    %swap3A_51 = vector.load %arg9[%swap3A, %swap3A_50] : memref<2000x128xf32, #tpu.memory_space<vmem>>, vector<2000x128xf32>
    tpu.vector_store %arg9[%swap3A, %swap3A_50], %div3A_49 {strides = array<i32>} : memref<2000x128xf32, #tpu.memory_space<vmem>>, vector<2000x128xf32>,
    return
  }
  func.func @transform_0(%arg0: i32) -> (i32, i32) {
    %c0_i32 = arith.constant 0 : i32
    %c0_i32_0 = arith.constant 0 : i32
    return %arg0, %c0_i32 : i32, i32
  }
  func.func @transform_1(%arg0: i32) -> (i32, i32, i32) {
    %c0_i32 = arith.constant 0 : i32
    %c0_i32_0 = arith.constant 0 : i32
    %c0_i32_1 = arith.constant 0 : i32
    return %c0_i32, %arg0, %c0_i32_0 : i32, i32, i32
  }
  func.func @transform_2(%arg0: i32) -> (i32, i32, i32) {
    %c1_i32 = arith.constant 1 : i32
    %c0_i32 = arith.constant 0 : i32
    %c0_i32_0 = arith.constant 0 : i32
    return %c1_i32, %arg0, %c0_i32 : i32, i32, i32
  }
  func.func @transform_3(%arg0: i32) -> (i32, i32, i32) {
    %c0_i32 = arith.constant 0 : i32
    %c0_i32_0 = arith.constant 0 : i32
    %c0_i32_1 = arith.constant 0 : i32
    return %c0_i32, %arg0, %c0_i32_0 : i32, i32, i32
  }
  func.func @transform_4(%arg0: i32) -> (i32, i32, i32) {
    %c1_i32 = arith.constant 1 : i32
    %c0_i32 = arith.constant 0 : i32
    %c0_i32_0 = arith.constant 0 : i32
    return %c1_i32, %arg0, %c0_i32 : i32, i32, i32
  }
  func.func @transform_5(%arg0: i32) -> (i32, i32) {
    %c0_i32 = arith.constant 0 : i32
    %c0_i32_0 = arith.constant 0 : i32
    %c0_i32_1 = arith.constant 0 : i32
    return %c0_i32, %c0_i32_0 : i32, i32
  }
  func.func @transform_6(%arg0: i32) -> (i32, i32) {
    %c0_i32 = arith.constant 0 : i32
    %c0_i32_0 = arith.constant 0 : i32
    %c0_i32_1 = arith.constant 0 : i32
    return %c0_i32, %c0_i32_0 : i32, i32
  }
  func.func @transform_7(%arg0: i32) -> (i32, i32) {
    %c0_i32 = arith.constant 0 : i32
    %c0_i32_0 = arith.constant 0 : i32
    %c0_i32_1 = arith.constant 0 : i32
    return %c0_i32, %c0_i32_0 : i32, i32
  }
  func.func @transform_8(%arg0: i32) -> (i32, i32) {
    %c0_i32 = arith.constant 0 : i32
    %c0_i32_0 = arith.constant 0 : i32
    return %arg0, %c0_i32 : i32, i32
  }
}

module attributes {stable_mosaic.version = 14 : i64} {
  func.func @_tail_body(%arg0: i32, %arg1: memref<2000x128xf32, #tpu.memory_space<vmem>>, %arg2: memref<1x2000x128xf32, #tpu.memory_space<vmem>>, %arg3: memref<1x2000x128xf32, #tpu.memory_space<vmem>>, %arg4: memref<1x2000x1xf32, #tpu.memory_space<vmem>>, %arg5: memref<1x2000x1xf32, #tpu.memory_space<vmem>>, %arg6: memref<128x128xf32, #tpu.memory_space<vmem>>, %arg7: memref<128x128xf32, #tpu.memory_space<vmem>>, %arg8: memref<1x128xf32, #tpu.memory_space<vmem>>, %arg9: memref<128x128xf32, #tpu.memory_space<vmem>>, %arg10: memref<1x128xf32, #tpu.memory_space<vmem>>, %arg11: memref<1x128xf32, #tpu.memory_space<vmem>>, %arg12: memref<1x128xf32, #tpu.memory_space<vmem>>, %arg13: memref<128x128xf32, #tpu.memory_space<vmem>>, %arg14: memref<1x128xf32, #tpu.memory_space<vmem>>, %arg15: memref<128x128xf32, #tpu.memory_space<vmem>>, %arg16: memref<1x128xf32, #tpu.memory_space<vmem>>, %arg17: memref<2000x128xf32, #tpu.memory_space<vmem>>, %arg18: memref<2000x128xf32, #tpu.memory_space<vmem>>) attributes {dimension_semantics = [#tpu.dimension_semantics<arbitrary>], iteration_bounds = array<i64: 5>, scalar_prefetch = 0 : i64, scratch_operands = 0 : i64, tpu.core_type = #tpu.core_type<tc>, window_params = [{transform_indices = @transform_0, window_bounds = array<i64: 2000, 128>}, {transform_indices = @transform_1, window_bounds = array<i64: 1, 2000, 128>}, {transform_indices = @transform_2, window_bounds = array<i64: 1, 2000, 128>}, {transform_indices = @transform_3, window_bounds = array<i64: 1, 2000, 1>}, {transform_indices = @transform_4, window_bounds = array<i64: 1, 2000, 1>}, {pipeline_mode = #tpu.pipeline_mode<synchronous>, transform_indices = @transform_5, window_bounds = array<i64: 128, 128>}, {pipeline_mode = #tpu.pipeline_mode<synchronous>, transform_indices = @transform_6, window_bounds = array<i64: 128, 128>}, {pipeline_mode = #tpu.pipeline_mode<synchronous>, transform_indices = @transform_7, window_bounds = array<i64: 1, 128>}, {pipeline_mode = #tpu.pipeline_mode<synchronous>, transform_indices = @transform_8, window_bounds = array<i64: 128, 128>}, {pipeline_mode = #tpu.pipeline_mode<synchronous>, transform_indices = @transform_9, window_bounds = array<i64: 1, 128>}, {pipeline_mode = #tpu.pipeline_mode<synchronous>, transform_indices = @transform_10, window_bounds = array<i64: 1, 128>}, {pipeline_mode = #tpu.pipeline_mode<synchronous>, transform_indices = @transform_11, window_bounds = array<i64: 1, 128>}, {pipeline_mode = #tpu.pipeline_mode<synchronous>, transform_indices = @transform_12, window_bounds = array<i64: 128, 128>}, {pipeline_mode = #tpu.pipeline_mode<synchronous>, transform_indices = @transform_13, window_bounds = array<i64: 1, 128>}, {pipeline_mode = #tpu.pipeline_mode<synchronous>, transform_indices = @transform_14, window_bounds = array<i64: 128, 128>}, {pipeline_mode = #tpu.pipeline_mode<synchronous>, transform_indices = @transform_15, window_bounds = array<i64: 1, 128>}, {transform_indices = @transform_16, window_bounds = array<i64: 2000, 128>}, {transform_indices = @transform_17, window_bounds = array<i64: 2000, 128>}]} {
    %get3A = arith.constant 0 : index
    %get3A_0 = arith.constant 0 : index
    %get3A_1 = arith.constant 0 : index
    %get3A_2 = vector.load %arg4[%get3A, %get3A_0, %get3A_1] : memref<1x2000x1xf32, #tpu.memory_space<vmem>>, vector<1x2000x1xf32>
    %get3A_3 = vector.shape_cast %get3A_2 : vector<1x2000x1xf32> to vector<2000x1xf32>
    %get3A_4 = arith.constant 0 : index
    %get3A_5 = arith.constant 0 : index
    %get3A_6 = arith.constant 0 : index
    %get3A_7 = vector.load %arg5[%get3A_4, %get3A_5, %get3A_6] : memref<1x2000x1xf32, #tpu.memory_space<vmem>>, vector<1x2000x1xf32>
    %get3A_8 = vector.shape_cast %get3A_7 : vector<1x2000x1xf32> to vector<2000x1xf32>
    %add3A = arith.addf %get3A_3, %get3A_8 : vector<2000x1xf32>
    %max3A = arith.constant 1.000000e+00 : f32
    %max3A_9 = vector.broadcast %max3A : f32 to vector<2000x1xf32>
    %max3A_10 = arith.maximumf %add3A, %max3A_9 : vector<2000x1xf32>
    %get3A_11 = arith.constant 0 : index
    %get3A_12 = arith.constant 0 : index
    %get3A_13 = arith.constant 0 : index
    %get3A_14 = vector.load %arg2[%get3A_11, %get3A_12, %get3A_13] : memref<1x2000x128xf32, #tpu.memory_space<vmem>>, vector<1x2000x128xf32>
    %get3A_15 = vector.shape_cast %get3A_14 : vector<1x2000x128xf32> to vector<2000x128xf32>
    %get3A_16 = arith.constant 0 : index
    %get3A_17 = arith.constant 0 : index
    %get3A_18 = arith.constant 0 : index
    %get3A_19 = vector.load %arg3[%get3A_16, %get3A_17, %get3A_18] : memref<1x2000x128xf32, #tpu.memory_space<vmem>>, vector<1x2000x128xf32>
    %get3A_20 = vector.shape_cast %get3A_19 : vector<1x2000x128xf32> to vector<2000x128xf32>
    %add3A_21 = arith.addf %get3A_15, %get3A_20 : vector<2000x128xf32>
    %div3A = vector.broadcast %max3A_10 : vector<2000x1xf32> to vector<2000x128xf32>
    %div3A_22 = arith.divf %add3A_21, %div3A : vector<2000x128xf32>
    %get3A_23 = arith.constant 0 : index
    %get3A_24 = arith.constant 0 : index
    %get3A_25 = vector.load %arg1[%get3A_23, %get3A_24] : memref<2000x128xf32, #tpu.memory_space<vmem>>, vector<2000x128xf32>
    %get3A_26 = arith.constant 0 : index
    %get3A_27 = arith.constant 0 : index
    %get3A_28 = vector.load %arg6[%get3A_26, %get3A_27] : memref<128x128xf32, #tpu.memory_space<vmem>>, vector<128x128xf32>
    %dot_general3A = arith.constant dense<0.000000e+00> : vector<2000x128xf32>
    %dot_general3A_29 = tpu.matmul %get3A_25, %get3A_28, %dot_general3A {dimension_numbers = #tpu.dot_dimension_numbers<[1], [0], [0], [1], [0, 0, 1, 1], [], []>, transpose_lhs_hint = false} : vector<2000x128xf32>, vector<128x128xf32>, vector<2000x128xf32> -> vector<2000x128xf32>
    %get3A_30 = arith.constant 0 : index
    %get3A_31 = arith.constant 0 : index
    %get3A_32 = vector.load %arg7[%get3A_30, %get3A_31] : memref<128x128xf32, #tpu.memory_space<vmem>>, vector<128x128xf32>
    %dot_general3A_33 = arith.constant dense<0.000000e+00> : vector<2000x128xf32>
    %dot_general3A_34 = tpu.matmul %div3A_22, %get3A_32, %dot_general3A_33 {dimension_numbers = #tpu.dot_dimension_numbers<[1], [0], [0], [1], [0, 0, 1, 1], [], []>, transpose_lhs_hint = false} : vector<2000x128xf32>, vector<128x128xf32>, vector<2000x128xf32> -> vector<2000x128xf32>
    %add3A_35 = arith.addf %dot_general3A_29, %dot_general3A_34 : vector<2000x128xf32>
    %get3A_36 = arith.constant 0 : index
    %get3A_37 = arith.constant 0 : index
    %get3A_38 = vector.load %arg8[%get3A_36, %get3A_37] : memref<1x128xf32, #tpu.memory_space<vmem>>, vector<1x128xf32>
    %add3A_39 = vector.broadcast %get3A_38 : vector<1x128xf32> to vector<2000x128xf32>
    %add3A_40 = arith.addf %add3A_35, %add3A_39 : vector<2000x128xf32>
    %get3A_41 = arith.constant 0 : index
    %get3A_42 = arith.constant 0 : index
    %get3A_43 = vector.load %arg9[%get3A_41, %get3A_42] : memref<128x128xf32, #tpu.memory_space<vmem>>, vector<128x128xf32>
    %dot_general3A_44 = arith.constant dense<0.000000e+00> : vector<2000x128xf32>
    %dot_general3A_45 = tpu.matmul %add3A_40, %get3A_43, %dot_general3A_44 {dimension_numbers = #tpu.dot_dimension_numbers<[1], [0], [0], [1], [0, 0, 1, 1], [], []>, transpose_lhs_hint = false} : vector<2000x128xf32>, vector<128x128xf32>, vector<2000x128xf32> -> vector<2000x128xf32>
    %get3A_46 = arith.constant 0 : index
    %get3A_47 = arith.constant 0 : index
    %get3A_48 = vector.load %arg10[%get3A_46, %get3A_47] : memref<1x128xf32, #tpu.memory_space<vmem>>, vector<1x128xf32>
    %add3A_49 = vector.broadcast %get3A_48 : vector<1x128xf32> to vector<2000x128xf32>
    %add3A_50 = arith.addf %dot_general3A_45, %add3A_49 : vector<2000x128xf32>
    %sqrt3A = arith.constant 1.000010e+00 : f32
    %sqrt3A_51 = math.sqrt %sqrt3A : f32
    %div3A_52 = arith.constant 1.000000e+00 : f32
    %div3A_53 = arith.divf %div3A_52, %sqrt3A_51 : f32
    %mul3A = vector.broadcast %div3A_53 : f32 to vector<2000x128xf32>
    %mul3A_54 = arith.mulf %add3A_50, %mul3A : vector<2000x128xf32>
    %get3A_55 = arith.constant 0 : index
    %get3A_56 = arith.constant 0 : index
    %get3A_57 = vector.load %arg11[%get3A_55, %get3A_56] : memref<1x128xf32, #tpu.memory_space<vmem>>, vector<1x128xf32>
    %mul3A_58 = vector.broadcast %get3A_57 : vector<1x128xf32> to vector<2000x128xf32>
    %mul3A_59 = arith.mulf %mul3A_54, %mul3A_58 : vector<2000x128xf32>
    %get3A_60 = arith.constant 0 : index
    %get3A_61 = arith.constant 0 : index
    %get3A_62 = vector.load %arg12[%get3A_60, %get3A_61] : memref<1x128xf32, #tpu.memory_space<vmem>>, vector<1x128xf32>
    %add3A_63 = vector.broadcast %get3A_62 : vector<1x128xf32> to vector<2000x128xf32>
    %add3A_64 = arith.addf %mul3A_59, %add3A_63 : vector<2000x128xf32>
    %max3A_65 = arith.constant 0.000000e+00 : f32
    %max3A_66 = vector.broadcast %max3A_65 : f32 to vector<2000x128xf32>
    %max3A_67 = arith.maximumf %add3A_64, %max3A_66 : vector<2000x128xf32>
    %neg3A = arith.constant 0.000000e+00 : f32
    %neg3A_68 = vector.broadcast %neg3A : f32 to vector<2000x128xf32>
    %neg3A_69 = arith.subf %neg3A_68, %max3A_67 : vector<2000x128xf32>
    %exp3A = math.exp %neg3A_69 : vector<2000x128xf32>
    %log1p3A = math.log1p %exp3A : vector<2000x128xf32>
    %add3A_70 = arith.addf %max3A_67, %log1p3A : vector<2000x128xf32>
    %get3A_71 = arith.constant 0 : index
    %get3A_72 = arith.constant 0 : index
    %get3A_73 = vector.load %arg13[%get3A_71, %get3A_72] : memref<128x128xf32, #tpu.memory_space<vmem>>, vector<128x128xf32>
    %dot_general3A_74 = arith.constant dense<0.000000e+00> : vector<2000x128xf32>
    %dot_general3A_75 = tpu.matmul %add3A_70, %get3A_73, %dot_general3A_74 {dimension_numbers = #tpu.dot_dimension_numbers<[1], [0], [0], [1], [0, 0, 1, 1], [], []>, transpose_lhs_hint = false} : vector<2000x128xf32>, vector<128x128xf32>, vector<2000x128xf32> -> vector<2000x128xf32>
    %get3A_76 = arith.constant 0 : index
    %get3A_77 = arith.constant 0 : index
    %get3A_78 = vector.load %arg14[%get3A_76, %get3A_77] : memref<1x128xf32, #tpu.memory_space<vmem>>, vector<1x128xf32>
    %add3A_79 = vector.broadcast %get3A_78 : vector<1x128xf32> to vector<2000x128xf32>
    %add3A_80 = arith.addf %dot_general3A_75, %add3A_79 : vector<2000x128xf32>
    %swap3A = arith.constant 0 : index
    %swap3A_81 = arith.constant 0 : index
    %swap3A_82 = vector.load %arg17[%swap3A, %swap3A_81] : memref<2000x128xf32, #tpu.memory_space<vmem>>, vector<2000x128xf32>
    tpu.vector_store %arg17[%swap3A, %swap3A_81], %add3A_80 {strides = array<i32>} : memref<2000x128xf32, #tpu.memory_space<vmem>>, vector<2000x128xf32>,
    %get3A_83 = arith.constant 0 : index
    %get3A_84 = arith.constant 0 : index
    %get3A_85 = vector.load %arg15[%get3A_83, %get3A_84] : memref<128x128xf32, #tpu.memory_space<vmem>>, vector<128x128xf32>
    %dot_general3A_86 = arith.constant dense<0.000000e+00> : vector<2000x128xf32>
    %dot_general3A_87 = tpu.matmul %add3A_70, %get3A_85, %dot_general3A_86 {dimension_numbers = #tpu.dot_dimension_numbers<[1], [0], [0], [1], [0, 0, 1, 1], [], []>, transpose_lhs_hint = false} : vector<2000x128xf32>, vector<128x128xf32>, vector<2000x128xf32> -> vector<2000x128xf32>
    %get3A_88 = arith.constant 0 : index
    %get3A_89 = arith.constant 0 : index
    %get3A_90 = vector.load %arg16[%get3A_88, %get3A_89] : memref<1x128xf32, #tpu.memory_space<vmem>>, vector<1x128xf32>
    %add3A_91 = vector.broadcast %get3A_90 : vector<1x128xf32> to vector<2000x128xf32>
    %add3A_92 = arith.addf %dot_general3A_87, %add3A_91 : vector<2000x128xf32>
    %exp3A_93 = math.exp %add3A_92 : vector<2000x128xf32>
    %swap3A_94 = arith.constant 0 : index
    %swap3A_95 = arith.constant 0 : index
    %swap3A_96 = vector.load %arg18[%swap3A_94, %swap3A_95] : memref<2000x128xf32, #tpu.memory_space<vmem>>, vector<2000x128xf32>
    tpu.vector_store %arg18[%swap3A_94, %swap3A_95], %exp3A_93 {strides = array<i32>} : memref<2000x128xf32, #tpu.memory_space<vmem>>, vector<2000x128xf32>,
    return
  }
  func.func @transform_0(%arg0: i32) -> (i32, i32) {
    %c0_i32 = arith.constant 0 : i32
    %c0_i32_0 = arith.constant 0 : i32
    return %arg0, %c0_i32 : i32, i32
  }
  func.func @transform_1(%arg0: i32) -> (i32, i32, i32) {
    %c0_i32 = arith.constant 0 : i32
    %c0_i32_0 = arith.constant 0 : i32
    %c0_i32_1 = arith.constant 0 : i32
    return %c0_i32, %arg0, %c0_i32_0 : i32, i32, i32
  }
  func.func @transform_2(%arg0: i32) -> (i32, i32, i32) {
    %c1_i32 = arith.constant 1 : i32
    %c0_i32 = arith.constant 0 : i32
    %c0_i32_0 = arith.constant 0 : i32
    return %c1_i32, %arg0, %c0_i32 : i32, i32, i32
  }
  func.func @transform_3(%arg0: i32) -> (i32, i32, i32) {
    %c0_i32 = arith.constant 0 : i32
    %c0_i32_0 = arith.constant 0 : i32
    %c0_i32_1 = arith.constant 0 : i32
    return %c0_i32, %arg0, %c0_i32_0 : i32, i32, i32
  }
  func.func @transform_4(%arg0: i32) -> (i32, i32, i32) {
    %c1_i32 = arith.constant 1 : i32
    %c0_i32 = arith.constant 0 : i32
    %c0_i32_0 = arith.constant 0 : i32
    return %c1_i32, %arg0, %c0_i32 : i32, i32, i32
  }
  func.func @transform_5(%arg0: i32) -> (i32, i32) {
    %c0_i32 = arith.constant 0 : i32
    %c0_i32_0 = arith.constant 0 : i32
    %c0_i32_1 = arith.constant 0 : i32
    return %c0_i32, %c0_i32_0 : i32, i32
  }
  func.func @transform_6(%arg0: i32) -> (i32, i32) {
    %c0_i32 = arith.constant 0 : i32
    %c0_i32_0 = arith.constant 0 : i32
    %c0_i32_1 = arith.constant 0 : i32
    return %c0_i32, %c0_i32_0 : i32, i32
  }
  func.func @transform_7(%arg0: i32) -> (i32, i32) {
    %c0_i32 = arith.constant 0 : i32
    %c0_i32_0 = arith.constant 0 : i32
    %c0_i32_1 = arith.constant 0 : i32
    return %c0_i32, %c0_i32_0 : i32, i32
  }
  func.func @transform_8(%arg0: i32) -> (i32, i32) {
    %c0_i32 = arith.constant 0 : i32
    %c0_i32_0 = arith.constant 0 : i32
    %c0_i32_1 = arith.constant 0 : i32
    return %c0_i32, %c0_i32_0 : i32, i32
  }
  func.func @transform_9(%arg0: i32) -> (i32, i32) {
    %c0_i32 = arith.constant 0 : i32
    %c0_i32_0 = arith.constant 0 : i32
    %c0_i32_1 = arith.constant 0 : i32
    return %c0_i32, %c0_i32_0 : i32, i32
  }
  func.func @transform_10(%arg0: i32) -> (i32, i32) {
    %c0_i32 = arith.constant 0 : i32
    %c0_i32_0 = arith.constant 0 : i32
    %c0_i32_1 = arith.constant 0 : i32
    return %c0_i32, %c0_i32_0 : i32, i32
  }
  func.func @transform_11(%arg0: i32) -> (i32, i32) {
    %c0_i32 = arith.constant 0 : i32
    %c0_i32_0 = arith.constant 0 : i32
    %c0_i32_1 = arith.constant 0 : i32
    return %c0_i32, %c0_i32_0 : i32, i32
  }
  func.func @transform_12(%arg0: i32) -> (i32, i32) {
    %c0_i32 = arith.constant 0 : i32
    %c0_i32_0 = arith.constant 0 : i32
    %c0_i32_1 = arith.constant 0 : i32
    return %c0_i32, %c0_i32_0 : i32, i32
  }
  func.func @transform_13(%arg0: i32) -> (i32, i32) {
    %c0_i32 = arith.constant 0 : i32
    %c0_i32_0 = arith.constant 0 : i32
    %c0_i32_1 = arith.constant 0 : i32
    return %c0_i32, %c0_i32_0 : i32, i32
  }
  func.func @transform_14(%arg0: i32) -> (i32, i32) {
    %c0_i32 = arith.constant 0 : i32
    %c0_i32_0 = arith.constant 0 : i32
    %c0_i32_1 = arith.constant 0 : i32
    return %c0_i32, %c0_i32_0 : i32, i32
  }
  func.func @transform_15(%arg0: i32) -> (i32, i32) {
    %c0_i32 = arith.constant 0 : i32
    %c0_i32_0 = arith.constant 0 : i32
    %c0_i32_1 = arith.constant 0 : i32
    return %c0_i32, %c0_i32_0 : i32, i32
  }
  func.func @transform_16(%arg0: i32) -> (i32, i32) {
    %c0_i32 = arith.constant 0 : i32
    %c0_i32_0 = arith.constant 0 : i32
    return %arg0, %c0_i32 : i32, i32
  }
  func.func @transform_17(%arg0: i32) -> (i32, i32) {
    %c0_i32 = arith.constant 0 : i32
    %c0_i32_0 = arith.constant 0 : i32
    return %arg0, %c0_i32 : i32, i32
  }
}

</mosaic_0001>

<sc_bundles>
// kernel: kernel.10.cloned.1.call-start
scs
__scs_entry_jumppad:
0x0: {  	(pc) =	sbr.rel $0x88, $3  }
0x1: {  	(tag) =	ssettag $0x0;
	lr =	simm.s32 $0x1  }
0x2: {  	[smem:$0x3F91] =	sst lr;
	_ =	strace $0xD0000000  }
0x3: {  	_ = 	snop  }
0x4: {  	_ = 	snop  }
0x5: {  	_ = 	snop  }
0x6: {  	_ = 	snop  }
0x7: {  	_ = 	snop  }
__scs_overlays_trampoline_lowered:
0x8: {  	[smem:$0x3FA0] =	sst s0  }
0x9: {  	[smem:$0x3FA1] =	sst s1  }
0xa: {  	[smem:$0x3FA2] =	sst s2  }
0xb: {  	[smem:$0x3FA3] =	sst s3  }
0xc: {  	[smem:$0x3FA4] =	sst s4  }
0xd: {  	[smem:$0x3FA5] =	sst s5  }
0xe: {  	[smem:$0x3FA6] =	sst s6  }
0xf: {  	[smem:$0x3FA7] =	sst s7  }
0x10: {  	[smem:$0x3FA8] =	sst s8  }
0x11: {  	[smem:$0x3FA9] =	sst s9;
	s0 =	simm.s32 @!p0 $0x0  }
0x12: {  	s1 =	sld [smem:$0x3F8F];
	s0 =	simm.s32 @p0 $0x1  }
0x13: {  	[smem:$0x3FAA] =	sst s0;
	s0 =	simm.s32 @!p1 $0x0  }
0x14: {  	s2 =	sld [smem:$0x3F8E];
	s0 =	simm.s32 @p1 $0x1  }
0x15: {  	[smem:$0x3FAB] =	sst s0;
	s0 =	simm.s32 @!p2 $0x0  }
0x16: {  	s3 =	sld [smem:$0x3FDB];
	s0 =	simm.s32 @p2 $0x1  }
0x17: {  	s4 =	simm.s32 $0x1BF5;
	[smem:$0x3FAD] =	sst s0  }
0x18: {  	s0 =	sld [smem:$0x3F90];
	_ =	swait.ge [sflag:s4], $0x0  }
0x19: {  	s7 =	sld [smem:$0x3F91]  }
0x1a: {  	s8 =	sadd.s32 $0xFFFFE003, lr  }
0x1b: {  	s9 =	sadd.s32 $0xFFFFFEF7, lr;
	s5 =	simm.s32 $0xFFFFFFFF;
	p2 =	slt.u32 s8, $0xFFFFF086  }
0x1c: {  	p1 =	slt.u32 s9, $0xF7A;
	s5 =	simm.s32 @!p2 $0x0  }
0x1d: {  	s5 =	simm.s32 @p1 $0x1;
	p0 =	seq.s32 s7, s2  }
0x1e: {  	s7 =	smul.u32 @!p0 $0xF7A, s2;
	p2 =	seq.s32 @!p0 s5, $0x0  }
0x1f: {  	s9 =	smul.u32 $0xF7A, s1;
	s8 =	simm.s32 @!p0 $0x1BF5;
	p2 =	por !p2, p0  }
0x20: {  	[sflag:s8] =	ssyncset.s32 @!p0 $0xFFFFF086;
	s6 =	sadd.s32 @!p0 s3, s7;
	s7 =	simm.s32 @!p0 $0x108  }
0x21: {  	s3 =	sadd.s32 s3, s9;
	s6 =	sadd.s32 @!p0 $0x88, s6;
	s7 =	simm.s32 @p2 $0x1082  }
0x22: {  	[simem:s7], [sflag:s8] =	dma.local @!p0 [hbm:s6], $0xF7A  }
0x23: {  	s9 =	sor.u32 $0xD0000000, s2;
	s6 =	simm.s32 $0x108;
	_ =	swait.ge @!p0 [sflag:s8], $0x0  }
0x24: {  	s3 =	sadd.s32 $0x88, s3;
	s6 =	simm.s32 @!p1 $0x1082;
	[sflag:s4] =	ssyncset.s32 $0xFFFFF086  }
0x25: {  	[simem:s6], [sflag:s4] =	dma.local [hbm:s3], $0xF7A  }
0x26: {  	[smem:$0x3F91] =	sst s1;
	(tag) =	ssettag s2;
	_ =	strace s9  }
0x27: {  	s1 =	sld [smem:$0x3FA1]  }
0x28: {  	s2 =	sld [smem:$0x3FA2]  }
0x29: {  	s4 =	sld [smem:$0x3FA4]  }
0x2a: {  	p0 =	seq.s32 s5, $0x0;
	s5 =	sld [smem:$0x3FA5]  }
0x2b: {  	s6 =	sld [smem:$0x3FA6]  }
0x2c: {  	s7 =	sld [smem:$0x3FA7]  }
0x2d: {  	s3 =	simm.s32 $0x108;
	s8 =	sld [smem:$0x3FA8]  }
0x2e: {  	s3 =	simm.s32 @!p0 $0x1082;
	s9 =	sld [smem:$0x3FA9]  }
0x2f: {  	lr =	sadd.s32 s0, s3;
	s0 =	sld [smem:$0x3FA0]  }
0x30: {  	s3 =	sld [smem:$0x3FA3]  }
0x31: {  	[smem:$0x3FAC] =	sst s10  }
0x32: {  	s10 =	sld [smem:$0x3FAA];
	_ =	sdelay $0x3  }
0x33: {  	p0 =	seq.s32 s10, $0x1;
	s10 =	sld [smem:$0x3FAC];
	_ =	sdelay $0x3  }
0x34: {  	[smem:$0x3FAC] =	sst s10  }
0x35: {  	s10 =	sld [smem:$0x3FAB];
	_ =	sdelay $0x3  }
0x36: {  	p1 =	seq.s32 s10, $0x1;
	s10 =	sld [smem:$0x3FAC];
	_ =	sdelay $0x3  }
0x37: {  	[smem:$0x3FAC] =	sst s10  }
0x38: {  	s10 =	sld [smem:$0x3FAD]  }
0x39: {  	_ = 	snop;
	(pc) =	sbr.ind lr, $3  }
0x3a: {  	_ = 	snop  }
0x3b: {  	_ = 	snop  }
0x3c: {  	p2 =	seq.s32 s10, $0x1;
	s10 =	sld [smem:$0x3FAC]  }
0x3d: {  	_ =	shalt  }
0x3e: {  	_ =	shalt  }
0x3f: {  	_ =	shalt  }
0x40: {  	_ =	shalt  }
0x41: {  	_ =	shalt  }
0x42: {  	_ =	shalt  }
0x43: {  	_ =	shalt  }
0x44: {  	_ =	shalt  }
0x45: {  	_ =	shalt  }
0x46: {  	_ =	shalt  }
0x47: {  	_ =	shalt  }
0x48: {  	_ =	shalt  }
0x49: {  	_ =	shalt  }
0x4a: {  	_ =	shalt  }
0x4b: {  	_ =	shalt  }
0x4c: {  	_ =	shalt  }
0x4d: {  	_ =	shalt  }
0x4e: {  	_ =	shalt  }
0x4f: {  	_ =	shalt  }
0x50: {  	_ =	shalt  }
0x51: {  	_ =	shalt  }
0x52: {  	_ =	shalt  }
0x53: {  	_ =	shalt  }
0x54: {  	_ =	shalt  }
0x55: {  	_ =	shalt  }
0x56: {  	_ =	shalt  }
0x57: {  	_ =	shalt  }
0x58: {  	_ =	shalt  }
0x59: {  	_ =	shalt  }
0x5a: {  	_ =	shalt  }
0x5b: {  	_ =	shalt  }
0x5c: {  	_ =	shalt  }
0x5d: {  	_ =	shalt  }
0x5e: {  	_ =	shalt  }
0x5f: {  	_ =	shalt  }
0x60: {  	_ =	shalt  }
0x61: {  	_ =	shalt  }
0x62: {  	_ =	shalt  }
0x63: {  	_ =	shalt  }
0x64: {  	_ =	shalt  }
0x65: {  	_ =	shalt  }
0x66: {  	_ =	shalt  }
0x67: {  	_ =	shalt  }
0x68: {  	_ =	shalt  }
0x69: {  	_ =	shalt  }
0x6a: {  	_ =	shalt  }
0x6b: {  	_ =	shalt  }
0x6c: {  	_ =	shalt  }
0x6d: {  	_ =	shalt  }
0x6e: {  	_ =	shalt  }
0x6f: {  	_ =	shalt  }
0x70: {  	_ =	shalt  }
0x71: {  	_ =	shalt  }
0x72: {  	_ =	shalt  }
0x73: {  	_ =	shalt  }
0x74: {  	_ =	shalt  }
0x75: {  	_ =	shalt  }
0x76: {  	_ =	shalt  }
0x77: {  	_ =	shalt  }
0x78: {  	_ =	shalt  }
0x79: {  	_ =	shalt  }
0x7a: {  	_ =	shalt  }
0x7b: {  	_ =	shalt  }
0x7c: {  	_ =	shalt  }
0x7d: {  	_ =	shalt  }
0x7e: {  	_ =	shalt  }
0x7f: {  	_ =	shalt  }
0x80: {  	_ =	shalt  }
0x81: {  	_ =	shalt  }
0x82: {  	_ =	shalt  }
0x83: {  	_ =	shalt  }
0x84: {  	_ =	shalt  }
0x85: {  	_ =	shalt  }
0x86: {  	_ =	shalt  }
0x87: {  	_ =	shalt  }
.Lfunc_end0:
.L_simem_size_0:
called_computation.1_lowered:
.L_overlay_start_0:
0x88: {  	s2 =	sld [smem:$0x3FD9]  }
0x89: {  	s3 =	sld [smem:$0x3FFE];
	_ =	sdelay $0x1  }
0x8a: {  	s1 =	srdreg.scid  }
0x8b: {  	s0 =	sand.u32 $0x1, s1  }
0x8c: {  	s14 =	sshll.u32 s0, $0xA;
	s2 =	sadd.s32 s3, s2  }
0x8d: {  	s2 =	sadd.s32 s2, s14  }
0x8e: {  	[smem:$0x3FB8] =	sst s2  }
0x8f: {  	_ = 	snop  }
0x90: {  	s2 =	sld [smem:$0x3FD0];
	_ =	sdelay $0x2  }
0x91: {  	s15 =	simm.s32 $0xA;
	s4 =	simm.s32 $0x10  }
0x92: {  	[smem:s4], [sflag:s15] =	dma.local [hbm:s2], $0x1  }
0x93: {  	_ =	swait.eq [sflag:s15], $0x1  }
0x94: {  	[sflag:s15] =	ssyncset.done $0x0  }
0x95: {  	s16 =	sld [smem:$0x10];
	[sflag:s15] =	ssyncadd.s32 $0xFFFFFFFF  }
0x96: {  	s17 =	sld [smem:$0x11];
	(tm) =	ssettm $0x1  }
0x97: {  	s18 =	sld [smem:$0x3FFB];
	_ =	sdelay $0x3  }
0x98: {  	_ =	strace s18  }
0x99: {  	s4 =	sld [smem:$0x3FFC];
	_ =	sdelay $0x3  }
0x9a: {  	_ =	strace s4  }
0x9b: {  	s4 =	sld [smem:$0x3FFD];
	_ =	sdelay $0x3  }
0x9c: {  	_ =	strace s4  }
0x9d: {  	_ =	strace $0x8FFFFFFF  }
0x9e: {  	s19 =	sld [smem:$0x3FDB];
	_ =	sdelay $0x1  }
0x9f: {  	s5 =	simm.s32 $_scs_section_size  }
0xa0: {  	s6 =	simm.s32 $_size__tile_overlayer_lowered;
	s7 =	simm.s32 $_tile_overlayer_lowered  }
0xa1: {  	s22 =	simm.s32 $0x1BFF;
	s21 =	sshll.u32 s7, $0x1;
	s4 =	sadd.s32 s5, s19  }
0xa2: {  	s8 =	simm.s32 $0x0;
	s20 =	sshll.u32 s6, $0x1;
	s6 =	sadd.s32 s21, s4  }
0xa3: {  	[timem:s8], [sflag:s22] =	dma.local [hbm:s6], s20  }
0xa4: {  	_ =	swait.ge [sflag:s22], s20  }
0xa5: {  	s5 =	ssub.s32 $0x0, s20;
	[sflag:s22] =	ssyncset.done $0x0  }
0xa6: {  	[sflag:s22] =	ssyncadd.s32 s5;
	_ =	sdelay $0x1  }
0xa7: {  	s23 =	simm.s32 $0x1B8B  }
0xa8: {  	_ =	swait.ge [sflag:s23], $0x1  }
0xa9: {  	[sflag:s23] =	ssyncset.done $0x0  }
0xaa: {  	s25 =	simm.s32 $0x1B8E;
	s24 =	sld [smem:$0x3FFE];
	[sflag:s23] =	ssyncadd.s32 $0xFFFFFFFF  }
0xab: {  	s26 =	simm.s32 $execute0_lowered;
	[smem:$0x3FD2] =	sst s25  }
0xac: {  	s6 =	sshll.u32 s26, $0x1;
	_ =	strace $0x80000049;
	[dreg:$0x1] =	wrdreg $0xFFFFFFFF  }
0xad: {  	s28 =	simm.s32 $_size_execute0_lowered;
	s4 =	sadd.s32 s4, s6;
	[dreg:$0x0] =	wrdreg $0x0  }
0xae: {  	s6 =	sshll.u32 s28, $0x1;
	[dreg:$0x2] =	wrdreg s4  }
0xaf: {  	[dreg:$0x3] =	wrdreg s6  }
0xb0: {  	[dreg:$0x4] =	wrdreg $0xC0  }
0xb1: {  	_ =	task [dreg:s8], $0x5FFFF  }
0xb2: {  	[dreg:$0x1] =	wrdreg $0xFFFFFFFF  }
0xb3: {  	[dreg:$0x0] =	wrdreg $0x60  }
0xb4: {  	[dreg:$0x2] =	wrdreg s17  }
0xb5: {  	[dreg:$0x3] =	wrdreg s16  }
0xb6: {  	[dreg:$0x4] =	wrdreg s24  }
0xb7: {  	[dreg:$0x5] =	wrdreg $0x90000  }
0xb8: {  	[dreg:$0x6] =	wrdreg $0x9  }
0xb9: {  	_ =	task.clear_ibuf [dreg:s8], $0x7FFFF;
	_ =	strace $0x90000049  }
0xba: {  	s29 =	simm.s32 $0x9;
	_ =	strace $0x8000004B  }
0xbb: {  	_ =	swait.ge [sflag:s29], $0x1  }
0xbc: {  	[sflag:s29] =	ssyncadd.s32 $0xFFFFFFFF  }
0xbd: {  	_ =	strace $0x9000004B  }
0xbe: {  	_ =	sfence  }
0xbf: {  	s30 =	sld [smem:$0x0];
	_ =	sdelay $0x2  }
0xc0: {  	s31 =	sshll.u32 s1, $0xD;
	s1 =	sshrl.u32 s1, $0x2  }
0xc1: {  	s3 =	sand.u32 $0x4000, s31;
	s1 =	sadd.s32 s1, s30  }
0xc2: {  	s0 =	sor.u32 s3, s0;
	s1 =	sshll.u32 s1, $0x11  }
0xc3: {  	s0 =	sor.u32 s1, s0  }
0xc4: {  	s0 =	sadd.s32 $0x8F2B, s0  }
0xc5: {  	[sflag:s0] =	ssyncadd.remote.s32 $0x1  }
0xc6: {  	_ =	sfence.sel $0xFFFF  }
0xc7: {  	[dreg:$0x0] =	wrdreg $0xFFFFFFFF;
	(pc) =	sbr.abs _section_cstart, $3  }
0xc8: {  	[dreg:$0x1] =	wrdreg $0xFFFFFFFF  }
0xc9: {  	_ =	task.clear_ibuf [dreg:s8], $0x2FFFF;
	_ =	strace $0x9FFFFFFF  }
0xca: {  	(tm) =	ssettm $0x7FFFFFFF  }
0xcb: {  	_ =	shalt  }
tec
execute0_lowered:
.L_overlay_start_1:
0x0: {  	(tag) =	ssettag $0x1  }
0x1: {  	s1 =	rddreg [dreg:$0x0]  }
0x2: {  	s0 =	rddreg [dreg:$0x1]  }
0x3: {  	s3 =	rddreg [dreg:$0x2]  }
0x4: {  	s2 =	rddreg [dreg:$0x3];
	s4 =	simm.s32 $0x0  }
0x5: {  	s5 =	srdreg.scid;
	s16 =	stileid.u32;
	s28 =	simm.s32 $0x800  }
0x6: {  	s29 =	simm.s32 $0xC00;
	s30 =	simm.s32 $0x80;
	s31 =	simm.s32 $0x5000  }
0x7: {  	[smem:$0x7FF] =	sst s4;
	s5 =	sand.u32 $0x1, s5;
	s7 =	smul.u32 $0x50000, s16  }
0x8: {  	s8 =	sadd.s32 $0x3600, s3;
	s10 =	smul.u32 $0x14000, s16;
	s3 =	sadd.s32 $0xD600, s3  }
0x9: {  	s18 =	sshll.u32 s16, $0x1;
	_ =	strace $0x8000004A;
	s6 =	ssub.s32 $0x2, s5  }
0xa: {  	s15 =	smul.u32 $0x140000, s5;
	s9 =	sshrl.u32 s6, $0x1;
	s7 =	sshrl.u32 s7, $0x2  }
0xb: {  	s11 =	sadd.s32 $0x4000, s10;
	s20 =	sadd.s32 $0x8000, s10;
	s12 =	sadd.s32 $0xC000, s10  }
0xc: {  	s13 =	sadd.s32 $0x10000, s10;
	s6 =	ssub.s32 s6, s9;
	s9 =	sor.u32 s5, s18  }
0xd: {  	s17 =	sadd.s32 s7, s2;
	s19 =	sadd.s32 s11, s2;
	s14 =	sadd.s32 s20, s2  }
0xe: {  	s21 =	sadd.s32 s12, s2;
	s22 =	sadd.s32 s13, s2;
	[dreg:$0x6] =	wrdreg s19  }
0xf: {  	s10 =	sadd.s32 s10, s15;
	s7 =	sadd.s32 s15, s20;
	[dreg:$0x7] =	wrdreg s14  }
0x10: {  	s20 =	sadd.s32 s15, s13;
	s9 =	smul.u32 $0x500, s9;
	[dreg:$0x8] =	wrdreg s21  }
0x11: {  	s13 =	simm.s32 $0x6;
	[dreg:$0x9] =	wrdreg s22;
	s21 =	smul.u32 $0x14, s16  }
0x12: {  	s14 =	sadd.s32 s15, s11;
	s7 =	sshrl.u32 s7, $0x3;
	s22 =	smul.u32 $0xA, s5  }
0x13: {  	s19 =	sadd.s32 s15, s12;
	s6 =	smax.u32 s6, $0x1;
	s5 =	smul.u32 $0x500, s5  }
0x14: {  	s11 =	simm.s32 $0x4;
	s12 =	simm.s32 $0xF80;
	[dreg:$0x5] =	wrdreg s17  }
0x15: {  	s15 =	simm.s32 $0x0;
	s7 =	sadd.s32 s3, s7;
	[dreg:$0x13] =	wrdreg s6  }
0x16: {  	s23 =	sadd.s32 s0, s9;
	s24 =	sor.u32 $0x80, s9;
	[dreg:$0x10] =	wrdreg s7  }
0x17: {  	s9 =	sadd.s32 s8, s9;
	s7 =	sshrl.u32 s19, $0x3;
	[dreg:$0xa] =	wrdreg s23  }
0x18: {  	s19 =	simm.s32 $0xA80;
	[dreg:$0xb] =	wrdreg s9;
	s25 =	sadd.s32 s0, s24  }
0x19: {  	s26 =	sadd.s32 s8, s24;
	s9 =	sshrl.u32 s10, $0x3;
	s10 =	sshrl.u32 s14, $0x3  }
0x1a: {  	s7 =	sadd.s32 s3, s7;
	s23 =	smul.u32 $0xA00, s16;
	[dreg:$0xc] =	wrdreg s25  }
0x1b: {  	s24 =	sadd.s32 s22, s21;
	[dreg:$0xd] =	wrdreg s26;
	s9 =	sadd.s32 s3, s9  }
0x1c: {  	s18 =	sadd.s32 s3, s10;
	[dreg:$0x11] =	wrdreg s7;
	s6 =	sshll.u32 s24, $0x7  }
0x1d: {  	s24 =	simm.s32 $0x1000;
	s10 =	simm.s32 $0xF00;
	[dreg:$0xe] =	wrdreg s9  }
0x1e: {  	[dreg:$0xf] =	wrdreg s18;
	s9 =	sshrl.u32 s20, $0x3;
	s25 =	sadd.s32 s23, s8  }
0x1f: {  	s26 =	sadd.s32 $0x100, s6;
	s18 =	simm.s32 $0xD80;
	s6 =	simm.s32 $0xB00  }
0x20: {  	s3 =	sadd.s32 s3, s9;
	s7 =	sadd.s32 s5, s25;
	s22 =	sadd.s32 s26, s0  }
.Ltmp0:
0x21: {  	s25 =	simm.s32 $0x7;
	s9 =	simm.s32 $0x2;
	(pc) =	sbr.rel .LBB2_1-.Ltmp0, $4  }
0x22: {  	[dreg:$0x12] =	wrdreg s3;
	s3 =	sadd.s32 s23, s0;
	s20 =	sadd.s32 $0x180, s7  }
0x23: {  	s23 =	sadd.s32 s26, s8;
	s0 =	simm.s32 $0x3;
	s7 =	simm.s32 $0xE80  }
0x24: {  	s8 =	simm.s32 $0xB80;
	s26 =	simm.s32 $0x1;
	s3 =	sadd.s32 s5, s3  }
0x25: {  	v0 =	vimm.f32 $0.0e+00;
	s5 =	simm.s32 $0xE00;
	s21 =	sadd.s32 $0x180, s3;
	s3 =	simm.s32 $0x5  }
.LBB2_6:
0x26: {  	_ =	swait.ge [sflag:s11], $0x4000  }
0x27: {  	[sflag:s11] =	ssyncset.done $0x0  }
0x28: {  	[sflag:s11] =	ssyncadd.s32 $0xFFFFC000  }
0x29: {  	[spmem:s2] =	stream.indirect.scatter.add.f32 [tilespmem:s31], [sflag:$0x6], $0x80, s12, s30, $0xb8;
	[tilespmem:$0x1D000] =	vst v63  }
0x2a: {  	_ =	swait.ge [sflag:s3], $0x4000  }
0x2b: {  	[sflag:s3] =	ssyncset.done $0x0  }
0x2c: {  	[sflag:s3] =	ssyncadd.s32 $0xFFFFC000  }
0x2d: {  	_ =	swait.ge [sflag:s13], $0x4000  }
0x2e: {  	[sflag:s13] =	ssyncset.done $0x0  }
0x2f: {  	[sflag:s13] =	ssyncadd.s32 $0xFFFFC000  }
0x30: {  	[bflag:$0x0] =	sbarrier.arrive $0xFFFF  }
0x31: {  	s17 =	rddreg [dreg:$0x5]  }
0x32: {  	[tilespmem:s24], [sflag:$0x7] =	stream.linear.gather [spmem:s17], $0x4000, $0x38;
	[tilespmem:$0x1D000] =	vst v63  }
0x33: {  	_ =	swait.ge [sflag:s25], $0x4000  }
0x34: {  	[sflag:s25] =	ssyncset.done $0x0  }
0x35: {  	s14 =	rddreg [dreg:$0xe];
	[sflag:s25] =	ssyncadd.s32 $0xFFFFC000  }
0x36: {  	[hbm4b:s14+s4] =	stream.linear.scatter [tilespmem:s24], [sflag:$0x7], $0x4000, $0x38;
	[tilespmem:$0x1D000] =	vst v63  }
0x37: {  	_ =	swait.ge [sflag:s25], $0x4000  }
0x38: {  	[sflag:s25] =	ssyncset.done $0x0  }
0x39: {  	s16 =	rddreg [dreg:$0x6];
	[sflag:s25] =	ssyncadd.s32 $0xFFFFC000  }
0x3a: {  	[tilespmem:s24], [sflag:$0x7] =	stream.linear.gather [spmem:s16], $0x4000, $0x38;
	[tilespmem:$0x1D000] =	vst v63  }
0x3b: {  	_ =	swait.ge [sflag:s25], $0x4000  }
0x3c: {  	[sflag:s25] =	ssyncset.done $0x0  }
0x3d: {  	s15 =	rddreg [dreg:$0xf];
	[sflag:s25] =	ssyncadd.s32 $0xFFFFC000  }
0x3e: {  	[hbm4b:s15+s4] =	stream.linear.scatter [tilespmem:s24], [sflag:$0x7], $0x4000, $0x38;
	[tilespmem:$0x1D000] =	vst v63  }
0x3f: {  	_ =	swait.ge [sflag:s25], $0x4000  }
0x40: {  	[sflag:s25] =	ssyncset.done $0x0  }
0x41: {  	s16 =	rddreg [dreg:$0x7];
	[sflag:s25] =	ssyncadd.s32 $0xFFFFC000  }
0x42: {  	[tilespmem:s24], [sflag:$0x7] =	stream.linear.gather [spmem:s16], $0x4000, $0x38;
	[tilespmem:$0x1D000] =	vst v63  }
0x43: {  	_ =	swait.ge [sflag:s25], $0x4000  }
0x44: {  	[sflag:s25] =	ssyncset.done $0x0  }
0x45: {  	s15 =	rddreg [dreg:$0x10];
	[sflag:s25] =	ssyncadd.s32 $0xFFFFC000  }
0x46: {  	[hbm4b:s15+s4] =	stream.linear.scatter [tilespmem:s24], [sflag:$0x7], $0x4000, $0x38;
	[tilespmem:$0x1D000] =	vst v63  }
0x47: {  	_ =	swait.ge [sflag:s25], $0x4000  }
0x48: {  	[sflag:s25] =	ssyncset.done $0x0  }
0x49: {  	s16 =	rddreg [dreg:$0x8];
	[sflag:s25] =	ssyncadd.s32 $0xFFFFC000  }
0x4a: {  	[tilespmem:s24], [sflag:$0x7] =	stream.linear.gather [spmem:s16], $0x4000, $0x38;
	[tilespmem:$0x1D000] =	vst v63  }
0x4b: {  	_ =	swait.ge [sflag:s25], $0x4000  }
0x4c: {  	[sflag:s25] =	ssyncset.done $0x0  }
0x4d: {  	s15 =	rddreg [dreg:$0x11];
	[sflag:s25] =	ssyncadd.s32 $0xFFFFC000  }
0x4e: {  	[hbm4b:s15+s4] =	stream.linear.scatter [tilespmem:s24], [sflag:$0x7], $0x4000, $0x38;
	[tilespmem:$0x1D000] =	vst v63  }
0x4f: {  	_ =	swait.ge [sflag:s25], $0x4000  }
0x50: {  	[sflag:s25] =	ssyncset.done $0x0  }
0x51: {  	s16 =	rddreg [dreg:$0x9];
	[sflag:s25] =	ssyncadd.s32 $0xFFFFC000  }
0x52: {  	[tilespmem:s24], [sflag:$0x7] =	stream.linear.gather [spmem:s16], $0x4000, $0x38;
	[tilespmem:$0x1D000] =	vst v63  }
0x53: {  	_ =	swait.ge [sflag:s25], $0x4000  }
0x54: {  	[sflag:s25] =	ssyncset.done $0x0  }
0x55: {  	s15 =	rddreg [dreg:$0x12];
	[sflag:s25] =	ssyncadd.s32 $0xFFFFC000  }
0x56: {  	[hbm4b:s15+s4] =	stream.linear.scatter [tilespmem:s24], [sflag:$0x7], $0x4000, $0x38;
	[tilespmem:$0x1D000] =	vst v63  }
0x57: {  	_ =	swait.ge [sflag:s25], $0x4000  }
0x58: {  	s15 =	rddreg [dreg:$0x14]  }
0x59: {  	s16 =	rddreg [dreg:$0x13];
	s15 =	sadd.s32 $0x1, s15  }
0x5a: {  	p0 =	sne.s32 s15, s16  }
.Ltmp1:
0x5b: {  	_ = 	snop;
	(pc) =	sbr.rel @!p0 .LBB2_7-.Ltmp1, $3  }
0x5c: {  	_ =	sdelay $0x1  }
0x5d: {  	[sflag:s25] =	ssyncset.done $0x0  }
0x5e: {  	[sflag:s25] =	ssyncadd.s32 $0xFFFFC000  }
.LBB2_1:
0x5f: {  	[dreg:$0x14] =	wrdreg s15;
	s14 =	simm.s32 $0x0;
	s15 =	simm.s32 $0x200  }
.LBB2_2:
0x60: {  	p0 =	sne.s32 s15, $0xFE00;
	[tilespmem:s14+$0x1070] =	vst v0  }
0x61: {  	[tilespmem:s14+$0x1000] =	vst v0  }
0x62: {  	[tilespmem:s14+$0x1010] =	vst v0  }
.Ltmp2:
0x63: {  	[tilespmem:s14+$0x1020] =	vst v0;
	(pc) =	sbr.rel @p0 .LBB2_2-.Ltmp2, $4  }
0x64: {  	[tilespmem:s14+$0x1030] =	vst v0  }
0x65: {  	[tilespmem:s14+$0x1040] =	vst v0  }
0x66: {  	[tilespmem:s14+$0x1050] =	vst v0  }
0x67: {  	[tilespmem:s14+$0x1060] =	vst v0;
	s14 =	sshra.s32 s15, $0x2;
	s15 =	sadd.s32 $0x200, s15  }
0x68: {  	[tilespmem:s14+$0x1070] =	vst v0  }
0x69: {  	[tilespmem:s14+$0x1000] =	vst v0  }
0x6a: {  	[tilespmem:s14+$0x1010] =	vst v0  }
0x6b: {  	[tilespmem:s14+$0x1020] =	vst v0  }
0x6c: {  	[tilespmem:s14+$0x1030] =	vst v0  }
0x6d: {  	[tilespmem:s14+$0x1040] =	vst v0  }
0x6e: {  	[tilespmem:s14+$0x1050] =	vst v0  }
0x6f: {  	[tilespmem:s14+$0x1060] =	vst v0  }
0x70: {  	[spmem:s17] =	stream.linear.scatter [tilespmem:s24], [sflag:$0x7], $0x4000, $0x38;
	[tilespmem:$0x1D000] =	vst v63  }
0x71: {  	_ =	swait.ge [sflag:s25], $0x4000  }
0x72: {  	[sflag:s25] =	ssyncset.done $0x0  }
0x73: {  	s16 =	rddreg [dreg:$0x6];
	[sflag:s25] =	ssyncadd.s32 $0xFFFFC000  }
0x74: {  	[spmem:s16] =	stream.linear.scatter [tilespmem:s24], [sflag:$0x7], $0x4000, $0x38;
	[tilespmem:$0x1D000] =	vst v63  }
0x75: {  	_ =	swait.ge [sflag:s25], $0x4000  }
0x76: {  	[sflag:s25] =	ssyncset.done $0x0  }
0x77: {  	s17 =	rddreg [dreg:$0x7];
	[sflag:s25] =	ssyncadd.s32 $0xFFFFC000  }
0x78: {  	[spmem:s17] =	stream.linear.scatter [tilespmem:s24], [sflag:$0x7], $0x4000, $0x38;
	[tilespmem:$0x1D000] =	vst v63  }
0x79: {  	_ =	swait.ge [sflag:s25], $0x4000  }
0x7a: {  	[sflag:s25] =	ssyncset.done $0x0  }
0x7b: {  	s15 =	rddreg [dreg:$0x8];
	[sflag:s25] =	ssyncadd.s32 $0xFFFFC000  }
0x7c: {  	[spmem:s15] =	stream.linear.scatter [tilespmem:s24], [sflag:$0x7], $0x4000, $0x38;
	[tilespmem:$0x1D000] =	vst v63  }
0x7d: {  	_ =	swait.ge [sflag:s25], $0x4000  }
0x7e: {  	[sflag:s25] =	ssyncset.done $0x0  }
0x7f: {  	s16 =	rddreg [dreg:$0x9];
	[sflag:s25] =	ssyncadd.s32 $0xFFFFC000  }
0x80: {  	[spmem:s16] =	stream.linear.scatter [tilespmem:s24], [sflag:$0x7], $0x4000, $0x38;
	[tilespmem:$0x1D000] =	vst v63  }
0x81: {  	_ =	swait.ge [sflag:s25], $0x4000  }
0x82: {  	[sflag:s25] =	ssyncset.done $0x0  }
0x83: {  	[sflag:s25] =	ssyncadd.s32 $0xFFFFC000  }
0x84: {  	[bflag:$0x0] =	sbarrier.arrive $0xFFFF  }
0x85: {  	s14 =	simm.s32 $0x0;
	s15 =	rddreg [dreg:$0xa]  }
0x86: {  	[tilespmem:s14], [sflag:$0x7] =	stream.linear.gather [hbm4b:s15+s14], $0x400, $0x38;
	[tilespmem:$0x1D000] =	vst v63  }
0x87: {  	_ =	swait.ge [sflag:s25], $0x400  }
0x88: {  	[sflag:s25] =	ssyncset.done $0x0  }
0x89: {  	s16 =	simm.s32 $0x400;
	s17 =	rddreg [dreg:$0xb];
	[sflag:s25] =	ssyncadd.s32 $0xFFFFFC00  }
0x8a: {  	[tilespmem:s16], [sflag:$0x7] =	stream.linear.gather [hbm4b:s17+s14], $0x400, $0x38;
	[tilespmem:$0x1D000] =	vst v63  }
0x8b: {  	_ =	swait.ge [sflag:s25], $0x400  }
0x8c: {  	[sflag:s25] =	ssyncset.done $0x0  }
0x8d: {  	s16 =	rddreg [dreg:$0xc];
	[sflag:s25] =	ssyncadd.s32 $0xFFFFFC00  }
0x8e: {  	[tilespmem:s28], [sflag:$0x2] =	stream.linear.gather [hbm4b:s16+s14], $0x400, $0x38;
	[tilespmem:$0x1D000] =	vst v63  }
0x8f: {  	s17 =	rddreg [dreg:$0xd]  }
0x90: {  	[tilespmem:s29], [sflag:$0x2] =	stream.linear.gather [hbm4b:s17+s14], $0x400, $0x38;
	[tilespmem:$0x1D000] =	vst v63  }
0x91: {  	_ = 	snop  }
0x92: {  	[tilespmem:s24], [sflag:$0x3] =	stream.indirect.gather [hbm4b:s1+s30], $0x80, s14, s30, $0xb8;
	[tilespmem:$0x1D000] =	vst v63  }
.LBB2_4:
0x93: {  	p0 =	seq.s32 s14, $0x0  }
0x94: {  	s15 =	simm.s32 @!p0 $0x6  }
0x95: {  	_ =	swait.ge @!p0 [sflag:s15], $0x4000  }
0x96: {  	[sflag:s15] =	ssyncset.done @!p0 $0x0  }
0x97: {  	[sflag:s15] =	ssyncadd.s32 @!p0 $0xFFFFC000  }
0x98: {  	[tilespmem:s31], [sflag:$0x4] =	stream.indirect.gather [hbm4b:s1+s30], $0x80, s30, s30, $0xb8;
	[tilespmem:$0x1D000] =	vst v63  }
0x99: {  	_ =	swait.ge [sflag:s0], $0x4000  }
0x9a: {  	[sflag:s0] =	ssyncset.done $0x0  }
0x9b: {  	s16 =	simm.s32 $0x400;
	[sflag:s0] =	ssyncadd.s32 $0xFFFFC000  }
0x9c: {  	[spmem:s2] =	stream.indirect.scatter.add.f32 [tilespmem:s24], [sflag:$0x5], $0x80, s16, s30, $0xb8;
	[tilespmem:$0x1D000] =	vst v63  }
0x9d: {  	_ =	swait.ge [sflag:s3], $0x4000  }
0x9e: {  	[sflag:s3] =	ssyncset.done $0x0  }
0x9f: {  	s17 =	simm.s32 $0x100;
	[sflag:s3] =	ssyncadd.s32 $0xFFFFC000  }
0xa0: {  	[tilespmem:s24], [sflag:$0x3] =	stream.indirect.gather [hbm4b:s1+s30], $0x80, s17, s30, $0xb8;
	[tilespmem:$0x1D000] =	vst v63  }
0xa1: {  	_ =	swait.ge [sflag:s11], $0x4000  }
0xa2: {  	[sflag:s11] =	ssyncset.done $0x0  }
0xa3: {  	s16 =	simm.s32 $0x480;
	[sflag:s11] =	ssyncadd.s32 $0xFFFFC000  }
0xa4: {  	[spmem:s2] =	stream.indirect.scatter.add.f32 [tilespmem:s31], [sflag:$0x6], $0x80, s16, s30, $0xb8;
	[tilespmem:$0x1D000] =	vst v63  }
0xa5: {  	_ =	swait.ge [sflag:s13], $0x4000  }
0xa6: {  	[sflag:s13] =	ssyncset.done $0x0  }
0xa7: {  	s17 =	simm.s32 $0x180;
	[sflag:s13] =	ssyncadd.s32 $0xFFFFC000  }
0xa8: {  	[tilespmem:s31], [sflag:$0x4] =	stream.indirect.gather [hbm4b:s1+s30], $0x80, s17, s30, $0xb8;
	[tilespmem:$0x1D000] =	vst v63  }
0xa9: {  	_ =	swait.ge [sflag:s0], $0x4000  }
0xaa: {  	[sflag:s0] =	ssyncset.done $0x0  }
0xab: {  	s16 =	simm.s32 $0x500;
	[sflag:s0] =	ssyncadd.s32 $0xFFFFC000  }
0xac: {  	[spmem:s2] =	stream.indirect.scatter.add.f32 [tilespmem:s24], [sflag:$0x5], $0x80, s16, s30, $0xb8;
	[tilespmem:$0x1D000] =	vst v63  }
0xad: {  	_ =	swait.ge [sflag:s3], $0x4000  }
0xae: {  	[sflag:s3] =	ssyncset.done $0x0  }
0xaf: {  	s17 =	simm.s32 $0x200;
	[sflag:s3] =	ssyncadd.s32 $0xFFFFC000  }
0xb0: {  	[tilespmem:s24], [sflag:$0x3] =	stream.indirect.gather [hbm4b:s1+s30], $0x80, s17, s30, $0xb8;
	[tilespmem:$0x1D000] =	vst v63  }
0xb1: {  	_ =	swait.ge [sflag:s11], $0x4000  }
0xb2: {  	[sflag:s11] =	ssyncset.done $0x0  }
0xb3: {  	s16 =	simm.s32 $0x580;
	[sflag:s11] =	ssyncadd.s32 $0xFFFFC000  }
0xb4: {  	[spmem:s2] =	stream.indirect.scatter.add.f32 [tilespmem:s31], [sflag:$0x6], $0x80, s16, s30, $0xb8;
	[tilespmem:$0x1D000] =	vst v63  }
0xb5: {  	_ =	swait.ge [sflag:s13], $0x4000  }
0xb6: {  	[sflag:s13] =	ssyncset.done $0x0  }
0xb7: {  	s17 =	simm.s32 $0x280;
	[sflag:s13] =	ssyncadd.s32 $0xFFFFC000  }
0xb8: {  	[tilespmem:s31], [sflag:$0x4] =	stream.indirect.gather [hbm4b:s1+s30], $0x80, s17, s30, $0xb8;
	[tilespmem:$0x1D000] =	vst v63  }
0xb9: {  	_ =	swait.ge [sflag:s0], $0x4000  }
0xba: {  	[sflag:s0] =	ssyncset.done $0x0  }
0xbb: {  	s16 =	simm.s32 $0x600;
	[sflag:s0] =	ssyncadd.s32 $0xFFFFC000  }
0xbc: {  	[spmem:s2] =	stream.indirect.scatter.add.f32 [tilespmem:s24], [sflag:$0x5], $0x80, s16, s30, $0xb8;
	[tilespmem:$0x1D000] =	vst v63  }
0xbd: {  	_ =	swait.ge [sflag:s3], $0x4000  }
0xbe: {  	[sflag:s3] =	ssyncset.done $0x0  }
0xbf: {  	s17 =	simm.s32 $0x300;
	[sflag:s3] =	ssyncadd.s32 $0xFFFFC000  }
0xc0: {  	[tilespmem:s24], [sflag:$0x3] =	stream.indirect.gather [hbm4b:s1+s30], $0x80, s17, s30, $0xb8;
	[tilespmem:$0x1D000] =	vst v63  }
0xc1: {  	_ =	swait.ge [sflag:s11], $0x4000  }
0xc2: {  	[sflag:s11] =	ssyncset.done $0x0  }
0xc3: {  	s16 =	simm.s32 $0x680;
	[sflag:s11] =	ssyncadd.s32 $0xFFFFC000  }
0xc4: {  	[spmem:s2] =	stream.indirect.scatter.add.f32 [tilespmem:s31], [sflag:$0x6], $0x80, s16, s30, $0xb8;
	[tilespmem:$0x1D000] =	vst v63  }
0xc5: {  	_ =	swait.ge [sflag:s13], $0x4000  }
0xc6: {  	[sflag:s13] =	ssyncset.done $0x0  }
0xc7: {  	s17 =	simm.s32 $0x380;
	[sflag:s13] =	ssyncadd.s32 $0xFFFFC000  }
0xc8: {  	[tilespmem:s31], [sflag:$0x4] =	stream.indirect.gather [hbm4b:s1+s30], $0x80, s17, s30, $0xb8;
	[tilespmem:$0x1D000] =	vst v63  }
0xc9: {  	_ =	swait.ge [sflag:s0], $0x4000  }
0xca: {  	[sflag:s0] =	ssyncset.done $0x0  }
0xcb: {  	s16 =	simm.s32 $0x700;
	[sflag:s0] =	ssyncadd.s32 $0xFFFFC000  }
0xcc: {  	[spmem:s2] =	stream.indirect.scatter.add.f32 [tilespmem:s24], [sflag:$0x5], $0x80, s16, s30, $0xb8;
	[tilespmem:$0x1D000] =	vst v63  }
0xcd: {  	_ =	swait.ge [sflag:s3], $0x4000  }
0xce: {  	[sflag:s3] =	ssyncset.done $0x0  }
0xcf: {  	[sflag:s3] =	ssyncadd.s32 $0xFFFFC000  }
0xd0: {  	_ =	swait.ge [sflag:s9], $0x400  }
0xd1: {  	[sflag:s9] =	ssyncset.done $0x0  }
0xd2: {  	[sflag:s9] =	ssyncadd.s32 $0xFFFFFC00  }
0xd3: {  	_ =	swait.ge [sflag:s9], $0x400  }
0xd4: {  	[sflag:s9] =	ssyncset.done $0x0  }
0xd5: {  	[sflag:s9] =	ssyncadd.s32 $0xFFFFFC00  }
0xd6: {  	[tilespmem:s24], [sflag:$0x3] =	stream.indirect.gather [hbm4b:s1+s30], $0x80, s28, s30, $0xb8;
	[tilespmem:$0x1D000] =	vst v63  }
0xd7: {  	_ =	swait.ge [sflag:s11], $0x4000  }
0xd8: {  	[sflag:s11] =	ssyncset.done $0x0  }
0xd9: {  	p0 =	seq.s32 s14, $0x400;
	s17 =	simm.s32 $0x780;
	[sflag:s11] =	ssyncadd.s32 $0xFFFFC000  }
0xda: {  	[spmem:s2] =	stream.indirect.scatter.add.f32 [tilespmem:s31], [sflag:$0x6], $0x80, s17, s30, $0xb8;
	[tilespmem:$0x1D000] =	vst v63  }
0xdb: {  	s15 =	sadd.s32 @!p0 s14, s22;
	s16 =	simm.s32 @!p0 $0x0  }
0xdc: {  	[tilespmem:s16], [sflag:$0x1] =	stream.linear.gather @!p0 [hbm4b:s15+s16], $0x400, $0x38;
	[tilespmem:$0x1D000] =	vst v63  }
0xdd: {  	s17 =	simm.s32 @!p0 $0x400;
	s15 =	sadd.s32 @!p0 s14, s23  }
0xde: {  	[tilespmem:s17], [sflag:$0x1] =	stream.linear.gather @!p0 [hbm4b:s15+s16], $0x400, $0x38;
	[tilespmem:$0x1D000] =	vst v63  }
0xdf: {  	_ =	swait.ge [sflag:s13], $0x4000  }
0xe0: {  	[sflag:s13] =	ssyncset.done $0x0  }
0xe1: {  	s16 =	simm.s32 $0x880;
	[sflag:s13] =	ssyncadd.s32 $0xFFFFC000  }
0xe2: {  	[tilespmem:s31], [sflag:$0x4] =	stream.indirect.gather [hbm4b:s1+s30], $0x80, s16, s30, $0xb8;
	[tilespmem:$0x1D000] =	vst v63  }
0xe3: {  	_ =	swait.ge [sflag:s0], $0x4000  }
0xe4: {  	[sflag:s0] =	ssyncset.done $0x0  }
0xe5: {  	[sflag:s0] =	ssyncadd.s32 $0xFFFFC000  }
0xe6: {  	[spmem:s2] =	stream.indirect.scatter.add.f32 [tilespmem:s24], [sflag:$0x5], $0x80, s29, s30, $0xb8;
	[tilespmem:$0x1D000] =	vst v63  }
0xe7: {  	_ =	swait.ge [sflag:s3], $0x4000  }
0xe8: {  	[sflag:s3] =	ssyncset.done $0x0  }
0xe9: {  	s17 =	simm.s32 $0x900;
	[sflag:s3] =	ssyncadd.s32 $0xFFFFC000  }
0xea: {  	[tilespmem:s24], [sflag:$0x3] =	stream.indirect.gather [hbm4b:s1+s30], $0x80, s17, s30, $0xb8;
	[tilespmem:$0x1D000] =	vst v63  }
0xeb: {  	_ =	swait.ge [sflag:s11], $0x4000  }
0xec: {  	[sflag:s11] =	ssyncset.done $0x0  }
0xed: {  	s16 =	simm.s32 $0xC80;
	[sflag:s11] =	ssyncadd.s32 $0xFFFFC000  }
0xee: {  	[spmem:s2] =	stream.indirect.scatter.add.f32 [tilespmem:s31], [sflag:$0x6], $0x80, s16, s30, $0xb8;
	[tilespmem:$0x1D000] =	vst v63  }
0xef: {  	_ =	swait.ge [sflag:s13], $0x4000  }
0xf0: {  	[sflag:s13] =	ssyncset.done $0x0  }
0xf1: {  	s17 =	simm.s32 $0x980;
	[sflag:s13] =	ssyncadd.s32 $0xFFFFC000  }
0xf2: {  	[tilespmem:s31], [sflag:$0x4] =	stream.indirect.gather [hbm4b:s1+s30], $0x80, s17, s30, $0xb8;
	[tilespmem:$0x1D000] =	vst v63  }
0xf3: {  	_ =	swait.ge [sflag:s0], $0x4000  }
0xf4: {  	[sflag:s0] =	ssyncset.done $0x0  }
0xf5: {  	s16 =	simm.s32 $0xD00;
	[sflag:s0] =	ssyncadd.s32 $0xFFFFC000  }
0xf6: {  	[spmem:s2] =	stream.indirect.scatter.add.f32 [tilespmem:s24], [sflag:$0x5], $0x80, s16, s30, $0xb8;
	[tilespmem:$0x1D000] =	vst v63  }
0xf7: {  	_ =	swait.ge [sflag:s3], $0x4000  }
0xf8: {  	[sflag:s3] =	ssyncset.done $0x0  }
0xf9: {  	s17 =	simm.s32 $0xA00;
	[sflag:s3] =	ssyncadd.s32 $0xFFFFC000  }
0xfa: {  	[tilespmem:s24], [sflag:$0x3] =	stream.indirect.gather [hbm4b:s1+s30], $0x80, s17, s30, $0xb8;
	[tilespmem:$0x1D000] =	vst v63  }
0xfb: {  	_ =	swait.ge [sflag:s11], $0x4000  }
0xfc: {  	[sflag:s11] =	ssyncset.done $0x0  }
0xfd: {  	[sflag:s11] =	ssyncadd.s32 $0xFFFFC000  }
0xfe: {  	[spmem:s2] =	stream.indirect.scatter.add.f32 [tilespmem:s31], [sflag:$0x6], $0x80, s18, s30, $0xb8;
	[tilespmem:$0x1D000] =	vst v63  }
0xff: {  	_ =	swait.ge [sflag:s13], $0x4000  }
0x100: {  	[sflag:s13] =	ssyncset.done $0x0  }
0x101: {  	[sflag:s13] =	ssyncadd.s32 $0xFFFFC000  }
0x102: {  	[tilespmem:s31], [sflag:$0x4] =	stream.indirect.gather [hbm4b:s1+s30], $0x80, s19, s30, $0xb8;
	[tilespmem:$0x1D000] =	vst v63  }
0x103: {  	_ =	swait.ge [sflag:s0], $0x4000  }
0x104: {  	[sflag:s0] =	ssyncset.done $0x0  }
0x105: {  	[sflag:s0] =	ssyncadd.s32 $0xFFFFC000  }
0x106: {  	[spmem:s2] =	stream.indirect.scatter.add.f32 [tilespmem:s24], [sflag:$0x5], $0x80, s5, s30, $0xb8;
	[tilespmem:$0x1D000] =	vst v63  }
0x107: {  	_ =	swait.ge [sflag:s3], $0x4000  }
0x108: {  	[sflag:s3] =	ssyncset.done $0x0  }
0x109: {  	[sflag:s3] =	ssyncadd.s32 $0xFFFFC000  }
0x10a: {  	[tilespmem:s24], [sflag:$0x3] =	stream.indirect.gather [hbm4b:s1+s30], $0x80, s6, s30, $0xb8;
	[tilespmem:$0x1D000] =	vst v63  }
0x10b: {  	_ =	swait.ge [sflag:s11], $0x4000  }
0x10c: {  	[sflag:s11] =	ssyncset.done $0x0  }
0x10d: {  	[sflag:s11] =	ssyncadd.s32 $0xFFFFC000  }
0x10e: {  	[spmem:s2] =	stream.indirect.scatter.add.f32 [tilespmem:s31], [sflag:$0x6], $0x80, s7, s30, $0xb8;
	[tilespmem:$0x1D000] =	vst v63  }
0x10f: {  	_ =	swait.ge [sflag:s13], $0x4000  }
0x110: {  	[sflag:s13] =	ssyncset.done $0x0  }
0x111: {  	[sflag:s13] =	ssyncadd.s32 $0xFFFFC000  }
0x112: {  	[tilespmem:s31], [sflag:$0x4] =	stream.indirect.gather [hbm4b:s1+s30], $0x80, s8, s30, $0xb8;
	[tilespmem:$0x1D000] =	vst v63  }
.Ltmp3:
0x113: {  	_ = 	snop;
	(pc) =	sbr.rel @p0 .LBB2_6-.Ltmp3, $4  }
0x114: {  	_ =	swait.ge [sflag:s0], $0x4000  }
0x115: {  	[sflag:s0] =	ssyncset.done $0x0  }
0x116: {  	[sflag:s0] =	ssyncadd.s32 $0xFFFFC000  }
0x117: {  	[spmem:s2] =	stream.indirect.scatter.add.f32 [tilespmem:s24], [sflag:$0x5], $0x80, s10, s30, $0xb8;
	[tilespmem:$0x1D000] =	vst v63  }
0x118: {  	_ =	swait.ge [sflag:s3], $0x4000  }
0x119: {  	[sflag:s3] =	ssyncset.done $0x0  }
0x11a: {  	[sflag:s3] =	ssyncadd.s32 $0xFFFFC000  }
0x11b: {  	_ =	swait.ge [sflag:s26], $0x400  }
0x11c: {  	[sflag:s26] =	ssyncset.done $0x0  }
0x11d: {  	[sflag:s26] =	ssyncadd.s32 $0xFFFFFC00  }
0x11e: {  	_ =	swait.ge [sflag:s26], $0x400  }
0x11f: {  	[sflag:s26] =	ssyncset.done $0x0  }
0x120: {  	[sflag:s26] =	ssyncadd.s32 $0xFFFFFC00  }
0x121: {  	[tilespmem:s24], [sflag:$0x3] =	stream.indirect.gather [hbm4b:s1+s30], $0x80, s4, s30, $0xb8;
	[tilespmem:$0x1D000] =	vst v63  }
0x122: {  	_ =	swait.ge [sflag:s11], $0x4000  }
0x123: {  	[sflag:s11] =	ssyncset.done $0x0  }
0x124: {  	[sflag:s11] =	ssyncadd.s32 $0xFFFFC000  }
0x125: {  	[spmem:s2] =	stream.indirect.scatter.add.f32 [tilespmem:s31], [sflag:$0x6], $0x80, s12, s30, $0xb8;
	[tilespmem:$0x1D000] =	vst v63  }
.Ltmp4:
0x126: {  	_ = 	snop;
	(pc) =	sbr.rel .LBB2_4-.Ltmp4, $4  }
0x127: {  	s15 =	sadd.s32 s14, s21  }
0x128: {  	[tilespmem:s28], [sflag:$0x2] =	stream.linear.gather [hbm4b:s15+s4], $0x400, $0x38;
	[tilespmem:$0x1D000] =	vst v63  }
0x129: {  	s17 =	sadd.s32 s14, s20;
	s14 =	sadd.s32 $0x100, s14  }
0x12a: {  	[tilespmem:s29], [sflag:$0x2] =	stream.linear.gather [hbm4b:s17+s4], $0x400, $0x38;
	[tilespmem:$0x1D000] =	vst v63  }
.LBB2_7:
0x12b: {  	_ =	sfence.sel $0x180000  }
0x12c: {  	[bflag:$0x0] =	sbarrier.arrive $0xFFFF  }
0x12d: {  	_ =	strace $0x9000004A  }
0x12e: {  	s0 =	stileid.u32;
	[bflag:$0x2] =	sbarrier.arrive $0xFFFF  }
0x12f: {  	p0 =	sne.s32 s0, $0x0;
	s0 =	rddreg [dreg:$0x4]  }
0x130: {  	s0 =	sadd.s32 @!p0 $0x100000, s0  }
0x131: {  	[sflag:s0] =	ssyncadd.tile.s32 @!p0 $0x1;
	_ =	shalt  }
.Lfunc_end2:
_tile_overlayer_lowered:
.L_overlay_start_2:
0x132: {  	(tag) =	ssettag $0x2  }
0x133: {  	s0 =	rddreg [dreg:$0x0];
	s2 =	stileid.u32  }
0x134: {  	s1 =	rddreg [dreg:$0x1];
	p0 =	sne.s32 s2, $0x0  }
0x135: {  	s3 =	rddreg [dreg:$0x2];
	[bflag:$0x3] =	sbarrier.arrive $0xFFFF;
	s2 =	simm.s32 @!p0 $0x1C07  }
0x136: {  	[timem:s3], [sflag:s2] =	dma.local @!p0 [hbm:s0], s1  }
0x137: {  	s0 =	simm.s32 @!p0 $0x7  }
0x138: {  	_ =	swait.ge @!p0 [sflag:s0], s1  }
0x139: {  	s1 =	ssub.s32 @!p0 $0x0, s1;
	[sflag:s0] =	ssyncset.done @!p0 $0x0  }
0x13a: {  	[sflag:s0] =	ssyncadd.s32 @!p0 s1  }
0x13b: {  	[bflag:$0x3] =	sbarrier.arrive $0xFFFF  }
0x13c: {  	_ =	shalt  }

// kernel: kernel.7.cloned.1.call-start
scs
__scs_entry_jumppad:
0x0: {  	(pc) =	sbr.rel $0x88, $3  }
0x1: {  	(tag) =	ssettag $0x0;
	lr =	simm.s32 $0x1  }
0x2: {  	[smem:$0x3F91] =	sst lr;
	_ =	strace $0xD0000000  }
0x3: {  	_ = 	snop  }
0x4: {  	_ = 	snop  }
0x5: {  	_ = 	snop  }
0x6: {  	_ = 	snop  }
0x7: {  	_ = 	snop  }
__scs_overlays_trampoline_lowered:
0x8: {  	[smem:$0x3FA0] =	sst s0  }
0x9: {  	[smem:$0x3FA1] =	sst s1  }
0xa: {  	[smem:$0x3FA2] =	sst s2  }
0xb: {  	[smem:$0x3FA3] =	sst s3  }
0xc: {  	[smem:$0x3FA4] =	sst s4  }
0xd: {  	[smem:$0x3FA5] =	sst s5  }
0xe: {  	[smem:$0x3FA6] =	sst s6  }
0xf: {  	[smem:$0x3FA7] =	sst s7  }
0x10: {  	[smem:$0x3FA8] =	sst s8  }
0x11: {  	[smem:$0x3FA9] =	sst s9;
	s0 =	simm.s32 @!p0 $0x0  }
0x12: {  	s1 =	sld [smem:$0x3F8F];
	s0 =	simm.s32 @p0 $0x1  }
0x13: {  	[smem:$0x3FAA] =	sst s0;
	s0 =	simm.s32 @!p1 $0x0  }
0x14: {  	s2 =	sld [smem:$0x3F8E];
	s0 =	simm.s32 @p1 $0x1  }
0x15: {  	[smem:$0x3FAB] =	sst s0;
	s0 =	simm.s32 @!p2 $0x0  }
0x16: {  	s3 =	sld [smem:$0x3FDB];
	s0 =	simm.s32 @p2 $0x1  }
0x17: {  	s4 =	simm.s32 $0x1BF5;
	[smem:$0x3FAD] =	sst s0  }
0x18: {  	s0 =	sld [smem:$0x3F90];
	_ =	swait.ge [sflag:s4], $0x0  }
0x19: {  	s7 =	sld [smem:$0x3F91]  }
0x1a: {  	s8 =	sadd.s32 $0xFFFFE003, lr  }
0x1b: {  	s9 =	sadd.s32 $0xFFFFFEF7, lr;
	s5 =	simm.s32 $0xFFFFFFFF;
	p2 =	slt.u32 s8, $0xFFFFF086  }
0x1c: {  	p1 =	slt.u32 s9, $0xF7A;
	s5 =	simm.s32 @!p2 $0x0  }
0x1d: {  	s5 =	simm.s32 @p1 $0x1;
	p0 =	seq.s32 s7, s2  }
0x1e: {  	s7 =	smul.u32 @!p0 $0xF7A, s2;
	p2 =	seq.s32 @!p0 s5, $0x0  }
0x1f: {  	s9 =	smul.u32 $0xF7A, s1;
	s8 =	simm.s32 @!p0 $0x1BF5;
	p2 =	por !p2, p0  }
0x20: {  	[sflag:s8] =	ssyncset.s32 @!p0 $0xFFFFF086;
	s6 =	sadd.s32 @!p0 s3, s7;
	s7 =	simm.s32 @!p0 $0x108  }
0x21: {  	s3 =	sadd.s32 s3, s9;
	s6 =	sadd.s32 @!p0 $0x88, s6;
	s7 =	simm.s32 @p2 $0x1082  }
0x22: {  	[simem:s7], [sflag:s8] =	dma.local @!p0 [hbm:s6], $0xF7A  }
0x23: {  	s9 =	sor.u32 $0xD0000000, s2;
	s6 =	simm.s32 $0x108;
	_ =	swait.ge @!p0 [sflag:s8], $0x0  }
0x24: {  	s3 =	sadd.s32 $0x88, s3;
	s6 =	simm.s32 @!p1 $0x1082;
	[sflag:s4] =	ssyncset.s32 $0xFFFFF086  }
0x25: {  	[simem:s6], [sflag:s4] =	dma.local [hbm:s3], $0xF7A  }
0x26: {  	[smem:$0x3F91] =	sst s1;
	(tag) =	ssettag s2;
	_ =	strace s9  }
0x27: {  	s1 =	sld [smem:$0x3FA1]  }
0x28: {  	s2 =	sld [smem:$0x3FA2]  }
0x29: {  	s4 =	sld [smem:$0x3FA4]  }
0x2a: {  	p0 =	seq.s32 s5, $0x0;
	s5 =	sld [smem:$0x3FA5]  }
0x2b: {  	s6 =	sld [smem:$0x3FA6]  }
0x2c: {  	s7 =	sld [smem:$0x3FA7]  }
0x2d: {  	s3 =	simm.s32 $0x108;
	s8 =	sld [smem:$0x3FA8]  }
0x2e: {  	s3 =	simm.s32 @!p0 $0x1082;
	s9 =	sld [smem:$0x3FA9]  }
0x2f: {  	lr =	sadd.s32 s0, s3;
	s0 =	sld [smem:$0x3FA0]  }
0x30: {  	s3 =	sld [smem:$0x3FA3]  }
0x31: {  	[smem:$0x3FAC] =	sst s10  }
0x32: {  	s10 =	sld [smem:$0x3FAA];
	_ =	sdelay $0x3  }
0x33: {  	p0 =	seq.s32 s10, $0x1;
	s10 =	sld [smem:$0x3FAC];
	_ =	sdelay $0x3  }
0x34: {  	[smem:$0x3FAC] =	sst s10  }
0x35: {  	s10 =	sld [smem:$0x3FAB];
	_ =	sdelay $0x3  }
0x36: {  	p1 =	seq.s32 s10, $0x1;
	s10 =	sld [smem:$0x3FAC];
	_ =	sdelay $0x3  }
0x37: {  	[smem:$0x3FAC] =	sst s10  }
0x38: {  	s10 =	sld [smem:$0x3FAD]  }
0x39: {  	_ = 	snop;
	(pc) =	sbr.ind lr, $3  }
0x3a: {  	_ = 	snop  }
0x3b: {  	_ = 	snop  }
0x3c: {  	p2 =	seq.s32 s10, $0x1;
	s10 =	sld [smem:$0x3FAC]  }
0x3d: {  	_ =	shalt  }
0x3e: {  	_ =	shalt  }
0x3f: {  	_ =	shalt  }
0x40: {  	_ =	shalt  }
0x41: {  	_ =	shalt  }
0x42: {  	_ =	shalt  }
0x43: {  	_ =	shalt  }
0x44: {  	_ =	shalt  }
0x45: {  	_ =	shalt  }
0x46: {  	_ =	shalt  }
0x47: {  	_ =	shalt  }
0x48: {  	_ =	shalt  }
0x49: {  	_ =	shalt  }
0x4a: {  	_ =	shalt  }
0x4b: {  	_ =	shalt  }
0x4c: {  	_ =	shalt  }
0x4d: {  	_ =	shalt  }
0x4e: {  	_ =	shalt  }
0x4f: {  	_ =	shalt  }
0x50: {  	_ =	shalt  }
0x51: {  	_ =	shalt  }
0x52: {  	_ =	shalt  }
0x53: {  	_ =	shalt  }
0x54: {  	_ =	shalt  }
0x55: {  	_ =	shalt  }
0x56: {  	_ =	shalt  }
0x57: {  	_ =	shalt  }
0x58: {  	_ =	shalt  }
0x59: {  	_ =	shalt  }
0x5a: {  	_ =	shalt  }
0x5b: {  	_ =	shalt  }
0x5c: {  	_ =	shalt  }
0x5d: {  	_ =	shalt  }
0x5e: {  	_ =	shalt  }
0x5f: {  	_ =	shalt  }
0x60: {  	_ =	shalt  }
0x61: {  	_ =	shalt  }
0x62: {  	_ =	shalt  }
0x63: {  	_ =	shalt  }
0x64: {  	_ =	shalt  }
0x65: {  	_ =	shalt  }
0x66: {  	_ =	shalt  }
0x67: {  	_ =	shalt  }
0x68: {  	_ =	shalt  }
0x69: {  	_ =	shalt  }
0x6a: {  	_ =	shalt  }
0x6b: {  	_ =	shalt  }
0x6c: {  	_ =	shalt  }
0x6d: {  	_ =	shalt  }
0x6e: {  	_ =	shalt  }
0x6f: {  	_ =	shalt  }
0x70: {  	_ =	shalt  }
0x71: {  	_ =	shalt  }
0x72: {  	_ =	shalt  }
0x73: {  	_ =	shalt  }
0x74: {  	_ =	shalt  }
0x75: {  	_ =	shalt  }
0x76: {  	_ =	shalt  }
0x77: {  	_ =	shalt  }
0x78: {  	_ =	shalt  }
0x79: {  	_ =	shalt  }
0x7a: {  	_ =	shalt  }
0x7b: {  	_ =	shalt  }
0x7c: {  	_ =	shalt  }
0x7d: {  	_ =	shalt  }
0x7e: {  	_ =	shalt  }
0x7f: {  	_ =	shalt  }
0x80: {  	_ =	shalt  }
0x81: {  	_ =	shalt  }
0x82: {  	_ =	shalt  }
0x83: {  	_ =	shalt  }
0x84: {  	_ =	shalt  }
0x85: {  	_ =	shalt  }
0x86: {  	_ =	shalt  }
0x87: {  	_ =	shalt  }
.Lfunc_end0:
.L_simem_size_0:
called_computation_lowered:
.L_overlay_start_0:
0x88: {  	s2 =	sld [smem:$0x3FD9]  }
0x89: {  	s3 =	sld [smem:$0x3FFE];
	_ =	sdelay $0x1  }
0x8a: {  	s1 =	srdreg.scid  }
0x8b: {  	s0 =	sand.u32 $0x1, s1  }
0x8c: {  	s14 =	sshll.u32 s0, $0xA;
	s2 =	sadd.s32 s3, s2  }
0x8d: {  	s2 =	sadd.s32 s2, s14  }
0x8e: {  	[smem:$0x3FB8] =	sst s2  }
0x8f: {  	_ = 	snop  }
0x90: {  	s2 =	sld [smem:$0x3FD0];
	_ =	sdelay $0x2  }
0x91: {  	s15 =	simm.s32 $0xA;
	s4 =	simm.s32 $0x10  }
0x92: {  	[smem:s4], [sflag:s15] =	dma.local [hbm:s2], $0x1  }
0x93: {  	_ =	swait.eq [sflag:s15], $0x1  }
0x94: {  	[sflag:s15] =	ssyncset.done $0x0  }
0x95: {  	s16 =	sld [smem:$0x10];
	[sflag:s15] =	ssyncadd.s32 $0xFFFFFFFF  }
0x96: {  	s17 =	sld [smem:$0x11];
	(tm) =	ssettm $0x1  }
0x97: {  	s18 =	sld [smem:$0x3FFB];
	_ =	sdelay $0x3  }
0x98: {  	_ =	strace s18  }
0x99: {  	s4 =	sld [smem:$0x3FFC];
	_ =	sdelay $0x3  }
0x9a: {  	_ =	strace s4  }
0x9b: {  	s4 =	sld [smem:$0x3FFD];
	_ =	sdelay $0x3  }
0x9c: {  	_ =	strace s4  }
0x9d: {  	_ =	strace $0x8FFFFFFF  }
0x9e: {  	s19 =	sld [smem:$0x3FDB];
	_ =	sdelay $0x1  }
0x9f: {  	s5 =	simm.s32 $_scs_section_size  }
0xa0: {  	s6 =	simm.s32 $_size__tile_overlayer_lowered;
	s7 =	simm.s32 $_tile_overlayer_lowered  }
0xa1: {  	s22 =	simm.s32 $0x1BFF;
	s21 =	sshll.u32 s7, $0x1;
	s4 =	sadd.s32 s5, s19  }
0xa2: {  	s8 =	simm.s32 $0x0;
	s20 =	sshll.u32 s6, $0x1;
	s6 =	sadd.s32 s21, s4  }
0xa3: {  	[timem:s8], [sflag:s22] =	dma.local [hbm:s6], s20  }
0xa4: {  	_ =	swait.ge [sflag:s22], s20  }
0xa5: {  	s5 =	ssub.s32 $0x0, s20;
	[sflag:s22] =	ssyncset.done $0x0  }
0xa6: {  	[sflag:s22] =	ssyncadd.s32 s5;
	_ =	sdelay $0x1  }
0xa7: {  	s23 =	simm.s32 $0x1B8B  }
0xa8: {  	_ =	swait.ge [sflag:s23], $0x1  }
0xa9: {  	[sflag:s23] =	ssyncset.done $0x0  }
0xaa: {  	s25 =	simm.s32 $0x1B8E;
	s24 =	sld [smem:$0x3FFE];
	[sflag:s23] =	ssyncadd.s32 $0xFFFFFFFF  }
0xab: {  	s26 =	simm.s32 $execute0_lowered;
	[smem:$0x3FD2] =	sst s25  }
0xac: {  	s6 =	sshll.u32 s26, $0x1;
	_ =	strace $0x80000046;
	[dreg:$0x1] =	wrdreg $0xFFFFFFFF  }
0xad: {  	s28 =	simm.s32 $_size_execute0_lowered;
	s4 =	sadd.s32 s4, s6;
	[dreg:$0x0] =	wrdreg $0x0  }
0xae: {  	s6 =	sshll.u32 s28, $0x1;
	[dreg:$0x2] =	wrdreg s4  }
0xaf: {  	[dreg:$0x3] =	wrdreg s6  }
0xb0: {  	[dreg:$0x4] =	wrdreg $0xC0  }
0xb1: {  	_ =	task [dreg:s8], $0x5FFFF  }
0xb2: {  	[dreg:$0x1] =	wrdreg $0xFFFFFFFF  }
0xb3: {  	[dreg:$0x0] =	wrdreg $0x60  }
0xb4: {  	[dreg:$0x2] =	wrdreg s17  }
0xb5: {  	[dreg:$0x3] =	wrdreg s16  }
0xb6: {  	[dreg:$0x4] =	wrdreg s24  }
0xb7: {  	[dreg:$0x5] =	wrdreg $0x90000  }
0xb8: {  	[dreg:$0x6] =	wrdreg $0x1D3000  }
0xb9: {  	[dreg:$0x7] =	wrdreg $0x9  }
0xba: {  	_ =	task.clear_ibuf [dreg:s8], $0x8FFFF;
	_ =	strace $0x90000046  }
0xbb: {  	s29 =	simm.s32 $0x9;
	_ =	strace $0x80000048  }
0xbc: {  	_ =	swait.ge [sflag:s29], $0x1  }
0xbd: {  	[sflag:s29] =	ssyncadd.s32 $0xFFFFFFFF  }
0xbe: {  	_ =	strace $0x90000048  }
0xbf: {  	_ =	sfence  }
0xc0: {  	s30 =	sld [smem:$0x0];
	_ =	sdelay $0x2  }
0xc1: {  	s31 =	sshll.u32 s1, $0xD;
	s1 =	sshrl.u32 s1, $0x2  }
0xc2: {  	s3 =	sand.u32 $0x4000, s31;
	s1 =	sadd.s32 s1, s30  }
0xc3: {  	s0 =	sor.u32 s3, s0;
	s1 =	sshll.u32 s1, $0x11  }
0xc4: {  	s0 =	sor.u32 s1, s0  }
0xc5: {  	s0 =	sadd.s32 $0x8F2B, s0  }
0xc6: {  	[sflag:s0] =	ssyncadd.remote.s32 $0x1  }
0xc7: {  	_ =	sfence.sel $0xFFFF  }
0xc8: {  	[dreg:$0x0] =	wrdreg $0xFFFFFFFF;
	(pc) =	sbr.abs _section_cstart, $3  }
0xc9: {  	[dreg:$0x1] =	wrdreg $0xFFFFFFFF  }
0xca: {  	_ =	task.clear_ibuf [dreg:s8], $0x2FFFF;
	_ =	strace $0x9FFFFFFF  }
0xcb: {  	(tm) =	ssettm $0x7FFFFFFF  }
tec
execute0_lowered:
.L_overlay_start_1:
0x0: {  	(tag) =	ssettag $0x1  }
0x1: {  	s0 =	srdreg.scid;
	s20 =	stileid.u32  }
0x2: {  	s6 =	sand.u32 $0x1, s0;
	s0 =	smul.u32 $0x280, s20  }
0x3: {  	s1 =	rddreg [dreg:$0x0];
	s11 =	smul.u32 $0x50000, s20  }
0x4: {  	s4 =	rddreg [dreg:$0x1];
	s15 =	smul.u32 $0x14000, s20  }
0x5: {  	s5 =	rddreg [dreg:$0x2];
	s31 =	smul.u32 $0xA00, s20  }
0x6: {  	s2 =	rddreg [dreg:$0x3];
	s10 =	sshll.u32 s20, $0x1;
	s20 =	smul.u32 $0x14, s20  }
0x7: {  	s3 =	simm.s32 $0x0;
	s28 =	simm.s32 $0x1000;
	s7 =	smul.u32 $0x2800, s6  }
0x8: {  	s29 =	simm.s32 $0x7;
	s30 =	simm.s32 $0x780;
	s14 =	smul.u32 $0x140000, s6  }
0x9: {  	[smem:$0x7FF] =	sst s3;
	s8 =	sadd.s32 $0x3600, s5;
	s21 =	smul.u32 $0xA, s6  }
0xa: {  	s10 =	sor.u32 s6, s10;
	s22 =	ssub.s32 $0x2, s6;
	s6 =	smul.u32 $0x500, s6  }
0xb: {  	s9 =	sadd.s32 $0xE000, s5;
	s10 =	smul.u32 $0x500, s10;
	s13 =	sshll.u32 s0, $0x7  }
0xc: {  	s12 =	sshrl.u32 s22, $0x1;
	s7 =	sadd.s32 s0, s7;
	s16 =	sadd.s32 $0x8000, s13  }
0xd: {  	s17 =	sadd.s32 $0xC000, s13;
	s15 =	sadd.s32 s15, s14;
	s7 =	sshrl.u32 s7, $0x3  }
0xe: {  	s18 =	sadd.s32 s4, s10;
	s15 =	sshrl.u32 s15, $0x3;
	s19 =	sadd.s32 s14, s16  }
0xf: {  	s26 =	sadd.s32 s14, s17;
	s17 =	sadd.s32 s17, s2;
	s5 =	sadd.s32 s7, s5  }
0x10: {  	s7 =	ssub.s32 s22, s12;
	s12 =	sadd.s32 $0x4000, s13;
	s13 =	sadd.s32 $0x10000, s13  }
0x11: {  	[dreg:$0x6] =	wrdreg s18;
	s15 =	sadd.s32 s9, s15;
	s25 =	sshrl.u32 s19, $0x3  }
0x12: {  	s22 =	sadd.s32 s8, s10;
	s19 =	sshrl.u32 s11, $0x2;
	s23 =	sadd.s32 s14, s12  }
0x13: {  	[dreg:$0x7] =	wrdreg s15;
	s15 =	sadd.s32 s9, s25;
	s14 =	sadd.s32 s14, s13  }
0x14: {  	[dreg:$0xc] =	wrdreg s22;
	s25 =	sadd.s32 s31, s8;
	s22 =	sadd.s32 s13, s2  }
0x15: {  	s13 =	simm.s32 $0x6;
	s18 =	sshrl.u32 s23, $0x3;
	[dreg:$0x9] =	wrdreg s15  }
0x16: {  	s15 =	sshrl.u32 s26, $0x3;
	s14 =	sshrl.u32 s14, $0x3;
	s23 =	sor.u32 $0x80, s10  }
0x17: {  	s26 =	sadd.s32 s31, s4;
	s24 =	sadd.s32 s9, s18;
	s15 =	sadd.s32 s9, s15  }
0x18: {  	s9 =	sadd.s32 s9, s14;
	s14 =	sadd.s32 s6, s25;
	[dreg:$0x8] =	wrdreg s24  }
0x19: {  	s6 =	sadd.s32 s6, s26;
	s31 =	sadd.s32 s4, s23;
	[dreg:$0xa] =	wrdreg s15  }
0x1a: {  	s25 =	smax.u32 s7, $0x1;
	[dreg:$0xb] =	wrdreg s9;
	s24 =	sadd.s32 s21, s20  }
0x1b: {  	s7 =	simm.s32 $0x1D000;
	[dreg:$0xd] =	wrdreg s31;
	s10 =	sshll.u32 s24, $0x7  }
0x1c: {  	s9 =	sadd.s32 s8, s23;
	s15 =	rddreg [dreg:$0x4];
	s10 =	sadd.s32 $0x100, s10  }
0x1d: {  	s20 =	sadd.s32 s12, s2;
	[dreg:$0xe] =	wrdreg s9;
	s4 =	sadd.s32 s10, s4  }
0x1e: {  	s21 =	sadd.s32 s16, s2;
	s18 =	sadd.s32 s10, s8;
	[dreg:$0xf] =	wrdreg s4  }
0x1f: {  	s23 =	sadd.s32 $0xD600, s5;
	s26 =	sadd.s32 $0x180, s14;
	[dreg:$0x10] =	wrdreg s18  }
0x20: {  	s31 =	sadd.s32 $0x180, s6;
	_ =	strace $0x80000047;
	[dreg:$0x12] =	wrdreg s20  }
0x21: {  	s5 =	simm.s32 $0x5000;
	s6 =	simm.s32 $0x3;
	[dreg:$0x13] =	wrdreg s21  }
0x22: {  	s14 =	simm.s32 $0xF00;
	s0 =	sadd.s32 s0, s15;
	[dreg:$0x15] =	wrdreg s22  }
0x23: {  	s16 =	simm.s32 $0xF80;
	s12 =	simm.s32 $0x1;
	[dreg:$0x16] =	wrdreg s0  }
0x24: {  	s24 =	sadd.s32 s19, s2;
	s19 =	simm.s32 $0x400;
	[dreg:$0x17] =	wrdreg s23  }
0x25: {  	s9 =	simm.s32 $0x700;
	s8 =	simm.s32 $0x5;
	[dreg:$0x18] =	wrdreg s25  }
.Ltmp0:
0x26: {  	s10 =	simm.s32 $0x4;
	[dreg:$0x19] =	wrdreg s26;
	(pc) =	sbr.rel .LBB2_1-.Ltmp0, $4  }
0x27: {  	s4 =	simm.s32 $0x80;
	s18 =	simm.s32 $0xD80;
	[dreg:$0x1a] =	wrdreg s31  }
0x28: {  	s0 =	simm.s32 $0xC00;
	s23 =	simm.s32 $0x2;
	s22 =	simm.s32 $0xC80  }
0x29: {  	s20 =	simm.s32 $0xD00;
	s25 =	simm.s32 $0xE00;
	[dreg:$0x11] =	wrdreg s24  }
0x2a: {  	v0 =	vimm.f32 $0.0e+00;
	v1 =	vimm.f32 $1.000000000e+00;
	s26 =	simm.s32 $0xE80;
	s21 =	simm.s32 $0x0;
	[dreg:$0x14] =	wrdreg s17  }
.LBB2_6:
0x2b: {  	_ =	swait.ge [sflag:s10], $0x4000  }
0x2c: {  	[sflag:s10] =	ssyncset.done $0x0  }
0x2d: {  	[sflag:s10] =	ssyncadd.s32 $0xFFFFC000  }
0x2e: {  	[spmem:s2] =	stream.indirect.scatter.add.f32 [tilespmem:s5], [sflag:$0x6], $0x80, s16, s4, $0xb8;
	[tilespmem:$0x1D580] =	vst v63  }
0x2f: {  	_ = 	snop  }
0x30: {  	[spmem:s15] =	stream.indirect.scatter.add.f32 [tilespmem:s7], [sflag:$0x7], $0x1, s16, s4, $0xb8;
	[tilespmem:$0x1D580] =	vst v63  }
0x31: {  	_ =	swait.ge [sflag:s29], $0x80  }
0x32: {  	[sflag:s29] =	ssyncset.done $0x0  }
0x33: {  	[sflag:s29] =	ssyncadd.s32 $0xFFFFFF80  }
0x34: {  	_ =	swait.ge [sflag:s8], $0x4000  }
0x35: {  	[sflag:s8] =	ssyncset.done $0x0  }
0x36: {  	[sflag:s8] =	ssyncadd.s32 $0xFFFFC000  }
0x37: {  	_ =	swait.ge [sflag:s13], $0x4000  }
0x38: {  	[sflag:s13] =	ssyncset.done $0x0  }
0x39: {  	[sflag:s13] =	ssyncadd.s32 $0xFFFFC000  }
0x3a: {  	[bflag:$0x0] =	sbarrier.arrive $0xFFFF  }
0x3b: {  	s24 =	rddreg [dreg:$0x11]  }
0x3c: {  	[tilespmem:s28], [sflag:$0x7] =	stream.linear.gather [spmem:s24], $0x4000, $0x38;
	[tilespmem:$0x1D580] =	vst v63  }
0x3d: {  	_ =	swait.ge [sflag:s29], $0x4000  }
0x3e: {  	[sflag:s29] =	ssyncset.done $0x0  }
0x3f: {  	s11 =	rddreg [dreg:$0x7];
	[sflag:s29] =	ssyncadd.s32 $0xFFFFC000  }
0x40: {  	[hbm4b:s11+s3] =	stream.linear.scatter [tilespmem:s28], [sflag:$0x7], $0x4000, $0x38;
	[tilespmem:$0x1D580] =	vst v63  }
0x41: {  	_ =	swait.ge [sflag:s29], $0x4000  }
0x42: {  	[sflag:s29] =	ssyncset.done $0x0  }
0x43: {  	s21 =	rddreg [dreg:$0x12];
	[sflag:s29] =	ssyncadd.s32 $0xFFFFC000  }
0x44: {  	[tilespmem:s28], [sflag:$0x7] =	stream.linear.gather [spmem:s21], $0x4000, $0x38;
	[tilespmem:$0x1D580] =	vst v63  }
0x45: {  	_ =	swait.ge [sflag:s29], $0x4000  }
0x46: {  	[sflag:s29] =	ssyncset.done $0x0  }
0x47: {  	s31 =	rddreg [dreg:$0x8];
	[sflag:s29] =	ssyncadd.s32 $0xFFFFC000  }
0x48: {  	[hbm4b:s31+s3] =	stream.linear.scatter [tilespmem:s28], [sflag:$0x7], $0x4000, $0x38;
	[tilespmem:$0x1D580] =	vst v63  }
0x49: {  	_ =	swait.ge [sflag:s29], $0x4000  }
0x4a: {  	[sflag:s29] =	ssyncset.done $0x0  }
0x4b: {  	s17 =	rddreg [dreg:$0x13];
	[sflag:s29] =	ssyncadd.s32 $0xFFFFC000  }
0x4c: {  	[tilespmem:s28], [sflag:$0x7] =	stream.linear.gather [spmem:s17], $0x4000, $0x38;
	[tilespmem:$0x1D580] =	vst v63  }
0x4d: {  	_ =	swait.ge [sflag:s29], $0x4000  }
0x4e: {  	[sflag:s29] =	ssyncset.done $0x0  }
0x4f: {  	s21 =	rddreg [dreg:$0x9];
	[sflag:s29] =	ssyncadd.s32 $0xFFFFC000  }
0x50: {  	[hbm4b:s21+s3] =	stream.linear.scatter [tilespmem:s28], [sflag:$0x7], $0x4000, $0x38;
	[tilespmem:$0x1D580] =	vst v63  }
0x51: {  	_ =	swait.ge [sflag:s29], $0x4000  }
0x52: {  	[sflag:s29] =	ssyncset.done $0x0  }
0x53: {  	s17 =	rddreg [dreg:$0x14];
	[sflag:s29] =	ssyncadd.s32 $0xFFFFC000  }
0x54: {  	[tilespmem:s28], [sflag:$0x7] =	stream.linear.gather [spmem:s17], $0x4000, $0x38;
	[tilespmem:$0x1D580] =	vst v63  }
0x55: {  	_ =	swait.ge [sflag:s29], $0x4000  }
0x56: {  	[sflag:s29] =	ssyncset.done $0x0  }
0x57: {  	s31 =	rddreg [dreg:$0xa];
	[sflag:s29] =	ssyncadd.s32 $0xFFFFC000  }
0x58: {  	[hbm4b:s31+s3] =	stream.linear.scatter [tilespmem:s28], [sflag:$0x7], $0x4000, $0x38;
	[tilespmem:$0x1D580] =	vst v63  }
0x59: {  	_ =	swait.ge [sflag:s29], $0x4000  }
0x5a: {  	[sflag:s29] =	ssyncset.done $0x0  }
0x5b: {  	s21 =	rddreg [dreg:$0x15];
	[sflag:s29] =	ssyncadd.s32 $0xFFFFC000  }
0x5c: {  	[tilespmem:s28], [sflag:$0x7] =	stream.linear.gather [spmem:s21], $0x4000, $0x38;
	[tilespmem:$0x1D580] =	vst v63  }
0x5d: {  	_ =	swait.ge [sflag:s29], $0x4000  }
0x5e: {  	[sflag:s29] =	ssyncset.done $0x0  }
0x5f: {  	s31 =	rddreg [dreg:$0xb];
	[sflag:s29] =	ssyncadd.s32 $0xFFFFC000  }
0x60: {  	[hbm4b:s31+s3] =	stream.linear.scatter [tilespmem:s28], [sflag:$0x7], $0x4000, $0x38;
	[tilespmem:$0x1D580] =	vst v63  }
0x61: {  	_ =	swait.ge [sflag:s29], $0x4000  }
0x62: {  	[sflag:s29] =	ssyncset.done $0x0  }
0x63: {  	s31 =	simm.s32 $0x1D080;
	s21 =	rddreg [dreg:$0x16];
	[sflag:s29] =	ssyncadd.s32 $0xFFFFC000  }
0x64: {  	[tilespmem:s31], [sflag:$0x7] =	stream.linear.gather [spmem:s21], $0x280, $0x38;
	[tilespmem:$0x1D580] =	vst v63  }
0x65: {  	_ =	swait.ge [sflag:s29], $0x280  }
0x66: {  	[sflag:s29] =	ssyncset.done $0x0  }
0x67: {  	s21 =	rddreg [dreg:$0x17];
	[sflag:s29] =	ssyncadd.s32 $0xFFFFFD80  }
0x68: {  	[hbm4b:s21+s3] =	stream.linear.scatter [tilespmem:s31], [sflag:$0x7], $0x280, $0x38;
	[tilespmem:$0x1D580] =	vst v63  }
0x69: {  	_ =	swait.ge [sflag:s29], $0x280  }
0x6a: {  	s21 =	rddreg [dreg:$0x1b]  }
0x6b: {  	s31 =	rddreg [dreg:$0x18];
	s21 =	sadd.s32 $0x1, s21  }
0x6c: {  	p0 =	sne.s32 s21, s31  }
.Ltmp1:
0x6d: {  	_ = 	snop;
	(pc) =	sbr.rel @!p0 .LBB2_7-.Ltmp1, $3  }
0x6e: {  	_ =	sdelay $0x1  }
0x6f: {  	[sflag:s29] =	ssyncset.done $0x0  }
0x70: {  	[sflag:s29] =	ssyncadd.s32 $0xFFFFFD80  }
.LBB2_1:
0x71: {  	[dreg:$0x1b] =	wrdreg s21;
	s31 =	simm.s32 $0x0;
	s11 =	simm.s32 $0x200  }
.LBB2_2:
0x72: {  	p0 =	sne.s32 s11, $0xFE00;
	[tilespmem:s31+$0x1070] =	vst v0  }
0x73: {  	[tilespmem:s31+$0x1000] =	vst v0  }
0x74: {  	[tilespmem:s31+$0x1010] =	vst v0  }
.Ltmp2:
0x75: {  	[tilespmem:s31+$0x1020] =	vst v0;
	(pc) =	sbr.rel @p0 .LBB2_2-.Ltmp2, $4  }
0x76: {  	[tilespmem:s31+$0x1030] =	vst v0  }
0x77: {  	[tilespmem:s31+$0x1040] =	vst v0  }
0x78: {  	[tilespmem:s31+$0x1050] =	vst v0  }
0x79: {  	[tilespmem:s31+$0x1060] =	vst v0;
	s31 =	sshra.s32 s11, $0x2;
	s11 =	sadd.s32 $0x200, s11  }
0x7a: {  	[tilespmem:s31+$0x1070] =	vst v0  }
0x7b: {  	[tilespmem:s31+$0x1000] =	vst v0  }
0x7c: {  	[tilespmem:s31+$0x1010] =	vst v0  }
0x7d: {  	[tilespmem:s31+$0x1020] =	vst v0  }
0x7e: {  	[tilespmem:s31+$0x1030] =	vst v0  }
0x7f: {  	[tilespmem:s31+$0x1040] =	vst v0  }
0x80: {  	[tilespmem:s31+$0x1050] =	vst v0  }
0x81: {  	[tilespmem:s31+$0x1060] =	vst v0  }
0x82: {  	[spmem:s24] =	stream.linear.scatter [tilespmem:s28], [sflag:$0x7], $0x4000, $0x38;
	[tilespmem:$0x1D580] =	vst v63  }
0x83: {  	_ =	swait.ge [sflag:s29], $0x4000  }
0x84: {  	[sflag:s29] =	ssyncset.done $0x0  }
0x85: {  	s11 =	rddreg [dreg:$0x12];
	[sflag:s29] =	ssyncadd.s32 $0xFFFFC000  }
0x86: {  	[spmem:s11] =	stream.linear.scatter [tilespmem:s28], [sflag:$0x7], $0x4000, $0x38;
	[tilespmem:$0x1D580] =	vst v63  }
0x87: {  	_ =	swait.ge [sflag:s29], $0x4000  }
0x88: {  	[sflag:s29] =	ssyncset.done $0x0  }
0x89: {  	s21 =	rddreg [dreg:$0x13];
	[sflag:s29] =	ssyncadd.s32 $0xFFFFC000  }
0x8a: {  	[spmem:s21] =	stream.linear.scatter [tilespmem:s28], [sflag:$0x7], $0x4000, $0x38;
	[tilespmem:$0x1D580] =	vst v63  }
0x8b: {  	_ =	swait.ge [sflag:s29], $0x4000  }
0x8c: {  	[sflag:s29] =	ssyncset.done $0x0  }
0x8d: {  	[sflag:s29] =	ssyncadd.s32 $0xFFFFC000  }
0x8e: {  	[spmem:s17] =	stream.linear.scatter [tilespmem:s28], [sflag:$0x7], $0x4000, $0x38;
	[tilespmem:$0x1D580] =	vst v63  }
0x8f: {  	_ =	swait.ge [sflag:s29], $0x4000  }
0x90: {  	[sflag:s29] =	ssyncset.done $0x0  }
0x91: {  	s24 =	rddreg [dreg:$0x15];
	[sflag:s29] =	ssyncadd.s32 $0xFFFFC000  }
0x92: {  	[spmem:s24] =	stream.linear.scatter [tilespmem:s28], [sflag:$0x7], $0x4000, $0x38;
	[tilespmem:$0x1D580] =	vst v63  }
0x93: {  	_ =	swait.ge [sflag:s29], $0x4000  }
0x94: {  	[sflag:s29] =	ssyncset.done $0x0  }
0x95: {  	[sflag:s29] =	ssyncadd.s32 $0xFFFFC000  }
0x96: {  	[tilespmem:$0x1D000] =	vst v1  }
0x97: {  	[tilespmem:$0x1D010] =	vst v1  }
0x98: {  	[tilespmem:$0x1D020] =	vst v1  }
0x99: {  	[tilespmem:$0x1D030] =	vst v1  }
0x9a: {  	[tilespmem:$0x1D040] =	vst v1  }
0x9b: {  	[tilespmem:$0x1D050] =	vst v1  }
0x9c: {  	[tilespmem:$0x1D060] =	vst v1  }
0x9d: {  	[tilespmem:$0x1D070] =	vst v1  }
0x9e: {  	[tilespmem:$0x1D080] =	vst v0  }
0x9f: {  	[tilespmem:$0x1D090] =	vst v0  }
0xa0: {  	[tilespmem:$0x1D0A0] =	vst v0  }
0xa1: {  	[tilespmem:$0x1D0B0] =	vst v0  }
0xa2: {  	[tilespmem:$0x1D0C0] =	vst v0  }
0xa3: {  	[tilespmem:$0x1D0D0] =	vst v0  }
0xa4: {  	[tilespmem:$0x1D0E0] =	vst v0  }
0xa5: {  	[tilespmem:$0x1D0F0] =	vst v0  }
0xa6: {  	[tilespmem:$0x1D100] =	vst v0  }
0xa7: {  	[tilespmem:$0x1D110] =	vst v0  }
0xa8: {  	[tilespmem:$0x1D120] =	vst v0  }
0xa9: {  	[tilespmem:$0x1D130] =	vst v0  }
0xaa: {  	[tilespmem:$0x1D140] =	vst v0  }
0xab: {  	[tilespmem:$0x1D150] =	vst v0  }
0xac: {  	[tilespmem:$0x1D160] =	vst v0  }
0xad: {  	[tilespmem:$0x1D170] =	vst v0  }
0xae: {  	[tilespmem:$0x1D180] =	vst v0  }
0xaf: {  	[tilespmem:$0x1D190] =	vst v0  }
0xb0: {  	[tilespmem:$0x1D1A0] =	vst v0  }
0xb1: {  	[tilespmem:$0x1D1B0] =	vst v0  }
0xb2: {  	[tilespmem:$0x1D1C0] =	vst v0  }
0xb3: {  	[tilespmem:$0x1D1D0] =	vst v0  }
0xb4: {  	[tilespmem:$0x1D1E0] =	vst v0  }
0xb5: {  	[tilespmem:$0x1D1F0] =	vst v0  }
0xb6: {  	[tilespmem:$0x1D200] =	vst v0  }
0xb7: {  	[tilespmem:$0x1D210] =	vst v0  }
0xb8: {  	[tilespmem:$0x1D220] =	vst v0  }
0xb9: {  	[tilespmem:$0x1D230] =	vst v0  }
0xba: {  	[tilespmem:$0x1D240] =	vst v0  }
0xbb: {  	[tilespmem:$0x1D250] =	vst v0  }
0xbc: {  	[tilespmem:$0x1D260] =	vst v0  }
0xbd: {  	[tilespmem:$0x1D270] =	vst v0  }
0xbe: {  	[tilespmem:$0x1D280] =	vst v0  }
0xbf: {  	[tilespmem:$0x1D290] =	vst v0  }
0xc0: {  	[tilespmem:$0x1D2A0] =	vst v0  }
0xc1: {  	[tilespmem:$0x1D2B0] =	vst v0  }
0xc2: {  	[tilespmem:$0x1D2C0] =	vst v0  }
0xc3: {  	[tilespmem:$0x1D2D0] =	vst v0  }
0xc4: {  	[tilespmem:$0x1D2E0] =	vst v0  }
0xc5: {  	s21 =	simm.s32 $0x1D080;
	s17 =	rddreg [dreg:$0x16];
	[tilespmem:$0x1D2F0] =	vst v0  }
0xc6: {  	[spmem:s17] =	stream.linear.scatter [tilespmem:s21], [sflag:$0x7], $0x280, $0x38;
	[tilespmem:$0x1D580] =	vst v63  }
0xc7: {  	_ =	swait.ge [sflag:s29], $0x280  }
0xc8: {  	[sflag:s29] =	ssyncset.done $0x0  }
0xc9: {  	[sflag:s29] =	ssyncadd.s32 $0xFFFFFD80  }
0xca: {  	[bflag:$0x0] =	sbarrier.arrive $0xFFFF  }
0xcb: {  	s31 =	simm.s32 $0x0;
	s24 =	rddreg [dreg:$0x6]  }
0xcc: {  	[tilespmem:s31], [sflag:$0x7] =	stream.linear.gather [hbm4b:s24+s31], $0x400, $0x38;
	[tilespmem:$0x1D580] =	vst v63  }
0xcd: {  	_ =	swait.ge [sflag:s29], $0x400  }
0xce: {  	[sflag:s29] =	ssyncset.done $0x0  }
0xcf: {  	s17 =	rddreg [dreg:$0xc];
	[sflag:s29] =	ssyncadd.s32 $0xFFFFFC00  }
0xd0: {  	[tilespmem:s19], [sflag:$0x7] =	stream.linear.gather [hbm4b:s17+s31], $0x400, $0x38;
	[tilespmem:$0x1D580] =	vst v63  }
0xd1: {  	_ =	swait.ge [sflag:s29], $0x400  }
0xd2: {  	[sflag:s29] =	ssyncset.done $0x0  }
0xd3: {  	s17 =	simm.s32 $0x800;
	s21 =	rddreg [dreg:$0xd];
	[sflag:s29] =	ssyncadd.s32 $0xFFFFFC00  }
0xd4: {  	[tilespmem:s17], [sflag:$0x2] =	stream.linear.gather [hbm4b:s21+s31], $0x400, $0x38;
	[tilespmem:$0x1D580] =	vst v63  }
0xd5: {  	s24 =	rddreg [dreg:$0xe]  }
0xd6: {  	[tilespmem:s0], [sflag:$0x2] =	stream.linear.gather [hbm4b:s24+s31], $0x400, $0x38;
	[tilespmem:$0x1D580] =	vst v63  }
0xd7: {  	_ = 	snop  }
0xd8: {  	[tilespmem:s28], [sflag:$0x3] =	stream.indirect.gather [hbm4b:s1+s4], $0x80, s31, s4, $0xb8;
	[tilespmem:$0x1D580] =	vst v63  }
.LBB2_4:
0xd9: {  	p0 =	seq.s32 s31, $0x0  }
0xda: {  	s11 =	simm.s32 @!p0 $0x6  }
0xdb: {  	_ =	swait.ge @!p0 [sflag:s11], $0x4000  }
0xdc: {  	[sflag:s11] =	ssyncset.done @!p0 $0x0  }
0xdd: {  	[sflag:s11] =	ssyncadd.s32 @!p0 $0xFFFFC000  }
0xde: {  	[tilespmem:s5], [sflag:$0x4] =	stream.indirect.gather [hbm4b:s1+s4], $0x80, s4, s4, $0xb8;
	[tilespmem:$0x1D580] =	vst v63  }
0xdf: {  	_ =	swait.ge [sflag:s6], $0x4000  }
0xe0: {  	[sflag:s6] =	ssyncset.done $0x0  }
0xe1: {  	s24 =	simm.s32 $0x400;
	[sflag:s6] =	ssyncadd.s32 $0xFFFFC000  }
0xe2: {  	[spmem:s2] =	stream.indirect.scatter.add.f32 [tilespmem:s28], [sflag:$0x5], $0x80, s24, s4, $0xb8;
	[tilespmem:$0x1D580] =	vst v63  }
0xe3: {  	_ = 	snop  }
0xe4: {  	[spmem:s15] =	stream.indirect.scatter.add.f32 [tilespmem:s7], [sflag:$0x7], $0x1, s24, s4, $0xb8;
	[tilespmem:$0x1D580] =	vst v63  }
0xe5: {  	_ =	swait.ge [sflag:s29], $0x80  }
0xe6: {  	[sflag:s29] =	ssyncset.done $0x0  }
0xe7: {  	[sflag:s29] =	ssyncadd.s32 $0xFFFFFF80  }
0xe8: {  	_ =	swait.ge [sflag:s8], $0x4000  }
0xe9: {  	[sflag:s8] =	ssyncset.done $0x0  }
0xea: {  	s21 =	simm.s32 $0x100;
	[sflag:s8] =	ssyncadd.s32 $0xFFFFC000  }
0xeb: {  	[tilespmem:s28], [sflag:$0x3] =	stream.indirect.gather [hbm4b:s1+s4], $0x80, s21, s4, $0xb8;
	[tilespmem:$0x1D580] =	vst v63  }
0xec: {  	_ =	swait.ge [sflag:s10], $0x4000  }
0xed: {  	[sflag:s10] =	ssyncset.done $0x0  }
0xee: {  	s24 =	simm.s32 $0x480;
	[sflag:s10] =	ssyncadd.s32 $0xFFFFC000  }
0xef: {  	[spmem:s2] =	stream.indirect.scatter.add.f32 [tilespmem:s5], [sflag:$0x6], $0x80, s24, s4, $0xb8;
	[tilespmem:$0x1D580] =	vst v63  }
0xf0: {  	_ = 	snop  }
0xf1: {  	[spmem:s15] =	stream.indirect.scatter.add.f32 [tilespmem:s7], [sflag:$0x7], $0x1, s24, s4, $0xb8;
	[tilespmem:$0x1D580] =	vst v63  }
0xf2: {  	_ =	swait.ge [sflag:s29], $0x80  }
0xf3: {  	[sflag:s29] =	ssyncset.done $0x0  }
0xf4: {  	[sflag:s29] =	ssyncadd.s32 $0xFFFFFF80  }
0xf5: {  	_ =	swait.ge [sflag:s13], $0x4000  }
0xf6: {  	[sflag:s13] =	ssyncset.done $0x0  }
0xf7: {  	s21 =	simm.s32 $0x180;
	[sflag:s13] =	ssyncadd.s32 $0xFFFFC000  }
0xf8: {  	[tilespmem:s5], [sflag:$0x4] =	stream.indirect.gather [hbm4b:s1+s4], $0x80, s21, s4, $0xb8;
	[tilespmem:$0x1D580] =	vst v63  }
0xf9: {  	_ =	swait.ge [sflag:s6], $0x4000  }
0xfa: {  	[sflag:s6] =	ssyncset.done $0x0  }
0xfb: {  	s24 =	simm.s32 $0x500;
	[sflag:s6] =	ssyncadd.s32 $0xFFFFC000  }
0xfc: {  	[spmem:s2] =	stream.indirect.scatter.add.f32 [tilespmem:s28], [sflag:$0x5], $0x80, s24, s4, $0xb8;
	[tilespmem:$0x1D580] =	vst v63  }
0xfd: {  	_ = 	snop  }
0xfe: {  	[spmem:s15] =	stream.indirect.scatter.add.f32 [tilespmem:s7], [sflag:$0x7], $0x1, s24, s4, $0xb8;
	[tilespmem:$0x1D580] =	vst v63  }
0xff: {  	_ =	swait.ge [sflag:s29], $0x80  }
0x100: {  	[sflag:s29] =	ssyncset.done $0x0  }
0x101: {  	[sflag:s29] =	ssyncadd.s32 $0xFFFFFF80  }
0x102: {  	_ =	swait.ge [sflag:s8], $0x4000  }
0x103: {  	[sflag:s8] =	ssyncset.done $0x0  }
0x104: {  	s21 =	simm.s32 $0x200;
	[sflag:s8] =	ssyncadd.s32 $0xFFFFC000  }
0x105: {  	[tilespmem:s28], [sflag:$0x3] =	stream.indirect.gather [hbm4b:s1+s4], $0x80, s21, s4, $0xb8;
	[tilespmem:$0x1D580] =	vst v63  }
0x106: {  	_ =	swait.ge [sflag:s10], $0x4000  }
0x107: {  	[sflag:s10] =	ssyncset.done $0x0  }
0x108: {  	s24 =	simm.s32 $0x580;
	[sflag:s10] =	ssyncadd.s32 $0xFFFFC000  }
0x109: {  	[spmem:s2] =	stream.indirect.scatter.add.f32 [tilespmem:s5], [sflag:$0x6], $0x80, s24, s4, $0xb8;
	[tilespmem:$0x1D580] =	vst v63  }
0x10a: {  	_ = 	snop  }
0x10b: {  	[spmem:s15] =	stream.indirect.scatter.add.f32 [tilespmem:s7], [sflag:$0x7], $0x1, s24, s4, $0xb8;
	[tilespmem:$0x1D580] =	vst v63  }
0x10c: {  	_ =	swait.ge [sflag:s29], $0x80  }
0x10d: {  	[sflag:s29] =	ssyncset.done $0x0  }
0x10e: {  	[sflag:s29] =	ssyncadd.s32 $0xFFFFFF80  }
0x10f: {  	_ =	swait.ge [sflag:s13], $0x4000  }
0x110: {  	[sflag:s13] =	ssyncset.done $0x0  }
0x111: {  	s21 =	simm.s32 $0x280;
	[sflag:s13] =	ssyncadd.s32 $0xFFFFC000  }
0x112: {  	[tilespmem:s5], [sflag:$0x4] =	stream.indirect.gather [hbm4b:s1+s4], $0x80, s21, s4, $0xb8;
	[tilespmem:$0x1D580] =	vst v63  }
0x113: {  	_ =	swait.ge [sflag:s6], $0x4000  }
0x114: {  	[sflag:s6] =	ssyncset.done $0x0  }
0x115: {  	s24 =	simm.s32 $0x600;
	[sflag:s6] =	ssyncadd.s32 $0xFFFFC000  }
0x116: {  	[spmem:s2] =	stream.indirect.scatter.add.f32 [tilespmem:s28], [sflag:$0x5], $0x80, s24, s4, $0xb8;
	[tilespmem:$0x1D580] =	vst v63  }
0x117: {  	_ = 	snop  }
0x118: {  	[spmem:s15] =	stream.indirect.scatter.add.f32 [tilespmem:s7], [sflag:$0x7], $0x1, s24, s4, $0xb8;
	[tilespmem:$0x1D580] =	vst v63  }
0x119: {  	_ =	swait.ge [sflag:s29], $0x80  }
0x11a: {  	[sflag:s29] =	ssyncset.done $0x0  }
0x11b: {  	[sflag:s29] =	ssyncadd.s32 $0xFFFFFF80  }
0x11c: {  	_ =	swait.ge [sflag:s8], $0x4000  }
0x11d: {  	[sflag:s8] =	ssyncset.done $0x0  }
0x11e: {  	s21 =	simm.s32 $0x300;
	[sflag:s8] =	ssyncadd.s32 $0xFFFFC000  }
0x11f: {  	[tilespmem:s28], [sflag:$0x3] =	stream.indirect.gather [hbm4b:s1+s4], $0x80, s21, s4, $0xb8;
	[tilespmem:$0x1D580] =	vst v63  }
0x120: {  	_ =	swait.ge [sflag:s10], $0x4000  }
0x121: {  	[sflag:s10] =	ssyncset.done $0x0  }
0x122: {  	s24 =	simm.s32 $0x680;
	[sflag:s10] =	ssyncadd.s32 $0xFFFFC000  }
0x123: {  	[spmem:s2] =	stream.indirect.scatter.add.f32 [tilespmem:s5], [sflag:$0x6], $0x80, s24, s4, $0xb8;
	[tilespmem:$0x1D580] =	vst v63  }
0x124: {  	_ = 	snop  }
0x125: {  	[spmem:s15] =	stream.indirect.scatter.add.f32 [tilespmem:s7], [sflag:$0x7], $0x1, s24, s4, $0xb8;
	[tilespmem:$0x1D580] =	vst v63  }
0x126: {  	_ =	swait.ge [sflag:s29], $0x80  }
0x127: {  	[sflag:s29] =	ssyncset.done $0x0  }
0x128: {  	[sflag:s29] =	ssyncadd.s32 $0xFFFFFF80  }
0x129: {  	_ =	swait.ge [sflag:s13], $0x4000  }
0x12a: {  	[sflag:s13] =	ssyncset.done $0x0  }
0x12b: {  	s21 =	simm.s32 $0x380;
	[sflag:s13] =	ssyncadd.s32 $0xFFFFC000  }
0x12c: {  	[tilespmem:s5], [sflag:$0x4] =	stream.indirect.gather [hbm4b:s1+s4], $0x80, s21, s4, $0xb8;
	[tilespmem:$0x1D580] =	vst v63  }
0x12d: {  	_ =	swait.ge [sflag:s6], $0x4000  }
0x12e: {  	[sflag:s6] =	ssyncset.done $0x0  }
0x12f: {  	[sflag:s6] =	ssyncadd.s32 $0xFFFFC000  }
0x130: {  	[spmem:s2] =	stream.indirect.scatter.add.f32 [tilespmem:s28], [sflag:$0x5], $0x80, s9, s4, $0xb8;
	[tilespmem:$0x1D580] =	vst v63  }
0x131: {  	_ = 	snop  }
0x132: {  	[spmem:s15] =	stream.indirect.scatter.add.f32 [tilespmem:s7], [sflag:$0x7], $0x1, s9, s4, $0xb8;
	[tilespmem:$0x1D580] =	vst v63  }
0x133: {  	_ =	swait.ge [sflag:s29], $0x80  }
0x134: {  	[sflag:s29] =	ssyncset.done $0x0  }
0x135: {  	[sflag:s29] =	ssyncadd.s32 $0xFFFFFF80  }
0x136: {  	_ =	swait.ge [sflag:s8], $0x4000  }
0x137: {  	[sflag:s8] =	ssyncset.done $0x0  }
0x138: {  	[sflag:s8] =	ssyncadd.s32 $0xFFFFC000  }
0x139: {  	_ =	swait.ge [sflag:s23], $0x400  }
0x13a: {  	[sflag:s23] =	ssyncset.done $0x0  }
0x13b: {  	[sflag:s23] =	ssyncadd.s32 $0xFFFFFC00  }
0x13c: {  	_ =	swait.ge [sflag:s23], $0x400  }
0x13d: {  	[sflag:s23] =	ssyncset.done $0x0  }
0x13e: {  	[sflag:s23] =	ssyncadd.s32 $0xFFFFFC00  }
0x13f: {  	[tilespmem:s28], [sflag:$0x3] =	stream.indirect.gather [hbm4b:s1+s4], $0x80, s17, s4, $0xb8;
	[tilespmem:$0x1D580] =	vst v63  }
0x140: {  	_ =	swait.ge [sflag:s10], $0x4000  }
0x141: {  	[sflag:s10] =	ssyncset.done $0x0  }
0x142: {  	[sflag:s10] =	ssyncadd.s32 $0xFFFFC000  }
0x143: {  	[spmem:s2] =	stream.indirect.scatter.add.f32 [tilespmem:s5], [sflag:$0x6], $0x80, s30, s4, $0xb8;
	[tilespmem:$0x1D580] =	vst v63  }
0x144: {  	_ = 	snop  }
0x145: {  	[spmem:s15] =	stream.indirect.scatter.add.f32 [tilespmem:s7], [sflag:$0x7], $0x1, s30, s4, $0xb8;
	[tilespmem:$0x1D580] =	vst v63  }
0x146: {  	_ =	swait.ge [sflag:s29], $0x80  }
0x147: {  	p0 =	seq.s32 s31, $0x400;
	[sflag:s29] =	ssyncset.done $0x0;
	s11 =	rddreg [dreg:$0xf]  }
0x148: {  	s24 =	simm.s32 @!p0 $0x0;
	[sflag:s29] =	ssyncadd.s32 $0xFFFFFF80;
	s11 =	sadd.s32 @!p0 s31, s11  }
0x149: {  	[tilespmem:s24], [sflag:$0x1] =	stream.linear.gather @!p0 [hbm4b:s11+s24], $0x400, $0x38;
	[tilespmem:$0x1D580] =	vst v63  }
0x14a: {  	s11 =	rddreg [dreg:$0x10]  }
0x14b: {  	s17 =	simm.s32 @!p0 $0x400;
	s11 =	sadd.s32 @!p0 s31, s11  }
0x14c: {  	[tilespmem:s17], [sflag:$0x1] =	stream.linear.gather @!p0 [hbm4b:s11+s24], $0x400, $0x38;
	[tilespmem:$0x1D580] =	vst v63  }
0x14d: {  	_ =	swait.ge [sflag:s13], $0x4000  }
0x14e: {  	[sflag:s13] =	ssyncset.done $0x0  }
0x14f: {  	s24 =	simm.s32 $0x880;
	[sflag:s13] =	ssyncadd.s32 $0xFFFFC000  }
0x150: {  	[tilespmem:s5], [sflag:$0x4] =	stream.indirect.gather [hbm4b:s1+s4], $0x80, s24, s4, $0xb8;
	[tilespmem:$0x1D580] =	vst v63  }
0x151: {  	_ =	swait.ge [sflag:s6], $0x4000  }
0x152: {  	[sflag:s6] =	ssyncset.done $0x0  }
0x153: {  	[sflag:s6] =	ssyncadd.s32 $0xFFFFC000  }
0x154: {  	[spmem:s2] =	stream.indirect.scatter.add.f32 [tilespmem:s28], [sflag:$0x5], $0x80, s0, s4, $0xb8;
	[tilespmem:$0x1D580] =	vst v63  }
0x155: {  	_ = 	snop  }
0x156: {  	[spmem:s15] =	stream.indirect.scatter.add.f32 [tilespmem:s7], [sflag:$0x7], $0x1, s0, s4, $0xb8;
	[tilespmem:$0x1D580] =	vst v63  }
0x157: {  	_ =	swait.ge [sflag:s29], $0x80  }
0x158: {  	[sflag:s29] =	ssyncset.done $0x0  }
0x159: {  	[sflag:s29] =	ssyncadd.s32 $0xFFFFFF80  }
0x15a: {  	_ =	swait.ge [sflag:s8], $0x4000  }
0x15b: {  	[sflag:s8] =	ssyncset.done $0x0  }
0x15c: {  	s17 =	simm.s32 $0x900;
	[sflag:s8] =	ssyncadd.s32 $0xFFFFC000  }
0x15d: {  	[tilespmem:s28], [sflag:$0x3] =	stream.indirect.gather [hbm4b:s1+s4], $0x80, s17, s4, $0xb8;
	[tilespmem:$0x1D580] =	vst v63  }
0x15e: {  	_ =	swait.ge [sflag:s10], $0x4000  }
0x15f: {  	[sflag:s10] =	ssyncset.done $0x0  }
0x160: {  	[sflag:s10] =	ssyncadd.s32 $0xFFFFC000  }
0x161: {  	[spmem:s2] =	stream.indirect.scatter.add.f32 [tilespmem:s5], [sflag:$0x6], $0x80, s22, s4, $0xb8;
	[tilespmem:$0x1D580] =	vst v63  }
0x162: {  	_ = 	snop  }
0x163: {  	[spmem:s15] =	stream.indirect.scatter.add.f32 [tilespmem:s7], [sflag:$0x7], $0x1, s22, s4, $0xb8;
	[tilespmem:$0x1D580] =	vst v63  }
0x164: {  	_ =	swait.ge [sflag:s29], $0x80  }
0x165: {  	[sflag:s29] =	ssyncset.done $0x0  }
0x166: {  	[sflag:s29] =	ssyncadd.s32 $0xFFFFFF80  }
0x167: {  	_ =	swait.ge [sflag:s13], $0x4000  }
0x168: {  	[sflag:s13] =	ssyncset.done $0x0  }
0x169: {  	s24 =	simm.s32 $0x980;
	[sflag:s13] =	ssyncadd.s32 $0xFFFFC000  }
0x16a: {  	[tilespmem:s5], [sflag:$0x4] =	stream.indirect.gather [hbm4b:s1+s4], $0x80, s24, s4, $0xb8;
	[tilespmem:$0x1D580] =	vst v63  }
0x16b: {  	_ =	swait.ge [sflag:s6], $0x4000  }
0x16c: {  	[sflag:s6] =	ssyncset.done $0x0  }
0x16d: {  	[sflag:s6] =	ssyncadd.s32 $0xFFFFC000  }
0x16e: {  	[spmem:s2] =	stream.indirect.scatter.add.f32 [tilespmem:s28], [sflag:$0x5], $0x80, s20, s4, $0xb8;
	[tilespmem:$0x1D580] =	vst v63  }
0x16f: {  	_ = 	snop  }
0x170: {  	[spmem:s15] =	stream.indirect.scatter.add.f32 [tilespmem:s7], [sflag:$0x7], $0x1, s20, s4, $0xb8;
	[tilespmem:$0x1D580] =	vst v63  }
0x171: {  	_ =	swait.ge [sflag:s29], $0x80  }
0x172: {  	[sflag:s29] =	ssyncset.done $0x0  }
0x173: {  	[sflag:s29] =	ssyncadd.s32 $0xFFFFFF80  }
0x174: {  	_ =	swait.ge [sflag:s8], $0x4000  }
0x175: {  	[sflag:s8] =	ssyncset.done $0x0  }
0x176: {  	s17 =	simm.s32 $0xA00;
	[sflag:s8] =	ssyncadd.s32 $0xFFFFC000  }
0x177: {  	[tilespmem:s28], [sflag:$0x3] =	stream.indirect.gather [hbm4b:s1+s4], $0x80, s17, s4, $0xb8;
	[tilespmem:$0x1D580] =	vst v63  }
0x178: {  	_ =	swait.ge [sflag:s10], $0x4000  }
0x179: {  	[sflag:s10] =	ssyncset.done $0x0  }
0x17a: {  	[sflag:s10] =	ssyncadd.s32 $0xFFFFC000  }
0x17b: {  	[spmem:s2] =	stream.indirect.scatter.add.f32 [tilespmem:s5], [sflag:$0x6], $0x80, s18, s4, $0xb8;
	[tilespmem:$0x1D580] =	vst v63  }
0x17c: {  	_ = 	snop  }
0x17d: {  	[spmem:s15] =	stream.indirect.scatter.add.f32 [tilespmem:s7], [sflag:$0x7], $0x1, s18, s4, $0xb8;
	[tilespmem:$0x1D580] =	vst v63  }
0x17e: {  	_ =	swait.ge [sflag:s29], $0x80  }
0x17f: {  	[sflag:s29] =	ssyncset.done $0x0  }
0x180: {  	[sflag:s29] =	ssyncadd.s32 $0xFFFFFF80  }
0x181: {  	_ =	swait.ge [sflag:s13], $0x4000  }
0x182: {  	[sflag:s13] =	ssyncset.done $0x0  }
0x183: {  	s24 =	simm.s32 $0xA80;
	[sflag:s13] =	ssyncadd.s32 $0xFFFFC000  }
0x184: {  	[tilespmem:s5], [sflag:$0x4] =	stream.indirect.gather [hbm4b:s1+s4], $0x80, s24, s4, $0xb8;
	[tilespmem:$0x1D580] =	vst v63  }
0x185: {  	_ =	swait.ge [sflag:s6], $0x4000  }
0x186: {  	[sflag:s6] =	ssyncset.done $0x0  }
0x187: {  	[sflag:s6] =	ssyncadd.s32 $0xFFFFC000  }
0x188: {  	[spmem:s2] =	stream.indirect.scatter.add.f32 [tilespmem:s28], [sflag:$0x5], $0x80, s25, s4, $0xb8;
	[tilespmem:$0x1D580] =	vst v63  }
0x189: {  	_ = 	snop  }
0x18a: {  	[spmem:s15] =	stream.indirect.scatter.add.f32 [tilespmem:s7], [sflag:$0x7], $0x1, s25, s4, $0xb8;
	[tilespmem:$0x1D580] =	vst v63  }
0x18b: {  	_ =	swait.ge [sflag:s29], $0x80  }
0x18c: {  	[sflag:s29] =	ssyncset.done $0x0  }
0x18d: {  	[sflag:s29] =	ssyncadd.s32 $0xFFFFFF80  }
0x18e: {  	_ =	swait.ge [sflag:s8], $0x4000  }
0x18f: {  	[sflag:s8] =	ssyncset.done $0x0  }
0x190: {  	s17 =	simm.s32 $0xB00;
	[sflag:s8] =	ssyncadd.s32 $0xFFFFC000  }
0x191: {  	[tilespmem:s28], [sflag:$0x3] =	stream.indirect.gather [hbm4b:s1+s4], $0x80, s17, s4, $0xb8;
	[tilespmem:$0x1D580] =	vst v63  }
0x192: {  	_ =	swait.ge [sflag:s10], $0x4000  }
0x193: {  	[sflag:s10] =	ssyncset.done $0x0  }
0x194: {  	[sflag:s10] =	ssyncadd.s32 $0xFFFFC000  }
0x195: {  	[spmem:s2] =	stream.indirect.scatter.add.f32 [tilespmem:s5], [sflag:$0x6], $0x80, s26, s4, $0xb8;
	[tilespmem:$0x1D580] =	vst v63  }
0x196: {  	_ = 	snop  }
0x197: {  	[spmem:s15] =	stream.indirect.scatter.add.f32 [tilespmem:s7], [sflag:$0x7], $0x1, s26, s4, $0xb8;
	[tilespmem:$0x1D580] =	vst v63  }
0x198: {  	_ =	swait.ge [sflag:s29], $0x80  }
0x199: {  	[sflag:s29] =	ssyncset.done $0x0  }
0x19a: {  	[sflag:s29] =	ssyncadd.s32 $0xFFFFFF80  }
0x19b: {  	_ =	swait.ge [sflag:s13], $0x4000  }
0x19c: {  	[sflag:s13] =	ssyncset.done $0x0  }
0x19d: {  	s24 =	simm.s32 $0xB80;
	[sflag:s13] =	ssyncadd.s32 $0xFFFFC000  }
0x19e: {  	[tilespmem:s5], [sflag:$0x4] =	stream.indirect.gather [hbm4b:s1+s4], $0x80, s24, s4, $0xb8;
	[tilespmem:$0x1D580] =	vst v63  }
0x19f: {  	_ =	swait.ge [sflag:s6], $0x4000  }
0x1a0: {  	[sflag:s6] =	ssyncset.done $0x0  }
0x1a1: {  	[sflag:s6] =	ssyncadd.s32 $0xFFFFC000  }
0x1a2: {  	[spmem:s2] =	stream.indirect.scatter.add.f32 [tilespmem:s28], [sflag:$0x5], $0x80, s14, s4, $0xb8;
	[tilespmem:$0x1D580] =	vst v63  }
.Ltmp3:
0x1a3: {  	_ = 	snop;
	(pc) =	sbr.rel @p0 .LBB2_6-.Ltmp3, $4  }
0x1a4: {  	[spmem:s15] =	stream.indirect.scatter.add.f32 [tilespmem:s7], [sflag:$0x7], $0x1, s14, s4, $0xb8;
	[tilespmem:$0x1D580] =	vst v63  }
0x1a5: {  	_ =	swait.ge [sflag:s29], $0x80  }
0x1a6: {  	[sflag:s29] =	ssyncset.done $0x0  }
0x1a7: {  	s19 =	simm.s32 $0x400;
	s21 =	simm.s32 $0x800;
	[sflag:s29] =	ssyncadd.s32 $0xFFFFFF80  }
0x1a8: {  	_ =	swait.ge [sflag:s8], $0x4000  }
0x1a9: {  	[sflag:s8] =	ssyncset.done $0x0  }
0x1aa: {  	[sflag:s8] =	ssyncadd.s32 $0xFFFFC000  }
0x1ab: {  	_ =	swait.ge [sflag:s12], $0x400  }
0x1ac: {  	[sflag:s12] =	ssyncset.done $0x0  }
0x1ad: {  	[sflag:s12] =	ssyncadd.s32 $0xFFFFFC00  }
0x1ae: {  	_ =	swait.ge [sflag:s12], $0x400  }
0x1af: {  	[sflag:s12] =	ssyncset.done $0x0  }
0x1b0: {  	[sflag:s12] =	ssyncadd.s32 $0xFFFFFC00  }
0x1b1: {  	[tilespmem:s28], [sflag:$0x3] =	stream.indirect.gather [hbm4b:s1+s4], $0x80, s3, s4, $0xb8;
	[tilespmem:$0x1D580] =	vst v63  }
0x1b2: {  	_ =	swait.ge [sflag:s10], $0x4000  }
0x1b3: {  	[sflag:s10] =	ssyncset.done $0x0  }
0x1b4: {  	[sflag:s10] =	ssyncadd.s32 $0xFFFFC000  }
0x1b5: {  	[spmem:s2] =	stream.indirect.scatter.add.f32 [tilespmem:s5], [sflag:$0x6], $0x80, s16, s4, $0xb8;
	[tilespmem:$0x1D580] =	vst v63  }
0x1b6: {  	_ = 	snop  }
0x1b7: {  	[spmem:s15] =	stream.indirect.scatter.add.f32 [tilespmem:s7], [sflag:$0x7], $0x1, s16, s4, $0xb8;
	[tilespmem:$0x1D580] =	vst v63  }
0x1b8: {  	_ =	swait.ge [sflag:s29], $0x80  }
.Ltmp4:
0x1b9: {  	[sflag:s29] =	ssyncset.done $0x0;
	s11 =	rddreg [dreg:$0x1a];
	(pc) =	sbr.rel .LBB2_4-.Ltmp4, $4  }
0x1ba: {  	s24 =	rddreg [dreg:$0x19];
	[sflag:s29] =	ssyncadd.s32 $0xFFFFFF80;
	s11 =	sadd.s32 s31, s11  }
0x1bb: {  	[tilespmem:s21], [sflag:$0x2] =	stream.linear.gather [hbm4b:s11+s3], $0x400, $0x38;
	[tilespmem:$0x1D580] =	vst v63  }
0x1bc: {  	s17 =	simm.s32 $0x800;
	s11 =	sadd.s32 s31, s24;
	s31 =	sadd.s32 $0x100, s31  }
0x1bd: {  	[tilespmem:s0], [sflag:$0x2] =	stream.linear.gather [hbm4b:s11+s3], $0x400, $0x38;
	[tilespmem:$0x1D580] =	vst v63  }
.LBB2_7:
0x1be: {  	_ =	sfence.sel $0x180000  }
0x1bf: {  	[bflag:$0x0] =	sbarrier.arrive $0xFFFF  }
0x1c0: {  	_ =	strace $0x90000047  }
0x1c1: {  	s0 =	stileid.u32;
	[bflag:$0x2] =	sbarrier.arrive $0xFFFF  }
0x1c2: {  	p0 =	sne.s32 s0, $0x0;
	s0 =	rddreg [dreg:$0x5]  }
0x1c3: {  	s0 =	sadd.s32 @!p0 $0x100000, s0  }
0x1c4: {  	[sflag:s0] =	ssyncadd.tile.s32 @!p0 $0x1;
	_ =	shalt  }
.Lfunc_end2:
_tile_overlayer_lowered:
.L_overlay_start_2:
0x1c5: {  	(tag) =	ssettag $0x2  }
0x1c6: {  	s0 =	rddreg [dreg:$0x0];
	s2 =	stileid.u32  }
0x1c7: {  	s1 =	rddreg [dreg:$0x1];
	p0 =	sne.s32 s2, $0x0  }
0x1c8: {  	s3 =	rddreg [dreg:$0x2];
	[bflag:$0x3] =	sbarrier.arrive $0xFFFF;
	s2 =	simm.s32 @!p0 $0x1C07  }
0x1c9: {  	[timem:s3], [sflag:s2] =	dma.local @!p0 [hbm:s0], s1  }
0x1ca: {  	s0 =	simm.s32 @!p0 $0x7  }
0x1cb: {  	_ =	swait.ge @!p0 [sflag:s0], s1  }
0x1cc: {  	s1 =	ssub.s32 @!p0 $0x0, s1;
	[sflag:s0] =	ssyncset.done @!p0 $0x0  }
0x1cd: {  	[sflag:s0] =	ssyncadd.s32 @!p0 s1  }
0x1ce: {  	[bflag:$0x3] =	sbarrier.arrive $0xFFFF  }
0x1cf: {  	_ =	shalt  }

</sc_bundles>
